<compile_context>
chip_gen: v7x
topology: tpu7x:2x2x1
jax: 0.10.2.dev20260603
libtpu: 0.0.44.dev20260713+nightly
codegen_flags: <defaults>
</compile_context>

<pallas_src>
import jax
import jax.numpy as jnp
from jax import lax
from jax.experimental import pallas as pl
from jax.experimental.pallas import tpu as pltpu
from jax.experimental.pallas import tpu_sc as plsc

N = 10000
NP = 10240
E = 320000
H = 128
C = 128
NC = 2
NS = 16
NW = NC * NS
EPT = E // NW
BCH = 50
NCH = EPT // BCH
DCH = 100
NDC = EPT // DCH
NWAY = 2
HG = 312
B5 = 80
NROW = NP // NS
RPT = NP // NW
GCH = RPT // B5


def _mesh():
    return plsc.VectorSubcoreMesh(
        core_axis_name="c", subcore_axis_name="s",
        num_cores=NC, num_subcores=NS)


def _sc_params():
    return pltpu.CompilerParams(
        needs_layout_passes=False, use_tc_tiling_on_sc=False)


def _logits_body(x_ref, wl_ref, bl_ref, o_ref):
    o_ref[...] = (
        jnp.dot(x_ref[...], wl_ref[...], preferred_element_type=jnp.float32)
        + bl_ref[0]
    )


def _tc_logits(x2, Wl, bl):
    return pl.pallas_call(
        _logits_body,
        out_shape=jax.ShapeDtypeStruct((NP, 1), jnp.float32),
    )(x2, Wl, bl)


def _sc_stream_body(x_hbm, src_chk, dst_chk, z128,
                    nbr_out,
                    acc, src2d, dst2d, rb0, rb1, rb2, rb3,
                    sg0, sg1, sg2, sg3, ss0, ss1, ss2, ss3):
    c = lax.axis_index("c")
    s = lax.axis_index("s")
    wid = s * NC + c

    pltpu.sync_copy(src_chk.at[wid], src2d)
    pltpu.sync_copy(dst_chk.at[wid], dst2d)
    pltpu.sync_copy(z128.at[pl.ds(s * NROW, NROW)], acc.at[pl.ds(s * NROW, NROW)])
    plsc.subcore_barrier()

    pltpu.async_copy(x_hbm.at[src2d.at[0]], rb0, sg0)
    pltpu.async_copy(x_hbm.at[src2d.at[1]], rb1, sg1)
    pltpu.async_copy(x_hbm.at[src2d.at[2]], rb2, sg2)
    pltpu.async_copy(x_hbm.at[src2d.at[3]], rb3, sg3)

    @pl.loop(0, NCH, step=4)
    def _chunk(j):
        rbs = (rb0, rb1, rb2, rb3)
        sgs = (sg0, sg1, sg2, sg3)
        sss = (ss0, ss1, ss2, ss3)
        for k in range(4):
            pltpu.make_async_copy(x_hbm.at[src2d.at[j + k]], rbs[k], sgs[k]).wait()
            pltpu.async_copy(rbs[k], acc.at[dst2d.at[j + k]], sss[k], add=True)
        for k in range(4):
            pltpu.make_async_copy(rbs[k], acc.at[dst2d.at[j + k]], sss[k]).wait()
            jn = jnp.minimum(j + 4 + k, NCH - 1)
            pltpu.async_copy(x_hbm.at[src2d.at[jn]], rbs[k], sgs[k])

    pltpu.make_async_copy(x_hbm.at[src2d.at[NCH - 1]], rb0, sg0).wait()
    pltpu.make_async_copy(x_hbm.at[src2d.at[NCH - 1]], rb1, sg1).wait()
    pltpu.make_async_copy(x_hbm.at[src2d.at[NCH - 1]], rb2, sg2).wait()
    pltpu.make_async_copy(x_hbm.at[src2d.at[NCH - 1]], rb3, sg3).wait()

    plsc.subcore_barrier()
    pltpu.sync_copy(acc.at[pl.ds(s * NROW, NROW)],
                    nbr_out.at[c, pl.ds(s * NROW, NROW)])


def _sc_stream(x, src_chk, dst_chk):
    z128 = jnp.zeros((NP, H), jnp.float32)
    f = pl.kernel(
        _sc_stream_body,
        out_type=jax.ShapeDtypeStruct((NC, NP, H), jnp.float32),
        mesh=_mesh(),
        compiler_params=_sc_params(),
        scratch_types=[
            pltpu.VMEM_SHARED((NP, H), jnp.float32),
            pltpu.VMEM((NCH, BCH), jnp.int32),
            pltpu.VMEM((NCH, BCH), jnp.int32),
            pltpu.VMEM((BCH, H), jnp.float32),
            pltpu.VMEM((BCH, H), jnp.float32),
            pltpu.VMEM((BCH, H), jnp.float32),
            pltpu.VMEM((BCH, H), jnp.float32),
        ] + [pltpu.SemaphoreType.DMA] * 8,
    )
    return f(x, src_chk, dst_chk, z128)


def _sc_segmax_body(logits_hbm, src_flat, dst_flat, dst_chk, neginf, z16, ones16,
                    segmax_out, deg_out,
                    stage, deg2, src1d, dst1d, dst2d, logits_l, m_l, m_b,
                    ones_l, red, tmp, semd):
    c = lax.axis_index("c")
    s = lax.axis_index("s")
    wid = s * NC + c

    pltpu.sync_copy(src_flat.at[wid], src1d)
    pltpu.sync_copy(dst_flat.at[wid], dst1d)
    pltpu.sync_copy(dst_chk.at[wid], dst2d)
    pltpu.sync_copy(logits_hbm, logits_l)
    pltpu.sync_copy(neginf, m_l)
    pltpu.sync_copy(neginf, m_b)
    pltpu.sync_copy(ones16, ones_l)
    pltpu.sync_copy(z16.at[pl.ds(s * NROW, NROW)], deg2.at[pl.ds(s * NROW, NROW)])
    plsc.subcore_barrier()

    @pl.loop(0, NDC)
    def _deg(j):
        pltpu.sync_copy(ones_l, deg2.at[dst2d.at[j]], add=True)

    ms = (m_l, m_b)

    @pl.loop(0, HG)
    def _seg(i):
        sv = [src1d[pl.ds((w * HG + i) * 16, 16)] for w in range(NWAY)]
        dv = [dst1d[pl.ds((w * HG + i) * 16, 16)] for w in range(NWAY)]
        lg = [plsc.load_gather(logits_l, [sv[w]]) for w in range(NWAY)]
        om = [plsc.load_gather(ms[w], [dv[w]]) for w in range(NWAY)]
        a0 = [lg[w] > om[w] for w in range(NWAY)]
        for w in range(NWAY):
            plsc.store_scatter(ms[w], [dv[w]], lg[w], mask=a0[w])
        ck = [plsc.load_gather(ms[w], [dv[w]]) for w in range(NWAY)]
        act = tuple(a0[w] & (ck[w] < lg[w]) for w in range(NWAY))

        def _cond(carry):
            r = jnp.any(carry[0])
            for w in range(1, NWAY):
                r = r | jnp.any(carry[w])
            return r

        def _body(carry):
            for w in range(NWAY):
                plsc.store_scatter(ms[w], [dv[w]], lg[w], mask=carry[w])
            c2 = [plsc.load_gather(ms[w], [dv[w]]) for w in range(NWAY)]
            return tuple(carry[w] & (c2[w] < lg[w]) for w in range(NWAY))

        lax.while_loop(_cond, _body, act)

    @pl.loop(NWAY * HG, EPT // 16)
    def _segt(i):
        s16 = src1d[pl.ds(i * 16, 16)]
        d16 = dst1d[pl.ds(i * 16, 16)]
        lg = plsc.load_gather(logits_l, [s16])
        om = plsc.load_gather(m_l, [d16])
        act0 = lg > om
        plsc.store_scatter(m_l, [d16], lg, mask=act0)
        chk = plsc.load_gather(m_l, [d16])
        act = act0 & (chk < lg)

        def _cond(carry):
            return jnp.any(carry[0])

        def _body(carry):
            a = carry[0]
            plsc.store_scatter(m_l, [d16], lg, mask=a)
            c2 = plsc.load_gather(m_l, [d16])
            return (a & (c2 < lg),)

        lax.while_loop(_cond, _body, (act,))

    @pl.loop(0, NP // 16)
    def _mg(i):
        ds = pl.ds(i * 16, 16)
        m_l[ds] = jnp.maximum(m_l[ds], m_b[ds])

    pltpu.sync_copy(m_l, stage.at[s])
    plsc.subcore_barrier()

    pltpu.sync_copy(stage.at[0, pl.ds(s * NROW, NROW)], red)
    for t in range(1, NS):
        pltpu.sync_copy(stage.at[t, pl.ds(s * NROW, NROW)], tmp)

        @pl.loop(0, NROW // 16)
        def _mx(i):
            red[pl.ds(i * 16, 16)] = jnp.maximum(
                red[pl.ds(i * 16, 16)], tmp[pl.ds(i * 16, 16)])

    pltpu.sync_copy(red, segmax_out.at[c, pl.ds(s * NROW, NROW)])
    pltpu.sync_copy(deg2.at[pl.ds(s * NROW, NROW)],
                    deg_out.at[c, pl.ds(s * NROW, NROW)])


def _sc_segmax(logits1d, src_flat, dst_flat, dst_chk):
    neginf = jnp.full((NP,), -jnp.inf, jnp.float32)
    z16 = jnp.zeros((NP, 16), jnp.float32)
    ones16 = jnp.ones((DCH, 16), jnp.float32)
    f = pl.kernel(
        _sc_segmax_body,
        out_type=(
            jax.ShapeDtypeStruct((NC, NP), jnp.float32),
            jax.ShapeDtypeStruct((NC, NP, 16), jnp.float32),
        ),
        mesh=_mesh(),
        compiler_params=_sc_params(),
        scratch_types=[
            pltpu.VMEM_SHARED((NS, NP), jnp.float32),
            pltpu.VMEM_SHARED((NP, 16), jnp.float32),
            pltpu.VMEM((EPT,), jnp.int32),
            pltpu.VMEM((EPT,), jnp.int32),
            pltpu.VMEM((NDC, DCH), jnp.int32),
            pltpu.VMEM((NP,), jnp.float32),
            pltpu.VMEM((NP,), jnp.float32),
            pltpu.VMEM((NP,), jnp.float32),
            pltpu.VMEM((DCH, 16), jnp.float32),
            pltpu.VMEM((NROW,), jnp.float32),
            pltpu.VMEM((NROW,), jnp.float32),
            pltpu.SemaphoreType.DMA,
        ],
    )
    return f(logits1d, src_flat, dst_flat, dst_chk, neginf, z16, ones16)


def _sc_leader_body(logits_hbm, sp_hbm, src_flat, dst_flat, neg1,
                    leader_out,
                    stage, src1d, dst1d, logits_l, sp0_l, sp1_l, g_l,
                    leader_l, leader_b, red, tmp):
    c = lax.axis_index("c")
    s = lax.axis_index("s")
    wid = s * NC + c

    pltpu.sync_copy(src_flat.at[wid], src1d)
    pltpu.sync_copy(dst_flat.at[wid], dst1d)
    pltpu.sync_copy(logits_hbm, logits_l)
    pltpu.sync_copy(sp_hbm.at[0], sp0_l)
    pltpu.sync_copy(sp_hbm.at[1], sp1_l)
    pltpu.sync_copy(neg1, leader_l)
    pltpu.sync_copy(neg1, leader_b)

    @pl.loop(0, NP // 16)
    def _g(i):
        ds = pl.ds(i * 16, 16)
        g_l[ds] = jnp.maximum(jnp.maximum(sp0_l[ds], sp1_l[ds]), logits_l[ds])

    lds = (leader_l, leader_b)

    @pl.loop(0, HG)
    def _elect(i):
        sv = [src1d[pl.ds((w * HG + i) * 16, 16)] for w in range(NWAY)]
        dv = [dst1d[pl.ds((w * HG + i) * 16, 16)] for w in range(NWAY)]
        lg = [plsc.load_gather(logits_l, [sv[w]]) for w in range(NWAY)]
        gm = [plsc.load_gather(g_l, [dv[w]]) for w in range(NWAY)]
        ol = [plsc.load_gather(lds[w], [dv[w]]) for w in range(NWAY)]
        a0 = [(lg[w] >= gm[w]) & (sv[w] > ol[w]) for w in range(NWAY)]
        for w in range(NWAY):
            plsc.store_scatter(lds[w], [dv[w]], sv[w], mask=a0[w])
        ck = [plsc.load_gather(lds[w], [dv[w]]) for w in range(NWAY)]
        act = tuple(a0[w] & (ck[w] < sv[w]) for w in range(NWAY))

        def _cond(carry):
            r = jnp.any(carry[0])
            for w in range(1, NWAY):
                r = r | jnp.any(carry[w])
            return r

        def _body(carry):
            for w in range(NWAY):
                plsc.store_scatter(lds[w], [dv[w]], sv[w], mask=carry[w])
            c2 = [plsc.load_gather(lds[w], [dv[w]]) for w in range(NWAY)]
            return tuple(carry[w] & (c2[w] < sv[w]) for w in range(NWAY))

        lax.while_loop(_cond, _body, act)

    @pl.loop(NWAY * HG, EPT // 16)
    def _electt(i):
        s16 = src1d[pl.ds(i * 16, 16)]
        d16 = dst1d[pl.ds(i * 16, 16)]
        lg = plsc.load_gather(logits_l, [s16])
        gm = plsc.load_gather(g_l, [d16])
        ol = plsc.load_gather(leader_l, [d16])
        act0 = (lg >= gm) & (s16 > ol)
        plsc.store_scatter(leader_l, [d16], s16, mask=act0)
        chk = plsc.load_gather(leader_l, [d16])
        act = act0 & (chk < s16)

        def _cond(carry):
            return jnp.any(carry[0])

        def _body(carry):
            a = carry[0]
            plsc.store_scatter(leader_l, [d16], s16, mask=a)
            c2 = plsc.load_gather(leader_l, [d16])
            return (a & (c2 < s16),)

        lax.while_loop(_cond, _body, (act,))

    @pl.loop(0, NP // 16)
    def _mg(i):
        ds = pl.ds(i * 16, 16)
        leader_l[ds] = jnp.maximum(leader_l[ds], leader_b[ds])

    pltpu.sync_copy(leader_l, stage.at[s])
    plsc.subcore_barrier()

    pltpu.sync_copy(stage.at[0, pl.ds(s * NROW, NROW)], red)
    for t in range(1, NS):
        pltpu.sync_copy(stage.at[t, pl.ds(s * NROW, NROW)], tmp)

        @pl.loop(0, NROW // 16)
        def _mx(i):
            red[pl.ds(i * 16, 16)] = jnp.maximum(
                red[pl.ds(i * 16, 16)], tmp[pl.ds(i * 16, 16)])

    pltpu.sync_copy(red, leader_out.at[c, pl.ds(s * NROW, NROW)])


def _sc_leader(logits1d, segmax_p, src_flat, dst_flat):
    neg1 = jnp.full((NP,), -1, jnp.int32)
    f = pl.kernel(
        _sc_leader_body,
        out_type=jax.ShapeDtypeStruct((NC, NP), jnp.int32),
        mesh=_mesh(),
        compiler_params=_sc_params(),
        scratch_types=[
            pltpu.VMEM_SHARED((NS, NP), jnp.int32),
            pltpu.VMEM((EPT,), jnp.int32),
            pltpu.VMEM((EPT,), jnp.int32),
            pltpu.VMEM((NP,), jnp.float32),
            pltpu.VMEM((NP,), jnp.float32),
            pltpu.VMEM((NP,), jnp.float32),
            pltpu.VMEM((NP,), jnp.float32),
            pltpu.VMEM((NP,), jnp.int32),
            pltpu.VMEM((NP,), jnp.int32),
            pltpu.VMEM((NROW,), jnp.int32),
            pltpu.VMEM((NROW,), jnp.int32),
        ],
    )
    return f(logits1d, segmax_p, src_flat, dst_flat, neg1)


_R = 1024


def _tc_mlp_body(lp0, lp1, sp0, sp1, lg, dga, dgb, nbra, nbrb,
                 w1, b1, w2, b2, rep_ref, ldr_ref):
    pid = pl.program_id(0)
    ridx = pid * _R + lax.broadcasted_iota(jnp.int32, (_R, 1), 0)
    g = jnp.maximum(jnp.maximum(sp0[...], sp1[...]), lg[...])
    selfc = jnp.where(lg[...] >= g, ridx, -1)
    ld = jnp.maximum(jnp.maximum(lp0[...], lp1[...]), selfc)
    ld = jnp.where(ld < 0, ridx, ld)
    isl = ld == ridx
    deg = jnp.maximum(dga[...] + dgb[...], 1.0)
    mean = (nbra[...] + nbrb[...]) / deg
    h = jnp.dot(mean, w1[...], preferred_element_type=jnp.float32) + b1[...]
    h = 0.5 * h * (1.0 + lax.erf(h * 0.7071067811865476))
    rep = jnp.dot(h, w2[...], preferred_element_type=jnp.float32) + b2[...]
    rep_ref[...] = jnp.where(isl, rep, 0.0)
    ldr_ref[...] = ld


def _tc_mlp(lp0, lp1, sp0, sp1, lg, dga, dgb, nbra, nbrb, W1, b1, W2, b2):
    nb = NP // _R
    col1 = pl.BlockSpec((_R, 1), lambda i: (i, 0))
    colh = pl.BlockSpec((_R, H), lambda i: (i, 0))
    wfull = pl.BlockSpec((H, H), lambda i: (0, 0))
    bfull = pl.BlockSpec((1, H), lambda i: (0, 0))
    return pl.pallas_call(
        _tc_mlp_body,
        grid=(nb,),
        in_specs=[col1, col1, col1, col1, col1, col1, col1, colh, colh,
                  wfull, bfull, wfull, bfull],
        out_specs=[colh, col1],
        out_shape=(
            jax.ShapeDtypeStruct((NP, C), jnp.float32),
            jax.ShapeDtypeStruct((NP, 1), jnp.int32),
        ),
    )(lp0, lp1, sp0, sp1, lg, dga, dgb, nbra, nbrb, W1, b1, W2, b2)


def _sc_gather_body(rep_hbm, lidx_hbm, out_hbm, lidx_l, buf, sem):
    c = lax.axis_index("c")
    s = lax.axis_index("s")
    wid = s * NC + c
    pltpu.sync_copy(lidx_hbm.at[wid], lidx_l)

    @pl.loop(0, GCH)
    def _go(j):
        cp = pltpu.async_copy(rep_hbm.at[lidx_l.at[j]], buf, sem)
        cp.wait()
        pltpu.sync_copy(buf, out_hbm.at[pl.ds(wid * RPT + j * B5, B5)])


def _sc_gather(all_reports, lidx):
    f = pl.kernel(
        _sc_gather_body,
        out_type=jax.ShapeDtypeStruct((NP, C), jnp.float32),
        mesh=_mesh(),
        compiler_params=_sc_params(),
        scratch_types=[
            pltpu.VMEM((GCH, B5), jnp.int32),
            pltpu.VMEM((B5, C), jnp.float32),
            pltpu.SemaphoreType.DMA,
        ],
    )
    return f(all_reports, lidx)


def kernel(x, edge_index, Wl, bl, W1, b1, W2, b2):
    x2 = jnp.pad(x, ((0, NP - N), (0, 0)))
    logits2d = _tc_logits(x2, Wl, bl)
    logits1d = logits2d[:, 0]

    src_flat = edge_index[0].reshape(NW, EPT)
    dst_flat = edge_index[1].reshape(NW, EPT)
    src_chk = edge_index[0].reshape(NW, NCH, BCH)
    dst_chk = edge_index[1].reshape(NW, NCH, BCH)
    dst_chkd = edge_index[1].reshape(NW, NDC, DCH)

    nbr_p = _sc_stream(x, src_chk, dst_chk)
    segmax_p, deg_p = _sc_segmax(logits1d, src_flat, dst_flat, dst_chkd)
    leader_p = _sc_leader(logits1d, segmax_p, src_flat, dst_flat)

    all_reports, leader2d = _tc_mlp(
        leader_p[0].reshape(NP, 1), leader_p[1].reshape(NP, 1),
        segmax_p[0].reshape(NP, 1), segmax_p[1].reshape(NP, 1),
        logits2d,
        deg_p[0, :, 0:1], deg_p[1, :, 0:1],
        nbr_p[0], nbr_p[1],
        W1, b1.reshape(1, H), W2, b2.reshape(1, C))

    lidx = leader2d.reshape(NW, GCH, B5)
    out = _sc_gather(all_reports, lidx)
    return out[:N]

# --- scband reference (transcript-rebuilt; emitter-appended) ---
"""Pipeline reference for scband-decentralized-coordinator-53523882443182 (READ-ONLY COPY).

The authoritative reference and input builder live on the scoring server;
editing this copy changes nothing except your own understanding.
"""

import jax, jax.numpy as jnp
import numpy as np

N = 10000
E = 320000
H = 128
C = 128


def setup_inputs(seed: int = 0) -> dict:
    key = jax.random.key(seed)
    ks = jax.random.split(key, 8)
    x = jax.random.normal(ks[0], (N, H), dtype=jnp.float32)
    edge_index = jax.random.randint(ks[1], (2, E), 0, N, dtype=jnp.int32)
    s = 1.0 / np.sqrt(H)
    Wl = jax.random.uniform(ks[2], (H, 1), dtype=jnp.float32, minval=-s, maxval=s)
    bl = jax.random.uniform(ks[3], (1,), dtype=jnp.float32, minval=-s, maxval=s)
    W1 = jax.random.uniform(ks[4], (H, H), dtype=jnp.float32, minval=-s, maxval=s)
    b1 = jax.random.uniform(ks[5], (H,), dtype=jnp.float32, minval=-s, maxval=s)
    W2 = jax.random.uniform(ks[6], (H, C), dtype=jnp.float32, minval=-s, maxval=s)
    b2 = jax.random.uniform(ks[7], (C,), dtype=jnp.float32, minval=-s, maxval=s)
    return {"x": x, "edge_index": edge_index, "Wl": Wl, "bl": bl, "W1": W1, "b1": b1, "W2": W2, "b2": b2}


def reference(x, edge_index, Wl, bl, W1, b1, W2, b2):
    num_nodes = x.shape[0]
    row, col = edge_index[0], edge_index[1]
    # leader election logits per node
    leader_logits = (x @ Wl + bl)[:, 0]  # [N]
    # extended edges with self loops
    self_loops = jnp.arange(num_nodes, dtype=edge_index.dtype)
    ext_src = jnp.concatenate([row, self_loops])
    ext_dst = jnp.concatenate([col, self_loops])
    src_logits = leader_logits[ext_src]
    # scatter_max over dst: per-squad max logit and the source node achieving it
    seg_max = jax.ops.segment_max(src_logits, ext_dst, num_segments=num_nodes)
    cand = jnp.where(src_logits >= seg_max[ext_dst], ext_src, jnp.array(-1, dtype=ext_src.dtype))
    leader = jnp.full((num_nodes,), -1, dtype=ext_src.dtype).at[ext_dst].max(cand)
    arange_n = jnp.arange(num_nodes, dtype=ext_src.dtype)
    leader = jnp.where(leader < 0, arange_n, leader)  # default to self if no incoming edges
    is_leader = arange_n == leader
    # scatter_mean of neighbor features onto dst nodes
    deg = jax.ops.segment_sum(jnp.ones_like(col, dtype=x.dtype), col, num_segments=num_nodes)
    nbr_sum = jax.ops.segment_sum(x[row], col, num_segments=num_nodes)
    nbr_mean = nbr_sum / jnp.clip(deg, 1.0)[:, None]
    # squad report aggregator: Linear -> GELU -> Linear, applied at leaders only
    h = nbr_mean @ W1 + b1
    h = jax.nn.gelu(h, approximate=False)
    reports = h @ W2 + b2
    all_reports = jnp.where(is_leader[:, None], reports, jnp.zeros_like(reports))
    squad_context = all_reports[leader]
    return squad_context

if __name__ == "__main__":
    import jax
    _d = setup_inputs()
    print(jax.jit(kernel)(*tuple(_d.values())))

</pallas_src>

<mosaic_0001>
#map = affine_map<(d0, d1) -> (0)>
#map1 = affine_map<(d0, d1) -> (0, 0)>
#map2 = affine_map<(d0, d1) -> (0, 0, 0)>
module attributes {stable_mosaic.version = 14 : i64} {
  func.func @_sc_segmax_body(%arg0: i32, %arg1: i32, %arg2: memref<10240xf32, #tpu.memory_space<hbm>>, %arg3: memref<32x10000xi32, #tpu.memory_space<hbm>>, %arg4: memref<32x10000xi32, #tpu.memory_space<hbm>>, %arg5: memref<32x100x100xi32, #tpu.memory_space<hbm>>, %arg6: memref<10240xf32, #tpu.memory_space<hbm>>, %arg7: memref<10240x16xf32, #tpu.memory_space<hbm>>, %arg8: memref<100x16xf32, #tpu.memory_space<hbm>>, %arg9: memref<2x10240xf32, #tpu.memory_space<hbm>>, %arg10: memref<2x10240x16xf32, #tpu.memory_space<hbm>>, %arg11: memref<16x10240xf32, #tpu.memory_space<vmem_shared>>, %arg12: memref<10240x16xf32, #tpu.memory_space<vmem_shared>>, %arg13: memref<10000xi32, #tpu.memory_space<vmem>>, %arg14: memref<10000xi32, #tpu.memory_space<vmem>>, %arg15: memref<100x100xi32, #tpu.memory_space<vmem>>, %arg16: memref<10240xf32, #tpu.memory_space<vmem>>, %arg17: memref<10240xf32, #tpu.memory_space<vmem>>, %arg18: memref<10240xf32, #tpu.memory_space<vmem>>, %arg19: memref<100x16xf32, #tpu.memory_space<vmem>>, %arg20: memref<640xf32, #tpu.memory_space<vmem>>, %arg21: memref<640xf32, #tpu.memory_space<vmem>>, %arg22: memref<!tpu.dma_semaphore, #tpu.memory_space<semaphore_mem>>) attributes {dimension_semantics = [#tpu.dimension_semantics<core_parallel>, #tpu.dimension_semantics<subcore_parallel>], iteration_bounds = array<i64: 2, 16>, scalar_prefetch = 0 : i64, scratch_operands = 12 : i64, tpu.core_type = #tpu.core_type<sc_vector_subcore>, window_params = [{transform_indices = #map}, {transform_indices = #map1}, {transform_indices = #map1}, {transform_indices = #map2}, {transform_indices = #map}, {transform_indices = #map1}, {transform_indices = #map1}, {transform_indices = #map1}, {transform_indices = #map2}]} {
    %mul3A = arith.constant 2 : i32
    %mul3A_0 = arith.muli %arg1, %mul3A : i32
    %add3A = arith.addi %mul3A_0, %arg0 : i32
    "tpu.region"() ({
      %run_scoped3A_163 = tpu.sem_alloc : memref<!tpu.dma_semaphore, #tpu.memory_space<semaphore_mem>>
      %dma_start3A = arith.constant 0 : i32
      %dma_start3A_164 = tpu.memref_slice %arg3[%add3A, %dma_start3A] : memref<32x10000xi32, #tpu.memory_space<hbm>> -> memref<1x10000xi32, #tpu.memory_space<hbm>>
      %dma_start3A_165 = tpu.memref_squeeze %dma_start3A_164 : memref<1x10000xi32, #tpu.memory_space<hbm>> -> memref<10000xi32, #tpu.memory_space<hbm>>
      %dma_start3A_166 = arith.constant 0 : i32
      %dma_start3A_167 = tpu.memref_slice %arg3[%add3A, %dma_start3A_166] : memref<32x10000xi32, #tpu.memory_space<hbm>> -> memref<1x10000xi32, #tpu.memory_space<hbm>>
      %dma_start3A_168 = tpu.memref_squeeze %dma_start3A_167 : memref<1x10000xi32, #tpu.memory_space<hbm>> -> memref<10000xi32, #tpu.memory_space<hbm>>
      tpu.enqueue_dma source(%dma_start3A_168 : memref<10000xi32, #tpu.memory_space<hbm>>) target(%arg13 : memref<10000xi32, #tpu.memory_space<vmem>>) target_semaphore(%run_scoped3A_163 : memref<!tpu.dma_semaphore, #tpu.memory_space<semaphore_mem>>)
      %dma_wait3A = arith.constant 0 : i32
      %dma_wait3A_169 = tpu.memref_slice %arg3[%add3A, %dma_wait3A] : memref<32x10000xi32, #tpu.memory_space<hbm>> -> memref<1x10000xi32, #tpu.memory_space<hbm>>
      %dma_wait3A_170 = tpu.memref_squeeze %dma_wait3A_169 : memref<1x10000xi32, #tpu.memory_space<hbm>> -> memref<10000xi32, #tpu.memory_space<hbm>>
      %dma_wait3A_171 = arith.constant 0 : i32
      %dma_wait3A_172 = tpu.memref_slice %arg3[%add3A, %dma_wait3A_171] : memref<32x10000xi32, #tpu.memory_space<hbm>> -> memref<1x10000xi32, #tpu.memory_space<hbm>>
      %dma_wait3A_173 = tpu.memref_squeeze %dma_wait3A_172 : memref<1x10000xi32, #tpu.memory_space<hbm>> -> memref<10000xi32, #tpu.memory_space<hbm>>
      tpu.wait_dma2 semaphore(%run_scoped3A_163 : memref<!tpu.dma_semaphore, #tpu.memory_space<semaphore_mem>>) src(%dma_wait3A_173 : memref<10000xi32, #tpu.memory_space<hbm>>) dst(%arg13 : memref<10000xi32, #tpu.memory_space<vmem>>)
      tpu.yield
    }) : () -> ()
    "tpu.region"() ({
      %run_scoped3A_163 = tpu.sem_alloc : memref<!tpu.dma_semaphore, #tpu.memory_space<semaphore_mem>>
      %dma_start3A = arith.constant 0 : i32
      %dma_start3A_164 = tpu.memref_slice %arg4[%add3A, %dma_start3A] : memref<32x10000xi32, #tpu.memory_space<hbm>> -> memref<1x10000xi32, #tpu.memory_space<hbm>>
      %dma_start3A_165 = tpu.memref_squeeze %dma_start3A_164 : memref<1x10000xi32, #tpu.memory_space<hbm>> -> memref<10000xi32, #tpu.memory_space<hbm>>
      %dma_start3A_166 = arith.constant 0 : i32
      %dma_start3A_167 = tpu.memref_slice %arg4[%add3A, %dma_start3A_166] : memref<32x10000xi32, #tpu.memory_space<hbm>> -> memref<1x10000xi32, #tpu.memory_space<hbm>>
      %dma_start3A_168 = tpu.memref_squeeze %dma_start3A_167 : memref<1x10000xi32, #tpu.memory_space<hbm>> -> memref<10000xi32, #tpu.memory_space<hbm>>
      tpu.enqueue_dma source(%dma_start3A_168 : memref<10000xi32, #tpu.memory_space<hbm>>) target(%arg14 : memref<10000xi32, #tpu.memory_space<vmem>>) target_semaphore(%run_scoped3A_163 : memref<!tpu.dma_semaphore, #tpu.memory_space<semaphore_mem>>)
      %dma_wait3A = arith.constant 0 : i32
      %dma_wait3A_169 = tpu.memref_slice %arg4[%add3A, %dma_wait3A] : memref<32x10000xi32, #tpu.memory_space<hbm>> -> memref<1x10000xi32, #tpu.memory_space<hbm>>
      %dma_wait3A_170 = tpu.memref_squeeze %dma_wait3A_169 : memref<1x10000xi32, #tpu.memory_space<hbm>> -> memref<10000xi32, #tpu.memory_space<hbm>>
      %dma_wait3A_171 = arith.constant 0 : i32
      %dma_wait3A_172 = tpu.memref_slice %arg4[%add3A, %dma_wait3A_171] : memref<32x10000xi32, #tpu.memory_space<hbm>> -> memref<1x10000xi32, #tpu.memory_space<hbm>>
      %dma_wait3A_173 = tpu.memref_squeeze %dma_wait3A_172 : memref<1x10000xi32, #tpu.memory_space<hbm>> -> memref<10000xi32, #tpu.memory_space<hbm>>
      tpu.wait_dma2 semaphore(%run_scoped3A_163 : memref<!tpu.dma_semaphore, #tpu.memory_space<semaphore_mem>>) src(%dma_wait3A_173 : memref<10000xi32, #tpu.memory_space<hbm>>) dst(%arg14 : memref<10000xi32, #tpu.memory_space<vmem>>)
      tpu.yield
    }) : () -> ()
    "tpu.region"() ({
      %run_scoped3A_163 = tpu.sem_alloc : memref<!tpu.dma_semaphore, #tpu.memory_space<semaphore_mem>>
      %dma_start3A = arith.constant 0 : i32
      %dma_start3A_164 = arith.constant 0 : i32
      %dma_start3A_165 = tpu.memref_slice %arg5[%add3A, %dma_start3A, %dma_start3A_164] : memref<32x100x100xi32, #tpu.memory_space<hbm>> -> memref<1x100x100xi32, #tpu.memory_space<hbm>>
      %dma_start3A_166 = tpu.memref_squeeze %dma_start3A_165 : memref<1x100x100xi32, #tpu.memory_space<hbm>> -> memref<100x100xi32, #tpu.memory_space<hbm>>
      %dma_start3A_167 = arith.constant 0 : i32
      %dma_start3A_168 = arith.constant 0 : i32
      %dma_start3A_169 = tpu.memref_slice %arg5[%add3A, %dma_start3A_167, %dma_start3A_168] : memref<32x100x100xi32, #tpu.memory_space<hbm>> -> memref<1x100x100xi32, #tpu.memory_space<hbm>>
      %dma_start3A_170 = tpu.memref_squeeze %dma_start3A_169 : memref<1x100x100xi32, #tpu.memory_space<hbm>> -> memref<100x100xi32, #tpu.memory_space<hbm>>
      tpu.enqueue_dma source(%dma_start3A_170 : memref<100x100xi32, #tpu.memory_space<hbm>>) target(%arg15 : memref<100x100xi32, #tpu.memory_space<vmem>>) target_semaphore(%run_scoped3A_163 : memref<!tpu.dma_semaphore, #tpu.memory_space<semaphore_mem>>)
      %dma_wait3A = arith.constant 0 : i32
      %dma_wait3A_171 = arith.constant 0 : i32
      %dma_wait3A_172 = tpu.memref_slice %arg5[%add3A, %dma_wait3A, %dma_wait3A_171] : memref<32x100x100xi32, #tpu.memory_space<hbm>> -> memref<1x100x100xi32, #tpu.memory_space<hbm>>
      %dma_wait3A_173 = tpu.memref_squeeze %dma_wait3A_172 : memref<1x100x100xi32, #tpu.memory_space<hbm>> -> memref<100x100xi32, #tpu.memory_space<hbm>>
      %dma_wait3A_174 = arith.constant 0 : i32
      %dma_wait3A_175 = arith.constant 0 : i32
      %dma_wait3A_176 = tpu.memref_slice %arg5[%add3A, %dma_wait3A_174, %dma_wait3A_175] : memref<32x100x100xi32, #tpu.memory_space<hbm>> -> memref<1x100x100xi32, #tpu.memory_space<hbm>>
      %dma_wait3A_177 = tpu.memref_squeeze %dma_wait3A_176 : memref<1x100x100xi32, #tpu.memory_space<hbm>> -> memref<100x100xi32, #tpu.memory_space<hbm>>
      tpu.wait_dma2 semaphore(%run_scoped3A_163 : memref<!tpu.dma_semaphore, #tpu.memory_space<semaphore_mem>>) src(%dma_wait3A_177 : memref<100x100xi32, #tpu.memory_space<hbm>>) dst(%arg15 : memref<100x100xi32, #tpu.memory_space<vmem>>)
      tpu.yield
    }) : () -> ()
    "tpu.region"() ({
      %run_scoped3A_163 = tpu.sem_alloc : memref<!tpu.dma_semaphore, #tpu.memory_space<semaphore_mem>>
      tpu.enqueue_dma source(%arg2 : memref<10240xf32, #tpu.memory_space<hbm>>) target(%arg16 : memref<10240xf32, #tpu.memory_space<vmem>>) target_semaphore(%run_scoped3A_163 : memref<!tpu.dma_semaphore, #tpu.memory_space<semaphore_mem>>)
      tpu.wait_dma2 semaphore(%run_scoped3A_163 : memref<!tpu.dma_semaphore, #tpu.memory_space<semaphore_mem>>) src(%arg2 : memref<10240xf32, #tpu.memory_space<hbm>>) dst(%arg16 : memref<10240xf32, #tpu.memory_space<vmem>>)
      tpu.yield
    }) : () -> ()
    "tpu.region"() ({
      %run_scoped3A_163 = tpu.sem_alloc : memref<!tpu.dma_semaphore, #tpu.memory_space<semaphore_mem>>
      tpu.enqueue_dma source(%arg6 : memref<10240xf32, #tpu.memory_space<hbm>>) target(%arg17 : memref<10240xf32, #tpu.memory_space<vmem>>) target_semaphore(%run_scoped3A_163 : memref<!tpu.dma_semaphore, #tpu.memory_space<semaphore_mem>>)
      tpu.wait_dma2 semaphore(%run_scoped3A_163 : memref<!tpu.dma_semaphore, #tpu.memory_space<semaphore_mem>>) src(%arg6 : memref<10240xf32, #tpu.memory_space<hbm>>) dst(%arg17 : memref<10240xf32, #tpu.memory_space<vmem>>)
      tpu.yield
    }) : () -> ()
    "tpu.region"() ({
      %run_scoped3A_163 = tpu.sem_alloc : memref<!tpu.dma_semaphore, #tpu.memory_space<semaphore_mem>>
      tpu.enqueue_dma source(%arg6 : memref<10240xf32, #tpu.memory_space<hbm>>) target(%arg18 : memref<10240xf32, #tpu.memory_space<vmem>>) target_semaphore(%run_scoped3A_163 : memref<!tpu.dma_semaphore, #tpu.memory_space<semaphore_mem>>)
      tpu.wait_dma2 semaphore(%run_scoped3A_163 : memref<!tpu.dma_semaphore, #tpu.memory_space<semaphore_mem>>) src(%arg6 : memref<10240xf32, #tpu.memory_space<hbm>>) dst(%arg18 : memref<10240xf32, #tpu.memory_space<vmem>>)
      tpu.yield
    }) : () -> ()
    "tpu.region"() ({
      %run_scoped3A_163 = tpu.sem_alloc : memref<!tpu.dma_semaphore, #tpu.memory_space<semaphore_mem>>
      tpu.enqueue_dma source(%arg8 : memref<100x16xf32, #tpu.memory_space<hbm>>) target(%arg19 : memref<100x16xf32, #tpu.memory_space<vmem>>) target_semaphore(%run_scoped3A_163 : memref<!tpu.dma_semaphore, #tpu.memory_space<semaphore_mem>>)
      tpu.wait_dma2 semaphore(%run_scoped3A_163 : memref<!tpu.dma_semaphore, #tpu.memory_space<semaphore_mem>>) src(%arg8 : memref<100x16xf32, #tpu.memory_space<hbm>>) dst(%arg19 : memref<100x16xf32, #tpu.memory_space<vmem>>)
      tpu.yield
    }) : () -> ()
    %mul3A_1 = arith.constant 640 : i32
    %mul3A_2 = arith.muli %arg1, %mul3A_1 : i32
    %mul3A_3 = arith.constant 640 : i32
    %mul3A_4 = arith.muli %arg1, %mul3A_3 : i32
    "tpu.region"() ({
      %run_scoped3A_163 = tpu.sem_alloc : memref<!tpu.dma_semaphore, #tpu.memory_space<semaphore_mem>>
      %dma_start3A = arith.constant 0 : i32
      %dma_start3A_164 = tpu.memref_slice %arg12[%mul3A_4, %dma_start3A] : memref<10240x16xf32, #tpu.memory_space<vmem_shared>> -> memref<640x16xf32, #tpu.memory_space<vmem_shared>>
      %dma_start3A_165 = arith.constant 0 : i32
      %dma_start3A_166 = tpu.memref_slice %arg7[%mul3A_2, %dma_start3A_165] : memref<10240x16xf32, #tpu.memory_space<hbm>> -> memref<640x16xf32, #tpu.memory_space<hbm>>
      tpu.enqueue_dma source(%dma_start3A_166 : memref<640x16xf32, #tpu.memory_space<hbm>>) target(%dma_start3A_164 : memref<640x16xf32, #tpu.memory_space<vmem_shared>>) target_semaphore(%run_scoped3A_163 : memref<!tpu.dma_semaphore, #tpu.memory_space<semaphore_mem>>)
      %dma_wait3A = arith.constant 0 : i32
      %dma_wait3A_167 = tpu.memref_slice %arg12[%mul3A_4, %dma_wait3A] : memref<10240x16xf32, #tpu.memory_space<vmem_shared>> -> memref<640x16xf32, #tpu.memory_space<vmem_shared>>
      %dma_wait3A_168 = arith.constant 0 : i32
      %dma_wait3A_169 = tpu.memref_slice %arg7[%mul3A_2, %dma_wait3A_168] : memref<10240x16xf32, #tpu.memory_space<hbm>> -> memref<640x16xf32, #tpu.memory_space<hbm>>
      tpu.wait_dma2 semaphore(%run_scoped3A_163 : memref<!tpu.dma_semaphore, #tpu.memory_space<semaphore_mem>>) src(%dma_wait3A_169 : memref<640x16xf32, #tpu.memory_space<hbm>>) dst(%dma_wait3A_167 : memref<640x16xf32, #tpu.memory_space<vmem_shared>>)
      tpu.yield
    }) : () -> ()
    %barrier3A = arith.constant 0 : index
    tpu.barrier barrier_id(%barrier3A)
    %scan3A = arith.constant 0 : i32
    %scan3A_5 = arith.constant 100 : i32
    %scan3A_6 = arith.addi %scan3A, %scan3A_5 : i32
    %scan3A_7 = arith.constant 1 : i32
    scf.for %scan3A_163 = %scan3A to %scan3A_6 step %scan3A_7  : i32 {
      %mul3A_164 = arith.constant 1 : i32
      %mul3A_165 = arith.muli %scan3A_163, %mul3A_164 : i32
      %add3A_166 = arith.constant 0 : i32
      %add3A_167 = arith.addi %add3A_166, %mul3A_165 : i32
      "tpu.region"() ({
        %run_scoped3A_168 = tpu.sem_alloc : memref<!tpu.dma_semaphore, #tpu.memory_space<semaphore_mem>>
        %dma_start3A = arith.constant 0 : i32
        %dma_start3A_169 = tpu.memref_slice %arg15[%add3A_167, %dma_start3A] : memref<100x100xi32, #tpu.memory_space<vmem>> -> memref<1x100xi32, #tpu.memory_space<vmem>>
        %dma_start3A_170 = tpu.memref_squeeze %dma_start3A_169 : memref<1x100xi32, #tpu.memory_space<vmem>> -> memref<100xi32, #tpu.memory_space<vmem>>
        %dma_start3A_171 = arith.constant 0 : i32
        %dma_start3A_172 = arith.constant 0 : i32
        %dma_start3A_173 = tpu.memref_slice %arg12[%dma_start3A_171, %dma_start3A_172] : memref<10240x16xf32, #tpu.memory_space<vmem_shared>> -> memref<10240x16xf32, #tpu.memory_space<vmem_shared>>
        tpu.enqueue_indirect_dma source(%arg19 : memref<100x16xf32, #tpu.memory_space<vmem>>) target(%dma_start3A_173 : memref<10240x16xf32, #tpu.memory_space<vmem_shared>>) offsets(%dma_start3A_170 : memref<100xi32, #tpu.memory_space<vmem>>) semaphore(%run_scoped3A_168 : memref<!tpu.dma_semaphore, #tpu.memory_space<semaphore_mem>>) {add = true}
        %dma_wait3A = arith.constant 0 : i32
        %dma_wait3A_174 = tpu.memref_slice %arg15[%add3A_167, %dma_wait3A] : memref<100x100xi32, #tpu.memory_space<vmem>> -> memref<1x100xi32, #tpu.memory_space<vmem>>
        %dma_wait3A_175 = tpu.memref_squeeze %dma_wait3A_174 : memref<1x100xi32, #tpu.memory_space<vmem>> -> memref<100xi32, #tpu.memory_space<vmem>>
        %dma_wait3A_176 = arith.constant 0 : i32
        %dma_wait3A_177 = arith.constant 0 : i32
        %dma_wait3A_178 = tpu.memref_slice %arg12[%dma_wait3A_176, %dma_wait3A_177] : memref<10240x16xf32, #tpu.memory_space<vmem_shared>> -> memref<10240x16xf32, #tpu.memory_space<vmem_shared>>
        tpu.wait_indirect_dma semaphore(%run_scoped3A_168 : memref<!tpu.dma_semaphore, #tpu.memory_space<semaphore_mem>>) src(%arg19 : memref<100x16xf32, #tpu.memory_space<vmem>>) dst(%dma_wait3A_178 : memref<10240x16xf32, #tpu.memory_space<vmem_shared>>)
        tpu.yield
      }) : () -> ()
    }
    %scan3A_8 = arith.constant 100 : i32
    %scan3A_9 = arith.constant 0 : i32
    %scan3A_10 = arith.constant 312 : i32
    %scan3A_11 = arith.addi %scan3A_9, %scan3A_10 : i32
    %scan3A_12 = arith.constant 1 : i32
    scf.for %scan3A_163 = %scan3A_9 to %scan3A_11 step %scan3A_12  : i32 {
      %mul3A_164 = arith.constant 1 : i32
      %mul3A_165 = arith.muli %scan3A_163, %mul3A_164 : i32
      %add3A_166 = arith.constant 0 : i32
      %add3A_167 = arith.addi %add3A_166, %mul3A_165 : i32
      %add3A_168 = arith.constant 0 : i32
      %add3A_169 = arith.addi %add3A_168, %add3A_167 : i32
      %mul3A_170 = arith.constant 16 : i32
      %mul3A_171 = arith.muli %add3A_169, %mul3A_170 : i32
      %get3A_172 = arith.index_cast %mul3A_171 : i32 to index
      %get3A_173 = tpu.vector_load %arg13[%get3A_172] {strides = array<i32>} : memref<10000xi32, #tpu.memory_space<vmem>>, vector<16xi32>,
      %add3A_174 = arith.constant 312 : i32
      %add3A_175 = arith.addi %add3A_174, %add3A_167 : i32
      %mul3A_176 = arith.constant 16 : i32
      %mul3A_177 = arith.muli %add3A_175, %mul3A_176 : i32
      %get3A_178 = arith.index_cast %mul3A_177 : i32 to index
      %get3A_179 = tpu.vector_load %arg13[%get3A_178] {strides = array<i32>} : memref<10000xi32, #tpu.memory_space<vmem>>, vector<16xi32>,
      %add3A_180 = arith.constant 0 : i32
      %add3A_181 = arith.addi %add3A_180, %add3A_167 : i32
      %mul3A_182 = arith.constant 16 : i32
      %mul3A_183 = arith.muli %add3A_181, %mul3A_182 : i32
      %get3A_184 = arith.index_cast %mul3A_183 : i32 to index
      %get3A_185 = tpu.vector_load %arg14[%get3A_184] {strides = array<i32>} : memref<10000xi32, #tpu.memory_space<vmem>>, vector<16xi32>,
      %add3A_186 = arith.constant 312 : i32
      %add3A_187 = arith.addi %add3A_186, %add3A_167 : i32
      %mul3A_188 = arith.constant 16 : i32
      %mul3A_189 = arith.muli %add3A_187, %mul3A_188 : i32
      %get3A_190 = arith.index_cast %mul3A_189 : i32 to index
      %get3A_191 = tpu.vector_load %arg14[%get3A_190] {strides = array<i32>} : memref<10000xi32, #tpu.memory_space<vmem>>, vector<16xi32>,
      %gather3A_192 = tpu.vector_load_idx %arg16[%get3A_173] : memref<10240xf32, #tpu.memory_space<vmem>>[vector<16xi32>], vector<16xf32>,
      %gather3A_193 = tpu.vector_load_idx %arg16[%get3A_179] : memref<10240xf32, #tpu.memory_space<vmem>>[vector<16xi32>], vector<16xf32>,
      %gather3A_194 = tpu.vector_load_idx %arg17[%get3A_185] : memref<10240xf32, #tpu.memory_space<vmem>>[vector<16xi32>], vector<16xf32>,
      %gather3A_195 = tpu.vector_load_idx %arg18[%get3A_191] : memref<10240xf32, #tpu.memory_space<vmem>>[vector<16xi32>], vector<16xf32>,
      %gt3A_196 = arith.cmpf ogt, %gather3A_192, %gather3A_194 : vector<16xf32>
      %gt3A_197 = arith.cmpf ogt, %gather3A_193, %gather3A_195 : vector<16xf32>
      tpu.vector_store_idx %arg17[%get3A_185], %gather3A_192 masked %gt3A_196 : memref<10240xf32, #tpu.memory_space<vmem>>[vector<16xi32>], vector<16xf32>, vector<16xi1>
      tpu.vector_store_idx %arg18[%get3A_191], %gather3A_193 masked %gt3A_197 : memref<10240xf32, #tpu.memory_space<vmem>>[vector<16xi32>], vector<16xf32>, vector<16xi1>
      %gather3A_198 = tpu.vector_load_idx %arg17[%get3A_185] : memref<10240xf32, #tpu.memory_space<vmem>>[vector<16xi32>], vector<16xf32>,
      %gather3A_199 = tpu.vector_load_idx %arg18[%get3A_191] : memref<10240xf32, #tpu.memory_space<vmem>>[vector<16xi32>], vector<16xf32>,
      %lt3A_200 = arith.cmpf olt, %gather3A_198, %gather3A_192 : vector<16xf32>
      %and3A_201 = arith.andi %gt3A_196, %lt3A_200 : vector<16xi1>
      %lt3A_202 = arith.cmpf olt, %gather3A_199, %gather3A_193 : vector<16xf32>
      %and3A_203 = arith.andi %gt3A_197, %lt3A_202 : vector<16xi1>
      %while3A_204:2 = scf.while (%while3A_205 = %and3A_201, %while3A_206 = %and3A_203) : (vector<16xi1>, vector<16xi1>) -> (vector<16xi1>, vector<16xi1>) {
        %reduce_or3A = arith.constant 1.000000e+00 : f32
        %reduce_or3A_207 = arith.constant 0.000000e+00 : f32
        %reduce_or3A_208 = vector.broadcast %reduce_or3A : f32 to vector<16xf32>
        %reduce_or3A_209 = vector.broadcast %reduce_or3A_207 : f32 to vector<16xf32>
        %reduce_or3A_210 = arith.select %while3A_205, %reduce_or3A_208, %reduce_or3A_209 : vector<16xi1>, vector<16xf32>
        %reduce_or3A_211 = arith.constant true
        %reduce_or3A_212 = vector.broadcast %reduce_or3A_211 : i1 to vector<16xi1>
        %reduce_or3A_213 = tpu.scan <max>, %reduce_or3A_210 masked %reduce_or3A_212 : vector<16xf32>, vector<16xi1> -> vector<16xf32>
        %reduce_or3A_214 = vector.extract %reduce_or3A_213[15] : f32 from vector<16xf32>
        %reduce_or3A_215 = arith.constant 0.000000e+00 : f32
        %reduce_or3A_216 = arith.cmpf ogt, %reduce_or3A_214, %reduce_or3A_215 : f32
        %reduce_or3A_217 = arith.constant 1.000000e+00 : f32
        %reduce_or3A_218 = arith.constant 0.000000e+00 : f32
        %reduce_or3A_219 = vector.broadcast %reduce_or3A_217 : f32 to vector<16xf32>
        %reduce_or3A_220 = vector.broadcast %reduce_or3A_218 : f32 to vector<16xf32>
        %reduce_or3A_221 = arith.select %while3A_206, %reduce_or3A_219, %reduce_or3A_220 : vector<16xi1>, vector<16xf32>
        %reduce_or3A_222 = arith.constant true
        %reduce_or3A_223 = vector.broadcast %reduce_or3A_222 : i1 to vector<16xi1>
        %reduce_or3A_224 = tpu.scan <max>, %reduce_or3A_221 masked %reduce_or3A_223 : vector<16xf32>, vector<16xi1> -> vector<16xf32>
        %reduce_or3A_225 = vector.extract %reduce_or3A_224[15] : f32 from vector<16xf32>
        %reduce_or3A_226 = arith.constant 0.000000e+00 : f32
        %reduce_or3A_227 = arith.cmpf ogt, %reduce_or3A_225, %reduce_or3A_226 : f32
        %or3A = arith.ori %reduce_or3A_216, %reduce_or3A_227 : i1
        scf.condition(%or3A) %while3A_205, %while3A_206 : vector<16xi1>, vector<16xi1>
      } do {
      ^bb0(%while3A_205: vector<16xi1>, %while3A_206: vector<16xi1>):
        tpu.vector_store_idx %arg17[%get3A_185], %gather3A_192 masked %while3A_205 : memref<10240xf32, #tpu.memory_space<vmem>>[vector<16xi32>], vector<16xf32>, vector<16xi1>
        tpu.vector_store_idx %arg18[%get3A_191], %gather3A_193 masked %while3A_206 : memref<10240xf32, #tpu.memory_space<vmem>>[vector<16xi32>], vector<16xf32>, vector<16xi1>
        %gather3A_207 = tpu.vector_load_idx %arg17[%get3A_185] : memref<10240xf32, #tpu.memory_space<vmem>>[vector<16xi32>], vector<16xf32>,
        %gather3A_208 = tpu.vector_load_idx %arg18[%get3A_191] : memref<10240xf32, #tpu.memory_space<vmem>>[vector<16xi32>], vector<16xf32>,
        %lt3A_209 = arith.cmpf olt, %gather3A_207, %gather3A_192 : vector<16xf32>
        %and3A_210 = arith.andi %while3A_205, %lt3A_209 : vector<16xi1>
        %lt3A_211 = arith.cmpf olt, %gather3A_208, %gather3A_193 : vector<16xf32>
        %and3A_212 = arith.andi %while3A_206, %lt3A_211 : vector<16xi1>
        scf.yield %and3A_210, %and3A_212 : vector<16xi1>, vector<16xi1>
      }
    }
    %scan3A_13 = arith.constant 312 : i32
    %scan3A_14 = arith.constant 0 : i32
    %mul3A_15 = arith.constant 1 : i32
    %mul3A_16 = arith.muli %scan3A_14, %mul3A_15 : i32
    %add3A_17 = arith.constant 624 : i32
    %add3A_18 = arith.addi %add3A_17, %mul3A_16 : i32
    %mul3A_19 = arith.constant 16 : i32
    %mul3A_20 = arith.muli %add3A_18, %mul3A_19 : i32
    %get3A = arith.index_cast %mul3A_20 : i32 to index
    %get3A_21 = tpu.vector_load %arg13[%get3A] {strides = array<i32>} : memref<10000xi32, #tpu.memory_space<vmem>>, vector<16xi32>,
    %mul3A_22 = arith.constant 16 : i32
    %mul3A_23 = arith.muli %add3A_18, %mul3A_22 : i32
    %get3A_24 = arith.index_cast %mul3A_23 : i32 to index
    %get3A_25 = tpu.vector_load %arg14[%get3A_24] {strides = array<i32>} : memref<10000xi32, #tpu.memory_space<vmem>>, vector<16xi32>,
    %gather3A = tpu.vector_load_idx %arg16[%get3A_21] : memref<10240xf32, #tpu.memory_space<vmem>>[vector<16xi32>], vector<16xf32>,
    %gather3A_26 = tpu.vector_load_idx %arg17[%get3A_25] : memref<10240xf32, #tpu.memory_space<vmem>>[vector<16xi32>], vector<16xf32>,
    %gt3A = arith.cmpf ogt, %gather3A, %gather3A_26 : vector<16xf32>
    tpu.vector_store_idx %arg17[%get3A_25], %gather3A masked %gt3A : memref<10240xf32, #tpu.memory_space<vmem>>[vector<16xi32>], vector<16xf32>, vector<16xi1>
    %gather3A_27 = tpu.vector_load_idx %arg17[%get3A_25] : memref<10240xf32, #tpu.memory_space<vmem>>[vector<16xi32>], vector<16xf32>,
    %lt3A = arith.cmpf olt, %gather3A_27, %gather3A : vector<16xf32>
    %and3A = arith.andi %gt3A, %lt3A : vector<16xi1>
    %while3A = scf.while (%while3A_163 = %and3A) : (vector<16xi1>) -> vector<16xi1> {
      %reduce_or3A = arith.constant 1.000000e+00 : f32
      %reduce_or3A_164 = arith.constant 0.000000e+00 : f32
      %reduce_or3A_165 = vector.broadcast %reduce_or3A : f32 to vector<16xf32>
      %reduce_or3A_166 = vector.broadcast %reduce_or3A_164 : f32 to vector<16xf32>
      %reduce_or3A_167 = arith.select %while3A_163, %reduce_or3A_165, %reduce_or3A_166 : vector<16xi1>, vector<16xf32>
      %reduce_or3A_168 = arith.constant true
      %reduce_or3A_169 = vector.broadcast %reduce_or3A_168 : i1 to vector<16xi1>
      %reduce_or3A_170 = tpu.scan <max>, %reduce_or3A_167 masked %reduce_or3A_169 : vector<16xf32>, vector<16xi1> -> vector<16xf32>
      %reduce_or3A_171 = vector.extract %reduce_or3A_170[15] : f32 from vector<16xf32>
      %reduce_or3A_172 = arith.constant 0.000000e+00 : f32
      %reduce_or3A_173 = arith.cmpf ogt, %reduce_or3A_171, %reduce_or3A_172 : f32
      scf.condition(%reduce_or3A_173) %while3A_163 : vector<16xi1>
    } do {
    ^bb0(%while3A_163: vector<16xi1>):
      tpu.vector_store_idx %arg17[%get3A_25], %gather3A masked %while3A_163 : memref<10240xf32, #tpu.memory_space<vmem>>[vector<16xi32>], vector<16xf32>, vector<16xi1>
      %gather3A_164 = tpu.vector_load_idx %arg17[%get3A_25] : memref<10240xf32, #tpu.memory_space<vmem>>[vector<16xi32>], vector<16xf32>,
      %lt3A_165 = arith.cmpf olt, %gather3A_164, %gather3A : vector<16xf32>
      %and3A_166 = arith.andi %while3A_163, %lt3A_165 : vector<16xi1>
      scf.yield %and3A_166 : vector<16xi1>
    }
    %scan3A_28 = arith.constant 1 : i32
    %scan3A_29 = arith.constant 0 : i32
    %scan3A_30 = arith.constant 640 : i32
    %scan3A_31 = arith.addi %scan3A_29, %scan3A_30 : i32
    %scan3A_32 = arith.constant 1 : i32
    scf.for %scan3A_163 = %scan3A_29 to %scan3A_31 step %scan3A_32  : i32 {
      %mul3A_164 = arith.constant 1 : i32
      %mul3A_165 = arith.muli %scan3A_163, %mul3A_164 : i32
      %add3A_166 = arith.constant 0 : i32
      %add3A_167 = arith.addi %add3A_166, %mul3A_165 : i32
      %mul3A_168 = arith.constant 16 : i32
      %mul3A_169 = arith.muli %add3A_167, %mul3A_168 : i32
      %get3A_170 = arith.index_cast %mul3A_169 : i32 to index
      %get3A_171 = tpu.vector_load %arg17[%get3A_170] {strides = array<i32>} : memref<10240xf32, #tpu.memory_space<vmem>>, vector<16xf32>,
      %get3A_172 = arith.index_cast %mul3A_169 : i32 to index
      %get3A_173 = tpu.vector_load %arg18[%get3A_172] {strides = array<i32>} : memref<10240xf32, #tpu.memory_space<vmem>>, vector<16xf32>,
      %max3A = arith.maximumf %get3A_171, %get3A_173 : vector<16xf32>
      %swap3A = arith.index_cast %mul3A_169 : i32 to index
      %swap3A_174 = tpu.vector_load %arg17[%swap3A] {strides = array<i32>} : memref<10240xf32, #tpu.memory_space<vmem>>, vector<16xf32>,
      tpu.vector_store %arg17[%swap3A], %max3A {strides = array<i32>} : memref<10240xf32, #tpu.memory_space<vmem>>, vector<16xf32>,
    }
    %scan3A_33 = arith.constant 640 : i32
    "tpu.region"() ({
      %run_scoped3A_163 = tpu.sem_alloc : memref<!tpu.dma_semaphore, #tpu.memory_space<semaphore_mem>>
      %dma_start3A = arith.constant 0 : i32
      %dma_start3A_164 = tpu.memref_slice %arg11[%arg1, %dma_start3A] : memref<16x10240xf32, #tpu.memory_space<vmem_shared>> -> memref<1x10240xf32, #tpu.memory_space<vmem_shared>>
      %dma_start3A_165 = tpu.memref_squeeze %dma_start3A_164 : memref<1x10240xf32, #tpu.memory_space<vmem_shared>> -> memref<10240xf32, #tpu.memory_space<vmem_shared>>
      %dma_start3A_166 = arith.constant 0 : i32
      %dma_start3A_167 = tpu.memref_slice %arg11[%arg1, %dma_start3A_166] : memref<16x10240xf32, #tpu.memory_space<vmem_shared>> -> memref<1x10240xf32, #tpu.memory_space<vmem_shared>>
      %dma_start3A_168 = tpu.memref_squeeze %dma_start3A_167 : memref<1x10240xf32, #tpu.memory_space<vmem_shared>> -> memref<10240xf32, #tpu.memory_space<vmem_shared>>
      tpu.enqueue_dma source(%arg17 : memref<10240xf32, #tpu.memory_space<vmem>>) target(%dma_start3A_168 : memref<10240xf32, #tpu.memory_space<vmem_shared>>) target_semaphore(%run_scoped3A_163 : memref<!tpu.dma_semaphore, #tpu.memory_space<semaphore_mem>>)
      %dma_wait3A = arith.constant 0 : i32
      %dma_wait3A_169 = tpu.memref_slice %arg11[%arg1, %dma_wait3A] : memref<16x10240xf32, #tpu.memory_space<vmem_shared>> -> memref<1x10240xf32, #tpu.memory_space<vmem_shared>>
      %dma_wait3A_170 = tpu.memref_squeeze %dma_wait3A_169 : memref<1x10240xf32, #tpu.memory_space<vmem_shared>> -> memref<10240xf32, #tpu.memory_space<vmem_shared>>
      %dma_wait3A_171 = arith.constant 0 : i32
      %dma_wait3A_172 = tpu.memref_slice %arg11[%arg1, %dma_wait3A_171] : memref<16x10240xf32, #tpu.memory_space<vmem_shared>> -> memref<1x10240xf32, #tpu.memory_space<vmem_shared>>
      %dma_wait3A_173 = tpu.memref_squeeze %dma_wait3A_172 : memref<1x10240xf32, #tpu.memory_space<vmem_shared>> -> memref<10240xf32, #tpu.memory_space<vmem_shared>>
      tpu.wait_dma2 semaphore(%run_scoped3A_163 : memref<!tpu.dma_semaphore, #tpu.memory_space<semaphore_mem>>) src(%arg17 : memref<10240xf32, #tpu.memory_space<vmem>>) dst(%dma_wait3A_173 : memref<10240xf32, #tpu.memory_space<vmem_shared>>)
      tpu.yield
    }) : () -> ()
    %barrier3A_34 = arith.constant 0 : index
    tpu.barrier barrier_id(%barrier3A_34)
    %mul3A_35 = arith.constant 640 : i32
    %mul3A_36 = arith.muli %arg1, %mul3A_35 : i32
    %run_scoped3A = arith.constant 0 : i32
    "tpu.region"() ({
      %run_scoped3A_163 = tpu.sem_alloc : memref<!tpu.dma_semaphore, #tpu.memory_space<semaphore_mem>>
      %dma_start3A = tpu.memref_slice %arg11[%run_scoped3A, %mul3A_36] : memref<16x10240xf32, #tpu.memory_space<vmem_shared>> -> memref<1x640xf32, #tpu.memory_space<vmem_shared>>
      %dma_start3A_164 = tpu.memref_squeeze %dma_start3A : memref<1x640xf32, #tpu.memory_space<vmem_shared>> -> memref<640xf32, #tpu.memory_space<vmem_shared>>
      %dma_start3A_165 = tpu.memref_slice %arg11[%run_scoped3A, %mul3A_36] : memref<16x10240xf32, #tpu.memory_space<vmem_shared>> -> memref<1x640xf32, #tpu.memory_space<vmem_shared>>
      %dma_start3A_166 = tpu.memref_squeeze %dma_start3A_165 : memref<1x640xf32, #tpu.memory_space<vmem_shared>> -> memref<640xf32, #tpu.memory_space<vmem_shared>>
      tpu.enqueue_dma source(%dma_start3A_166 : memref<640xf32, #tpu.memory_space<vmem_shared>>) target(%arg20 : memref<640xf32, #tpu.memory_space<vmem>>) target_semaphore(%run_scoped3A_163 : memref<!tpu.dma_semaphore, #tpu.memory_space<semaphore_mem>>)
      %dma_wait3A = tpu.memref_slice %arg11[%run_scoped3A, %mul3A_36] : memref<16x10240xf32, #tpu.memory_space<vmem_shared>> -> memref<1x640xf32, #tpu.memory_space<vmem_shared>>
      %dma_wait3A_167 = tpu.memref_squeeze %dma_wait3A : memref<1x640xf32, #tpu.memory_space<vmem_shared>> -> memref<640xf32, #tpu.memory_space<vmem_shared>>
      %dma_wait3A_168 = tpu.memref_slice %arg11[%run_scoped3A, %mul3A_36] : memref<16x10240xf32, #tpu.memory_space<vmem_shared>> -> memref<1x640xf32, #tpu.memory_space<vmem_shared>>
      %dma_wait3A_169 = tpu.memref_squeeze %dma_wait3A_168 : memref<1x640xf32, #tpu.memory_space<vmem_shared>> -> memref<640xf32, #tpu.memory_space<vmem_shared>>
      tpu.wait_dma2 semaphore(%run_scoped3A_163 : memref<!tpu.dma_semaphore, #tpu.memory_space<semaphore_mem>>) src(%dma_wait3A_169 : memref<640xf32, #tpu.memory_space<vmem_shared>>) dst(%arg20 : memref<640xf32, #tpu.memory_space<vmem>>)
      tpu.yield
    }) : () -> ()
    %mul3A_37 = arith.constant 640 : i32
    %mul3A_38 = arith.muli %arg1, %mul3A_37 : i32
    %run_scoped3A_39 = arith.constant 1 : i32
    "tpu.region"() ({
      %run_scoped3A_163 = tpu.sem_alloc : memref<!tpu.dma_semaphore, #tpu.memory_space<semaphore_mem>>
      %dma_start3A = tpu.memref_slice %arg11[%run_scoped3A_39, %mul3A_38] : memref<16x10240xf32, #tpu.memory_space<vmem_shared>> -> memref<1x640xf32, #tpu.memory_space<vmem_shared>>
      %dma_start3A_164 = tpu.memref_squeeze %dma_start3A : memref<1x640xf32, #tpu.memory_space<vmem_shared>> -> memref<640xf32, #tpu.memory_space<vmem_shared>>
      %dma_start3A_165 = tpu.memref_slice %arg11[%run_scoped3A_39, %mul3A_38] : memref<16x10240xf32, #tpu.memory_space<vmem_shared>> -> memref<1x640xf32, #tpu.memory_space<vmem_shared>>
      %dma_start3A_166 = tpu.memref_squeeze %dma_start3A_165 : memref<1x640xf32, #tpu.memory_space<vmem_shared>> -> memref<640xf32, #tpu.memory_space<vmem_shared>>
      tpu.enqueue_dma source(%dma_start3A_166 : memref<640xf32, #tpu.memory_space<vmem_shared>>) target(%arg21 : memref<640xf32, #tpu.memory_space<vmem>>) target_semaphore(%run_scoped3A_163 : memref<!tpu.dma_semaphore, #tpu.memory_space<semaphore_mem>>)
      %dma_wait3A = tpu.memref_slice %arg11[%run_scoped3A_39, %mul3A_38] : memref<16x10240xf32, #tpu.memory_space<vmem_shared>> -> memref<1x640xf32, #tpu.memory_space<vmem_shared>>
      %dma_wait3A_167 = tpu.memref_squeeze %dma_wait3A : memref<1x640xf32, #tpu.memory_space<vmem_shared>> -> memref<640xf32, #tpu.memory_space<vmem_shared>>
      %dma_wait3A_168 = tpu.memref_slice %arg11[%run_scoped3A_39, %mul3A_38] : memref<16x10240xf32, #tpu.memory_space<vmem_shared>> -> memref<1x640xf32, #tpu.memory_space<vmem_shared>>
      %dma_wait3A_169 = tpu.memref_squeeze %dma_wait3A_168 : memref<1x640xf32, #tpu.memory_space<vmem_shared>> -> memref<640xf32, #tpu.memory_space<vmem_shared>>
      tpu.wait_dma2 semaphore(%run_scoped3A_163 : memref<!tpu.dma_semaphore, #tpu.memory_space<semaphore_mem>>) src(%dma_wait3A_169 : memref<640xf32, #tpu.memory_space<vmem_shared>>) dst(%arg21 : memref<640xf32, #tpu.memory_space<vmem>>)
      tpu.yield
    }) : () -> ()
    %scan3A_40 = arith.constant 0 : i32
    %scan3A_41 = arith.constant 40 : i32
    %scan3A_42 = arith.addi %scan3A_40, %scan3A_41 : i32
    %scan3A_43 = arith.constant 1 : i32
    scf.for %scan3A_163 = %scan3A_40 to %scan3A_42 step %scan3A_43  : i32 {
      %mul3A_164 = arith.constant 1 : i32
      %mul3A_165 = arith.muli %scan3A_163, %mul3A_164 : i32
      %add3A_166 = arith.constant 0 : i32
      %add3A_167 = arith.addi %add3A_166, %mul3A_165 : i32
      %mul3A_168 = arith.constant 16 : i32
      %mul3A_169 = arith.muli %add3A_167, %mul3A_168 : i32
      %get3A_170 = arith.index_cast %mul3A_169 : i32 to index
      %get3A_171 = tpu.vector_load %arg20[%get3A_170] {strides = array<i32>} : memref<640xf32, #tpu.memory_space<vmem>>, vector<16xf32>,
      %mul3A_172 = arith.constant 16 : i32
      %mul3A_173 = arith.muli %add3A_167, %mul3A_172 : i32
      %get3A_174 = arith.index_cast %mul3A_173 : i32 to index
      %get3A_175 = tpu.vector_load %arg21[%get3A_174] {strides = array<i32>} : memref<640xf32, #tpu.memory_space<vmem>>, vector<16xf32>,
      %max3A = arith.maximumf %get3A_171, %get3A_175 : vector<16xf32>
      %mul3A_176 = arith.constant 16 : i32
      %mul3A_177 = arith.muli %add3A_167, %mul3A_176 : i32
      %swap3A = arith.index_cast %mul3A_177 : i32 to index
      %swap3A_178 = tpu.vector_load %arg20[%swap3A] {strides = array<i32>} : memref<640xf32, #tpu.memory_space<vmem>>, vector<16xf32>,
      tpu.vector_store %arg20[%swap3A], %max3A {strides = array<i32>} : memref<640xf32, #tpu.memory_space<vmem>>, vector<16xf32>,
    }
    %scan3A_44 = arith.constant 40 : i32
    %mul3A_45 = arith.constant 640 : i32
    %mul3A_46 = arith.muli %arg1, %mul3A_45 : i32
    %run_scoped3A_47 = arith.constant 2 : i32
    "tpu.region"() ({
      %run_scoped3A_163 = tpu.sem_alloc : memref<!tpu.dma_semaphore, #tpu.memory_space<semaphore_mem>>
      %dma_start3A = tpu.memref_slice %arg11[%run_scoped3A_47, %mul3A_46] : memref<16x10240xf32, #tpu.memory_space<vmem_shared>> -> memref<1x640xf32, #tpu.memory_space<vmem_shared>>
      %dma_start3A_164 = tpu.memref_squeeze %dma_start3A : memref<1x640xf32, #tpu.memory_space<vmem_shared>> -> memref<640xf32, #tpu.memory_space<vmem_shared>>
      %dma_start3A_165 = tpu.memref_slice %arg11[%run_scoped3A_47, %mul3A_46] : memref<16x10240xf32, #tpu.memory_space<vmem_shared>> -> memref<1x640xf32, #tpu.memory_space<vmem_shared>>
      %dma_start3A_166 = tpu.memref_squeeze %dma_start3A_165 : memref<1x640xf32, #tpu.memory_space<vmem_shared>> -> memref<640xf32, #tpu.memory_space<vmem_shared>>
      tpu.enqueue_dma source(%dma_start3A_166 : memref<640xf32, #tpu.memory_space<vmem_shared>>) target(%arg21 : memref<640xf32, #tpu.memory_space<vmem>>) target_semaphore(%run_scoped3A_163 : memref<!tpu.dma_semaphore, #tpu.memory_space<semaphore_mem>>)
      %dma_wait3A = tpu.memref_slice %arg11[%run_scoped3A_47, %mul3A_46] : memref<16x10240xf32, #tpu.memory_space<vmem_shared>> -> memref<1x640xf32, #tpu.memory_space<vmem_shared>>
      %dma_wait3A_167 = tpu.memref_squeeze %dma_wait3A : memref<1x640xf32, #tpu.memory_space<vmem_shared>> -> memref<640xf32, #tpu.memory_space<vmem_shared>>
      %dma_wait3A_168 = tpu.memref_slice %arg11[%run_scoped3A_47, %mul3A_46] : memref<16x10240xf32, #tpu.memory_space<vmem_shared>> -> memref<1x640xf32, #tpu.memory_space<vmem_shared>>
      %dma_wait3A_169 = tpu.memref_squeeze %dma_wait3A_168 : memref<1x640xf32, #tpu.memory_space<vmem_shared>> -> memref<640xf32, #tpu.memory_space<vmem_shared>>
      tpu.wait_dma2 semaphore(%run_scoped3A_163 : memref<!tpu.dma_semaphore, #tpu.memory_space<semaphore_mem>>) src(%dma_wait3A_169 : memref<640xf32, #tpu.memory_space<vmem_shared>>) dst(%arg21 : memref<640xf32, #tpu.memory_space<vmem>>)
      tpu.yield
    }) : () -> ()
    %scan3A_48 = arith.constant 0 : i32
    %scan3A_49 = arith.constant 40 : i32
    %scan3A_50 = arith.addi %scan3A_48, %scan3A_49 : i32
    %scan3A_51 = arith.constant 1 : i32
    scf.for %scan3A_163 = %scan3A_48 to %scan3A_50 step %scan3A_51  : i32 {
      %mul3A_164 = arith.constant 1 : i32
      %mul3A_165 = arith.muli %scan3A_163, %mul3A_164 : i32
      %add3A_166 = arith.constant 0 : i32
      %add3A_167 = arith.addi %add3A_166, %mul3A_165 : i32
      %mul3A_168 = arith.constant 16 : i32
      %mul3A_169 = arith.muli %add3A_167, %mul3A_168 : i32
      %get3A_170 = arith.index_cast %mul3A_169 : i32 to index
      %get3A_171 = tpu.vector_load %arg20[%get3A_170] {strides = array<i32>} : memref<640xf32, #tpu.memory_space<vmem>>, vector<16xf32>,
      %mul3A_172 = arith.constant 16 : i32
      %mul3A_173 = arith.muli %add3A_167, %mul3A_172 : i32
      %get3A_174 = arith.index_cast %mul3A_173 : i32 to index
      %get3A_175 = tpu.vector_load %arg21[%get3A_174] {strides = array<i32>} : memref<640xf32, #tpu.memory_space<vmem>>, vector<16xf32>,
      %max3A = arith.maximumf %get3A_171, %get3A_175 : vector<16xf32>
      %mul3A_176 = arith.constant 16 : i32
      %mul3A_177 = arith.muli %add3A_167, %mul3A_176 : i32
      %swap3A = arith.index_cast %mul3A_177 : i32 to index
      %swap3A_178 = tpu.vector_load %arg20[%swap3A] {strides = array<i32>} : memref<640xf32, #tpu.memory_space<vmem>>, vector<16xf32>,
      tpu.vector_store %arg20[%swap3A], %max3A {strides = array<i32>} : memref<640xf32, #tpu.memory_space<vmem>>, vector<16xf32>,
    }
    %scan3A_52 = arith.constant 40 : i32
    %mul3A_53 = arith.constant 640 : i32
    %mul3A_54 = arith.muli %arg1, %mul3A_53 : i32
    %run_scoped3A_55 = arith.constant 3 : i32
    "tpu.region"() ({
      %run_scoped3A_163 = tpu.sem_alloc : memref<!tpu.dma_semaphore, #tpu.memory_space<semaphore_mem>>
      %dma_start3A = tpu.memref_slice %arg11[%run_scoped3A_55, %mul3A_54] : memref<16x10240xf32, #tpu.memory_space<vmem_shared>> -> memref<1x640xf32, #tpu.memory_space<vmem_shared>>
      %dma_start3A_164 = tpu.memref_squeeze %dma_start3A : memref<1x640xf32, #tpu.memory_space<vmem_shared>> -> memref<640xf32, #tpu.memory_space<vmem_shared>>
      %dma_start3A_165 = tpu.memref_slice %arg11[%run_scoped3A_55, %mul3A_54] : memref<16x10240xf32, #tpu.memory_space<vmem_shared>> -> memref<1x640xf32, #tpu.memory_space<vmem_shared>>
      %dma_start3A_166 = tpu.memref_squeeze %dma_start3A_165 : memref<1x640xf32, #tpu.memory_space<vmem_shared>> -> memref<640xf32, #tpu.memory_space<vmem_shared>>
      tpu.enqueue_dma source(%dma_start3A_166 : memref<640xf32, #tpu.memory_space<vmem_shared>>) target(%arg21 : memref<640xf32, #tpu.memory_space<vmem>>) target_semaphore(%run_scoped3A_163 : memref<!tpu.dma_semaphore, #tpu.memory_space<semaphore_mem>>)
      %dma_wait3A = tpu.memref_slice %arg11[%run_scoped3A_55, %mul3A_54] : memref<16x10240xf32, #tpu.memory_space<vmem_shared>> -> memref<1x640xf32, #tpu.memory_space<vmem_shared>>
      %dma_wait3A_167 = tpu.memref_squeeze %dma_wait3A : memref<1x640xf32, #tpu.memory_space<vmem_shared>> -> memref<640xf32, #tpu.memory_space<vmem_shared>>
      %dma_wait3A_168 = tpu.memref_slice %arg11[%run_scoped3A_55, %mul3A_54] : memref<16x10240xf32, #tpu.memory_space<vmem_shared>> -> memref<1x640xf32, #tpu.memory_space<vmem_shared>>
      %dma_wait3A_169 = tpu.memref_squeeze %dma_wait3A_168 : memref<1x640xf32, #tpu.memory_space<vmem_shared>> -> memref<640xf32, #tpu.memory_space<vmem_shared>>
      tpu.wait_dma2 semaphore(%run_scoped3A_163 : memref<!tpu.dma_semaphore, #tpu.memory_space<semaphore_mem>>) src(%dma_wait3A_169 : memref<640xf32, #tpu.memory_space<vmem_shared>>) dst(%arg21 : memref<640xf32, #tpu.memory_space<vmem>>)
      tpu.yield
    }) : () -> ()
    %scan3A_56 = arith.constant 0 : i32
    %scan3A_57 = arith.constant 40 : i32
    %scan3A_58 = arith.addi %scan3A_56, %scan3A_57 : i32
    %scan3A_59 = arith.constant 1 : i32
    scf.for %scan3A_163 = %scan3A_56 to %scan3A_58 step %scan3A_59  : i32 {
      %mul3A_164 = arith.constant 1 : i32
      %mul3A_165 = arith.muli %scan3A_163, %mul3A_164 : i32
      %add3A_166 = arith.constant 0 : i32
      %add3A_167 = arith.addi %add3A_166, %mul3A_165 : i32
      %mul3A_168 = arith.constant 16 : i32
      %mul3A_169 = arith.muli %add3A_167, %mul3A_168 : i32
      %get3A_170 = arith.index_cast %mul3A_169 : i32 to index
      %get3A_171 = tpu.vector_load %arg20[%get3A_170] {strides = array<i32>} : memref<640xf32, #tpu.memory_space<vmem>>, vector<16xf32>,
      %mul3A_172 = arith.constant 16 : i32
      %mul3A_173 = arith.muli %add3A_167, %mul3A_172 : i32
      %get3A_174 = arith.index_cast %mul3A_173 : i32 to index
      %get3A_175 = tpu.vector_load %arg21[%get3A_174] {strides = array<i32>} : memref<640xf32, #tpu.memory_space<vmem>>, vector<16xf32>,
      %max3A = arith.maximumf %get3A_171, %get3A_175 : vector<16xf32>
      %mul3A_176 = arith.constant 16 : i32
      %mul3A_177 = arith.muli %add3A_167, %mul3A_176 : i32
      %swap3A = arith.index_cast %mul3A_177 : i32 to index
      %swap3A_178 = tpu.vector_load %arg20[%swap3A] {strides = array<i32>} : memref<640xf32, #tpu.memory_space<vmem>>, vector<16xf32>,
      tpu.vector_store %arg20[%swap3A], %max3A {strides = array<i32>} : memref<640xf32, #tpu.memory_space<vmem>>, vector<16xf32>,
    }
    %scan3A_60 = arith.constant 40 : i32
    %mul3A_61 = arith.constant 640 : i32
    %mul3A_62 = arith.muli %arg1, %mul3A_61 : i32
    %run_scoped3A_63 = arith.constant 4 : i32
    "tpu.region"() ({
      %run_scoped3A_163 = tpu.sem_alloc : memref<!tpu.dma_semaphore, #tpu.memory_space<semaphore_mem>>
      %dma_start3A = tpu.memref_slice %arg11[%run_scoped3A_63, %mul3A_62] : memref<16x10240xf32, #tpu.memory_space<vmem_shared>> -> memref<1x640xf32, #tpu.memory_space<vmem_shared>>
      %dma_start3A_164 = tpu.memref_squeeze %dma_start3A : memref<1x640xf32, #tpu.memory_space<vmem_shared>> -> memref<640xf32, #tpu.memory_space<vmem_shared>>
      %dma_start3A_165 = tpu.memref_slice %arg11[%run_scoped3A_63, %mul3A_62] : memref<16x10240xf32, #tpu.memory_space<vmem_shared>> -> memref<1x640xf32, #tpu.memory_space<vmem_shared>>
      %dma_start3A_166 = tpu.memref_squeeze %dma_start3A_165 : memref<1x640xf32, #tpu.memory_space<vmem_shared>> -> memref<640xf32, #tpu.memory_space<vmem_shared>>
      tpu.enqueue_dma source(%dma_start3A_166 : memref<640xf32, #tpu.memory_space<vmem_shared>>) target(%arg21 : memref<640xf32, #tpu.memory_space<vmem>>) target_semaphore(%run_scoped3A_163 : memref<!tpu.dma_semaphore, #tpu.memory_space<semaphore_mem>>)
      %dma_wait3A = tpu.memref_slice %arg11[%run_scoped3A_63, %mul3A_62] : memref<16x10240xf32, #tpu.memory_space<vmem_shared>> -> memref<1x640xf32, #tpu.memory_space<vmem_shared>>
      %dma_wait3A_167 = tpu.memref_squeeze %dma_wait3A : memref<1x640xf32, #tpu.memory_space<vmem_shared>> -> memref<640xf32, #tpu.memory_space<vmem_shared>>
      %dma_wait3A_168 = tpu.memref_slice %arg11[%run_scoped3A_63, %mul3A_62] : memref<16x10240xf32, #tpu.memory_space<vmem_shared>> -> memref<1x640xf32, #tpu.memory_space<vmem_shared>>
      %dma_wait3A_169 = tpu.memref_squeeze %dma_wait3A_168 : memref<1x640xf32, #tpu.memory_space<vmem_shared>> -> memref<640xf32, #tpu.memory_space<vmem_shared>>
      tpu.wait_dma2 semaphore(%run_scoped3A_163 : memref<!tpu.dma_semaphore, #tpu.memory_space<semaphore_mem>>) src(%dma_wait3A_169 : memref<640xf32, #tpu.memory_space<vmem_shared>>) dst(%arg21 : memref<640xf32, #tpu.memory_space<vmem>>)
      tpu.yield
    }) : () -> ()
    %scan3A_64 = arith.constant 0 : i32
    %scan3A_65 = arith.constant 40 : i32
    %scan3A_66 = arith.addi %scan3A_64, %scan3A_65 : i32
    %scan3A_67 = arith.constant 1 : i32
    scf.for %scan3A_163 = %scan3A_64 to %scan3A_66 step %scan3A_67  : i32 {
      %mul3A_164 = arith.constant 1 : i32
      %mul3A_165 = arith.muli %scan3A_163, %mul3A_164 : i32
      %add3A_166 = arith.constant 0 : i32
      %add3A_167 = arith.addi %add3A_166, %mul3A_165 : i32
      %mul3A_168 = arith.constant 16 : i32
      %mul3A_169 = arith.muli %add3A_167, %mul3A_168 : i32
      %get3A_170 = arith.index_cast %mul3A_169 : i32 to index
      %get3A_171 = tpu.vector_load %arg20[%get3A_170] {strides = array<i32>} : memref<640xf32, #tpu.memory_space<vmem>>, vector<16xf32>,
      %mul3A_172 = arith.constant 16 : i32
      %mul3A_173 = arith.muli %add3A_167, %mul3A_172 : i32
      %get3A_174 = arith.index_cast %mul3A_173 : i32 to index
      %get3A_175 = tpu.vector_load %arg21[%get3A_174] {strides = array<i32>} : memref<640xf32, #tpu.memory_space<vmem>>, vector<16xf32>,
      %max3A = arith.maximumf %get3A_171, %get3A_175 : vector<16xf32>
      %mul3A_176 = arith.constant 16 : i32
      %mul3A_177 = arith.muli %add3A_167, %mul3A_176 : i32
      %swap3A = arith.index_cast %mul3A_177 : i32 to index
      %swap3A_178 = tpu.vector_load %arg20[%swap3A] {strides = array<i32>} : memref<640xf32, #tpu.memory_space<vmem>>, vector<16xf32>,
      tpu.vector_store %arg20[%swap3A], %max3A {strides = array<i32>} : memref<640xf32, #tpu.memory_space<vmem>>, vector<16xf32>,
    }
    %scan3A_68 = arith.constant 40 : i32
    %mul3A_69 = arith.constant 640 : i32
    %mul3A_70 = arith.muli %arg1, %mul3A_69 : i32
    %run_scoped3A_71 = arith.constant 5 : i32
    "tpu.region"() ({
      %run_scoped3A_163 = tpu.sem_alloc : memref<!tpu.dma_semaphore, #tpu.memory_space<semaphore_mem>>
      %dma_start3A = tpu.memref_slice %arg11[%run_scoped3A_71, %mul3A_70] : memref<16x10240xf32, #tpu.memory_space<vmem_shared>> -> memref<1x640xf32, #tpu.memory_space<vmem_shared>>
      %dma_start3A_164 = tpu.memref_squeeze %dma_start3A : memref<1x640xf32, #tpu.memory_space<vmem_shared>> -> memref<640xf32, #tpu.memory_space<vmem_shared>>
      %dma_start3A_165 = tpu.memref_slice %arg11[%run_scoped3A_71, %mul3A_70] : memref<16x10240xf32, #tpu.memory_space<vmem_shared>> -> memref<1x640xf32, #tpu.memory_space<vmem_shared>>
      %dma_start3A_166 = tpu.memref_squeeze %dma_start3A_165 : memref<1x640xf32, #tpu.memory_space<vmem_shared>> -> memref<640xf32, #tpu.memory_space<vmem_shared>>
      tpu.enqueue_dma source(%dma_start3A_166 : memref<640xf32, #tpu.memory_space<vmem_shared>>) target(%arg21 : memref<640xf32, #tpu.memory_space<vmem>>) target_semaphore(%run_scoped3A_163 : memref<!tpu.dma_semaphore, #tpu.memory_space<semaphore_mem>>)
      %dma_wait3A = tpu.memref_slice %arg11[%run_scoped3A_71, %mul3A_70] : memref<16x10240xf32, #tpu.memory_space<vmem_shared>> -> memref<1x640xf32, #tpu.memory_space<vmem_shared>>
      %dma_wait3A_167 = tpu.memref_squeeze %dma_wait3A : memref<1x640xf32, #tpu.memory_space<vmem_shared>> -> memref<640xf32, #tpu.memory_space<vmem_shared>>
      %dma_wait3A_168 = tpu.memref_slice %arg11[%run_scoped3A_71, %mul3A_70] : memref<16x10240xf32, #tpu.memory_space<vmem_shared>> -> memref<1x640xf32, #tpu.memory_space<vmem_shared>>
      %dma_wait3A_169 = tpu.memref_squeeze %dma_wait3A_168 : memref<1x640xf32, #tpu.memory_space<vmem_shared>> -> memref<640xf32, #tpu.memory_space<vmem_shared>>
      tpu.wait_dma2 semaphore(%run_scoped3A_163 : memref<!tpu.dma_semaphore, #tpu.memory_space<semaphore_mem>>) src(%dma_wait3A_169 : memref<640xf32, #tpu.memory_space<vmem_shared>>) dst(%arg21 : memref<640xf32, #tpu.memory_space<vmem>>)
      tpu.yield
    }) : () -> ()
    %scan3A_72 = arith.constant 0 : i32
    %scan3A_73 = arith.constant 40 : i32
    %scan3A_74 = arith.addi %scan3A_72, %scan3A_73 : i32
    %scan3A_75 = arith.constant 1 : i32
    scf.for %scan3A_163 = %scan3A_72 to %scan3A_74 step %scan3A_75  : i32 {
      %mul3A_164 = arith.constant 1 : i32
      %mul3A_165 = arith.muli %scan3A_163, %mul3A_164 : i32
      %add3A_166 = arith.constant 0 : i32
      %add3A_167 = arith.addi %add3A_166, %mul3A_165 : i32
      %mul3A_168 = arith.constant 16 : i32
      %mul3A_169 = arith.muli %add3A_167, %mul3A_168 : i32
      %get3A_170 = arith.index_cast %mul3A_169 : i32 to index
      %get3A_171 = tpu.vector_load %arg20[%get3A_170] {strides = array<i32>} : memref<640xf32, #tpu.memory_space<vmem>>, vector<16xf32>,
      %mul3A_172 = arith.constant 16 : i32
      %mul3A_173 = arith.muli %add3A_167, %mul3A_172 : i32
      %get3A_174 = arith.index_cast %mul3A_173 : i32 to index
      %get3A_175 = tpu.vector_load %arg21[%get3A_174] {strides = array<i32>} : memref<640xf32, #tpu.memory_space<vmem>>, vector<16xf32>,
      %max3A = arith.maximumf %get3A_171, %get3A_175 : vector<16xf32>
      %mul3A_176 = arith.constant 16 : i32
      %mul3A_177 = arith.muli %add3A_167, %mul3A_176 : i32
      %swap3A = arith.index_cast %mul3A_177 : i32 to index
      %swap3A_178 = tpu.vector_load %arg20[%swap3A] {strides = array<i32>} : memref<640xf32, #tpu.memory_space<vmem>>, vector<16xf32>,
      tpu.vector_store %arg20[%swap3A], %max3A {strides = array<i32>} : memref<640xf32, #tpu.memory_space<vmem>>, vector<16xf32>,
    }
    %scan3A_76 = arith.constant 40 : i32
    %mul3A_77 = arith.constant 640 : i32
    %mul3A_78 = arith.muli %arg1, %mul3A_77 : i32
    %run_scoped3A_79 = arith.constant 6 : i32
    "tpu.region"() ({
      %run_scoped3A_163 = tpu.sem_alloc : memref<!tpu.dma_semaphore, #tpu.memory_space<semaphore_mem>>
      %dma_start3A = tpu.memref_slice %arg11[%run_scoped3A_79, %mul3A_78] : memref<16x10240xf32, #tpu.memory_space<vmem_shared>> -> memref<1x640xf32, #tpu.memory_space<vmem_shared>>
      %dma_start3A_164 = tpu.memref_squeeze %dma_start3A : memref<1x640xf32, #tpu.memory_space<vmem_shared>> -> memref<640xf32, #tpu.memory_space<vmem_shared>>
      %dma_start3A_165 = tpu.memref_slice %arg11[%run_scoped3A_79, %mul3A_78] : memref<16x10240xf32, #tpu.memory_space<vmem_shared>> -> memref<1x640xf32, #tpu.memory_space<vmem_shared>>
      %dma_start3A_166 = tpu.memref_squeeze %dma_start3A_165 : memref<1x640xf32, #tpu.memory_space<vmem_shared>> -> memref<640xf32, #tpu.memory_space<vmem_shared>>
      tpu.enqueue_dma source(%dma_start3A_166 : memref<640xf32, #tpu.memory_space<vmem_shared>>) target(%arg21 : memref<640xf32, #tpu.memory_space<vmem>>) target_semaphore(%run_scoped3A_163 : memref<!tpu.dma_semaphore, #tpu.memory_space<semaphore_mem>>)
      %dma_wait3A = tpu.memref_slice %arg11[%run_scoped3A_79, %mul3A_78] : memref<16x10240xf32, #tpu.memory_space<vmem_shared>> -> memref<1x640xf32, #tpu.memory_space<vmem_shared>>
      %dma_wait3A_167 = tpu.memref_squeeze %dma_wait3A : memref<1x640xf32, #tpu.memory_space<vmem_shared>> -> memref<640xf32, #tpu.memory_space<vmem_shared>>
      %dma_wait3A_168 = tpu.memref_slice %arg11[%run_scoped3A_79, %mul3A_78] : memref<16x10240xf32, #tpu.memory_space<vmem_shared>> -> memref<1x640xf32, #tpu.memory_space<vmem_shared>>
      %dma_wait3A_169 = tpu.memref_squeeze %dma_wait3A_168 : memref<1x640xf32, #tpu.memory_space<vmem_shared>> -> memref<640xf32, #tpu.memory_space<vmem_shared>>
      tpu.wait_dma2 semaphore(%run_scoped3A_163 : memref<!tpu.dma_semaphore, #tpu.memory_space<semaphore_mem>>) src(%dma_wait3A_169 : memref<640xf32, #tpu.memory_space<vmem_shared>>) dst(%arg21 : memref<640xf32, #tpu.memory_space<vmem>>)
      tpu.yield
    }) : () -> ()
    %scan3A_80 = arith.constant 0 : i32
    %scan3A_81 = arith.constant 40 : i32
    %scan3A_82 = arith.addi %scan3A_80, %scan3A_81 : i32
    %scan3A_83 = arith.constant 1 : i32
    scf.for %scan3A_163 = %scan3A_80 to %scan3A_82 step %scan3A_83  : i32 {
      %mul3A_164 = arith.constant 1 : i32
      %mul3A_165 = arith.muli %scan3A_163, %mul3A_164 : i32
      %add3A_166 = arith.constant 0 : i32
      %add3A_167 = arith.addi %add3A_166, %mul3A_165 : i32
      %mul3A_168 = arith.constant 16 : i32
      %mul3A_169 = arith.muli %add3A_167, %mul3A_168 : i32
      %get3A_170 = arith.index_cast %mul3A_169 : i32 to index
      %get3A_171 = tpu.vector_load %arg20[%get3A_170] {strides = array<i32>} : memref<640xf32, #tpu.memory_space<vmem>>, vector<16xf32>,
      %mul3A_172 = arith.constant 16 : i32
      %mul3A_173 = arith.muli %add3A_167, %mul3A_172 : i32
      %get3A_174 = arith.index_cast %mul3A_173 : i32 to index
      %get3A_175 = tpu.vector_load %arg21[%get3A_174] {strides = array<i32>} : memref<640xf32, #tpu.memory_space<vmem>>, vector<16xf32>,
      %max3A = arith.maximumf %get3A_171, %get3A_175 : vector<16xf32>
      %mul3A_176 = arith.constant 16 : i32
      %mul3A_177 = arith.muli %add3A_167, %mul3A_176 : i32
      %swap3A = arith.index_cast %mul3A_177 : i32 to index
      %swap3A_178 = tpu.vector_load %arg20[%swap3A] {strides = array<i32>} : memref<640xf32, #tpu.memory_space<vmem>>, vector<16xf32>,
      tpu.vector_store %arg20[%swap3A], %max3A {strides = array<i32>} : memref<640xf32, #tpu.memory_space<vmem>>, vector<16xf32>,
    }
    %scan3A_84 = arith.constant 40 : i32
    %mul3A_85 = arith.constant 640 : i32
    %mul3A_86 = arith.muli %arg1, %mul3A_85 : i32
    %run_scoped3A_87 = arith.constant 7 : i32
    "tpu.region"() ({
      %run_scoped3A_163 = tpu.sem_alloc : memref<!tpu.dma_semaphore, #tpu.memory_space<semaphore_mem>>
      %dma_start3A = tpu.memref_slice %arg11[%run_scoped3A_87, %mul3A_86] : memref<16x10240xf32, #tpu.memory_space<vmem_shared>> -> memref<1x640xf32, #tpu.memory_space<vmem_shared>>
      %dma_start3A_164 = tpu.memref_squeeze %dma_start3A : memref<1x640xf32, #tpu.memory_space<vmem_shared>> -> memref<640xf32, #tpu.memory_space<vmem_shared>>
      %dma_start3A_165 = tpu.memref_slice %arg11[%run_scoped3A_87, %mul3A_86] : memref<16x10240xf32, #tpu.memory_space<vmem_shared>> -> memref<1x640xf32, #tpu.memory_space<vmem_shared>>
      %dma_start3A_166 = tpu.memref_squeeze %dma_start3A_165 : memref<1x640xf32, #tpu.memory_space<vmem_shared>> -> memref<640xf32, #tpu.memory_space<vmem_shared>>
      tpu.enqueue_dma source(%dma_start3A_166 : memref<640xf32, #tpu.memory_space<vmem_shared>>) target(%arg21 : memref<640xf32, #tpu.memory_space<vmem>>) target_semaphore(%run_scoped3A_163 : memref<!tpu.dma_semaphore, #tpu.memory_space<semaphore_mem>>)
      %dma_wait3A = tpu.memref_slice %arg11[%run_scoped3A_87, %mul3A_86] : memref<16x10240xf32, #tpu.memory_space<vmem_shared>> -> memref<1x640xf32, #tpu.memory_space<vmem_shared>>
      %dma_wait3A_167 = tpu.memref_squeeze %dma_wait3A : memref<1x640xf32, #tpu.memory_space<vmem_shared>> -> memref<640xf32, #tpu.memory_space<vmem_shared>>
      %dma_wait3A_168 = tpu.memref_slice %arg11[%run_scoped3A_87, %mul3A_86] : memref<16x10240xf32, #tpu.memory_space<vmem_shared>> -> memref<1x640xf32, #tpu.memory_space<vmem_shared>>
      %dma_wait3A_169 = tpu.memref_squeeze %dma_wait3A_168 : memref<1x640xf32, #tpu.memory_space<vmem_shared>> -> memref<640xf32, #tpu.memory_space<vmem_shared>>
      tpu.wait_dma2 semaphore(%run_scoped3A_163 : memref<!tpu.dma_semaphore, #tpu.memory_space<semaphore_mem>>) src(%dma_wait3A_169 : memref<640xf32, #tpu.memory_space<vmem_shared>>) dst(%arg21 : memref<640xf32, #tpu.memory_space<vmem>>)
      tpu.yield
    }) : () -> ()
    %scan3A_88 = arith.constant 0 : i32
    %scan3A_89 = arith.constant 40 : i32
    %scan3A_90 = arith.addi %scan3A_88, %scan3A_89 : i32
    %scan3A_91 = arith.constant 1 : i32
    scf.for %scan3A_163 = %scan3A_88 to %scan3A_90 step %scan3A_91  : i32 {
      %mul3A_164 = arith.constant 1 : i32
      %mul3A_165 = arith.muli %scan3A_163, %mul3A_164 : i32
      %add3A_166 = arith.constant 0 : i32
      %add3A_167 = arith.addi %add3A_166, %mul3A_165 : i32
      %mul3A_168 = arith.constant 16 : i32
      %mul3A_169 = arith.muli %add3A_167, %mul3A_168 : i32
      %get3A_170 = arith.index_cast %mul3A_169 : i32 to index
      %get3A_171 = tpu.vector_load %arg20[%get3A_170] {strides = array<i32>} : memref<640xf32, #tpu.memory_space<vmem>>, vector<16xf32>,
      %mul3A_172 = arith.constant 16 : i32
      %mul3A_173 = arith.muli %add3A_167, %mul3A_172 : i32
      %get3A_174 = arith.index_cast %mul3A_173 : i32 to index
      %get3A_175 = tpu.vector_load %arg21[%get3A_174] {strides = array<i32>} : memref<640xf32, #tpu.memory_space<vmem>>, vector<16xf32>,
      %max3A = arith.maximumf %get3A_171, %get3A_175 : vector<16xf32>
      %mul3A_176 = arith.constant 16 : i32
      %mul3A_177 = arith.muli %add3A_167, %mul3A_176 : i32
      %swap3A = arith.index_cast %mul3A_177 : i32 to index
      %swap3A_178 = tpu.vector_load %arg20[%swap3A] {strides = array<i32>} : memref<640xf32, #tpu.memory_space<vmem>>, vector<16xf32>,
      tpu.vector_store %arg20[%swap3A], %max3A {strides = array<i32>} : memref<640xf32, #tpu.memory_space<vmem>>, vector<16xf32>,
    }
    %scan3A_92 = arith.constant 40 : i32
    %mul3A_93 = arith.constant 640 : i32
    %mul3A_94 = arith.muli %arg1, %mul3A_93 : i32
    %run_scoped3A_95 = arith.constant 8 : i32
    "tpu.region"() ({
      %run_scoped3A_163 = tpu.sem_alloc : memref<!tpu.dma_semaphore, #tpu.memory_space<semaphore_mem>>
      %dma_start3A = tpu.memref_slice %arg11[%run_scoped3A_95, %mul3A_94] : memref<16x10240xf32, #tpu.memory_space<vmem_shared>> -> memref<1x640xf32, #tpu.memory_space<vmem_shared>>
      %dma_start3A_164 = tpu.memref_squeeze %dma_start3A : memref<1x640xf32, #tpu.memory_space<vmem_shared>> -> memref<640xf32, #tpu.memory_space<vmem_shared>>
      %dma_start3A_165 = tpu.memref_slice %arg11[%run_scoped3A_95, %mul3A_94] : memref<16x10240xf32, #tpu.memory_space<vmem_shared>> -> memref<1x640xf32, #tpu.memory_space<vmem_shared>>
      %dma_start3A_166 = tpu.memref_squeeze %dma_start3A_165 : memref<1x640xf32, #tpu.memory_space<vmem_shared>> -> memref<640xf32, #tpu.memory_space<vmem_shared>>
      tpu.enqueue_dma source(%dma_start3A_166 : memref<640xf32, #tpu.memory_space<vmem_shared>>) target(%arg21 : memref<640xf32, #tpu.memory_space<vmem>>) target_semaphore(%run_scoped3A_163 : memref<!tpu.dma_semaphore, #tpu.memory_space<semaphore_mem>>)
      %dma_wait3A = tpu.memref_slice %arg11[%run_scoped3A_95, %mul3A_94] : memref<16x10240xf32, #tpu.memory_space<vmem_shared>> -> memref<1x640xf32, #tpu.memory_space<vmem_shared>>
      %dma_wait3A_167 = tpu.memref_squeeze %dma_wait3A : memref<1x640xf32, #tpu.memory_space<vmem_shared>> -> memref<640xf32, #tpu.memory_space<vmem_shared>>
      %dma_wait3A_168 = tpu.memref_slice %arg11[%run_scoped3A_95, %mul3A_94] : memref<16x10240xf32, #tpu.memory_space<vmem_shared>> -> memref<1x640xf32, #tpu.memory_space<vmem_shared>>
      %dma_wait3A_169 = tpu.memref_squeeze %dma_wait3A_168 : memref<1x640xf32, #tpu.memory_space<vmem_shared>> -> memref<640xf32, #tpu.memory_space<vmem_shared>>
      tpu.wait_dma2 semaphore(%run_scoped3A_163 : memref<!tpu.dma_semaphore, #tpu.memory_space<semaphore_mem>>) src(%dma_wait3A_169 : memref<640xf32, #tpu.memory_space<vmem_shared>>) dst(%arg21 : memref<640xf32, #tpu.memory_space<vmem>>)
      tpu.yield
    }) : () -> ()
    %scan3A_96 = arith.constant 0 : i32
    %scan3A_97 = arith.constant 40 : i32
    %scan3A_98 = arith.addi %scan3A_96, %scan3A_97 : i32
    %scan3A_99 = arith.constant 1 : i32
    scf.for %scan3A_163 = %scan3A_96 to %scan3A_98 step %scan3A_99  : i32 {
      %mul3A_164 = arith.constant 1 : i32
      %mul3A_165 = arith.muli %scan3A_163, %mul3A_164 : i32
      %add3A_166 = arith.constant 0 : i32
      %add3A_167 = arith.addi %add3A_166, %mul3A_165 : i32
      %mul3A_168 = arith.constant 16 : i32
      %mul3A_169 = arith.muli %add3A_167, %mul3A_168 : i32
      %get3A_170 = arith.index_cast %mul3A_169 : i32 to index
      %get3A_171 = tpu.vector_load %arg20[%get3A_170] {strides = array<i32>} : memref<640xf32, #tpu.memory_space<vmem>>, vector<16xf32>,
      %mul3A_172 = arith.constant 16 : i32
      %mul3A_173 = arith.muli %add3A_167, %mul3A_172 : i32
      %get3A_174 = arith.index_cast %mul3A_173 : i32 to index
      %get3A_175 = tpu.vector_load %arg21[%get3A_174] {strides = array<i32>} : memref<640xf32, #tpu.memory_space<vmem>>, vector<16xf32>,
      %max3A = arith.maximumf %get3A_171, %get3A_175 : vector<16xf32>
      %mul3A_176 = arith.constant 16 : i32
      %mul3A_177 = arith.muli %add3A_167, %mul3A_176 : i32
      %swap3A = arith.index_cast %mul3A_177 : i32 to index
      %swap3A_178 = tpu.vector_load %arg20[%swap3A] {strides = array<i32>} : memref<640xf32, #tpu.memory_space<vmem>>, vector<16xf32>,
      tpu.vector_store %arg20[%swap3A], %max3A {strides = array<i32>} : memref<640xf32, #tpu.memory_space<vmem>>, vector<16xf32>,
    }
    %scan3A_100 = arith.constant 40 : i32
    %mul3A_101 = arith.constant 640 : i32
    %mul3A_102 = arith.muli %arg1, %mul3A_101 : i32
    %run_scoped3A_103 = arith.constant 9 : i32
    "tpu.region"() ({
      %run_scoped3A_163 = tpu.sem_alloc : memref<!tpu.dma_semaphore, #tpu.memory_space<semaphore_mem>>
      %dma_start3A = tpu.memref_slice %arg11[%run_scoped3A_103, %mul3A_102] : memref<16x10240xf32, #tpu.memory_space<vmem_shared>> -> memref<1x640xf32, #tpu.memory_space<vmem_shared>>
      %dma_start3A_164 = tpu.memref_squeeze %dma_start3A : memref<1x640xf32, #tpu.memory_space<vmem_shared>> -> memref<640xf32, #tpu.memory_space<vmem_shared>>
      %dma_start3A_165 = tpu.memref_slice %arg11[%run_scoped3A_103, %mul3A_102] : memref<16x10240xf32, #tpu.memory_space<vmem_shared>> -> memref<1x640xf32, #tpu.memory_space<vmem_shared>>
      %dma_start3A_166 = tpu.memref_squeeze %dma_start3A_165 : memref<1x640xf32, #tpu.memory_space<vmem_shared>> -> memref<640xf32, #tpu.memory_space<vmem_shared>>
      tpu.enqueue_dma source(%dma_start3A_166 : memref<640xf32, #tpu.memory_space<vmem_shared>>) target(%arg21 : memref<640xf32, #tpu.memory_space<vmem>>) target_semaphore(%run_scoped3A_163 : memref<!tpu.dma_semaphore, #tpu.memory_space<semaphore_mem>>)
      %dma_wait3A = tpu.memref_slice %arg11[%run_scoped3A_103, %mul3A_102] : memref<16x10240xf32, #tpu.memory_space<vmem_shared>> -> memref<1x640xf32, #tpu.memory_space<vmem_shared>>
      %dma_wait3A_167 = tpu.memref_squeeze %dma_wait3A : memref<1x640xf32, #tpu.memory_space<vmem_shared>> -> memref<640xf32, #tpu.memory_space<vmem_shared>>
      %dma_wait3A_168 = tpu.memref_slice %arg11[%run_scoped3A_103, %mul3A_102] : memref<16x10240xf32, #tpu.memory_space<vmem_shared>> -> memref<1x640xf32, #tpu.memory_space<vmem_shared>>
      %dma_wait3A_169 = tpu.memref_squeeze %dma_wait3A_168 : memref<1x640xf32, #tpu.memory_space<vmem_shared>> -> memref<640xf32, #tpu.memory_space<vmem_shared>>
      tpu.wait_dma2 semaphore(%run_scoped3A_163 : memref<!tpu.dma_semaphore, #tpu.memory_space<semaphore_mem>>) src(%dma_wait3A_169 : memref<640xf32, #tpu.memory_space<vmem_shared>>) dst(%arg21 : memref<640xf32, #tpu.memory_space<vmem>>)
      tpu.yield
    }) : () -> ()
    %scan3A_104 = arith.constant 0 : i32
    %scan3A_105 = arith.constant 40 : i32
    %scan3A_106 = arith.addi %scan3A_104, %scan3A_105 : i32
    %scan3A_107 = arith.constant 1 : i32
    scf.for %scan3A_163 = %scan3A_104 to %scan3A_106 step %scan3A_107  : i32 {
      %mul3A_164 = arith.constant 1 : i32
      %mul3A_165 = arith.muli %scan3A_163, %mul3A_164 : i32
      %add3A_166 = arith.constant 0 : i32
      %add3A_167 = arith.addi %add3A_166, %mul3A_165 : i32
      %mul3A_168 = arith.constant 16 : i32
      %mul3A_169 = arith.muli %add3A_167, %mul3A_168 : i32
      %get3A_170 = arith.index_cast %mul3A_169 : i32 to index
      %get3A_171 = tpu.vector_load %arg20[%get3A_170] {strides = array<i32>} : memref<640xf32, #tpu.memory_space<vmem>>, vector<16xf32>,
      %mul3A_172 = arith.constant 16 : i32
      %mul3A_173 = arith.muli %add3A_167, %mul3A_172 : i32
      %get3A_174 = arith.index_cast %mul3A_173 : i32 to index
      %get3A_175 = tpu.vector_load %arg21[%get3A_174] {strides = array<i32>} : memref<640xf32, #tpu.memory_space<vmem>>, vector<16xf32>,
      %max3A = arith.maximumf %get3A_171, %get3A_175 : vector<16xf32>
      %mul3A_176 = arith.constant 16 : i32
      %mul3A_177 = arith.muli %add3A_167, %mul3A_176 : i32
      %swap3A = arith.index_cast %mul3A_177 : i32 to index
      %swap3A_178 = tpu.vector_load %arg20[%swap3A] {strides = array<i32>} : memref<640xf32, #tpu.memory_space<vmem>>, vector<16xf32>,
      tpu.vector_store %arg20[%swap3A], %max3A {strides = array<i32>} : memref<640xf32, #tpu.memory_space<vmem>>, vector<16xf32>,
    }
    %scan3A_108 = arith.constant 40 : i32
    %mul3A_109 = arith.constant 640 : i32
    %mul3A_110 = arith.muli %arg1, %mul3A_109 : i32
    %run_scoped3A_111 = arith.constant 10 : i32
    "tpu.region"() ({
      %run_scoped3A_163 = tpu.sem_alloc : memref<!tpu.dma_semaphore, #tpu.memory_space<semaphore_mem>>
      %dma_start3A = tpu.memref_slice %arg11[%run_scoped3A_111, %mul3A_110] : memref<16x10240xf32, #tpu.memory_space<vmem_shared>> -> memref<1x640xf32, #tpu.memory_space<vmem_shared>>
      %dma_start3A_164 = tpu.memref_squeeze %dma_start3A : memref<1x640xf32, #tpu.memory_space<vmem_shared>> -> memref<640xf32, #tpu.memory_space<vmem_shared>>
      %dma_start3A_165 = tpu.memref_slice %arg11[%run_scoped3A_111, %mul3A_110] : memref<16x10240xf32, #tpu.memory_space<vmem_shared>> -> memref<1x640xf32, #tpu.memory_space<vmem_shared>>
      %dma_start3A_166 = tpu.memref_squeeze %dma_start3A_165 : memref<1x640xf32, #tpu.memory_space<vmem_shared>> -> memref<640xf32, #tpu.memory_space<vmem_shared>>
      tpu.enqueue_dma source(%dma_start3A_166 : memref<640xf32, #tpu.memory_space<vmem_shared>>) target(%arg21 : memref<640xf32, #tpu.memory_space<vmem>>) target_semaphore(%run_scoped3A_163 : memref<!tpu.dma_semaphore, #tpu.memory_space<semaphore_mem>>)
      %dma_wait3A = tpu.memref_slice %arg11[%run_scoped3A_111, %mul3A_110] : memref<16x10240xf32, #tpu.memory_space<vmem_shared>> -> memref<1x640xf32, #tpu.memory_space<vmem_shared>>
      %dma_wait3A_167 = tpu.memref_squeeze %dma_wait3A : memref<1x640xf32, #tpu.memory_space<vmem_shared>> -> memref<640xf32, #tpu.memory_space<vmem_shared>>
      %dma_wait3A_168 = tpu.memref_slice %arg11[%run_scoped3A_111, %mul3A_110] : memref<16x10240xf32, #tpu.memory_space<vmem_shared>> -> memref<1x640xf32, #tpu.memory_space<vmem_shared>>
      %dma_wait3A_169 = tpu.memref_squeeze %dma_wait3A_168 : memref<1x640xf32, #tpu.memory_space<vmem_shared>> -> memref<640xf32, #tpu.memory_space<vmem_shared>>
      tpu.wait_dma2 semaphore(%run_scoped3A_163 : memref<!tpu.dma_semaphore, #tpu.memory_space<semaphore_mem>>) src(%dma_wait3A_169 : memref<640xf32, #tpu.memory_space<vmem_shared>>) dst(%arg21 : memref<640xf32, #tpu.memory_space<vmem>>)
      tpu.yield
    }) : () -> ()
    %scan3A_112 = arith.constant 0 : i32
    %scan3A_113 = arith.constant 40 : i32
    %scan3A_114 = arith.addi %scan3A_112, %scan3A_113 : i32
    %scan3A_115 = arith.constant 1 : i32
    scf.for %scan3A_163 = %scan3A_112 to %scan3A_114 step %scan3A_115  : i32 {
      %mul3A_164 = arith.constant 1 : i32
      %mul3A_165 = arith.muli %scan3A_163, %mul3A_164 : i32
      %add3A_166 = arith.constant 0 : i32
      %add3A_167 = arith.addi %add3A_166, %mul3A_165 : i32
      %mul3A_168 = arith.constant 16 : i32
      %mul3A_169 = arith.muli %add3A_167, %mul3A_168 : i32
      %get3A_170 = arith.index_cast %mul3A_169 : i32 to index
      %get3A_171 = tpu.vector_load %arg20[%get3A_170] {strides = array<i32>} : memref<640xf32, #tpu.memory_space<vmem>>, vector<16xf32>,
      %mul3A_172 = arith.constant 16 : i32
      %mul3A_173 = arith.muli %add3A_167, %mul3A_172 : i32
      %get3A_174 = arith.index_cast %mul3A_173 : i32 to index
      %get3A_175 = tpu.vector_load %arg21[%get3A_174] {strides = array<i32>} : memref<640xf32, #tpu.memory_space<vmem>>, vector<16xf32>,
      %max3A = arith.maximumf %get3A_171, %get3A_175 : vector<16xf32>
      %mul3A_176 = arith.constant 16 : i32
      %mul3A_177 = arith.muli %add3A_167, %mul3A_176 : i32
      %swap3A = arith.index_cast %mul3A_177 : i32 to index
      %swap3A_178 = tpu.vector_load %arg20[%swap3A] {strides = array<i32>} : memref<640xf32, #tpu.memory_space<vmem>>, vector<16xf32>,
      tpu.vector_store %arg20[%swap3A], %max3A {strides = array<i32>} : memref<640xf32, #tpu.memory_space<vmem>>, vector<16xf32>,
    }
    %scan3A_116 = arith.constant 40 : i32
    %mul3A_117 = arith.constant 640 : i32
    %mul3A_118 = arith.muli %arg1, %mul3A_117 : i32
    %run_scoped3A_119 = arith.constant 11 : i32
    "tpu.region"() ({
      %run_scoped3A_163 = tpu.sem_alloc : memref<!tpu.dma_semaphore, #tpu.memory_space<semaphore_mem>>
      %dma_start3A = tpu.memref_slice %arg11[%run_scoped3A_119, %mul3A_118] : memref<16x10240xf32, #tpu.memory_space<vmem_shared>> -> memref<1x640xf32, #tpu.memory_space<vmem_shared>>
      %dma_start3A_164 = tpu.memref_squeeze %dma_start3A : memref<1x640xf32, #tpu.memory_space<vmem_shared>> -> memref<640xf32, #tpu.memory_space<vmem_shared>>
      %dma_start3A_165 = tpu.memref_slice %arg11[%run_scoped3A_119, %mul3A_118] : memref<16x10240xf32, #tpu.memory_space<vmem_shared>> -> memref<1x640xf32, #tpu.memory_space<vmem_shared>>
      %dma_start3A_166 = tpu.memref_squeeze %dma_start3A_165 : memref<1x640xf32, #tpu.memory_space<vmem_shared>> -> memref<640xf32, #tpu.memory_space<vmem_shared>>
      tpu.enqueue_dma source(%dma_start3A_166 : memref<640xf32, #tpu.memory_space<vmem_shared>>) target(%arg21 : memref<640xf32, #tpu.memory_space<vmem>>) target_semaphore(%run_scoped3A_163 : memref<!tpu.dma_semaphore, #tpu.memory_space<semaphore_mem>>)
      %dma_wait3A = tpu.memref_slice %arg11[%run_scoped3A_119, %mul3A_118] : memref<16x10240xf32, #tpu.memory_space<vmem_shared>> -> memref<1x640xf32, #tpu.memory_space<vmem_shared>>
      %dma_wait3A_167 = tpu.memref_squeeze %dma_wait3A : memref<1x640xf32, #tpu.memory_space<vmem_shared>> -> memref<640xf32, #tpu.memory_space<vmem_shared>>
      %dma_wait3A_168 = tpu.memref_slice %arg11[%run_scoped3A_119, %mul3A_118] : memref<16x10240xf32, #tpu.memory_space<vmem_shared>> -> memref<1x640xf32, #tpu.memory_space<vmem_shared>>
      %dma_wait3A_169 = tpu.memref_squeeze %dma_wait3A_168 : memref<1x640xf32, #tpu.memory_space<vmem_shared>> -> memref<640xf32, #tpu.memory_space<vmem_shared>>
      tpu.wait_dma2 semaphore(%run_scoped3A_163 : memref<!tpu.dma_semaphore, #tpu.memory_space<semaphore_mem>>) src(%dma_wait3A_169 : memref<640xf32, #tpu.memory_space<vmem_shared>>) dst(%arg21 : memref<640xf32, #tpu.memory_space<vmem>>)
      tpu.yield
    }) : () -> ()
    %scan3A_120 = arith.constant 0 : i32
    %scan3A_121 = arith.constant 40 : i32
    %scan3A_122 = arith.addi %scan3A_120, %scan3A_121 : i32
    %scan3A_123 = arith.constant 1 : i32
    scf.for %scan3A_163 = %scan3A_120 to %scan3A_122 step %scan3A_123  : i32 {
      %mul3A_164 = arith.constant 1 : i32
      %mul3A_165 = arith.muli %scan3A_163, %mul3A_164 : i32
      %add3A_166 = arith.constant 0 : i32
      %add3A_167 = arith.addi %add3A_166, %mul3A_165 : i32
      %mul3A_168 = arith.constant 16 : i32
      %mul3A_169 = arith.muli %add3A_167, %mul3A_168 : i32
      %get3A_170 = arith.index_cast %mul3A_169 : i32 to index
      %get3A_171 = tpu.vector_load %arg20[%get3A_170] {strides = array<i32>} : memref<640xf32, #tpu.memory_space<vmem>>, vector<16xf32>,
      %mul3A_172 = arith.constant 16 : i32
      %mul3A_173 = arith.muli %add3A_167, %mul3A_172 : i32
      %get3A_174 = arith.index_cast %mul3A_173 : i32 to index
      %get3A_175 = tpu.vector_load %arg21[%get3A_174] {strides = array<i32>} : memref<640xf32, #tpu.memory_space<vmem>>, vector<16xf32>,
      %max3A = arith.maximumf %get3A_171, %get3A_175 : vector<16xf32>
      %mul3A_176 = arith.constant 16 : i32
      %mul3A_177 = arith.muli %add3A_167, %mul3A_176 : i32
      %swap3A = arith.index_cast %mul3A_177 : i32 to index
      %swap3A_178 = tpu.vector_load %arg20[%swap3A] {strides = array<i32>} : memref<640xf32, #tpu.memory_space<vmem>>, vector<16xf32>,
      tpu.vector_store %arg20[%swap3A], %max3A {strides = array<i32>} : memref<640xf32, #tpu.memory_space<vmem>>, vector<16xf32>,
    }
    %scan3A_124 = arith.constant 40 : i32
    %mul3A_125 = arith.constant 640 : i32
    %mul3A_126 = arith.muli %arg1, %mul3A_125 : i32
    %run_scoped3A_127 = arith.constant 12 : i32
    "tpu.region"() ({
      %run_scoped3A_163 = tpu.sem_alloc : memref<!tpu.dma_semaphore, #tpu.memory_space<semaphore_mem>>
      %dma_start3A = tpu.memref_slice %arg11[%run_scoped3A_127, %mul3A_126] : memref<16x10240xf32, #tpu.memory_space<vmem_shared>> -> memref<1x640xf32, #tpu.memory_space<vmem_shared>>
      %dma_start3A_164 = tpu.memref_squeeze %dma_start3A : memref<1x640xf32, #tpu.memory_space<vmem_shared>> -> memref<640xf32, #tpu.memory_space<vmem_shared>>
      %dma_start3A_165 = tpu.memref_slice %arg11[%run_scoped3A_127, %mul3A_126] : memref<16x10240xf32, #tpu.memory_space<vmem_shared>> -> memref<1x640xf32, #tpu.memory_space<vmem_shared>>
      %dma_start3A_166 = tpu.memref_squeeze %dma_start3A_165 : memref<1x640xf32, #tpu.memory_space<vmem_shared>> -> memref<640xf32, #tpu.memory_space<vmem_shared>>
      tpu.enqueue_dma source(%dma_start3A_166 : memref<640xf32, #tpu.memory_space<vmem_shared>>) target(%arg21 : memref<640xf32, #tpu.memory_space<vmem>>) target_semaphore(%run_scoped3A_163 : memref<!tpu.dma_semaphore, #tpu.memory_space<semaphore_mem>>)
      %dma_wait3A = tpu.memref_slice %arg11[%run_scoped3A_127, %mul3A_126] : memref<16x10240xf32, #tpu.memory_space<vmem_shared>> -> memref<1x640xf32, #tpu.memory_space<vmem_shared>>
      %dma_wait3A_167 = tpu.memref_squeeze %dma_wait3A : memref<1x640xf32, #tpu.memory_space<vmem_shared>> -> memref<640xf32, #tpu.memory_space<vmem_shared>>
      %dma_wait3A_168 = tpu.memref_slice %arg11[%run_scoped3A_127, %mul3A_126] : memref<16x10240xf32, #tpu.memory_space<vmem_shared>> -> memref<1x640xf32, #tpu.memory_space<vmem_shared>>
      %dma_wait3A_169 = tpu.memref_squeeze %dma_wait3A_168 : memref<1x640xf32, #tpu.memory_space<vmem_shared>> -> memref<640xf32, #tpu.memory_space<vmem_shared>>
      tpu.wait_dma2 semaphore(%run_scoped3A_163 : memref<!tpu.dma_semaphore, #tpu.memory_space<semaphore_mem>>) src(%dma_wait3A_169 : memref<640xf32, #tpu.memory_space<vmem_shared>>) dst(%arg21 : memref<640xf32, #tpu.memory_space<vmem>>)
      tpu.yield
    }) : () -> ()
    %scan3A_128 = arith.constant 0 : i32
    %scan3A_129 = arith.constant 40 : i32
    %scan3A_130 = arith.addi %scan3A_128, %scan3A_129 : i32
    %scan3A_131 = arith.constant 1 : i32
    scf.for %scan3A_163 = %scan3A_128 to %scan3A_130 step %scan3A_131  : i32 {
      %mul3A_164 = arith.constant 1 : i32
      %mul3A_165 = arith.muli %scan3A_163, %mul3A_164 : i32
      %add3A_166 = arith.constant 0 : i32
      %add3A_167 = arith.addi %add3A_166, %mul3A_165 : i32
      %mul3A_168 = arith.constant 16 : i32
      %mul3A_169 = arith.muli %add3A_167, %mul3A_168 : i32
      %get3A_170 = arith.index_cast %mul3A_169 : i32 to index
      %get3A_171 = tpu.vector_load %arg20[%get3A_170] {strides = array<i32>} : memref<640xf32, #tpu.memory_space<vmem>>, vector<16xf32>,
      %mul3A_172 = arith.constant 16 : i32
      %mul3A_173 = arith.muli %add3A_167, %mul3A_172 : i32
      %get3A_174 = arith.index_cast %mul3A_173 : i32 to index
      %get3A_175 = tpu.vector_load %arg21[%get3A_174] {strides = array<i32>} : memref<640xf32, #tpu.memory_space<vmem>>, vector<16xf32>,
      %max3A = arith.maximumf %get3A_171, %get3A_175 : vector<16xf32>
      %mul3A_176 = arith.constant 16 : i32
      %mul3A_177 = arith.muli %add3A_167, %mul3A_176 : i32
      %swap3A = arith.index_cast %mul3A_177 : i32 to index
      %swap3A_178 = tpu.vector_load %arg20[%swap3A] {strides = array<i32>} : memref<640xf32, #tpu.memory_space<vmem>>, vector<16xf32>,
      tpu.vector_store %arg20[%swap3A], %max3A {strides = array<i32>} : memref<640xf32, #tpu.memory_space<vmem>>, vector<16xf32>,
    }
    %scan3A_132 = arith.constant 40 : i32
    %mul3A_133 = arith.constant 640 : i32
    %mul3A_134 = arith.muli %arg1, %mul3A_133 : i32
    %run_scoped3A_135 = arith.constant 13 : i32
    "tpu.region"() ({
      %run_scoped3A_163 = tpu.sem_alloc : memref<!tpu.dma_semaphore, #tpu.memory_space<semaphore_mem>>
      %dma_start3A = tpu.memref_slice %arg11[%run_scoped3A_135, %mul3A_134] : memref<16x10240xf32, #tpu.memory_space<vmem_shared>> -> memref<1x640xf32, #tpu.memory_space<vmem_shared>>
      %dma_start3A_164 = tpu.memref_squeeze %dma_start3A : memref<1x640xf32, #tpu.memory_space<vmem_shared>> -> memref<640xf32, #tpu.memory_space<vmem_shared>>
      %dma_start3A_165 = tpu.memref_slice %arg11[%run_scoped3A_135, %mul3A_134] : memref<16x10240xf32, #tpu.memory_space<vmem_shared>> -> memref<1x640xf32, #tpu.memory_space<vmem_shared>>
      %dma_start3A_166 = tpu.memref_squeeze %dma_start3A_165 : memref<1x640xf32, #tpu.memory_space<vmem_shared>> -> memref<640xf32, #tpu.memory_space<vmem_shared>>
      tpu.enqueue_dma source(%dma_start3A_166 : memref<640xf32, #tpu.memory_space<vmem_shared>>) target(%arg21 : memref<640xf32, #tpu.memory_space<vmem>>) target_semaphore(%run_scoped3A_163 : memref<!tpu.dma_semaphore, #tpu.memory_space<semaphore_mem>>)
      %dma_wait3A = tpu.memref_slice %arg11[%run_scoped3A_135, %mul3A_134] : memref<16x10240xf32, #tpu.memory_space<vmem_shared>> -> memref<1x640xf32, #tpu.memory_space<vmem_shared>>
      %dma_wait3A_167 = tpu.memref_squeeze %dma_wait3A : memref<1x640xf32, #tpu.memory_space<vmem_shared>> -> memref<640xf32, #tpu.memory_space<vmem_shared>>
      %dma_wait3A_168 = tpu.memref_slice %arg11[%run_scoped3A_135, %mul3A_134] : memref<16x10240xf32, #tpu.memory_space<vmem_shared>> -> memref<1x640xf32, #tpu.memory_space<vmem_shared>>
      %dma_wait3A_169 = tpu.memref_squeeze %dma_wait3A_168 : memref<1x640xf32, #tpu.memory_space<vmem_shared>> -> memref<640xf32, #tpu.memory_space<vmem_shared>>
      tpu.wait_dma2 semaphore(%run_scoped3A_163 : memref<!tpu.dma_semaphore, #tpu.memory_space<semaphore_mem>>) src(%dma_wait3A_169 : memref<640xf32, #tpu.memory_space<vmem_shared>>) dst(%arg21 : memref<640xf32, #tpu.memory_space<vmem>>)
      tpu.yield
    }) : () -> ()
    %scan3A_136 = arith.constant 0 : i32
    %scan3A_137 = arith.constant 40 : i32
    %scan3A_138 = arith.addi %scan3A_136, %scan3A_137 : i32
    %scan3A_139 = arith.constant 1 : i32
    scf.for %scan3A_163 = %scan3A_136 to %scan3A_138 step %scan3A_139  : i32 {
      %mul3A_164 = arith.constant 1 : i32
      %mul3A_165 = arith.muli %scan3A_163, %mul3A_164 : i32
      %add3A_166 = arith.constant 0 : i32
      %add3A_167 = arith.addi %add3A_166, %mul3A_165 : i32
      %mul3A_168 = arith.constant 16 : i32
      %mul3A_169 = arith.muli %add3A_167, %mul3A_168 : i32
      %get3A_170 = arith.index_cast %mul3A_169 : i32 to index
      %get3A_171 = tpu.vector_load %arg20[%get3A_170] {strides = array<i32>} : memref<640xf32, #tpu.memory_space<vmem>>, vector<16xf32>,
      %mul3A_172 = arith.constant 16 : i32
      %mul3A_173 = arith.muli %add3A_167, %mul3A_172 : i32
      %get3A_174 = arith.index_cast %mul3A_173 : i32 to index
      %get3A_175 = tpu.vector_load %arg21[%get3A_174] {strides = array<i32>} : memref<640xf32, #tpu.memory_space<vmem>>, vector<16xf32>,
      %max3A = arith.maximumf %get3A_171, %get3A_175 : vector<16xf32>
      %mul3A_176 = arith.constant 16 : i32
      %mul3A_177 = arith.muli %add3A_167, %mul3A_176 : i32
      %swap3A = arith.index_cast %mul3A_177 : i32 to index
      %swap3A_178 = tpu.vector_load %arg20[%swap3A] {strides = array<i32>} : memref<640xf32, #tpu.memory_space<vmem>>, vector<16xf32>,
      tpu.vector_store %arg20[%swap3A], %max3A {strides = array<i32>} : memref<640xf32, #tpu.memory_space<vmem>>, vector<16xf32>,
    }
    %scan3A_140 = arith.constant 40 : i32
    %mul3A_141 = arith.constant 640 : i32
    %mul3A_142 = arith.muli %arg1, %mul3A_141 : i32
    %run_scoped3A_143 = arith.constant 14 : i32
    "tpu.region"() ({
      %run_scoped3A_163 = tpu.sem_alloc : memref<!tpu.dma_semaphore, #tpu.memory_space<semaphore_mem>>
      %dma_start3A = tpu.memref_slice %arg11[%run_scoped3A_143, %mul3A_142] : memref<16x10240xf32, #tpu.memory_space<vmem_shared>> -> memref<1x640xf32, #tpu.memory_space<vmem_shared>>
      %dma_start3A_164 = tpu.memref_squeeze %dma_start3A : memref<1x640xf32, #tpu.memory_space<vmem_shared>> -> memref<640xf32, #tpu.memory_space<vmem_shared>>
      %dma_start3A_165 = tpu.memref_slice %arg11[%run_scoped3A_143, %mul3A_142] : memref<16x10240xf32, #tpu.memory_space<vmem_shared>> -> memref<1x640xf32, #tpu.memory_space<vmem_shared>>
      %dma_start3A_166 = tpu.memref_squeeze %dma_start3A_165 : memref<1x640xf32, #tpu.memory_space<vmem_shared>> -> memref<640xf32, #tpu.memory_space<vmem_shared>>
      tpu.enqueue_dma source(%dma_start3A_166 : memref<640xf32, #tpu.memory_space<vmem_shared>>) target(%arg21 : memref<640xf32, #tpu.memory_space<vmem>>) target_semaphore(%run_scoped3A_163 : memref<!tpu.dma_semaphore, #tpu.memory_space<semaphore_mem>>)
      %dma_wait3A = tpu.memref_slice %arg11[%run_scoped3A_143, %mul3A_142] : memref<16x10240xf32, #tpu.memory_space<vmem_shared>> -> memref<1x640xf32, #tpu.memory_space<vmem_shared>>
      %dma_wait3A_167 = tpu.memref_squeeze %dma_wait3A : memref<1x640xf32, #tpu.memory_space<vmem_shared>> -> memref<640xf32, #tpu.memory_space<vmem_shared>>
      %dma_wait3A_168 = tpu.memref_slice %arg11[%run_scoped3A_143, %mul3A_142] : memref<16x10240xf32, #tpu.memory_space<vmem_shared>> -> memref<1x640xf32, #tpu.memory_space<vmem_shared>>
      %dma_wait3A_169 = tpu.memref_squeeze %dma_wait3A_168 : memref<1x640xf32, #tpu.memory_space<vmem_shared>> -> memref<640xf32, #tpu.memory_space<vmem_shared>>
      tpu.wait_dma2 semaphore(%run_scoped3A_163 : memref<!tpu.dma_semaphore, #tpu.memory_space<semaphore_mem>>) src(%dma_wait3A_169 : memref<640xf32, #tpu.memory_space<vmem_shared>>) dst(%arg21 : memref<640xf32, #tpu.memory_space<vmem>>)
      tpu.yield
    }) : () -> ()
    %scan3A_144 = arith.constant 0 : i32
    %scan3A_145 = arith.constant 40 : i32
    %scan3A_146 = arith.addi %scan3A_144, %scan3A_145 : i32
    %scan3A_147 = arith.constant 1 : i32
    scf.for %scan3A_163 = %scan3A_144 to %scan3A_146 step %scan3A_147  : i32 {
      %mul3A_164 = arith.constant 1 : i32
      %mul3A_165 = arith.muli %scan3A_163, %mul3A_164 : i32
      %add3A_166 = arith.constant 0 : i32
      %add3A_167 = arith.addi %add3A_166, %mul3A_165 : i32
      %mul3A_168 = arith.constant 16 : i32
      %mul3A_169 = arith.muli %add3A_167, %mul3A_168 : i32
      %get3A_170 = arith.index_cast %mul3A_169 : i32 to index
      %get3A_171 = tpu.vector_load %arg20[%get3A_170] {strides = array<i32>} : memref<640xf32, #tpu.memory_space<vmem>>, vector<16xf32>,
      %mul3A_172 = arith.constant 16 : i32
      %mul3A_173 = arith.muli %add3A_167, %mul3A_172 : i32
      %get3A_174 = arith.index_cast %mul3A_173 : i32 to index
      %get3A_175 = tpu.vector_load %arg21[%get3A_174] {strides = array<i32>} : memref<640xf32, #tpu.memory_space<vmem>>, vector<16xf32>,
      %max3A = arith.maximumf %get3A_171, %get3A_175 : vector<16xf32>
      %mul3A_176 = arith.constant 16 : i32
      %mul3A_177 = arith.muli %add3A_167, %mul3A_176 : i32
      %swap3A = arith.index_cast %mul3A_177 : i32 to index
      %swap3A_178 = tpu.vector_load %arg20[%swap3A] {strides = array<i32>} : memref<640xf32, #tpu.memory_space<vmem>>, vector<16xf32>,
      tpu.vector_store %arg20[%swap3A], %max3A {strides = array<i32>} : memref<640xf32, #tpu.memory_space<vmem>>, vector<16xf32>,
    }
    %scan3A_148 = arith.constant 40 : i32
    %mul3A_149 = arith.constant 640 : i32
    %mul3A_150 = arith.muli %arg1, %mul3A_149 : i32
    %run_scoped3A_151 = arith.constant 15 : i32
    "tpu.region"() ({
      %run_scoped3A_163 = tpu.sem_alloc : memref<!tpu.dma_semaphore, #tpu.memory_space<semaphore_mem>>
      %dma_start3A = tpu.memref_slice %arg11[%run_scoped3A_151, %mul3A_150] : memref<16x10240xf32, #tpu.memory_space<vmem_shared>> -> memref<1x640xf32, #tpu.memory_space<vmem_shared>>
      %dma_start3A_164 = tpu.memref_squeeze %dma_start3A : memref<1x640xf32, #tpu.memory_space<vmem_shared>> -> memref<640xf32, #tpu.memory_space<vmem_shared>>
      %dma_start3A_165 = tpu.memref_slice %arg11[%run_scoped3A_151, %mul3A_150] : memref<16x10240xf32, #tpu.memory_space<vmem_shared>> -> memref<1x640xf32, #tpu.memory_space<vmem_shared>>
      %dma_start3A_166 = tpu.memref_squeeze %dma_start3A_165 : memref<1x640xf32, #tpu.memory_space<vmem_shared>> -> memref<640xf32, #tpu.memory_space<vmem_shared>>
      tpu.enqueue_dma source(%dma_start3A_166 : memref<640xf32, #tpu.memory_space<vmem_shared>>) target(%arg21 : memref<640xf32, #tpu.memory_space<vmem>>) target_semaphore(%run_scoped3A_163 : memref<!tpu.dma_semaphore, #tpu.memory_space<semaphore_mem>>)
      %dma_wait3A = tpu.memref_slice %arg11[%run_scoped3A_151, %mul3A_150] : memref<16x10240xf32, #tpu.memory_space<vmem_shared>> -> memref<1x640xf32, #tpu.memory_space<vmem_shared>>
      %dma_wait3A_167 = tpu.memref_squeeze %dma_wait3A : memref<1x640xf32, #tpu.memory_space<vmem_shared>> -> memref<640xf32, #tpu.memory_space<vmem_shared>>
      %dma_wait3A_168 = tpu.memref_slice %arg11[%run_scoped3A_151, %mul3A_150] : memref<16x10240xf32, #tpu.memory_space<vmem_shared>> -> memref<1x640xf32, #tpu.memory_space<vmem_shared>>
      %dma_wait3A_169 = tpu.memref_squeeze %dma_wait3A_168 : memref<1x640xf32, #tpu.memory_space<vmem_shared>> -> memref<640xf32, #tpu.memory_space<vmem_shared>>
      tpu.wait_dma2 semaphore(%run_scoped3A_163 : memref<!tpu.dma_semaphore, #tpu.memory_space<semaphore_mem>>) src(%dma_wait3A_169 : memref<640xf32, #tpu.memory_space<vmem_shared>>) dst(%arg21 : memref<640xf32, #tpu.memory_space<vmem>>)
      tpu.yield
    }) : () -> ()
    %scan3A_152 = arith.constant 0 : i32
    %scan3A_153 = arith.constant 40 : i32
    %scan3A_154 = arith.addi %scan3A_152, %scan3A_153 : i32
    %scan3A_155 = arith.constant 1 : i32
    scf.for %scan3A_163 = %scan3A_152 to %scan3A_154 step %scan3A_155  : i32 {
      %mul3A_164 = arith.constant 1 : i32
      %mul3A_165 = arith.muli %scan3A_163, %mul3A_164 : i32
      %add3A_166 = arith.constant 0 : i32
      %add3A_167 = arith.addi %add3A_166, %mul3A_165 : i32
      %mul3A_168 = arith.constant 16 : i32
      %mul3A_169 = arith.muli %add3A_167, %mul3A_168 : i32
      %get3A_170 = arith.index_cast %mul3A_169 : i32 to index
      %get3A_171 = tpu.vector_load %arg20[%get3A_170] {strides = array<i32>} : memref<640xf32, #tpu.memory_space<vmem>>, vector<16xf32>,
      %mul3A_172 = arith.constant 16 : i32
      %mul3A_173 = arith.muli %add3A_167, %mul3A_172 : i32
      %get3A_174 = arith.index_cast %mul3A_173 : i32 to index
      %get3A_175 = tpu.vector_load %arg21[%get3A_174] {strides = array<i32>} : memref<640xf32, #tpu.memory_space<vmem>>, vector<16xf32>,
      %max3A = arith.maximumf %get3A_171, %get3A_175 : vector<16xf32>
      %mul3A_176 = arith.constant 16 : i32
      %mul3A_177 = arith.muli %add3A_167, %mul3A_176 : i32
      %swap3A = arith.index_cast %mul3A_177 : i32 to index
      %swap3A_178 = tpu.vector_load %arg20[%swap3A] {strides = array<i32>} : memref<640xf32, #tpu.memory_space<vmem>>, vector<16xf32>,
      tpu.vector_store %arg20[%swap3A], %max3A {strides = array<i32>} : memref<640xf32, #tpu.memory_space<vmem>>, vector<16xf32>,
    }
    %scan3A_156 = arith.constant 40 : i32
    %mul3A_157 = arith.constant 640 : i32
    %mul3A_158 = arith.muli %arg1, %mul3A_157 : i32
    "tpu.region"() ({
      %run_scoped3A_163 = tpu.sem_alloc : memref<!tpu.dma_semaphore, #tpu.memory_space<semaphore_mem>>
      %dma_start3A = tpu.memref_slice %arg9[%arg0, %mul3A_158] : memref<2x10240xf32, #tpu.memory_space<hbm>> -> memref<1x640xf32, #tpu.memory_space<hbm>>
      %dma_start3A_164 = tpu.memref_squeeze %dma_start3A : memref<1x640xf32, #tpu.memory_space<hbm>> -> memref<640xf32, #tpu.memory_space<hbm>>
      %dma_start3A_165 = tpu.memref_slice %arg9[%arg0, %mul3A_158] : memref<2x10240xf32, #tpu.memory_space<hbm>> -> memref<1x640xf32, #tpu.memory_space<hbm>>
      %dma_start3A_166 = tpu.memref_squeeze %dma_start3A_165 : memref<1x640xf32, #tpu.memory_space<hbm>> -> memref<640xf32, #tpu.memory_space<hbm>>
      tpu.enqueue_dma source(%arg20 : memref<640xf32, #tpu.memory_space<vmem>>) target(%dma_start3A_166 : memref<640xf32, #tpu.memory_space<hbm>>) target_semaphore(%run_scoped3A_163 : memref<!tpu.dma_semaphore, #tpu.memory_space<semaphore_mem>>)
      %dma_wait3A = tpu.memref_slice %arg9[%arg0, %mul3A_158] : memref<2x10240xf32, #tpu.memory_space<hbm>> -> memref<1x640xf32, #tpu.memory_space<hbm>>
      %dma_wait3A_167 = tpu.memref_squeeze %dma_wait3A : memref<1x640xf32, #tpu.memory_space<hbm>> -> memref<640xf32, #tpu.memory_space<hbm>>
      %dma_wait3A_168 = tpu.memref_slice %arg9[%arg0, %mul3A_158] : memref<2x10240xf32, #tpu.memory_space<hbm>> -> memref<1x640xf32, #tpu.memory_space<hbm>>
      %dma_wait3A_169 = tpu.memref_squeeze %dma_wait3A_168 : memref<1x640xf32, #tpu.memory_space<hbm>> -> memref<640xf32, #tpu.memory_space<hbm>>
      tpu.wait_dma2 semaphore(%run_scoped3A_163 : memref<!tpu.dma_semaphore, #tpu.memory_space<semaphore_mem>>) src(%arg20 : memref<640xf32, #tpu.memory_space<vmem>>) dst(%dma_wait3A_169 : memref<640xf32, #tpu.memory_space<hbm>>)
      tpu.yield
    }) : () -> ()
    %mul3A_159 = arith.constant 640 : i32
    %mul3A_160 = arith.muli %arg1, %mul3A_159 : i32
    %mul3A_161 = arith.constant 640 : i32
    %mul3A_162 = arith.muli %arg1, %mul3A_161 : i32
    "tpu.region"() ({
      %run_scoped3A_163 = tpu.sem_alloc : memref<!tpu.dma_semaphore, #tpu.memory_space<semaphore_mem>>
      %dma_start3A = arith.constant 0 : i32
      %dma_start3A_164 = tpu.memref_slice %arg10[%arg0, %mul3A_162, %dma_start3A] : memref<2x10240x16xf32, #tpu.memory_space<hbm>> -> memref<1x640x16xf32, #tpu.memory_space<hbm>>
      %dma_start3A_165 = tpu.memref_squeeze %dma_start3A_164 : memref<1x640x16xf32, #tpu.memory_space<hbm>> -> memref<640x16xf32, #tpu.memory_space<hbm>>
      %dma_start3A_166 = arith.constant 0 : i32
      %dma_start3A_167 = tpu.memref_slice %arg12[%mul3A_160, %dma_start3A_166] : memref<10240x16xf32, #tpu.memory_space<vmem_shared>> -> memref<640x16xf32, #tpu.memory_space<vmem_shared>>
      tpu.enqueue_dma source(%dma_start3A_167 : memref<640x16xf32, #tpu.memory_space<vmem_shared>>) target(%dma_start3A_165 : memref<640x16xf32, #tpu.memory_space<hbm>>) target_semaphore(%run_scoped3A_163 : memref<!tpu.dma_semaphore, #tpu.memory_space<semaphore_mem>>)
      %dma_wait3A = arith.constant 0 : i32
      %dma_wait3A_168 = tpu.memref_slice %arg10[%arg0, %mul3A_162, %dma_wait3A] : memref<2x10240x16xf32, #tpu.memory_space<hbm>> -> memref<1x640x16xf32, #tpu.memory_space<hbm>>
      %dma_wait3A_169 = tpu.memref_squeeze %dma_wait3A_168 : memref<1x640x16xf32, #tpu.memory_space<hbm>> -> memref<640x16xf32, #tpu.memory_space<hbm>>
      %dma_wait3A_170 = arith.constant 0 : i32
      %dma_wait3A_171 = tpu.memref_slice %arg12[%mul3A_160, %dma_wait3A_170] : memref<10240x16xf32, #tpu.memory_space<vmem_shared>> -> memref<640x16xf32, #tpu.memory_space<vmem_shared>>
      tpu.wait_dma2 semaphore(%run_scoped3A_163 : memref<!tpu.dma_semaphore, #tpu.memory_space<semaphore_mem>>) src(%dma_wait3A_171 : memref<640x16xf32, #tpu.memory_space<vmem_shared>>) dst(%dma_wait3A_169 : memref<640x16xf32, #tpu.memory_space<hbm>>)
      tpu.yield
    }) : () -> ()
    return
  }
}

#map = affine_map<(d0, d1) -> (0)>
#map1 = affine_map<(d0, d1) -> (0, 0)>
module attributes {stable_mosaic.version = 14 : i64} {
  func.func @_sc_leader_body(%arg0: i32, %arg1: i32, %arg2: memref<10240xf32, #tpu.memory_space<hbm>>, %arg3: memref<2x10240xf32, #tpu.memory_space<hbm>>, %arg4: memref<32x10000xi32, #tpu.memory_space<hbm>>, %arg5: memref<32x10000xi32, #tpu.memory_space<hbm>>, %arg6: memref<10240xi32, #tpu.memory_space<hbm>>, %arg7: memref<2x10240xi32, #tpu.memory_space<hbm>>, %arg8: memref<16x10240xi32, #tpu.memory_space<vmem_shared>>, %arg9: memref<10000xi32, #tpu.memory_space<vmem>>, %arg10: memref<10000xi32, #tpu.memory_space<vmem>>, %arg11: memref<10240xf32, #tpu.memory_space<vmem>>, %arg12: memref<10240xf32, #tpu.memory_space<vmem>>, %arg13: memref<10240xf32, #tpu.memory_space<vmem>>, %arg14: memref<10240xf32, #tpu.memory_space<vmem>>, %arg15: memref<10240xi32, #tpu.memory_space<vmem>>, %arg16: memref<10240xi32, #tpu.memory_space<vmem>>, %arg17: memref<640xi32, #tpu.memory_space<vmem>>, %arg18: memref<640xi32, #tpu.memory_space<vmem>>) attributes {dimension_semantics = [#tpu.dimension_semantics<core_parallel>, #tpu.dimension_semantics<subcore_parallel>], iteration_bounds = array<i64: 2, 16>, scalar_prefetch = 0 : i64, scratch_operands = 11 : i64, tpu.core_type = #tpu.core_type<sc_vector_subcore>, window_params = [{transform_indices = #map}, {transform_indices = #map1}, {transform_indices = #map1}, {transform_indices = #map1}, {transform_indices = #map}, {transform_indices = #map1}]} {
    %mul3A = arith.constant 2 : i32
    %mul3A_0 = arith.muli %arg1, %mul3A : i32
    %add3A = arith.addi %mul3A_0, %arg0 : i32
    "tpu.region"() ({
      %run_scoped3A_158 = tpu.sem_alloc : memref<!tpu.dma_semaphore, #tpu.memory_space<semaphore_mem>>
      %dma_start3A = arith.constant 0 : i32
      %dma_start3A_159 = tpu.memref_slice %arg4[%add3A, %dma_start3A] : memref<32x10000xi32, #tpu.memory_space<hbm>> -> memref<1x10000xi32, #tpu.memory_space<hbm>>
      %dma_start3A_160 = tpu.memref_squeeze %dma_start3A_159 : memref<1x10000xi32, #tpu.memory_space<hbm>> -> memref<10000xi32, #tpu.memory_space<hbm>>
      %dma_start3A_161 = arith.constant 0 : i32
      %dma_start3A_162 = tpu.memref_slice %arg4[%add3A, %dma_start3A_161] : memref<32x10000xi32, #tpu.memory_space<hbm>> -> memref<1x10000xi32, #tpu.memory_space<hbm>>
      %dma_start3A_163 = tpu.memref_squeeze %dma_start3A_162 : memref<1x10000xi32, #tpu.memory_space<hbm>> -> memref<10000xi32, #tpu.memory_space<hbm>>
      tpu.enqueue_dma source(%dma_start3A_163 : memref<10000xi32, #tpu.memory_space<hbm>>) target(%arg9 : memref<10000xi32, #tpu.memory_space<vmem>>) target_semaphore(%run_scoped3A_158 : memref<!tpu.dma_semaphore, #tpu.memory_space<semaphore_mem>>)
      %dma_wait3A = arith.constant 0 : i32
      %dma_wait3A_164 = tpu.memref_slice %arg4[%add3A, %dma_wait3A] : memref<32x10000xi32, #tpu.memory_space<hbm>> -> memref<1x10000xi32, #tpu.memory_space<hbm>>
      %dma_wait3A_165 = tpu.memref_squeeze %dma_wait3A_164 : memref<1x10000xi32, #tpu.memory_space<hbm>> -> memref<10000xi32, #tpu.memory_space<hbm>>
      %dma_wait3A_166 = arith.constant 0 : i32
      %dma_wait3A_167 = tpu.memref_slice %arg4[%add3A, %dma_wait3A_166] : memref<32x10000xi32, #tpu.memory_space<hbm>> -> memref<1x10000xi32, #tpu.memory_space<hbm>>
      %dma_wait3A_168 = tpu.memref_squeeze %dma_wait3A_167 : memref<1x10000xi32, #tpu.memory_space<hbm>> -> memref<10000xi32, #tpu.memory_space<hbm>>
      tpu.wait_dma2 semaphore(%run_scoped3A_158 : memref<!tpu.dma_semaphore, #tpu.memory_space<semaphore_mem>>) src(%dma_wait3A_168 : memref<10000xi32, #tpu.memory_space<hbm>>) dst(%arg9 : memref<10000xi32, #tpu.memory_space<vmem>>)
      tpu.yield
    }) : () -> ()
    "tpu.region"() ({
      %run_scoped3A_158 = tpu.sem_alloc : memref<!tpu.dma_semaphore, #tpu.memory_space<semaphore_mem>>
      %dma_start3A = arith.constant 0 : i32
      %dma_start3A_159 = tpu.memref_slice %arg5[%add3A, %dma_start3A] : memref<32x10000xi32, #tpu.memory_space<hbm>> -> memref<1x10000xi32, #tpu.memory_space<hbm>>
      %dma_start3A_160 = tpu.memref_squeeze %dma_start3A_159 : memref<1x10000xi32, #tpu.memory_space<hbm>> -> memref<10000xi32, #tpu.memory_space<hbm>>
      %dma_start3A_161 = arith.constant 0 : i32
      %dma_start3A_162 = tpu.memref_slice %arg5[%add3A, %dma_start3A_161] : memref<32x10000xi32, #tpu.memory_space<hbm>> -> memref<1x10000xi32, #tpu.memory_space<hbm>>
      %dma_start3A_163 = tpu.memref_squeeze %dma_start3A_162 : memref<1x10000xi32, #tpu.memory_space<hbm>> -> memref<10000xi32, #tpu.memory_space<hbm>>
      tpu.enqueue_dma source(%dma_start3A_163 : memref<10000xi32, #tpu.memory_space<hbm>>) target(%arg10 : memref<10000xi32, #tpu.memory_space<vmem>>) target_semaphore(%run_scoped3A_158 : memref<!tpu.dma_semaphore, #tpu.memory_space<semaphore_mem>>)
      %dma_wait3A = arith.constant 0 : i32
      %dma_wait3A_164 = tpu.memref_slice %arg5[%add3A, %dma_wait3A] : memref<32x10000xi32, #tpu.memory_space<hbm>> -> memref<1x10000xi32, #tpu.memory_space<hbm>>
      %dma_wait3A_165 = tpu.memref_squeeze %dma_wait3A_164 : memref<1x10000xi32, #tpu.memory_space<hbm>> -> memref<10000xi32, #tpu.memory_space<hbm>>
      %dma_wait3A_166 = arith.constant 0 : i32
      %dma_wait3A_167 = tpu.memref_slice %arg5[%add3A, %dma_wait3A_166] : memref<32x10000xi32, #tpu.memory_space<hbm>> -> memref<1x10000xi32, #tpu.memory_space<hbm>>
      %dma_wait3A_168 = tpu.memref_squeeze %dma_wait3A_167 : memref<1x10000xi32, #tpu.memory_space<hbm>> -> memref<10000xi32, #tpu.memory_space<hbm>>
      tpu.wait_dma2 semaphore(%run_scoped3A_158 : memref<!tpu.dma_semaphore, #tpu.memory_space<semaphore_mem>>) src(%dma_wait3A_168 : memref<10000xi32, #tpu.memory_space<hbm>>) dst(%arg10 : memref<10000xi32, #tpu.memory_space<vmem>>)
      tpu.yield
    }) : () -> ()
    "tpu.region"() ({
      %run_scoped3A_158 = tpu.sem_alloc : memref<!tpu.dma_semaphore, #tpu.memory_space<semaphore_mem>>
      tpu.enqueue_dma source(%arg2 : memref<10240xf32, #tpu.memory_space<hbm>>) target(%arg11 : memref<10240xf32, #tpu.memory_space<vmem>>) target_semaphore(%run_scoped3A_158 : memref<!tpu.dma_semaphore, #tpu.memory_space<semaphore_mem>>)
      tpu.wait_dma2 semaphore(%run_scoped3A_158 : memref<!tpu.dma_semaphore, #tpu.memory_space<semaphore_mem>>) src(%arg2 : memref<10240xf32, #tpu.memory_space<hbm>>) dst(%arg11 : memref<10240xf32, #tpu.memory_space<vmem>>)
      tpu.yield
    }) : () -> ()
    %run_scoped3A = arith.constant 0 : i32
    "tpu.region"() ({
      %run_scoped3A_158 = tpu.sem_alloc : memref<!tpu.dma_semaphore, #tpu.memory_space<semaphore_mem>>
      %dma_start3A = arith.constant 0 : i32
      %dma_start3A_159 = tpu.memref_slice %arg3[%run_scoped3A, %dma_start3A] : memref<2x10240xf32, #tpu.memory_space<hbm>> -> memref<1x10240xf32, #tpu.memory_space<hbm>>
      %dma_start3A_160 = tpu.memref_squeeze %dma_start3A_159 : memref<1x10240xf32, #tpu.memory_space<hbm>> -> memref<10240xf32, #tpu.memory_space<hbm>>
      %dma_start3A_161 = arith.constant 0 : i32
      %dma_start3A_162 = tpu.memref_slice %arg3[%run_scoped3A, %dma_start3A_161] : memref<2x10240xf32, #tpu.memory_space<hbm>> -> memref<1x10240xf32, #tpu.memory_space<hbm>>
      %dma_start3A_163 = tpu.memref_squeeze %dma_start3A_162 : memref<1x10240xf32, #tpu.memory_space<hbm>> -> memref<10240xf32, #tpu.memory_space<hbm>>
      tpu.enqueue_dma source(%dma_start3A_163 : memref<10240xf32, #tpu.memory_space<hbm>>) target(%arg12 : memref<10240xf32, #tpu.memory_space<vmem>>) target_semaphore(%run_scoped3A_158 : memref<!tpu.dma_semaphore, #tpu.memory_space<semaphore_mem>>)
      %dma_wait3A = arith.constant 0 : i32
      %dma_wait3A_164 = tpu.memref_slice %arg3[%run_scoped3A, %dma_wait3A] : memref<2x10240xf32, #tpu.memory_space<hbm>> -> memref<1x10240xf32, #tpu.memory_space<hbm>>
      %dma_wait3A_165 = tpu.memref_squeeze %dma_wait3A_164 : memref<1x10240xf32, #tpu.memory_space<hbm>> -> memref<10240xf32, #tpu.memory_space<hbm>>
      %dma_wait3A_166 = arith.constant 0 : i32
      %dma_wait3A_167 = tpu.memref_slice %arg3[%run_scoped3A, %dma_wait3A_166] : memref<2x10240xf32, #tpu.memory_space<hbm>> -> memref<1x10240xf32, #tpu.memory_space<hbm>>
      %dma_wait3A_168 = tpu.memref_squeeze %dma_wait3A_167 : memref<1x10240xf32, #tpu.memory_space<hbm>> -> memref<10240xf32, #tpu.memory_space<hbm>>
      tpu.wait_dma2 semaphore(%run_scoped3A_158 : memref<!tpu.dma_semaphore, #tpu.memory_space<semaphore_mem>>) src(%dma_wait3A_168 : memref<10240xf32, #tpu.memory_space<hbm>>) dst(%arg12 : memref<10240xf32, #tpu.memory_space<vmem>>)
      tpu.yield
    }) : () -> ()
    %run_scoped3A_1 = arith.constant 1 : i32
    "tpu.region"() ({
      %run_scoped3A_158 = tpu.sem_alloc : memref<!tpu.dma_semaphore, #tpu.memory_space<semaphore_mem>>
      %dma_start3A = arith.constant 0 : i32
      %dma_start3A_159 = tpu.memref_slice %arg3[%run_scoped3A_1, %dma_start3A] : memref<2x10240xf32, #tpu.memory_space<hbm>> -> memref<1x10240xf32, #tpu.memory_space<hbm>>
      %dma_start3A_160 = tpu.memref_squeeze %dma_start3A_159 : memref<1x10240xf32, #tpu.memory_space<hbm>> -> memref<10240xf32, #tpu.memory_space<hbm>>
      %dma_start3A_161 = arith.constant 0 : i32
      %dma_start3A_162 = tpu.memref_slice %arg3[%run_scoped3A_1, %dma_start3A_161] : memref<2x10240xf32, #tpu.memory_space<hbm>> -> memref<1x10240xf32, #tpu.memory_space<hbm>>
      %dma_start3A_163 = tpu.memref_squeeze %dma_start3A_162 : memref<1x10240xf32, #tpu.memory_space<hbm>> -> memref<10240xf32, #tpu.memory_space<hbm>>
      tpu.enqueue_dma source(%dma_start3A_163 : memref<10240xf32, #tpu.memory_space<hbm>>) target(%arg13 : memref<10240xf32, #tpu.memory_space<vmem>>) target_semaphore(%run_scoped3A_158 : memref<!tpu.dma_semaphore, #tpu.memory_space<semaphore_mem>>)
      %dma_wait3A = arith.constant 0 : i32
      %dma_wait3A_164 = tpu.memref_slice %arg3[%run_scoped3A_1, %dma_wait3A] : memref<2x10240xf32, #tpu.memory_space<hbm>> -> memref<1x10240xf32, #tpu.memory_space<hbm>>
      %dma_wait3A_165 = tpu.memref_squeeze %dma_wait3A_164 : memref<1x10240xf32, #tpu.memory_space<hbm>> -> memref<10240xf32, #tpu.memory_space<hbm>>
      %dma_wait3A_166 = arith.constant 0 : i32
      %dma_wait3A_167 = tpu.memref_slice %arg3[%run_scoped3A_1, %dma_wait3A_166] : memref<2x10240xf32, #tpu.memory_space<hbm>> -> memref<1x10240xf32, #tpu.memory_space<hbm>>
      %dma_wait3A_168 = tpu.memref_squeeze %dma_wait3A_167 : memref<1x10240xf32, #tpu.memory_space<hbm>> -> memref<10240xf32, #tpu.memory_space<hbm>>
      tpu.wait_dma2 semaphore(%run_scoped3A_158 : memref<!tpu.dma_semaphore, #tpu.memory_space<semaphore_mem>>) src(%dma_wait3A_168 : memref<10240xf32, #tpu.memory_space<hbm>>) dst(%arg13 : memref<10240xf32, #tpu.memory_space<vmem>>)
      tpu.yield
    }) : () -> ()
    "tpu.region"() ({
      %run_scoped3A_158 = tpu.sem_alloc : memref<!tpu.dma_semaphore, #tpu.memory_space<semaphore_mem>>
      tpu.enqueue_dma source(%arg6 : memref<10240xi32, #tpu.memory_space<hbm>>) target(%arg15 : memref<10240xi32, #tpu.memory_space<vmem>>) target_semaphore(%run_scoped3A_158 : memref<!tpu.dma_semaphore, #tpu.memory_space<semaphore_mem>>)
      tpu.wait_dma2 semaphore(%run_scoped3A_158 : memref<!tpu.dma_semaphore, #tpu.memory_space<semaphore_mem>>) src(%arg6 : memref<10240xi32, #tpu.memory_space<hbm>>) dst(%arg15 : memref<10240xi32, #tpu.memory_space<vmem>>)
      tpu.yield
    }) : () -> ()
    "tpu.region"() ({
      %run_scoped3A_158 = tpu.sem_alloc : memref<!tpu.dma_semaphore, #tpu.memory_space<semaphore_mem>>
      tpu.enqueue_dma source(%arg6 : memref<10240xi32, #tpu.memory_space<hbm>>) target(%arg16 : memref<10240xi32, #tpu.memory_space<vmem>>) target_semaphore(%run_scoped3A_158 : memref<!tpu.dma_semaphore, #tpu.memory_space<semaphore_mem>>)
      tpu.wait_dma2 semaphore(%run_scoped3A_158 : memref<!tpu.dma_semaphore, #tpu.memory_space<semaphore_mem>>) src(%arg6 : memref<10240xi32, #tpu.memory_space<hbm>>) dst(%arg16 : memref<10240xi32, #tpu.memory_space<vmem>>)
      tpu.yield
    }) : () -> ()
    %scan3A = arith.constant 0 : i32
    %scan3A_2 = arith.constant 640 : i32
    %scan3A_3 = arith.addi %scan3A, %scan3A_2 : i32
    %scan3A_4 = arith.constant 1 : i32
    scf.for %scan3A_158 = %scan3A to %scan3A_3 step %scan3A_4  : i32 {
      %mul3A_159 = arith.constant 1 : i32
      %mul3A_160 = arith.muli %scan3A_158, %mul3A_159 : i32
      %add3A_161 = arith.constant 0 : i32
      %add3A_162 = arith.addi %add3A_161, %mul3A_160 : i32
      %mul3A_163 = arith.constant 16 : i32
      %mul3A_164 = arith.muli %add3A_162, %mul3A_163 : i32
      %get3A_165 = arith.index_cast %mul3A_164 : i32 to index
      %get3A_166 = tpu.vector_load %arg12[%get3A_165] {strides = array<i32>} : memref<10240xf32, #tpu.memory_space<vmem>>, vector<16xf32>,
      %get3A_167 = arith.index_cast %mul3A_164 : i32 to index
      %get3A_168 = tpu.vector_load %arg13[%get3A_167] {strides = array<i32>} : memref<10240xf32, #tpu.memory_space<vmem>>, vector<16xf32>,
      %max3A = arith.maximumf %get3A_166, %get3A_168 : vector<16xf32>
      %get3A_169 = arith.index_cast %mul3A_164 : i32 to index
      %get3A_170 = tpu.vector_load %arg11[%get3A_169] {strides = array<i32>} : memref<10240xf32, #tpu.memory_space<vmem>>, vector<16xf32>,
      %max3A_171 = arith.maximumf %max3A, %get3A_170 : vector<16xf32>
      %swap3A = arith.index_cast %mul3A_164 : i32 to index
      %swap3A_172 = tpu.vector_load %arg14[%swap3A] {strides = array<i32>} : memref<10240xf32, #tpu.memory_space<vmem>>, vector<16xf32>,
      tpu.vector_store %arg14[%swap3A], %max3A_171 {strides = array<i32>} : memref<10240xf32, #tpu.memory_space<vmem>>, vector<16xf32>,
    }
    %scan3A_5 = arith.constant 640 : i32
    %scan3A_6 = arith.constant 0 : i32
    %scan3A_7 = arith.constant 312 : i32
    %scan3A_8 = arith.addi %scan3A_6, %scan3A_7 : i32
    %scan3A_9 = arith.constant 1 : i32
    scf.for %scan3A_158 = %scan3A_6 to %scan3A_8 step %scan3A_9  : i32 {
      %mul3A_159 = arith.constant 1 : i32
      %mul3A_160 = arith.muli %scan3A_158, %mul3A_159 : i32
      %add3A_161 = arith.constant 0 : i32
      %add3A_162 = arith.addi %add3A_161, %mul3A_160 : i32
      %add3A_163 = arith.constant 0 : i32
      %add3A_164 = arith.addi %add3A_163, %add3A_162 : i32
      %mul3A_165 = arith.constant 16 : i32
      %mul3A_166 = arith.muli %add3A_164, %mul3A_165 : i32
      %get3A_167 = arith.index_cast %mul3A_166 : i32 to index
      %get3A_168 = tpu.vector_load %arg9[%get3A_167] {strides = array<i32>} : memref<10000xi32, #tpu.memory_space<vmem>>, vector<16xi32>,
      %add3A_169 = arith.constant 312 : i32
      %add3A_170 = arith.addi %add3A_169, %add3A_162 : i32
      %mul3A_171 = arith.constant 16 : i32
      %mul3A_172 = arith.muli %add3A_170, %mul3A_171 : i32
      %get3A_173 = arith.index_cast %mul3A_172 : i32 to index
      %get3A_174 = tpu.vector_load %arg9[%get3A_173] {strides = array<i32>} : memref<10000xi32, #tpu.memory_space<vmem>>, vector<16xi32>,
      %add3A_175 = arith.constant 0 : i32
      %add3A_176 = arith.addi %add3A_175, %add3A_162 : i32
      %mul3A_177 = arith.constant 16 : i32
      %mul3A_178 = arith.muli %add3A_176, %mul3A_177 : i32
      %get3A_179 = arith.index_cast %mul3A_178 : i32 to index
      %get3A_180 = tpu.vector_load %arg10[%get3A_179] {strides = array<i32>} : memref<10000xi32, #tpu.memory_space<vmem>>, vector<16xi32>,
      %add3A_181 = arith.constant 312 : i32
      %add3A_182 = arith.addi %add3A_181, %add3A_162 : i32
      %mul3A_183 = arith.constant 16 : i32
      %mul3A_184 = arith.muli %add3A_182, %mul3A_183 : i32
      %get3A_185 = arith.index_cast %mul3A_184 : i32 to index
      %get3A_186 = tpu.vector_load %arg10[%get3A_185] {strides = array<i32>} : memref<10000xi32, #tpu.memory_space<vmem>>, vector<16xi32>,
      %gather3A_187 = tpu.vector_load_idx %arg11[%get3A_168] : memref<10240xf32, #tpu.memory_space<vmem>>[vector<16xi32>], vector<16xf32>,
      %gather3A_188 = tpu.vector_load_idx %arg11[%get3A_174] : memref<10240xf32, #tpu.memory_space<vmem>>[vector<16xi32>], vector<16xf32>,
      %gather3A_189 = tpu.vector_load_idx %arg14[%get3A_180] : memref<10240xf32, #tpu.memory_space<vmem>>[vector<16xi32>], vector<16xf32>,
      %gather3A_190 = tpu.vector_load_idx %arg14[%get3A_186] : memref<10240xf32, #tpu.memory_space<vmem>>[vector<16xi32>], vector<16xf32>,
      %gather3A_191 = tpu.vector_load_idx %arg15[%get3A_180] : memref<10240xi32, #tpu.memory_space<vmem>>[vector<16xi32>], vector<16xi32>,
      %gather3A_192 = tpu.vector_load_idx %arg16[%get3A_186] : memref<10240xi32, #tpu.memory_space<vmem>>[vector<16xi32>], vector<16xi32>,
      %ge3A_193 = arith.cmpf oge, %gather3A_187, %gather3A_189 : vector<16xf32>
      %gt3A_194 = arith.cmpi sgt, %get3A_168, %gather3A_191 : vector<16xi32>
      %and3A_195 = arith.andi %ge3A_193, %gt3A_194 : vector<16xi1>
      %ge3A_196 = arith.cmpf oge, %gather3A_188, %gather3A_190 : vector<16xf32>
      %gt3A_197 = arith.cmpi sgt, %get3A_174, %gather3A_192 : vector<16xi32>
      %and3A_198 = arith.andi %ge3A_196, %gt3A_197 : vector<16xi1>
      tpu.vector_store_idx %arg15[%get3A_180], %get3A_168 masked %and3A_195 : memref<10240xi32, #tpu.memory_space<vmem>>[vector<16xi32>], vector<16xi32>, vector<16xi1>
      tpu.vector_store_idx %arg16[%get3A_186], %get3A_174 masked %and3A_198 : memref<10240xi32, #tpu.memory_space<vmem>>[vector<16xi32>], vector<16xi32>, vector<16xi1>
      %gather3A_199 = tpu.vector_load_idx %arg15[%get3A_180] : memref<10240xi32, #tpu.memory_space<vmem>>[vector<16xi32>], vector<16xi32>,
      %gather3A_200 = tpu.vector_load_idx %arg16[%get3A_186] : memref<10240xi32, #tpu.memory_space<vmem>>[vector<16xi32>], vector<16xi32>,
      %lt3A_201 = arith.cmpi slt, %gather3A_199, %get3A_168 : vector<16xi32>
      %and3A_202 = arith.andi %and3A_195, %lt3A_201 : vector<16xi1>
      %lt3A_203 = arith.cmpi slt, %gather3A_200, %get3A_174 : vector<16xi32>
      %and3A_204 = arith.andi %and3A_198, %lt3A_203 : vector<16xi1>
      %while3A_205:2 = scf.while (%while3A_206 = %and3A_202, %while3A_207 = %and3A_204) : (vector<16xi1>, vector<16xi1>) -> (vector<16xi1>, vector<16xi1>) {
        %reduce_or3A = arith.constant 1.000000e+00 : f32
        %reduce_or3A_208 = arith.constant 0.000000e+00 : f32
        %reduce_or3A_209 = vector.broadcast %reduce_or3A : f32 to vector<16xf32>
        %reduce_or3A_210 = vector.broadcast %reduce_or3A_208 : f32 to vector<16xf32>
        %reduce_or3A_211 = arith.select %while3A_206, %reduce_or3A_209, %reduce_or3A_210 : vector<16xi1>, vector<16xf32>
        %reduce_or3A_212 = arith.constant true
        %reduce_or3A_213 = vector.broadcast %reduce_or3A_212 : i1 to vector<16xi1>
        %reduce_or3A_214 = tpu.scan <max>, %reduce_or3A_211 masked %reduce_or3A_213 : vector<16xf32>, vector<16xi1> -> vector<16xf32>
        %reduce_or3A_215 = vector.extract %reduce_or3A_214[15] : f32 from vector<16xf32>
        %reduce_or3A_216 = arith.constant 0.000000e+00 : f32
        %reduce_or3A_217 = arith.cmpf ogt, %reduce_or3A_215, %reduce_or3A_216 : f32
        %reduce_or3A_218 = arith.constant 1.000000e+00 : f32
        %reduce_or3A_219 = arith.constant 0.000000e+00 : f32
        %reduce_or3A_220 = vector.broadcast %reduce_or3A_218 : f32 to vector<16xf32>
        %reduce_or3A_221 = vector.broadcast %reduce_or3A_219 : f32 to vector<16xf32>
        %reduce_or3A_222 = arith.select %while3A_207, %reduce_or3A_220, %reduce_or3A_221 : vector<16xi1>, vector<16xf32>
        %reduce_or3A_223 = arith.constant true
        %reduce_or3A_224 = vector.broadcast %reduce_or3A_223 : i1 to vector<16xi1>
        %reduce_or3A_225 = tpu.scan <max>, %reduce_or3A_222 masked %reduce_or3A_224 : vector<16xf32>, vector<16xi1> -> vector<16xf32>
        %reduce_or3A_226 = vector.extract %reduce_or3A_225[15] : f32 from vector<16xf32>
        %reduce_or3A_227 = arith.constant 0.000000e+00 : f32
        %reduce_or3A_228 = arith.cmpf ogt, %reduce_or3A_226, %reduce_or3A_227 : f32
        %or3A = arith.ori %reduce_or3A_217, %reduce_or3A_228 : i1
        scf.condition(%or3A) %while3A_206, %while3A_207 : vector<16xi1>, vector<16xi1>
      } do {
      ^bb0(%while3A_206: vector<16xi1>, %while3A_207: vector<16xi1>):
        tpu.vector_store_idx %arg15[%get3A_180], %get3A_168 masked %while3A_206 : memref<10240xi32, #tpu.memory_space<vmem>>[vector<16xi32>], vector<16xi32>, vector<16xi1>
        tpu.vector_store_idx %arg16[%get3A_186], %get3A_174 masked %while3A_207 : memref<10240xi32, #tpu.memory_space<vmem>>[vector<16xi32>], vector<16xi32>, vector<16xi1>
        %gather3A_208 = tpu.vector_load_idx %arg15[%get3A_180] : memref<10240xi32, #tpu.memory_space<vmem>>[vector<16xi32>], vector<16xi32>,
        %gather3A_209 = tpu.vector_load_idx %arg16[%get3A_186] : memref<10240xi32, #tpu.memory_space<vmem>>[vector<16xi32>], vector<16xi32>,
        %lt3A_210 = arith.cmpi slt, %gather3A_208, %get3A_168 : vector<16xi32>
        %and3A_211 = arith.andi %while3A_206, %lt3A_210 : vector<16xi1>
        %lt3A_212 = arith.cmpi slt, %gather3A_209, %get3A_174 : vector<16xi32>
        %and3A_213 = arith.andi %while3A_207, %lt3A_212 : vector<16xi1>
        scf.yield %and3A_211, %and3A_213 : vector<16xi1>, vector<16xi1>
      }
    }
    %scan3A_10 = arith.constant 312 : i32
    %scan3A_11 = arith.constant 0 : i32
    %mul3A_12 = arith.constant 1 : i32
    %mul3A_13 = arith.muli %scan3A_11, %mul3A_12 : i32
    %add3A_14 = arith.constant 624 : i32
    %add3A_15 = arith.addi %add3A_14, %mul3A_13 : i32
    %mul3A_16 = arith.constant 16 : i32
    %mul3A_17 = arith.muli %add3A_15, %mul3A_16 : i32
    %get3A = arith.index_cast %mul3A_17 : i32 to index
    %get3A_18 = tpu.vector_load %arg9[%get3A] {strides = array<i32>} : memref<10000xi32, #tpu.memory_space<vmem>>, vector<16xi32>,
    %mul3A_19 = arith.constant 16 : i32
    %mul3A_20 = arith.muli %add3A_15, %mul3A_19 : i32
    %get3A_21 = arith.index_cast %mul3A_20 : i32 to index
    %get3A_22 = tpu.vector_load %arg10[%get3A_21] {strides = array<i32>} : memref<10000xi32, #tpu.memory_space<vmem>>, vector<16xi32>,
    %gather3A = tpu.vector_load_idx %arg11[%get3A_18] : memref<10240xf32, #tpu.memory_space<vmem>>[vector<16xi32>], vector<16xf32>,
    %gather3A_23 = tpu.vector_load_idx %arg14[%get3A_22] : memref<10240xf32, #tpu.memory_space<vmem>>[vector<16xi32>], vector<16xf32>,
    %gather3A_24 = tpu.vector_load_idx %arg15[%get3A_22] : memref<10240xi32, #tpu.memory_space<vmem>>[vector<16xi32>], vector<16xi32>,
    %ge3A = arith.cmpf oge, %gather3A, %gather3A_23 : vector<16xf32>
    %gt3A = arith.cmpi sgt, %get3A_18, %gather3A_24 : vector<16xi32>
    %and3A = arith.andi %ge3A, %gt3A : vector<16xi1>
    tpu.vector_store_idx %arg15[%get3A_22], %get3A_18 masked %and3A : memref<10240xi32, #tpu.memory_space<vmem>>[vector<16xi32>], vector<16xi32>, vector<16xi1>
    %gather3A_25 = tpu.vector_load_idx %arg15[%get3A_22] : memref<10240xi32, #tpu.memory_space<vmem>>[vector<16xi32>], vector<16xi32>,
    %lt3A = arith.cmpi slt, %gather3A_25, %get3A_18 : vector<16xi32>
    %and3A_26 = arith.andi %and3A, %lt3A : vector<16xi1>
    %while3A = scf.while (%while3A_158 = %and3A_26) : (vector<16xi1>) -> vector<16xi1> {
      %reduce_or3A = arith.constant 1.000000e+00 : f32
      %reduce_or3A_159 = arith.constant 0.000000e+00 : f32
      %reduce_or3A_160 = vector.broadcast %reduce_or3A : f32 to vector<16xf32>
      %reduce_or3A_161 = vector.broadcast %reduce_or3A_159 : f32 to vector<16xf32>
      %reduce_or3A_162 = arith.select %while3A_158, %reduce_or3A_160, %reduce_or3A_161 : vector<16xi1>, vector<16xf32>
      %reduce_or3A_163 = arith.constant true
      %reduce_or3A_164 = vector.broadcast %reduce_or3A_163 : i1 to vector<16xi1>
      %reduce_or3A_165 = tpu.scan <max>, %reduce_or3A_162 masked %reduce_or3A_164 : vector<16xf32>, vector<16xi1> -> vector<16xf32>
      %reduce_or3A_166 = vector.extract %reduce_or3A_165[15] : f32 from vector<16xf32>
      %reduce_or3A_167 = arith.constant 0.000000e+00 : f32
      %reduce_or3A_168 = arith.cmpf ogt, %reduce_or3A_166, %reduce_or3A_167 : f32
      scf.condition(%reduce_or3A_168) %while3A_158 : vector<16xi1>
    } do {
    ^bb0(%while3A_158: vector<16xi1>):
      tpu.vector_store_idx %arg15[%get3A_22], %get3A_18 masked %while3A_158 : memref<10240xi32, #tpu.memory_space<vmem>>[vector<16xi32>], vector<16xi32>, vector<16xi1>
      %gather3A_159 = tpu.vector_load_idx %arg15[%get3A_22] : memref<10240xi32, #tpu.memory_space<vmem>>[vector<16xi32>], vector<16xi32>,
      %lt3A_160 = arith.cmpi slt, %gather3A_159, %get3A_18 : vector<16xi32>
      %and3A_161 = arith.andi %while3A_158, %lt3A_160 : vector<16xi1>
      scf.yield %and3A_161 : vector<16xi1>
    }
    %scan3A_27 = arith.constant 1 : i32
    %scan3A_28 = arith.constant 0 : i32
    %scan3A_29 = arith.constant 640 : i32
    %scan3A_30 = arith.addi %scan3A_28, %scan3A_29 : i32
    %scan3A_31 = arith.constant 1 : i32
    scf.for %scan3A_158 = %scan3A_28 to %scan3A_30 step %scan3A_31  : i32 {
      %mul3A_159 = arith.constant 1 : i32
      %mul3A_160 = arith.muli %scan3A_158, %mul3A_159 : i32
      %add3A_161 = arith.constant 0 : i32
      %add3A_162 = arith.addi %add3A_161, %mul3A_160 : i32
      %mul3A_163 = arith.constant 16 : i32
      %mul3A_164 = arith.muli %add3A_162, %mul3A_163 : i32
      %get3A_165 = arith.index_cast %mul3A_164 : i32 to index
      %get3A_166 = tpu.vector_load %arg15[%get3A_165] {strides = array<i32>} : memref<10240xi32, #tpu.memory_space<vmem>>, vector<16xi32>,
      %get3A_167 = arith.index_cast %mul3A_164 : i32 to index
      %get3A_168 = tpu.vector_load %arg16[%get3A_167] {strides = array<i32>} : memref<10240xi32, #tpu.memory_space<vmem>>, vector<16xi32>,
      %max3A = arith.maxsi %get3A_166, %get3A_168 : vector<16xi32>
      %swap3A = arith.index_cast %mul3A_164 : i32 to index
      %swap3A_169 = tpu.vector_load %arg15[%swap3A] {strides = array<i32>} : memref<10240xi32, #tpu.memory_space<vmem>>, vector<16xi32>,
      tpu.vector_store %arg15[%swap3A], %max3A {strides = array<i32>} : memref<10240xi32, #tpu.memory_space<vmem>>, vector<16xi32>,
    }
    %scan3A_32 = arith.constant 640 : i32
    "tpu.region"() ({
      %run_scoped3A_158 = tpu.sem_alloc : memref<!tpu.dma_semaphore, #tpu.memory_space<semaphore_mem>>
      %dma_start3A = arith.constant 0 : i32
      %dma_start3A_159 = tpu.memref_slice %arg8[%arg1, %dma_start3A] : memref<16x10240xi32, #tpu.memory_space<vmem_shared>> -> memref<1x10240xi32, #tpu.memory_space<vmem_shared>>
      %dma_start3A_160 = tpu.memref_squeeze %dma_start3A_159 : memref<1x10240xi32, #tpu.memory_space<vmem_shared>> -> memref<10240xi32, #tpu.memory_space<vmem_shared>>
      %dma_start3A_161 = arith.constant 0 : i32
      %dma_start3A_162 = tpu.memref_slice %arg8[%arg1, %dma_start3A_161] : memref<16x10240xi32, #tpu.memory_space<vmem_shared>> -> memref<1x10240xi32, #tpu.memory_space<vmem_shared>>
      %dma_start3A_163 = tpu.memref_squeeze %dma_start3A_162 : memref<1x10240xi32, #tpu.memory_space<vmem_shared>> -> memref<10240xi32, #tpu.memory_space<vmem_shared>>
      tpu.enqueue_dma source(%arg15 : memref<10240xi32, #tpu.memory_space<vmem>>) target(%dma_start3A_163 : memref<10240xi32, #tpu.memory_space<vmem_shared>>) target_semaphore(%run_scoped3A_158 : memref<!tpu.dma_semaphore, #tpu.memory_space<semaphore_mem>>)
      %dma_wait3A = arith.constant 0 : i32
      %dma_wait3A_164 = tpu.memref_slice %arg8[%arg1, %dma_wait3A] : memref<16x10240xi32, #tpu.memory_space<vmem_shared>> -> memref<1x10240xi32, #tpu.memory_space<vmem_shared>>
      %dma_wait3A_165 = tpu.memref_squeeze %dma_wait3A_164 : memref<1x10240xi32, #tpu.memory_space<vmem_shared>> -> memref<10240xi32, #tpu.memory_space<vmem_shared>>
      %dma_wait3A_166 = arith.constant 0 : i32
      %dma_wait3A_167 = tpu.memref_slice %arg8[%arg1, %dma_wait3A_166] : memref<16x10240xi32, #tpu.memory_space<vmem_shared>> -> memref<1x10240xi32, #tpu.memory_space<vmem_shared>>
      %dma_wait3A_168 = tpu.memref_squeeze %dma_wait3A_167 : memref<1x10240xi32, #tpu.memory_space<vmem_shared>> -> memref<10240xi32, #tpu.memory_space<vmem_shared>>
      tpu.wait_dma2 semaphore(%run_scoped3A_158 : memref<!tpu.dma_semaphore, #tpu.memory_space<semaphore_mem>>) src(%arg15 : memref<10240xi32, #tpu.memory_space<vmem>>) dst(%dma_wait3A_168 : memref<10240xi32, #tpu.memory_space<vmem_shared>>)
      tpu.yield
    }) : () -> ()
    %barrier3A = arith.constant 0 : index
    tpu.barrier barrier_id(%barrier3A)
    %mul3A_33 = arith.constant 640 : i32
    %mul3A_34 = arith.muli %arg1, %mul3A_33 : i32
    %run_scoped3A_35 = arith.constant 0 : i32
    "tpu.region"() ({
      %run_scoped3A_158 = tpu.sem_alloc : memref<!tpu.dma_semaphore, #tpu.memory_space<semaphore_mem>>
      %dma_start3A = tpu.memref_slice %arg8[%run_scoped3A_35, %mul3A_34] : memref<16x10240xi32, #tpu.memory_space<vmem_shared>> -> memref<1x640xi32, #tpu.memory_space<vmem_shared>>
      %dma_start3A_159 = tpu.memref_squeeze %dma_start3A : memref<1x640xi32, #tpu.memory_space<vmem_shared>> -> memref<640xi32, #tpu.memory_space<vmem_shared>>
      %dma_start3A_160 = tpu.memref_slice %arg8[%run_scoped3A_35, %mul3A_34] : memref<16x10240xi32, #tpu.memory_space<vmem_shared>> -> memref<1x640xi32, #tpu.memory_space<vmem_shared>>
      %dma_start3A_161 = tpu.memref_squeeze %dma_start3A_160 : memref<1x640xi32, #tpu.memory_space<vmem_shared>> -> memref<640xi32, #tpu.memory_space<vmem_shared>>
      tpu.enqueue_dma source(%dma_start3A_161 : memref<640xi32, #tpu.memory_space<vmem_shared>>) target(%arg17 : memref<640xi32, #tpu.memory_space<vmem>>) target_semaphore(%run_scoped3A_158 : memref<!tpu.dma_semaphore, #tpu.memory_space<semaphore_mem>>)
      %dma_wait3A = tpu.memref_slice %arg8[%run_scoped3A_35, %mul3A_34] : memref<16x10240xi32, #tpu.memory_space<vmem_shared>> -> memref<1x640xi32, #tpu.memory_space<vmem_shared>>
      %dma_wait3A_162 = tpu.memref_squeeze %dma_wait3A : memref<1x640xi32, #tpu.memory_space<vmem_shared>> -> memref<640xi32, #tpu.memory_space<vmem_shared>>
      %dma_wait3A_163 = tpu.memref_slice %arg8[%run_scoped3A_35, %mul3A_34] : memref<16x10240xi32, #tpu.memory_space<vmem_shared>> -> memref<1x640xi32, #tpu.memory_space<vmem_shared>>
      %dma_wait3A_164 = tpu.memref_squeeze %dma_wait3A_163 : memref<1x640xi32, #tpu.memory_space<vmem_shared>> -> memref<640xi32, #tpu.memory_space<vmem_shared>>
      tpu.wait_dma2 semaphore(%run_scoped3A_158 : memref<!tpu.dma_semaphore, #tpu.memory_space<semaphore_mem>>) src(%dma_wait3A_164 : memref<640xi32, #tpu.memory_space<vmem_shared>>) dst(%arg17 : memref<640xi32, #tpu.memory_space<vmem>>)
      tpu.yield
    }) : () -> ()
    %mul3A_36 = arith.constant 640 : i32
    %mul3A_37 = arith.muli %arg1, %mul3A_36 : i32
    %run_scoped3A_38 = arith.constant 1 : i32
    "tpu.region"() ({
      %run_scoped3A_158 = tpu.sem_alloc : memref<!tpu.dma_semaphore, #tpu.memory_space<semaphore_mem>>
      %dma_start3A = tpu.memref_slice %arg8[%run_scoped3A_38, %mul3A_37] : memref<16x10240xi32, #tpu.memory_space<vmem_shared>> -> memref<1x640xi32, #tpu.memory_space<vmem_shared>>
      %dma_start3A_159 = tpu.memref_squeeze %dma_start3A : memref<1x640xi32, #tpu.memory_space<vmem_shared>> -> memref<640xi32, #tpu.memory_space<vmem_shared>>
      %dma_start3A_160 = tpu.memref_slice %arg8[%run_scoped3A_38, %mul3A_37] : memref<16x10240xi32, #tpu.memory_space<vmem_shared>> -> memref<1x640xi32, #tpu.memory_space<vmem_shared>>
      %dma_start3A_161 = tpu.memref_squeeze %dma_start3A_160 : memref<1x640xi32, #tpu.memory_space<vmem_shared>> -> memref<640xi32, #tpu.memory_space<vmem_shared>>
      tpu.enqueue_dma source(%dma_start3A_161 : memref<640xi32, #tpu.memory_space<vmem_shared>>) target(%arg18 : memref<640xi32, #tpu.memory_space<vmem>>) target_semaphore(%run_scoped3A_158 : memref<!tpu.dma_semaphore, #tpu.memory_space<semaphore_mem>>)
      %dma_wait3A = tpu.memref_slice %arg8[%run_scoped3A_38, %mul3A_37] : memref<16x10240xi32, #tpu.memory_space<vmem_shared>> -> memref<1x640xi32, #tpu.memory_space<vmem_shared>>
      %dma_wait3A_162 = tpu.memref_squeeze %dma_wait3A : memref<1x640xi32, #tpu.memory_space<vmem_shared>> -> memref<640xi32, #tpu.memory_space<vmem_shared>>
      %dma_wait3A_163 = tpu.memref_slice %arg8[%run_scoped3A_38, %mul3A_37] : memref<16x10240xi32, #tpu.memory_space<vmem_shared>> -> memref<1x640xi32, #tpu.memory_space<vmem_shared>>
      %dma_wait3A_164 = tpu.memref_squeeze %dma_wait3A_163 : memref<1x640xi32, #tpu.memory_space<vmem_shared>> -> memref<640xi32, #tpu.memory_space<vmem_shared>>
      tpu.wait_dma2 semaphore(%run_scoped3A_158 : memref<!tpu.dma_semaphore, #tpu.memory_space<semaphore_mem>>) src(%dma_wait3A_164 : memref<640xi32, #tpu.memory_space<vmem_shared>>) dst(%arg18 : memref<640xi32, #tpu.memory_space<vmem>>)
      tpu.yield
    }) : () -> ()
    %scan3A_39 = arith.constant 0 : i32
    %scan3A_40 = arith.constant 40 : i32
    %scan3A_41 = arith.addi %scan3A_39, %scan3A_40 : i32
    %scan3A_42 = arith.constant 1 : i32
    scf.for %scan3A_158 = %scan3A_39 to %scan3A_41 step %scan3A_42  : i32 {
      %mul3A_159 = arith.constant 1 : i32
      %mul3A_160 = arith.muli %scan3A_158, %mul3A_159 : i32
      %add3A_161 = arith.constant 0 : i32
      %add3A_162 = arith.addi %add3A_161, %mul3A_160 : i32
      %mul3A_163 = arith.constant 16 : i32
      %mul3A_164 = arith.muli %add3A_162, %mul3A_163 : i32
      %get3A_165 = arith.index_cast %mul3A_164 : i32 to index
      %get3A_166 = tpu.vector_load %arg17[%get3A_165] {strides = array<i32>} : memref<640xi32, #tpu.memory_space<vmem>>, vector<16xi32>,
      %mul3A_167 = arith.constant 16 : i32
      %mul3A_168 = arith.muli %add3A_162, %mul3A_167 : i32
      %get3A_169 = arith.index_cast %mul3A_168 : i32 to index
      %get3A_170 = tpu.vector_load %arg18[%get3A_169] {strides = array<i32>} : memref<640xi32, #tpu.memory_space<vmem>>, vector<16xi32>,
      %max3A = arith.maxsi %get3A_166, %get3A_170 : vector<16xi32>
      %mul3A_171 = arith.constant 16 : i32
      %mul3A_172 = arith.muli %add3A_162, %mul3A_171 : i32
      %swap3A = arith.index_cast %mul3A_172 : i32 to index
      %swap3A_173 = tpu.vector_load %arg17[%swap3A] {strides = array<i32>} : memref<640xi32, #tpu.memory_space<vmem>>, vector<16xi32>,
      tpu.vector_store %arg17[%swap3A], %max3A {strides = array<i32>} : memref<640xi32, #tpu.memory_space<vmem>>, vector<16xi32>,
    }
    %scan3A_43 = arith.constant 40 : i32
    %mul3A_44 = arith.constant 640 : i32
    %mul3A_45 = arith.muli %arg1, %mul3A_44 : i32
    %run_scoped3A_46 = arith.constant 2 : i32
    "tpu.region"() ({
      %run_scoped3A_158 = tpu.sem_alloc : memref<!tpu.dma_semaphore, #tpu.memory_space<semaphore_mem>>
      %dma_start3A = tpu.memref_slice %arg8[%run_scoped3A_46, %mul3A_45] : memref<16x10240xi32, #tpu.memory_space<vmem_shared>> -> memref<1x640xi32, #tpu.memory_space<vmem_shared>>
      %dma_start3A_159 = tpu.memref_squeeze %dma_start3A : memref<1x640xi32, #tpu.memory_space<vmem_shared>> -> memref<640xi32, #tpu.memory_space<vmem_shared>>
      %dma_start3A_160 = tpu.memref_slice %arg8[%run_scoped3A_46, %mul3A_45] : memref<16x10240xi32, #tpu.memory_space<vmem_shared>> -> memref<1x640xi32, #tpu.memory_space<vmem_shared>>
      %dma_start3A_161 = tpu.memref_squeeze %dma_start3A_160 : memref<1x640xi32, #tpu.memory_space<vmem_shared>> -> memref<640xi32, #tpu.memory_space<vmem_shared>>
      tpu.enqueue_dma source(%dma_start3A_161 : memref<640xi32, #tpu.memory_space<vmem_shared>>) target(%arg18 : memref<640xi32, #tpu.memory_space<vmem>>) target_semaphore(%run_scoped3A_158 : memref<!tpu.dma_semaphore, #tpu.memory_space<semaphore_mem>>)
      %dma_wait3A = tpu.memref_slice %arg8[%run_scoped3A_46, %mul3A_45] : memref<16x10240xi32, #tpu.memory_space<vmem_shared>> -> memref<1x640xi32, #tpu.memory_space<vmem_shared>>
      %dma_wait3A_162 = tpu.memref_squeeze %dma_wait3A : memref<1x640xi32, #tpu.memory_space<vmem_shared>> -> memref<640xi32, #tpu.memory_space<vmem_shared>>
      %dma_wait3A_163 = tpu.memref_slice %arg8[%run_scoped3A_46, %mul3A_45] : memref<16x10240xi32, #tpu.memory_space<vmem_shared>> -> memref<1x640xi32, #tpu.memory_space<vmem_shared>>
      %dma_wait3A_164 = tpu.memref_squeeze %dma_wait3A_163 : memref<1x640xi32, #tpu.memory_space<vmem_shared>> -> memref<640xi32, #tpu.memory_space<vmem_shared>>
      tpu.wait_dma2 semaphore(%run_scoped3A_158 : memref<!tpu.dma_semaphore, #tpu.memory_space<semaphore_mem>>) src(%dma_wait3A_164 : memref<640xi32, #tpu.memory_space<vmem_shared>>) dst(%arg18 : memref<640xi32, #tpu.memory_space<vmem>>)
      tpu.yield
    }) : () -> ()
    %scan3A_47 = arith.constant 0 : i32
    %scan3A_48 = arith.constant 40 : i32
    %scan3A_49 = arith.addi %scan3A_47, %scan3A_48 : i32
    %scan3A_50 = arith.constant 1 : i32
    scf.for %scan3A_158 = %scan3A_47 to %scan3A_49 step %scan3A_50  : i32 {
      %mul3A_159 = arith.constant 1 : i32
      %mul3A_160 = arith.muli %scan3A_158, %mul3A_159 : i32
      %add3A_161 = arith.constant 0 : i32
      %add3A_162 = arith.addi %add3A_161, %mul3A_160 : i32
      %mul3A_163 = arith.constant 16 : i32
      %mul3A_164 = arith.muli %add3A_162, %mul3A_163 : i32
      %get3A_165 = arith.index_cast %mul3A_164 : i32 to index
      %get3A_166 = tpu.vector_load %arg17[%get3A_165] {strides = array<i32>} : memref<640xi32, #tpu.memory_space<vmem>>, vector<16xi32>,
      %mul3A_167 = arith.constant 16 : i32
      %mul3A_168 = arith.muli %add3A_162, %mul3A_167 : i32
      %get3A_169 = arith.index_cast %mul3A_168 : i32 to index
      %get3A_170 = tpu.vector_load %arg18[%get3A_169] {strides = array<i32>} : memref<640xi32, #tpu.memory_space<vmem>>, vector<16xi32>,
      %max3A = arith.maxsi %get3A_166, %get3A_170 : vector<16xi32>
      %mul3A_171 = arith.constant 16 : i32
      %mul3A_172 = arith.muli %add3A_162, %mul3A_171 : i32
      %swap3A = arith.index_cast %mul3A_172 : i32 to index
      %swap3A_173 = tpu.vector_load %arg17[%swap3A] {strides = array<i32>} : memref<640xi32, #tpu.memory_space<vmem>>, vector<16xi32>,
      tpu.vector_store %arg17[%swap3A], %max3A {strides = array<i32>} : memref<640xi32, #tpu.memory_space<vmem>>, vector<16xi32>,
    }
    %scan3A_51 = arith.constant 40 : i32
    %mul3A_52 = arith.constant 640 : i32
    %mul3A_53 = arith.muli %arg1, %mul3A_52 : i32
    %run_scoped3A_54 = arith.constant 3 : i32
    "tpu.region"() ({
      %run_scoped3A_158 = tpu.sem_alloc : memref<!tpu.dma_semaphore, #tpu.memory_space<semaphore_mem>>
      %dma_start3A = tpu.memref_slice %arg8[%run_scoped3A_54, %mul3A_53] : memref<16x10240xi32, #tpu.memory_space<vmem_shared>> -> memref<1x640xi32, #tpu.memory_space<vmem_shared>>
      %dma_start3A_159 = tpu.memref_squeeze %dma_start3A : memref<1x640xi32, #tpu.memory_space<vmem_shared>> -> memref<640xi32, #tpu.memory_space<vmem_shared>>
      %dma_start3A_160 = tpu.memref_slice %arg8[%run_scoped3A_54, %mul3A_53] : memref<16x10240xi32, #tpu.memory_space<vmem_shared>> -> memref<1x640xi32, #tpu.memory_space<vmem_shared>>
      %dma_start3A_161 = tpu.memref_squeeze %dma_start3A_160 : memref<1x640xi32, #tpu.memory_space<vmem_shared>> -> memref<640xi32, #tpu.memory_space<vmem_shared>>
      tpu.enqueue_dma source(%dma_start3A_161 : memref<640xi32, #tpu.memory_space<vmem_shared>>) target(%arg18 : memref<640xi32, #tpu.memory_space<vmem>>) target_semaphore(%run_scoped3A_158 : memref<!tpu.dma_semaphore, #tpu.memory_space<semaphore_mem>>)
      %dma_wait3A = tpu.memref_slice %arg8[%run_scoped3A_54, %mul3A_53] : memref<16x10240xi32, #tpu.memory_space<vmem_shared>> -> memref<1x640xi32, #tpu.memory_space<vmem_shared>>
      %dma_wait3A_162 = tpu.memref_squeeze %dma_wait3A : memref<1x640xi32, #tpu.memory_space<vmem_shared>> -> memref<640xi32, #tpu.memory_space<vmem_shared>>
      %dma_wait3A_163 = tpu.memref_slice %arg8[%run_scoped3A_54, %mul3A_53] : memref<16x10240xi32, #tpu.memory_space<vmem_shared>> -> memref<1x640xi32, #tpu.memory_space<vmem_shared>>
      %dma_wait3A_164 = tpu.memref_squeeze %dma_wait3A_163 : memref<1x640xi32, #tpu.memory_space<vmem_shared>> -> memref<640xi32, #tpu.memory_space<vmem_shared>>
      tpu.wait_dma2 semaphore(%run_scoped3A_158 : memref<!tpu.dma_semaphore, #tpu.memory_space<semaphore_mem>>) src(%dma_wait3A_164 : memref<640xi32, #tpu.memory_space<vmem_shared>>) dst(%arg18 : memref<640xi32, #tpu.memory_space<vmem>>)
      tpu.yield
    }) : () -> ()
    %scan3A_55 = arith.constant 0 : i32
    %scan3A_56 = arith.constant 40 : i32
    %scan3A_57 = arith.addi %scan3A_55, %scan3A_56 : i32
    %scan3A_58 = arith.constant 1 : i32
    scf.for %scan3A_158 = %scan3A_55 to %scan3A_57 step %scan3A_58  : i32 {
      %mul3A_159 = arith.constant 1 : i32
      %mul3A_160 = arith.muli %scan3A_158, %mul3A_159 : i32
      %add3A_161 = arith.constant 0 : i32
      %add3A_162 = arith.addi %add3A_161, %mul3A_160 : i32
      %mul3A_163 = arith.constant 16 : i32
      %mul3A_164 = arith.muli %add3A_162, %mul3A_163 : i32
      %get3A_165 = arith.index_cast %mul3A_164 : i32 to index
      %get3A_166 = tpu.vector_load %arg17[%get3A_165] {strides = array<i32>} : memref<640xi32, #tpu.memory_space<vmem>>, vector<16xi32>,
      %mul3A_167 = arith.constant 16 : i32
      %mul3A_168 = arith.muli %add3A_162, %mul3A_167 : i32
      %get3A_169 = arith.index_cast %mul3A_168 : i32 to index
      %get3A_170 = tpu.vector_load %arg18[%get3A_169] {strides = array<i32>} : memref<640xi32, #tpu.memory_space<vmem>>, vector<16xi32>,
      %max3A = arith.maxsi %get3A_166, %get3A_170 : vector<16xi32>
      %mul3A_171 = arith.constant 16 : i32
      %mul3A_172 = arith.muli %add3A_162, %mul3A_171 : i32
      %swap3A = arith.index_cast %mul3A_172 : i32 to index
      %swap3A_173 = tpu.vector_load %arg17[%swap3A] {strides = array<i32>} : memref<640xi32, #tpu.memory_space<vmem>>, vector<16xi32>,
      tpu.vector_store %arg17[%swap3A], %max3A {strides = array<i32>} : memref<640xi32, #tpu.memory_space<vmem>>, vector<16xi32>,
    }
    %scan3A_59 = arith.constant 40 : i32
    %mul3A_60 = arith.constant 640 : i32
    %mul3A_61 = arith.muli %arg1, %mul3A_60 : i32
    %run_scoped3A_62 = arith.constant 4 : i32
    "tpu.region"() ({
      %run_scoped3A_158 = tpu.sem_alloc : memref<!tpu.dma_semaphore, #tpu.memory_space<semaphore_mem>>
      %dma_start3A = tpu.memref_slice %arg8[%run_scoped3A_62, %mul3A_61] : memref<16x10240xi32, #tpu.memory_space<vmem_shared>> -> memref<1x640xi32, #tpu.memory_space<vmem_shared>>
      %dma_start3A_159 = tpu.memref_squeeze %dma_start3A : memref<1x640xi32, #tpu.memory_space<vmem_shared>> -> memref<640xi32, #tpu.memory_space<vmem_shared>>
      %dma_start3A_160 = tpu.memref_slice %arg8[%run_scoped3A_62, %mul3A_61] : memref<16x10240xi32, #tpu.memory_space<vmem_shared>> -> memref<1x640xi32, #tpu.memory_space<vmem_shared>>
      %dma_start3A_161 = tpu.memref_squeeze %dma_start3A_160 : memref<1x640xi32, #tpu.memory_space<vmem_shared>> -> memref<640xi32, #tpu.memory_space<vmem_shared>>
      tpu.enqueue_dma source(%dma_start3A_161 : memref<640xi32, #tpu.memory_space<vmem_shared>>) target(%arg18 : memref<640xi32, #tpu.memory_space<vmem>>) target_semaphore(%run_scoped3A_158 : memref<!tpu.dma_semaphore, #tpu.memory_space<semaphore_mem>>)
      %dma_wait3A = tpu.memref_slice %arg8[%run_scoped3A_62, %mul3A_61] : memref<16x10240xi32, #tpu.memory_space<vmem_shared>> -> memref<1x640xi32, #tpu.memory_space<vmem_shared>>
      %dma_wait3A_162 = tpu.memref_squeeze %dma_wait3A : memref<1x640xi32, #tpu.memory_space<vmem_shared>> -> memref<640xi32, #tpu.memory_space<vmem_shared>>
      %dma_wait3A_163 = tpu.memref_slice %arg8[%run_scoped3A_62, %mul3A_61] : memref<16x10240xi32, #tpu.memory_space<vmem_shared>> -> memref<1x640xi32, #tpu.memory_space<vmem_shared>>
      %dma_wait3A_164 = tpu.memref_squeeze %dma_wait3A_163 : memref<1x640xi32, #tpu.memory_space<vmem_shared>> -> memref<640xi32, #tpu.memory_space<vmem_shared>>
      tpu.wait_dma2 semaphore(%run_scoped3A_158 : memref<!tpu.dma_semaphore, #tpu.memory_space<semaphore_mem>>) src(%dma_wait3A_164 : memref<640xi32, #tpu.memory_space<vmem_shared>>) dst(%arg18 : memref<640xi32, #tpu.memory_space<vmem>>)
      tpu.yield
    }) : () -> ()
    %scan3A_63 = arith.constant 0 : i32
    %scan3A_64 = arith.constant 40 : i32
    %scan3A_65 = arith.addi %scan3A_63, %scan3A_64 : i32
    %scan3A_66 = arith.constant 1 : i32
    scf.for %scan3A_158 = %scan3A_63 to %scan3A_65 step %scan3A_66  : i32 {
      %mul3A_159 = arith.constant 1 : i32
      %mul3A_160 = arith.muli %scan3A_158, %mul3A_159 : i32
      %add3A_161 = arith.constant 0 : i32
      %add3A_162 = arith.addi %add3A_161, %mul3A_160 : i32
      %mul3A_163 = arith.constant 16 : i32
      %mul3A_164 = arith.muli %add3A_162, %mul3A_163 : i32
      %get3A_165 = arith.index_cast %mul3A_164 : i32 to index
      %get3A_166 = tpu.vector_load %arg17[%get3A_165] {strides = array<i32>} : memref<640xi32, #tpu.memory_space<vmem>>, vector<16xi32>,
      %mul3A_167 = arith.constant 16 : i32
      %mul3A_168 = arith.muli %add3A_162, %mul3A_167 : i32
      %get3A_169 = arith.index_cast %mul3A_168 : i32 to index
      %get3A_170 = tpu.vector_load %arg18[%get3A_169] {strides = array<i32>} : memref<640xi32, #tpu.memory_space<vmem>>, vector<16xi32>,
      %max3A = arith.maxsi %get3A_166, %get3A_170 : vector<16xi32>
      %mul3A_171 = arith.constant 16 : i32
      %mul3A_172 = arith.muli %add3A_162, %mul3A_171 : i32
      %swap3A = arith.index_cast %mul3A_172 : i32 to index
      %swap3A_173 = tpu.vector_load %arg17[%swap3A] {strides = array<i32>} : memref<640xi32, #tpu.memory_space<vmem>>, vector<16xi32>,
      tpu.vector_store %arg17[%swap3A], %max3A {strides = array<i32>} : memref<640xi32, #tpu.memory_space<vmem>>, vector<16xi32>,
    }
    %scan3A_67 = arith.constant 40 : i32
    %mul3A_68 = arith.constant 640 : i32
    %mul3A_69 = arith.muli %arg1, %mul3A_68 : i32
    %run_scoped3A_70 = arith.constant 5 : i32
    "tpu.region"() ({
      %run_scoped3A_158 = tpu.sem_alloc : memref<!tpu.dma_semaphore, #tpu.memory_space<semaphore_mem>>
      %dma_start3A = tpu.memref_slice %arg8[%run_scoped3A_70, %mul3A_69] : memref<16x10240xi32, #tpu.memory_space<vmem_shared>> -> memref<1x640xi32, #tpu.memory_space<vmem_shared>>
      %dma_start3A_159 = tpu.memref_squeeze %dma_start3A : memref<1x640xi32, #tpu.memory_space<vmem_shared>> -> memref<640xi32, #tpu.memory_space<vmem_shared>>
      %dma_start3A_160 = tpu.memref_slice %arg8[%run_scoped3A_70, %mul3A_69] : memref<16x10240xi32, #tpu.memory_space<vmem_shared>> -> memref<1x640xi32, #tpu.memory_space<vmem_shared>>
      %dma_start3A_161 = tpu.memref_squeeze %dma_start3A_160 : memref<1x640xi32, #tpu.memory_space<vmem_shared>> -> memref<640xi32, #tpu.memory_space<vmem_shared>>
      tpu.enqueue_dma source(%dma_start3A_161 : memref<640xi32, #tpu.memory_space<vmem_shared>>) target(%arg18 : memref<640xi32, #tpu.memory_space<vmem>>) target_semaphore(%run_scoped3A_158 : memref<!tpu.dma_semaphore, #tpu.memory_space<semaphore_mem>>)
      %dma_wait3A = tpu.memref_slice %arg8[%run_scoped3A_70, %mul3A_69] : memref<16x10240xi32, #tpu.memory_space<vmem_shared>> -> memref<1x640xi32, #tpu.memory_space<vmem_shared>>
      %dma_wait3A_162 = tpu.memref_squeeze %dma_wait3A : memref<1x640xi32, #tpu.memory_space<vmem_shared>> -> memref<640xi32, #tpu.memory_space<vmem_shared>>
      %dma_wait3A_163 = tpu.memref_slice %arg8[%run_scoped3A_70, %mul3A_69] : memref<16x10240xi32, #tpu.memory_space<vmem_shared>> -> memref<1x640xi32, #tpu.memory_space<vmem_shared>>
      %dma_wait3A_164 = tpu.memref_squeeze %dma_wait3A_163 : memref<1x640xi32, #tpu.memory_space<vmem_shared>> -> memref<640xi32, #tpu.memory_space<vmem_shared>>
      tpu.wait_dma2 semaphore(%run_scoped3A_158 : memref<!tpu.dma_semaphore, #tpu.memory_space<semaphore_mem>>) src(%dma_wait3A_164 : memref<640xi32, #tpu.memory_space<vmem_shared>>) dst(%arg18 : memref<640xi32, #tpu.memory_space<vmem>>)
      tpu.yield
    }) : () -> ()
    %scan3A_71 = arith.constant 0 : i32
    %scan3A_72 = arith.constant 40 : i32
    %scan3A_73 = arith.addi %scan3A_71, %scan3A_72 : i32
    %scan3A_74 = arith.constant 1 : i32
    scf.for %scan3A_158 = %scan3A_71 to %scan3A_73 step %scan3A_74  : i32 {
      %mul3A_159 = arith.constant 1 : i32
      %mul3A_160 = arith.muli %scan3A_158, %mul3A_159 : i32
      %add3A_161 = arith.constant 0 : i32
      %add3A_162 = arith.addi %add3A_161, %mul3A_160 : i32
      %mul3A_163 = arith.constant 16 : i32
      %mul3A_164 = arith.muli %add3A_162, %mul3A_163 : i32
      %get3A_165 = arith.index_cast %mul3A_164 : i32 to index
      %get3A_166 = tpu.vector_load %arg17[%get3A_165] {strides = array<i32>} : memref<640xi32, #tpu.memory_space<vmem>>, vector<16xi32>,
      %mul3A_167 = arith.constant 16 : i32
      %mul3A_168 = arith.muli %add3A_162, %mul3A_167 : i32
      %get3A_169 = arith.index_cast %mul3A_168 : i32 to index
      %get3A_170 = tpu.vector_load %arg18[%get3A_169] {strides = array<i32>} : memref<640xi32, #tpu.memory_space<vmem>>, vector<16xi32>,
      %max3A = arith.maxsi %get3A_166, %get3A_170 : vector<16xi32>
      %mul3A_171 = arith.constant 16 : i32
      %mul3A_172 = arith.muli %add3A_162, %mul3A_171 : i32
      %swap3A = arith.index_cast %mul3A_172 : i32 to index
      %swap3A_173 = tpu.vector_load %arg17[%swap3A] {strides = array<i32>} : memref<640xi32, #tpu.memory_space<vmem>>, vector<16xi32>,
      tpu.vector_store %arg17[%swap3A], %max3A {strides = array<i32>} : memref<640xi32, #tpu.memory_space<vmem>>, vector<16xi32>,
    }
    %scan3A_75 = arith.constant 40 : i32
    %mul3A_76 = arith.constant 640 : i32
    %mul3A_77 = arith.muli %arg1, %mul3A_76 : i32
    %run_scoped3A_78 = arith.constant 6 : i32
    "tpu.region"() ({
      %run_scoped3A_158 = tpu.sem_alloc : memref<!tpu.dma_semaphore, #tpu.memory_space<semaphore_mem>>
      %dma_start3A = tpu.memref_slice %arg8[%run_scoped3A_78, %mul3A_77] : memref<16x10240xi32, #tpu.memory_space<vmem_shared>> -> memref<1x640xi32, #tpu.memory_space<vmem_shared>>
      %dma_start3A_159 = tpu.memref_squeeze %dma_start3A : memref<1x640xi32, #tpu.memory_space<vmem_shared>> -> memref<640xi32, #tpu.memory_space<vmem_shared>>
      %dma_start3A_160 = tpu.memref_slice %arg8[%run_scoped3A_78, %mul3A_77] : memref<16x10240xi32, #tpu.memory_space<vmem_shared>> -> memref<1x640xi32, #tpu.memory_space<vmem_shared>>
      %dma_start3A_161 = tpu.memref_squeeze %dma_start3A_160 : memref<1x640xi32, #tpu.memory_space<vmem_shared>> -> memref<640xi32, #tpu.memory_space<vmem_shared>>
      tpu.enqueue_dma source(%dma_start3A_161 : memref<640xi32, #tpu.memory_space<vmem_shared>>) target(%arg18 : memref<640xi32, #tpu.memory_space<vmem>>) target_semaphore(%run_scoped3A_158 : memref<!tpu.dma_semaphore, #tpu.memory_space<semaphore_mem>>)
      %dma_wait3A = tpu.memref_slice %arg8[%run_scoped3A_78, %mul3A_77] : memref<16x10240xi32, #tpu.memory_space<vmem_shared>> -> memref<1x640xi32, #tpu.memory_space<vmem_shared>>
      %dma_wait3A_162 = tpu.memref_squeeze %dma_wait3A : memref<1x640xi32, #tpu.memory_space<vmem_shared>> -> memref<640xi32, #tpu.memory_space<vmem_shared>>
      %dma_wait3A_163 = tpu.memref_slice %arg8[%run_scoped3A_78, %mul3A_77] : memref<16x10240xi32, #tpu.memory_space<vmem_shared>> -> memref<1x640xi32, #tpu.memory_space<vmem_shared>>
      %dma_wait3A_164 = tpu.memref_squeeze %dma_wait3A_163 : memref<1x640xi32, #tpu.memory_space<vmem_shared>> -> memref<640xi32, #tpu.memory_space<vmem_shared>>
      tpu.wait_dma2 semaphore(%run_scoped3A_158 : memref<!tpu.dma_semaphore, #tpu.memory_space<semaphore_mem>>) src(%dma_wait3A_164 : memref<640xi32, #tpu.memory_space<vmem_shared>>) dst(%arg18 : memref<640xi32, #tpu.memory_space<vmem>>)
      tpu.yield
    }) : () -> ()
    %scan3A_79 = arith.constant 0 : i32
    %scan3A_80 = arith.constant 40 : i32
    %scan3A_81 = arith.addi %scan3A_79, %scan3A_80 : i32
    %scan3A_82 = arith.constant 1 : i32
    scf.for %scan3A_158 = %scan3A_79 to %scan3A_81 step %scan3A_82  : i32 {
      %mul3A_159 = arith.constant 1 : i32
      %mul3A_160 = arith.muli %scan3A_158, %mul3A_159 : i32
      %add3A_161 = arith.constant 0 : i32
      %add3A_162 = arith.addi %add3A_161, %mul3A_160 : i32
      %mul3A_163 = arith.constant 16 : i32
      %mul3A_164 = arith.muli %add3A_162, %mul3A_163 : i32
      %get3A_165 = arith.index_cast %mul3A_164 : i32 to index
      %get3A_166 = tpu.vector_load %arg17[%get3A_165] {strides = array<i32>} : memref<640xi32, #tpu.memory_space<vmem>>, vector<16xi32>,
      %mul3A_167 = arith.constant 16 : i32
      %mul3A_168 = arith.muli %add3A_162, %mul3A_167 : i32
      %get3A_169 = arith.index_cast %mul3A_168 : i32 to index
      %get3A_170 = tpu.vector_load %arg18[%get3A_169] {strides = array<i32>} : memref<640xi32, #tpu.memory_space<vmem>>, vector<16xi32>,
      %max3A = arith.maxsi %get3A_166, %get3A_170 : vector<16xi32>
      %mul3A_171 = arith.constant 16 : i32
      %mul3A_172 = arith.muli %add3A_162, %mul3A_171 : i32
      %swap3A = arith.index_cast %mul3A_172 : i32 to index
      %swap3A_173 = tpu.vector_load %arg17[%swap3A] {strides = array<i32>} : memref<640xi32, #tpu.memory_space<vmem>>, vector<16xi32>,
      tpu.vector_store %arg17[%swap3A], %max3A {strides = array<i32>} : memref<640xi32, #tpu.memory_space<vmem>>, vector<16xi32>,
    }
    %scan3A_83 = arith.constant 40 : i32
    %mul3A_84 = arith.constant 640 : i32
    %mul3A_85 = arith.muli %arg1, %mul3A_84 : i32
    %run_scoped3A_86 = arith.constant 7 : i32
    "tpu.region"() ({
      %run_scoped3A_158 = tpu.sem_alloc : memref<!tpu.dma_semaphore, #tpu.memory_space<semaphore_mem>>
      %dma_start3A = tpu.memref_slice %arg8[%run_scoped3A_86, %mul3A_85] : memref<16x10240xi32, #tpu.memory_space<vmem_shared>> -> memref<1x640xi32, #tpu.memory_space<vmem_shared>>
      %dma_start3A_159 = tpu.memref_squeeze %dma_start3A : memref<1x640xi32, #tpu.memory_space<vmem_shared>> -> memref<640xi32, #tpu.memory_space<vmem_shared>>
      %dma_start3A_160 = tpu.memref_slice %arg8[%run_scoped3A_86, %mul3A_85] : memref<16x10240xi32, #tpu.memory_space<vmem_shared>> -> memref<1x640xi32, #tpu.memory_space<vmem_shared>>
      %dma_start3A_161 = tpu.memref_squeeze %dma_start3A_160 : memref<1x640xi32, #tpu.memory_space<vmem_shared>> -> memref<640xi32, #tpu.memory_space<vmem_shared>>
      tpu.enqueue_dma source(%dma_start3A_161 : memref<640xi32, #tpu.memory_space<vmem_shared>>) target(%arg18 : memref<640xi32, #tpu.memory_space<vmem>>) target_semaphore(%run_scoped3A_158 : memref<!tpu.dma_semaphore, #tpu.memory_space<semaphore_mem>>)
      %dma_wait3A = tpu.memref_slice %arg8[%run_scoped3A_86, %mul3A_85] : memref<16x10240xi32, #tpu.memory_space<vmem_shared>> -> memref<1x640xi32, #tpu.memory_space<vmem_shared>>
      %dma_wait3A_162 = tpu.memref_squeeze %dma_wait3A : memref<1x640xi32, #tpu.memory_space<vmem_shared>> -> memref<640xi32, #tpu.memory_space<vmem_shared>>
      %dma_wait3A_163 = tpu.memref_slice %arg8[%run_scoped3A_86, %mul3A_85] : memref<16x10240xi32, #tpu.memory_space<vmem_shared>> -> memref<1x640xi32, #tpu.memory_space<vmem_shared>>
      %dma_wait3A_164 = tpu.memref_squeeze %dma_wait3A_163 : memref<1x640xi32, #tpu.memory_space<vmem_shared>> -> memref<640xi32, #tpu.memory_space<vmem_shared>>
      tpu.wait_dma2 semaphore(%run_scoped3A_158 : memref<!tpu.dma_semaphore, #tpu.memory_space<semaphore_mem>>) src(%dma_wait3A_164 : memref<640xi32, #tpu.memory_space<vmem_shared>>) dst(%arg18 : memref<640xi32, #tpu.memory_space<vmem>>)
      tpu.yield
    }) : () -> ()
    %scan3A_87 = arith.constant 0 : i32
    %scan3A_88 = arith.constant 40 : i32
    %scan3A_89 = arith.addi %scan3A_87, %scan3A_88 : i32
    %scan3A_90 = arith.constant 1 : i32
    scf.for %scan3A_158 = %scan3A_87 to %scan3A_89 step %scan3A_90  : i32 {
      %mul3A_159 = arith.constant 1 : i32
      %mul3A_160 = arith.muli %scan3A_158, %mul3A_159 : i32
      %add3A_161 = arith.constant 0 : i32
      %add3A_162 = arith.addi %add3A_161, %mul3A_160 : i32
      %mul3A_163 = arith.constant 16 : i32
      %mul3A_164 = arith.muli %add3A_162, %mul3A_163 : i32
      %get3A_165 = arith.index_cast %mul3A_164 : i32 to index
      %get3A_166 = tpu.vector_load %arg17[%get3A_165] {strides = array<i32>} : memref<640xi32, #tpu.memory_space<vmem>>, vector<16xi32>,
      %mul3A_167 = arith.constant 16 : i32
      %mul3A_168 = arith.muli %add3A_162, %mul3A_167 : i32
      %get3A_169 = arith.index_cast %mul3A_168 : i32 to index
      %get3A_170 = tpu.vector_load %arg18[%get3A_169] {strides = array<i32>} : memref<640xi32, #tpu.memory_space<vmem>>, vector<16xi32>,
      %max3A = arith.maxsi %get3A_166, %get3A_170 : vector<16xi32>
      %mul3A_171 = arith.constant 16 : i32
      %mul3A_172 = arith.muli %add3A_162, %mul3A_171 : i32
      %swap3A = arith.index_cast %mul3A_172 : i32 to index
      %swap3A_173 = tpu.vector_load %arg17[%swap3A] {strides = array<i32>} : memref<640xi32, #tpu.memory_space<vmem>>, vector<16xi32>,
      tpu.vector_store %arg17[%swap3A], %max3A {strides = array<i32>} : memref<640xi32, #tpu.memory_space<vmem>>, vector<16xi32>,
    }
    %scan3A_91 = arith.constant 40 : i32
    %mul3A_92 = arith.constant 640 : i32
    %mul3A_93 = arith.muli %arg1, %mul3A_92 : i32
    %run_scoped3A_94 = arith.constant 8 : i32
    "tpu.region"() ({
      %run_scoped3A_158 = tpu.sem_alloc : memref<!tpu.dma_semaphore, #tpu.memory_space<semaphore_mem>>
      %dma_start3A = tpu.memref_slice %arg8[%run_scoped3A_94, %mul3A_93] : memref<16x10240xi32, #tpu.memory_space<vmem_shared>> -> memref<1x640xi32, #tpu.memory_space<vmem_shared>>
      %dma_start3A_159 = tpu.memref_squeeze %dma_start3A : memref<1x640xi32, #tpu.memory_space<vmem_shared>> -> memref<640xi32, #tpu.memory_space<vmem_shared>>
      %dma_start3A_160 = tpu.memref_slice %arg8[%run_scoped3A_94, %mul3A_93] : memref<16x10240xi32, #tpu.memory_space<vmem_shared>> -> memref<1x640xi32, #tpu.memory_space<vmem_shared>>
      %dma_start3A_161 = tpu.memref_squeeze %dma_start3A_160 : memref<1x640xi32, #tpu.memory_space<vmem_shared>> -> memref<640xi32, #tpu.memory_space<vmem_shared>>
      tpu.enqueue_dma source(%dma_start3A_161 : memref<640xi32, #tpu.memory_space<vmem_shared>>) target(%arg18 : memref<640xi32, #tpu.memory_space<vmem>>) target_semaphore(%run_scoped3A_158 : memref<!tpu.dma_semaphore, #tpu.memory_space<semaphore_mem>>)
      %dma_wait3A = tpu.memref_slice %arg8[%run_scoped3A_94, %mul3A_93] : memref<16x10240xi32, #tpu.memory_space<vmem_shared>> -> memref<1x640xi32, #tpu.memory_space<vmem_shared>>
      %dma_wait3A_162 = tpu.memref_squeeze %dma_wait3A : memref<1x640xi32, #tpu.memory_space<vmem_shared>> -> memref<640xi32, #tpu.memory_space<vmem_shared>>
      %dma_wait3A_163 = tpu.memref_slice %arg8[%run_scoped3A_94, %mul3A_93] : memref<16x10240xi32, #tpu.memory_space<vmem_shared>> -> memref<1x640xi32, #tpu.memory_space<vmem_shared>>
      %dma_wait3A_164 = tpu.memref_squeeze %dma_wait3A_163 : memref<1x640xi32, #tpu.memory_space<vmem_shared>> -> memref<640xi32, #tpu.memory_space<vmem_shared>>
      tpu.wait_dma2 semaphore(%run_scoped3A_158 : memref<!tpu.dma_semaphore, #tpu.memory_space<semaphore_mem>>) src(%dma_wait3A_164 : memref<640xi32, #tpu.memory_space<vmem_shared>>) dst(%arg18 : memref<640xi32, #tpu.memory_space<vmem>>)
      tpu.yield
    }) : () -> ()
    %scan3A_95 = arith.constant 0 : i32
    %scan3A_96 = arith.constant 40 : i32
    %scan3A_97 = arith.addi %scan3A_95, %scan3A_96 : i32
    %scan3A_98 = arith.constant 1 : i32
    scf.for %scan3A_158 = %scan3A_95 to %scan3A_97 step %scan3A_98  : i32 {
      %mul3A_159 = arith.constant 1 : i32
      %mul3A_160 = arith.muli %scan3A_158, %mul3A_159 : i32
      %add3A_161 = arith.constant 0 : i32
      %add3A_162 = arith.addi %add3A_161, %mul3A_160 : i32
      %mul3A_163 = arith.constant 16 : i32
      %mul3A_164 = arith.muli %add3A_162, %mul3A_163 : i32
      %get3A_165 = arith.index_cast %mul3A_164 : i32 to index
      %get3A_166 = tpu.vector_load %arg17[%get3A_165] {strides = array<i32>} : memref<640xi32, #tpu.memory_space<vmem>>, vector<16xi32>,
      %mul3A_167 = arith.constant 16 : i32
      %mul3A_168 = arith.muli %add3A_162, %mul3A_167 : i32
      %get3A_169 = arith.index_cast %mul3A_168 : i32 to index
      %get3A_170 = tpu.vector_load %arg18[%get3A_169] {strides = array<i32>} : memref<640xi32, #tpu.memory_space<vmem>>, vector<16xi32>,
      %max3A = arith.maxsi %get3A_166, %get3A_170 : vector<16xi32>
      %mul3A_171 = arith.constant 16 : i32
      %mul3A_172 = arith.muli %add3A_162, %mul3A_171 : i32
      %swap3A = arith.index_cast %mul3A_172 : i32 to index
      %swap3A_173 = tpu.vector_load %arg17[%swap3A] {strides = array<i32>} : memref<640xi32, #tpu.memory_space<vmem>>, vector<16xi32>,
      tpu.vector_store %arg17[%swap3A], %max3A {strides = array<i32>} : memref<640xi32, #tpu.memory_space<vmem>>, vector<16xi32>,
    }
    %scan3A_99 = arith.constant 40 : i32
    %mul3A_100 = arith.constant 640 : i32
    %mul3A_101 = arith.muli %arg1, %mul3A_100 : i32
    %run_scoped3A_102 = arith.constant 9 : i32
    "tpu.region"() ({
      %run_scoped3A_158 = tpu.sem_alloc : memref<!tpu.dma_semaphore, #tpu.memory_space<semaphore_mem>>
      %dma_start3A = tpu.memref_slice %arg8[%run_scoped3A_102, %mul3A_101] : memref<16x10240xi32, #tpu.memory_space<vmem_shared>> -> memref<1x640xi32, #tpu.memory_space<vmem_shared>>
      %dma_start3A_159 = tpu.memref_squeeze %dma_start3A : memref<1x640xi32, #tpu.memory_space<vmem_shared>> -> memref<640xi32, #tpu.memory_space<vmem_shared>>
      %dma_start3A_160 = tpu.memref_slice %arg8[%run_scoped3A_102, %mul3A_101] : memref<16x10240xi32, #tpu.memory_space<vmem_shared>> -> memref<1x640xi32, #tpu.memory_space<vmem_shared>>
      %dma_start3A_161 = tpu.memref_squeeze %dma_start3A_160 : memref<1x640xi32, #tpu.memory_space<vmem_shared>> -> memref<640xi32, #tpu.memory_space<vmem_shared>>
      tpu.enqueue_dma source(%dma_start3A_161 : memref<640xi32, #tpu.memory_space<vmem_shared>>) target(%arg18 : memref<640xi32, #tpu.memory_space<vmem>>) target_semaphore(%run_scoped3A_158 : memref<!tpu.dma_semaphore, #tpu.memory_space<semaphore_mem>>)
      %dma_wait3A = tpu.memref_slice %arg8[%run_scoped3A_102, %mul3A_101] : memref<16x10240xi32, #tpu.memory_space<vmem_shared>> -> memref<1x640xi32, #tpu.memory_space<vmem_shared>>
      %dma_wait3A_162 = tpu.memref_squeeze %dma_wait3A : memref<1x640xi32, #tpu.memory_space<vmem_shared>> -> memref<640xi32, #tpu.memory_space<vmem_shared>>
      %dma_wait3A_163 = tpu.memref_slice %arg8[%run_scoped3A_102, %mul3A_101] : memref<16x10240xi32, #tpu.memory_space<vmem_shared>> -> memref<1x640xi32, #tpu.memory_space<vmem_shared>>
      %dma_wait3A_164 = tpu.memref_squeeze %dma_wait3A_163 : memref<1x640xi32, #tpu.memory_space<vmem_shared>> -> memref<640xi32, #tpu.memory_space<vmem_shared>>
      tpu.wait_dma2 semaphore(%run_scoped3A_158 : memref<!tpu.dma_semaphore, #tpu.memory_space<semaphore_mem>>) src(%dma_wait3A_164 : memref<640xi32, #tpu.memory_space<vmem_shared>>) dst(%arg18 : memref<640xi32, #tpu.memory_space<vmem>>)
      tpu.yield
    }) : () -> ()
    %scan3A_103 = arith.constant 0 : i32
    %scan3A_104 = arith.constant 40 : i32
    %scan3A_105 = arith.addi %scan3A_103, %scan3A_104 : i32
    %scan3A_106 = arith.constant 1 : i32
    scf.for %scan3A_158 = %scan3A_103 to %scan3A_105 step %scan3A_106  : i32 {
      %mul3A_159 = arith.constant 1 : i32
      %mul3A_160 = arith.muli %scan3A_158, %mul3A_159 : i32
      %add3A_161 = arith.constant 0 : i32
      %add3A_162 = arith.addi %add3A_161, %mul3A_160 : i32
      %mul3A_163 = arith.constant 16 : i32
      %mul3A_164 = arith.muli %add3A_162, %mul3A_163 : i32
      %get3A_165 = arith.index_cast %mul3A_164 : i32 to index
      %get3A_166 = tpu.vector_load %arg17[%get3A_165] {strides = array<i32>} : memref<640xi32, #tpu.memory_space<vmem>>, vector<16xi32>,
      %mul3A_167 = arith.constant 16 : i32
      %mul3A_168 = arith.muli %add3A_162, %mul3A_167 : i32
      %get3A_169 = arith.index_cast %mul3A_168 : i32 to index
      %get3A_170 = tpu.vector_load %arg18[%get3A_169] {strides = array<i32>} : memref<640xi32, #tpu.memory_space<vmem>>, vector<16xi32>,
      %max3A = arith.maxsi %get3A_166, %get3A_170 : vector<16xi32>
      %mul3A_171 = arith.constant 16 : i32
      %mul3A_172 = arith.muli %add3A_162, %mul3A_171 : i32
      %swap3A = arith.index_cast %mul3A_172 : i32 to index
      %swap3A_173 = tpu.vector_load %arg17[%swap3A] {strides = array<i32>} : memref<640xi32, #tpu.memory_space<vmem>>, vector<16xi32>,
      tpu.vector_store %arg17[%swap3A], %max3A {strides = array<i32>} : memref<640xi32, #tpu.memory_space<vmem>>, vector<16xi32>,
    }
    %scan3A_107 = arith.constant 40 : i32
    %mul3A_108 = arith.constant 640 : i32
    %mul3A_109 = arith.muli %arg1, %mul3A_108 : i32
    %run_scoped3A_110 = arith.constant 10 : i32
    "tpu.region"() ({
      %run_scoped3A_158 = tpu.sem_alloc : memref<!tpu.dma_semaphore, #tpu.memory_space<semaphore_mem>>
      %dma_start3A = tpu.memref_slice %arg8[%run_scoped3A_110, %mul3A_109] : memref<16x10240xi32, #tpu.memory_space<vmem_shared>> -> memref<1x640xi32, #tpu.memory_space<vmem_shared>>
      %dma_start3A_159 = tpu.memref_squeeze %dma_start3A : memref<1x640xi32, #tpu.memory_space<vmem_shared>> -> memref<640xi32, #tpu.memory_space<vmem_shared>>
      %dma_start3A_160 = tpu.memref_slice %arg8[%run_scoped3A_110, %mul3A_109] : memref<16x10240xi32, #tpu.memory_space<vmem_shared>> -> memref<1x640xi32, #tpu.memory_space<vmem_shared>>
      %dma_start3A_161 = tpu.memref_squeeze %dma_start3A_160 : memref<1x640xi32, #tpu.memory_space<vmem_shared>> -> memref<640xi32, #tpu.memory_space<vmem_shared>>
      tpu.enqueue_dma source(%dma_start3A_161 : memref<640xi32, #tpu.memory_space<vmem_shared>>) target(%arg18 : memref<640xi32, #tpu.memory_space<vmem>>) target_semaphore(%run_scoped3A_158 : memref<!tpu.dma_semaphore, #tpu.memory_space<semaphore_mem>>)
      %dma_wait3A = tpu.memref_slice %arg8[%run_scoped3A_110, %mul3A_109] : memref<16x10240xi32, #tpu.memory_space<vmem_shared>> -> memref<1x640xi32, #tpu.memory_space<vmem_shared>>
      %dma_wait3A_162 = tpu.memref_squeeze %dma_wait3A : memref<1x640xi32, #tpu.memory_space<vmem_shared>> -> memref<640xi32, #tpu.memory_space<vmem_shared>>
      %dma_wait3A_163 = tpu.memref_slice %arg8[%run_scoped3A_110, %mul3A_109] : memref<16x10240xi32, #tpu.memory_space<vmem_shared>> -> memref<1x640xi32, #tpu.memory_space<vmem_shared>>
      %dma_wait3A_164 = tpu.memref_squeeze %dma_wait3A_163 : memref<1x640xi32, #tpu.memory_space<vmem_shared>> -> memref<640xi32, #tpu.memory_space<vmem_shared>>
      tpu.wait_dma2 semaphore(%run_scoped3A_158 : memref<!tpu.dma_semaphore, #tpu.memory_space<semaphore_mem>>) src(%dma_wait3A_164 : memref<640xi32, #tpu.memory_space<vmem_shared>>) dst(%arg18 : memref<640xi32, #tpu.memory_space<vmem>>)
      tpu.yield
    }) : () -> ()
    %scan3A_111 = arith.constant 0 : i32
    %scan3A_112 = arith.constant 40 : i32
    %scan3A_113 = arith.addi %scan3A_111, %scan3A_112 : i32
    %scan3A_114 = arith.constant 1 : i32
    scf.for %scan3A_158 = %scan3A_111 to %scan3A_113 step %scan3A_114  : i32 {
      %mul3A_159 = arith.constant 1 : i32
      %mul3A_160 = arith.muli %scan3A_158, %mul3A_159 : i32
      %add3A_161 = arith.constant 0 : i32
      %add3A_162 = arith.addi %add3A_161, %mul3A_160 : i32
      %mul3A_163 = arith.constant 16 : i32
      %mul3A_164 = arith.muli %add3A_162, %mul3A_163 : i32
      %get3A_165 = arith.index_cast %mul3A_164 : i32 to index
      %get3A_166 = tpu.vector_load %arg17[%get3A_165] {strides = array<i32>} : memref<640xi32, #tpu.memory_space<vmem>>, vector<16xi32>,
      %mul3A_167 = arith.constant 16 : i32
      %mul3A_168 = arith.muli %add3A_162, %mul3A_167 : i32
      %get3A_169 = arith.index_cast %mul3A_168 : i32 to index
      %get3A_170 = tpu.vector_load %arg18[%get3A_169] {strides = array<i32>} : memref<640xi32, #tpu.memory_space<vmem>>, vector<16xi32>,
      %max3A = arith.maxsi %get3A_166, %get3A_170 : vector<16xi32>
      %mul3A_171 = arith.constant 16 : i32
      %mul3A_172 = arith.muli %add3A_162, %mul3A_171 : i32
      %swap3A = arith.index_cast %mul3A_172 : i32 to index
      %swap3A_173 = tpu.vector_load %arg17[%swap3A] {strides = array<i32>} : memref<640xi32, #tpu.memory_space<vmem>>, vector<16xi32>,
      tpu.vector_store %arg17[%swap3A], %max3A {strides = array<i32>} : memref<640xi32, #tpu.memory_space<vmem>>, vector<16xi32>,
    }
    %scan3A_115 = arith.constant 40 : i32
    %mul3A_116 = arith.constant 640 : i32
    %mul3A_117 = arith.muli %arg1, %mul3A_116 : i32
    %run_scoped3A_118 = arith.constant 11 : i32
    "tpu.region"() ({
      %run_scoped3A_158 = tpu.sem_alloc : memref<!tpu.dma_semaphore, #tpu.memory_space<semaphore_mem>>
      %dma_start3A = tpu.memref_slice %arg8[%run_scoped3A_118, %mul3A_117] : memref<16x10240xi32, #tpu.memory_space<vmem_shared>> -> memref<1x640xi32, #tpu.memory_space<vmem_shared>>
      %dma_start3A_159 = tpu.memref_squeeze %dma_start3A : memref<1x640xi32, #tpu.memory_space<vmem_shared>> -> memref<640xi32, #tpu.memory_space<vmem_shared>>
      %dma_start3A_160 = tpu.memref_slice %arg8[%run_scoped3A_118, %mul3A_117] : memref<16x10240xi32, #tpu.memory_space<vmem_shared>> -> memref<1x640xi32, #tpu.memory_space<vmem_shared>>
      %dma_start3A_161 = tpu.memref_squeeze %dma_start3A_160 : memref<1x640xi32, #tpu.memory_space<vmem_shared>> -> memref<640xi32, #tpu.memory_space<vmem_shared>>
      tpu.enqueue_dma source(%dma_start3A_161 : memref<640xi32, #tpu.memory_space<vmem_shared>>) target(%arg18 : memref<640xi32, #tpu.memory_space<vmem>>) target_semaphore(%run_scoped3A_158 : memref<!tpu.dma_semaphore, #tpu.memory_space<semaphore_mem>>)
      %dma_wait3A = tpu.memref_slice %arg8[%run_scoped3A_118, %mul3A_117] : memref<16x10240xi32, #tpu.memory_space<vmem_shared>> -> memref<1x640xi32, #tpu.memory_space<vmem_shared>>
      %dma_wait3A_162 = tpu.memref_squeeze %dma_wait3A : memref<1x640xi32, #tpu.memory_space<vmem_shared>> -> memref<640xi32, #tpu.memory_space<vmem_shared>>
      %dma_wait3A_163 = tpu.memref_slice %arg8[%run_scoped3A_118, %mul3A_117] : memref<16x10240xi32, #tpu.memory_space<vmem_shared>> -> memref<1x640xi32, #tpu.memory_space<vmem_shared>>
      %dma_wait3A_164 = tpu.memref_squeeze %dma_wait3A_163 : memref<1x640xi32, #tpu.memory_space<vmem_shared>> -> memref<640xi32, #tpu.memory_space<vmem_shared>>
      tpu.wait_dma2 semaphore(%run_scoped3A_158 : memref<!tpu.dma_semaphore, #tpu.memory_space<semaphore_mem>>) src(%dma_wait3A_164 : memref<640xi32, #tpu.memory_space<vmem_shared>>) dst(%arg18 : memref<640xi32, #tpu.memory_space<vmem>>)
      tpu.yield
    }) : () -> ()
    %scan3A_119 = arith.constant 0 : i32
    %scan3A_120 = arith.constant 40 : i32
    %scan3A_121 = arith.addi %scan3A_119, %scan3A_120 : i32
    %scan3A_122 = arith.constant 1 : i32
    scf.for %scan3A_158 = %scan3A_119 to %scan3A_121 step %scan3A_122  : i32 {
      %mul3A_159 = arith.constant 1 : i32
      %mul3A_160 = arith.muli %scan3A_158, %mul3A_159 : i32
      %add3A_161 = arith.constant 0 : i32
      %add3A_162 = arith.addi %add3A_161, %mul3A_160 : i32
      %mul3A_163 = arith.constant 16 : i32
      %mul3A_164 = arith.muli %add3A_162, %mul3A_163 : i32
      %get3A_165 = arith.index_cast %mul3A_164 : i32 to index
      %get3A_166 = tpu.vector_load %arg17[%get3A_165] {strides = array<i32>} : memref<640xi32, #tpu.memory_space<vmem>>, vector<16xi32>,
      %mul3A_167 = arith.constant 16 : i32
      %mul3A_168 = arith.muli %add3A_162, %mul3A_167 : i32
      %get3A_169 = arith.index_cast %mul3A_168 : i32 to index
      %get3A_170 = tpu.vector_load %arg18[%get3A_169] {strides = array<i32>} : memref<640xi32, #tpu.memory_space<vmem>>, vector<16xi32>,
      %max3A = arith.maxsi %get3A_166, %get3A_170 : vector<16xi32>
      %mul3A_171 = arith.constant 16 : i32
      %mul3A_172 = arith.muli %add3A_162, %mul3A_171 : i32
      %swap3A = arith.index_cast %mul3A_172 : i32 to index
      %swap3A_173 = tpu.vector_load %arg17[%swap3A] {strides = array<i32>} : memref<640xi32, #tpu.memory_space<vmem>>, vector<16xi32>,
      tpu.vector_store %arg17[%swap3A], %max3A {strides = array<i32>} : memref<640xi32, #tpu.memory_space<vmem>>, vector<16xi32>,
    }
    %scan3A_123 = arith.constant 40 : i32
    %mul3A_124 = arith.constant 640 : i32
    %mul3A_125 = arith.muli %arg1, %mul3A_124 : i32
    %run_scoped3A_126 = arith.constant 12 : i32
    "tpu.region"() ({
      %run_scoped3A_158 = tpu.sem_alloc : memref<!tpu.dma_semaphore, #tpu.memory_space<semaphore_mem>>
      %dma_start3A = tpu.memref_slice %arg8[%run_scoped3A_126, %mul3A_125] : memref<16x10240xi32, #tpu.memory_space<vmem_shared>> -> memref<1x640xi32, #tpu.memory_space<vmem_shared>>
      %dma_start3A_159 = tpu.memref_squeeze %dma_start3A : memref<1x640xi32, #tpu.memory_space<vmem_shared>> -> memref<640xi32, #tpu.memory_space<vmem_shared>>
      %dma_start3A_160 = tpu.memref_slice %arg8[%run_scoped3A_126, %mul3A_125] : memref<16x10240xi32, #tpu.memory_space<vmem_shared>> -> memref<1x640xi32, #tpu.memory_space<vmem_shared>>
      %dma_start3A_161 = tpu.memref_squeeze %dma_start3A_160 : memref<1x640xi32, #tpu.memory_space<vmem_shared>> -> memref<640xi32, #tpu.memory_space<vmem_shared>>
      tpu.enqueue_dma source(%dma_start3A_161 : memref<640xi32, #tpu.memory_space<vmem_shared>>) target(%arg18 : memref<640xi32, #tpu.memory_space<vmem>>) target_semaphore(%run_scoped3A_158 : memref<!tpu.dma_semaphore, #tpu.memory_space<semaphore_mem>>)
      %dma_wait3A = tpu.memref_slice %arg8[%run_scoped3A_126, %mul3A_125] : memref<16x10240xi32, #tpu.memory_space<vmem_shared>> -> memref<1x640xi32, #tpu.memory_space<vmem_shared>>
      %dma_wait3A_162 = tpu.memref_squeeze %dma_wait3A : memref<1x640xi32, #tpu.memory_space<vmem_shared>> -> memref<640xi32, #tpu.memory_space<vmem_shared>>
      %dma_wait3A_163 = tpu.memref_slice %arg8[%run_scoped3A_126, %mul3A_125] : memref<16x10240xi32, #tpu.memory_space<vmem_shared>> -> memref<1x640xi32, #tpu.memory_space<vmem_shared>>
      %dma_wait3A_164 = tpu.memref_squeeze %dma_wait3A_163 : memref<1x640xi32, #tpu.memory_space<vmem_shared>> -> memref<640xi32, #tpu.memory_space<vmem_shared>>
      tpu.wait_dma2 semaphore(%run_scoped3A_158 : memref<!tpu.dma_semaphore, #tpu.memory_space<semaphore_mem>>) src(%dma_wait3A_164 : memref<640xi32, #tpu.memory_space<vmem_shared>>) dst(%arg18 : memref<640xi32, #tpu.memory_space<vmem>>)
      tpu.yield
    }) : () -> ()
    %scan3A_127 = arith.constant 0 : i32
    %scan3A_128 = arith.constant 40 : i32
    %scan3A_129 = arith.addi %scan3A_127, %scan3A_128 : i32
    %scan3A_130 = arith.constant 1 : i32
    scf.for %scan3A_158 = %scan3A_127 to %scan3A_129 step %scan3A_130  : i32 {
      %mul3A_159 = arith.constant 1 : i32
      %mul3A_160 = arith.muli %scan3A_158, %mul3A_159 : i32
      %add3A_161 = arith.constant 0 : i32
      %add3A_162 = arith.addi %add3A_161, %mul3A_160 : i32
      %mul3A_163 = arith.constant 16 : i32
      %mul3A_164 = arith.muli %add3A_162, %mul3A_163 : i32
      %get3A_165 = arith.index_cast %mul3A_164 : i32 to index
      %get3A_166 = tpu.vector_load %arg17[%get3A_165] {strides = array<i32>} : memref<640xi32, #tpu.memory_space<vmem>>, vector<16xi32>,
      %mul3A_167 = arith.constant 16 : i32
      %mul3A_168 = arith.muli %add3A_162, %mul3A_167 : i32
      %get3A_169 = arith.index_cast %mul3A_168 : i32 to index
      %get3A_170 = tpu.vector_load %arg18[%get3A_169] {strides = array<i32>} : memref<640xi32, #tpu.memory_space<vmem>>, vector<16xi32>,
      %max3A = arith.maxsi %get3A_166, %get3A_170 : vector<16xi32>
      %mul3A_171 = arith.constant 16 : i32
      %mul3A_172 = arith.muli %add3A_162, %mul3A_171 : i32
      %swap3A = arith.index_cast %mul3A_172 : i32 to index
      %swap3A_173 = tpu.vector_load %arg17[%swap3A] {strides = array<i32>} : memref<640xi32, #tpu.memory_space<vmem>>, vector<16xi32>,
      tpu.vector_store %arg17[%swap3A], %max3A {strides = array<i32>} : memref<640xi32, #tpu.memory_space<vmem>>, vector<16xi32>,
    }
    %scan3A_131 = arith.constant 40 : i32
    %mul3A_132 = arith.constant 640 : i32
    %mul3A_133 = arith.muli %arg1, %mul3A_132 : i32
    %run_scoped3A_134 = arith.constant 13 : i32
    "tpu.region"() ({
      %run_scoped3A_158 = tpu.sem_alloc : memref<!tpu.dma_semaphore, #tpu.memory_space<semaphore_mem>>
      %dma_start3A = tpu.memref_slice %arg8[%run_scoped3A_134, %mul3A_133] : memref<16x10240xi32, #tpu.memory_space<vmem_shared>> -> memref<1x640xi32, #tpu.memory_space<vmem_shared>>
      %dma_start3A_159 = tpu.memref_squeeze %dma_start3A : memref<1x640xi32, #tpu.memory_space<vmem_shared>> -> memref<640xi32, #tpu.memory_space<vmem_shared>>
      %dma_start3A_160 = tpu.memref_slice %arg8[%run_scoped3A_134, %mul3A_133] : memref<16x10240xi32, #tpu.memory_space<vmem_shared>> -> memref<1x640xi32, #tpu.memory_space<vmem_shared>>
      %dma_start3A_161 = tpu.memref_squeeze %dma_start3A_160 : memref<1x640xi32, #tpu.memory_space<vmem_shared>> -> memref<640xi32, #tpu.memory_space<vmem_shared>>
      tpu.enqueue_dma source(%dma_start3A_161 : memref<640xi32, #tpu.memory_space<vmem_shared>>) target(%arg18 : memref<640xi32, #tpu.memory_space<vmem>>) target_semaphore(%run_scoped3A_158 : memref<!tpu.dma_semaphore, #tpu.memory_space<semaphore_mem>>)
      %dma_wait3A = tpu.memref_slice %arg8[%run_scoped3A_134, %mul3A_133] : memref<16x10240xi32, #tpu.memory_space<vmem_shared>> -> memref<1x640xi32, #tpu.memory_space<vmem_shared>>
      %dma_wait3A_162 = tpu.memref_squeeze %dma_wait3A : memref<1x640xi32, #tpu.memory_space<vmem_shared>> -> memref<640xi32, #tpu.memory_space<vmem_shared>>
      %dma_wait3A_163 = tpu.memref_slice %arg8[%run_scoped3A_134, %mul3A_133] : memref<16x10240xi32, #tpu.memory_space<vmem_shared>> -> memref<1x640xi32, #tpu.memory_space<vmem_shared>>
      %dma_wait3A_164 = tpu.memref_squeeze %dma_wait3A_163 : memref<1x640xi32, #tpu.memory_space<vmem_shared>> -> memref<640xi32, #tpu.memory_space<vmem_shared>>
      tpu.wait_dma2 semaphore(%run_scoped3A_158 : memref<!tpu.dma_semaphore, #tpu.memory_space<semaphore_mem>>) src(%dma_wait3A_164 : memref<640xi32, #tpu.memory_space<vmem_shared>>) dst(%arg18 : memref<640xi32, #tpu.memory_space<vmem>>)
      tpu.yield
    }) : () -> ()
    %scan3A_135 = arith.constant 0 : i32
    %scan3A_136 = arith.constant 40 : i32
    %scan3A_137 = arith.addi %scan3A_135, %scan3A_136 : i32
    %scan3A_138 = arith.constant 1 : i32
    scf.for %scan3A_158 = %scan3A_135 to %scan3A_137 step %scan3A_138  : i32 {
      %mul3A_159 = arith.constant 1 : i32
      %mul3A_160 = arith.muli %scan3A_158, %mul3A_159 : i32
      %add3A_161 = arith.constant 0 : i32
      %add3A_162 = arith.addi %add3A_161, %mul3A_160 : i32
      %mul3A_163 = arith.constant 16 : i32
      %mul3A_164 = arith.muli %add3A_162, %mul3A_163 : i32
      %get3A_165 = arith.index_cast %mul3A_164 : i32 to index
      %get3A_166 = tpu.vector_load %arg17[%get3A_165] {strides = array<i32>} : memref<640xi32, #tpu.memory_space<vmem>>, vector<16xi32>,
      %mul3A_167 = arith.constant 16 : i32
      %mul3A_168 = arith.muli %add3A_162, %mul3A_167 : i32
      %get3A_169 = arith.index_cast %mul3A_168 : i32 to index
      %get3A_170 = tpu.vector_load %arg18[%get3A_169] {strides = array<i32>} : memref<640xi32, #tpu.memory_space<vmem>>, vector<16xi32>,
      %max3A = arith.maxsi %get3A_166, %get3A_170 : vector<16xi32>
      %mul3A_171 = arith.constant 16 : i32
      %mul3A_172 = arith.muli %add3A_162, %mul3A_171 : i32
      %swap3A = arith.index_cast %mul3A_172 : i32 to index
      %swap3A_173 = tpu.vector_load %arg17[%swap3A] {strides = array<i32>} : memref<640xi32, #tpu.memory_space<vmem>>, vector<16xi32>,
      tpu.vector_store %arg17[%swap3A], %max3A {strides = array<i32>} : memref<640xi32, #tpu.memory_space<vmem>>, vector<16xi32>,
    }
    %scan3A_139 = arith.constant 40 : i32
    %mul3A_140 = arith.constant 640 : i32
    %mul3A_141 = arith.muli %arg1, %mul3A_140 : i32
    %run_scoped3A_142 = arith.constant 14 : i32
    "tpu.region"() ({
      %run_scoped3A_158 = tpu.sem_alloc : memref<!tpu.dma_semaphore, #tpu.memory_space<semaphore_mem>>
      %dma_start3A = tpu.memref_slice %arg8[%run_scoped3A_142, %mul3A_141] : memref<16x10240xi32, #tpu.memory_space<vmem_shared>> -> memref<1x640xi32, #tpu.memory_space<vmem_shared>>
      %dma_start3A_159 = tpu.memref_squeeze %dma_start3A : memref<1x640xi32, #tpu.memory_space<vmem_shared>> -> memref<640xi32, #tpu.memory_space<vmem_shared>>
      %dma_start3A_160 = tpu.memref_slice %arg8[%run_scoped3A_142, %mul3A_141] : memref<16x10240xi32, #tpu.memory_space<vmem_shared>> -> memref<1x640xi32, #tpu.memory_space<vmem_shared>>
      %dma_start3A_161 = tpu.memref_squeeze %dma_start3A_160 : memref<1x640xi32, #tpu.memory_space<vmem_shared>> -> memref<640xi32, #tpu.memory_space<vmem_shared>>
      tpu.enqueue_dma source(%dma_start3A_161 : memref<640xi32, #tpu.memory_space<vmem_shared>>) target(%arg18 : memref<640xi32, #tpu.memory_space<vmem>>) target_semaphore(%run_scoped3A_158 : memref<!tpu.dma_semaphore, #tpu.memory_space<semaphore_mem>>)
      %dma_wait3A = tpu.memref_slice %arg8[%run_scoped3A_142, %mul3A_141] : memref<16x10240xi32, #tpu.memory_space<vmem_shared>> -> memref<1x640xi32, #tpu.memory_space<vmem_shared>>
      %dma_wait3A_162 = tpu.memref_squeeze %dma_wait3A : memref<1x640xi32, #tpu.memory_space<vmem_shared>> -> memref<640xi32, #tpu.memory_space<vmem_shared>>
      %dma_wait3A_163 = tpu.memref_slice %arg8[%run_scoped3A_142, %mul3A_141] : memref<16x10240xi32, #tpu.memory_space<vmem_shared>> -> memref<1x640xi32, #tpu.memory_space<vmem_shared>>
      %dma_wait3A_164 = tpu.memref_squeeze %dma_wait3A_163 : memref<1x640xi32, #tpu.memory_space<vmem_shared>> -> memref<640xi32, #tpu.memory_space<vmem_shared>>
      tpu.wait_dma2 semaphore(%run_scoped3A_158 : memref<!tpu.dma_semaphore, #tpu.memory_space<semaphore_mem>>) src(%dma_wait3A_164 : memref<640xi32, #tpu.memory_space<vmem_shared>>) dst(%arg18 : memref<640xi32, #tpu.memory_space<vmem>>)
      tpu.yield
    }) : () -> ()
    %scan3A_143 = arith.constant 0 : i32
    %scan3A_144 = arith.constant 40 : i32
    %scan3A_145 = arith.addi %scan3A_143, %scan3A_144 : i32
    %scan3A_146 = arith.constant 1 : i32
    scf.for %scan3A_158 = %scan3A_143 to %scan3A_145 step %scan3A_146  : i32 {
      %mul3A_159 = arith.constant 1 : i32
      %mul3A_160 = arith.muli %scan3A_158, %mul3A_159 : i32
      %add3A_161 = arith.constant 0 : i32
      %add3A_162 = arith.addi %add3A_161, %mul3A_160 : i32
      %mul3A_163 = arith.constant 16 : i32
      %mul3A_164 = arith.muli %add3A_162, %mul3A_163 : i32
      %get3A_165 = arith.index_cast %mul3A_164 : i32 to index
      %get3A_166 = tpu.vector_load %arg17[%get3A_165] {strides = array<i32>} : memref<640xi32, #tpu.memory_space<vmem>>, vector<16xi32>,
      %mul3A_167 = arith.constant 16 : i32
      %mul3A_168 = arith.muli %add3A_162, %mul3A_167 : i32
      %get3A_169 = arith.index_cast %mul3A_168 : i32 to index
      %get3A_170 = tpu.vector_load %arg18[%get3A_169] {strides = array<i32>} : memref<640xi32, #tpu.memory_space<vmem>>, vector<16xi32>,
      %max3A = arith.maxsi %get3A_166, %get3A_170 : vector<16xi32>
      %mul3A_171 = arith.constant 16 : i32
      %mul3A_172 = arith.muli %add3A_162, %mul3A_171 : i32
      %swap3A = arith.index_cast %mul3A_172 : i32 to index
      %swap3A_173 = tpu.vector_load %arg17[%swap3A] {strides = array<i32>} : memref<640xi32, #tpu.memory_space<vmem>>, vector<16xi32>,
      tpu.vector_store %arg17[%swap3A], %max3A {strides = array<i32>} : memref<640xi32, #tpu.memory_space<vmem>>, vector<16xi32>,
    }
    %scan3A_147 = arith.constant 40 : i32
    %mul3A_148 = arith.constant 640 : i32
    %mul3A_149 = arith.muli %arg1, %mul3A_148 : i32
    %run_scoped3A_150 = arith.constant 15 : i32
    "tpu.region"() ({
      %run_scoped3A_158 = tpu.sem_alloc : memref<!tpu.dma_semaphore, #tpu.memory_space<semaphore_mem>>
      %dma_start3A = tpu.memref_slice %arg8[%run_scoped3A_150, %mul3A_149] : memref<16x10240xi32, #tpu.memory_space<vmem_shared>> -> memref<1x640xi32, #tpu.memory_space<vmem_shared>>
      %dma_start3A_159 = tpu.memref_squeeze %dma_start3A : memref<1x640xi32, #tpu.memory_space<vmem_shared>> -> memref<640xi32, #tpu.memory_space<vmem_shared>>
      %dma_start3A_160 = tpu.memref_slice %arg8[%run_scoped3A_150, %mul3A_149] : memref<16x10240xi32, #tpu.memory_space<vmem_shared>> -> memref<1x640xi32, #tpu.memory_space<vmem_shared>>
      %dma_start3A_161 = tpu.memref_squeeze %dma_start3A_160 : memref<1x640xi32, #tpu.memory_space<vmem_shared>> -> memref<640xi32, #tpu.memory_space<vmem_shared>>
      tpu.enqueue_dma source(%dma_start3A_161 : memref<640xi32, #tpu.memory_space<vmem_shared>>) target(%arg18 : memref<640xi32, #tpu.memory_space<vmem>>) target_semaphore(%run_scoped3A_158 : memref<!tpu.dma_semaphore, #tpu.memory_space<semaphore_mem>>)
      %dma_wait3A = tpu.memref_slice %arg8[%run_scoped3A_150, %mul3A_149] : memref<16x10240xi32, #tpu.memory_space<vmem_shared>> -> memref<1x640xi32, #tpu.memory_space<vmem_shared>>
      %dma_wait3A_162 = tpu.memref_squeeze %dma_wait3A : memref<1x640xi32, #tpu.memory_space<vmem_shared>> -> memref<640xi32, #tpu.memory_space<vmem_shared>>
      %dma_wait3A_163 = tpu.memref_slice %arg8[%run_scoped3A_150, %mul3A_149] : memref<16x10240xi32, #tpu.memory_space<vmem_shared>> -> memref<1x640xi32, #tpu.memory_space<vmem_shared>>
      %dma_wait3A_164 = tpu.memref_squeeze %dma_wait3A_163 : memref<1x640xi32, #tpu.memory_space<vmem_shared>> -> memref<640xi32, #tpu.memory_space<vmem_shared>>
      tpu.wait_dma2 semaphore(%run_scoped3A_158 : memref<!tpu.dma_semaphore, #tpu.memory_space<semaphore_mem>>) src(%dma_wait3A_164 : memref<640xi32, #tpu.memory_space<vmem_shared>>) dst(%arg18 : memref<640xi32, #tpu.memory_space<vmem>>)
      tpu.yield
    }) : () -> ()
    %scan3A_151 = arith.constant 0 : i32
    %scan3A_152 = arith.constant 40 : i32
    %scan3A_153 = arith.addi %scan3A_151, %scan3A_152 : i32
    %scan3A_154 = arith.constant 1 : i32
    scf.for %scan3A_158 = %scan3A_151 to %scan3A_153 step %scan3A_154  : i32 {
      %mul3A_159 = arith.constant 1 : i32
      %mul3A_160 = arith.muli %scan3A_158, %mul3A_159 : i32
      %add3A_161 = arith.constant 0 : i32
      %add3A_162 = arith.addi %add3A_161, %mul3A_160 : i32
      %mul3A_163 = arith.constant 16 : i32
      %mul3A_164 = arith.muli %add3A_162, %mul3A_163 : i32
      %get3A_165 = arith.index_cast %mul3A_164 : i32 to index
      %get3A_166 = tpu.vector_load %arg17[%get3A_165] {strides = array<i32>} : memref<640xi32, #tpu.memory_space<vmem>>, vector<16xi32>,
      %mul3A_167 = arith.constant 16 : i32
      %mul3A_168 = arith.muli %add3A_162, %mul3A_167 : i32
      %get3A_169 = arith.index_cast %mul3A_168 : i32 to index
      %get3A_170 = tpu.vector_load %arg18[%get3A_169] {strides = array<i32>} : memref<640xi32, #tpu.memory_space<vmem>>, vector<16xi32>,
      %max3A = arith.maxsi %get3A_166, %get3A_170 : vector<16xi32>
      %mul3A_171 = arith.constant 16 : i32
      %mul3A_172 = arith.muli %add3A_162, %mul3A_171 : i32
      %swap3A = arith.index_cast %mul3A_172 : i32 to index
      %swap3A_173 = tpu.vector_load %arg17[%swap3A] {strides = array<i32>} : memref<640xi32, #tpu.memory_space<vmem>>, vector<16xi32>,
      tpu.vector_store %arg17[%swap3A], %max3A {strides = array<i32>} : memref<640xi32, #tpu.memory_space<vmem>>, vector<16xi32>,
    }
    %scan3A_155 = arith.constant 40 : i32
    %mul3A_156 = arith.constant 640 : i32
    %mul3A_157 = arith.muli %arg1, %mul3A_156 : i32
    "tpu.region"() ({
      %run_scoped3A_158 = tpu.sem_alloc : memref<!tpu.dma_semaphore, #tpu.memory_space<semaphore_mem>>
      %dma_start3A = tpu.memref_slice %arg7[%arg0, %mul3A_157] : memref<2x10240xi32, #tpu.memory_space<hbm>> -> memref<1x640xi32, #tpu.memory_space<hbm>>
      %dma_start3A_159 = tpu.memref_squeeze %dma_start3A : memref<1x640xi32, #tpu.memory_space<hbm>> -> memref<640xi32, #tpu.memory_space<hbm>>
      %dma_start3A_160 = tpu.memref_slice %arg7[%arg0, %mul3A_157] : memref<2x10240xi32, #tpu.memory_space<hbm>> -> memref<1x640xi32, #tpu.memory_space<hbm>>
      %dma_start3A_161 = tpu.memref_squeeze %dma_start3A_160 : memref<1x640xi32, #tpu.memory_space<hbm>> -> memref<640xi32, #tpu.memory_space<hbm>>
      tpu.enqueue_dma source(%arg17 : memref<640xi32, #tpu.memory_space<vmem>>) target(%dma_start3A_161 : memref<640xi32, #tpu.memory_space<hbm>>) target_semaphore(%run_scoped3A_158 : memref<!tpu.dma_semaphore, #tpu.memory_space<semaphore_mem>>)
      %dma_wait3A = tpu.memref_slice %arg7[%arg0, %mul3A_157] : memref<2x10240xi32, #tpu.memory_space<hbm>> -> memref<1x640xi32, #tpu.memory_space<hbm>>
      %dma_wait3A_162 = tpu.memref_squeeze %dma_wait3A : memref<1x640xi32, #tpu.memory_space<hbm>> -> memref<640xi32, #tpu.memory_space<hbm>>
      %dma_wait3A_163 = tpu.memref_slice %arg7[%arg0, %mul3A_157] : memref<2x10240xi32, #tpu.memory_space<hbm>> -> memref<1x640xi32, #tpu.memory_space<hbm>>
      %dma_wait3A_164 = tpu.memref_squeeze %dma_wait3A_163 : memref<1x640xi32, #tpu.memory_space<hbm>> -> memref<640xi32, #tpu.memory_space<hbm>>
      tpu.wait_dma2 semaphore(%run_scoped3A_158 : memref<!tpu.dma_semaphore, #tpu.memory_space<semaphore_mem>>) src(%arg17 : memref<640xi32, #tpu.memory_space<vmem>>) dst(%dma_wait3A_164 : memref<640xi32, #tpu.memory_space<hbm>>)
      tpu.yield
    }) : () -> ()
    return
  }
}

#map = affine_map<(d0, d1) -> (0, 0)>
#map1 = affine_map<(d0, d1) -> (0, 0, 0)>
module attributes {stable_mosaic.version = 14 : i64} {
  func.func @_sc_gather_body(%arg0: i32, %arg1: i32, %arg2: memref<10240x128xf32, #tpu.memory_space<hbm>>, %arg3: memref<32x4x80xi32, #tpu.memory_space<hbm>>, %arg4: memref<10240x128xf32, #tpu.memory_space<hbm>>, %arg5: memref<4x80xi32, #tpu.memory_space<vmem>>, %arg6: memref<80x128xf32, #tpu.memory_space<vmem>>, %arg7: memref<!tpu.dma_semaphore, #tpu.memory_space<semaphore_mem>>) attributes {dimension_semantics = [#tpu.dimension_semantics<core_parallel>, #tpu.dimension_semantics<subcore_parallel>], iteration_bounds = array<i64: 2, 16>, scalar_prefetch = 0 : i64, scratch_operands = 3 : i64, tpu.core_type = #tpu.core_type<sc_vector_subcore>, window_params = [{transform_indices = #map}, {transform_indices = #map1}, {transform_indices = #map}]} {
    %mul3A = arith.constant 2 : i32
    %mul3A_0 = arith.muli %arg1, %mul3A : i32
    %add3A = arith.addi %mul3A_0, %arg0 : i32
    "tpu.region"() ({
      %run_scoped3A = tpu.sem_alloc : memref<!tpu.dma_semaphore, #tpu.memory_space<semaphore_mem>>
      %dma_start3A = arith.constant 0 : i32
      %dma_start3A_5 = arith.constant 0 : i32
      %dma_start3A_6 = tpu.memref_slice %arg3[%add3A, %dma_start3A, %dma_start3A_5] : memref<32x4x80xi32, #tpu.memory_space<hbm>> -> memref<1x4x80xi32, #tpu.memory_space<hbm>>
      %dma_start3A_7 = tpu.memref_squeeze %dma_start3A_6 : memref<1x4x80xi32, #tpu.memory_space<hbm>> -> memref<4x80xi32, #tpu.memory_space<hbm>>
      %dma_start3A_8 = arith.constant 0 : i32
      %dma_start3A_9 = arith.constant 0 : i32
      %dma_start3A_10 = tpu.memref_slice %arg3[%add3A, %dma_start3A_8, %dma_start3A_9] : memref<32x4x80xi32, #tpu.memory_space<hbm>> -> memref<1x4x80xi32, #tpu.memory_space<hbm>>
      %dma_start3A_11 = tpu.memref_squeeze %dma_start3A_10 : memref<1x4x80xi32, #tpu.memory_space<hbm>> -> memref<4x80xi32, #tpu.memory_space<hbm>>
      tpu.enqueue_dma source(%dma_start3A_11 : memref<4x80xi32, #tpu.memory_space<hbm>>) target(%arg5 : memref<4x80xi32, #tpu.memory_space<vmem>>) target_semaphore(%run_scoped3A : memref<!tpu.dma_semaphore, #tpu.memory_space<semaphore_mem>>)
      %dma_wait3A = arith.constant 0 : i32
      %dma_wait3A_12 = arith.constant 0 : i32
      %dma_wait3A_13 = tpu.memref_slice %arg3[%add3A, %dma_wait3A, %dma_wait3A_12] : memref<32x4x80xi32, #tpu.memory_space<hbm>> -> memref<1x4x80xi32, #tpu.memory_space<hbm>>
      %dma_wait3A_14 = tpu.memref_squeeze %dma_wait3A_13 : memref<1x4x80xi32, #tpu.memory_space<hbm>> -> memref<4x80xi32, #tpu.memory_space<hbm>>
      %dma_wait3A_15 = arith.constant 0 : i32
      %dma_wait3A_16 = arith.constant 0 : i32
      %dma_wait3A_17 = tpu.memref_slice %arg3[%add3A, %dma_wait3A_15, %dma_wait3A_16] : memref<32x4x80xi32, #tpu.memory_space<hbm>> -> memref<1x4x80xi32, #tpu.memory_space<hbm>>
      %dma_wait3A_18 = tpu.memref_squeeze %dma_wait3A_17 : memref<1x4x80xi32, #tpu.memory_space<hbm>> -> memref<4x80xi32, #tpu.memory_space<hbm>>
      tpu.wait_dma2 semaphore(%run_scoped3A : memref<!tpu.dma_semaphore, #tpu.memory_space<semaphore_mem>>) src(%dma_wait3A_18 : memref<4x80xi32, #tpu.memory_space<hbm>>) dst(%arg5 : memref<4x80xi32, #tpu.memory_space<vmem>>)
      tpu.yield
    }) : () -> ()
    %scan3A = arith.constant 0 : i32
    %scan3A_1 = arith.constant 4 : i32
    %scan3A_2 = arith.addi %scan3A, %scan3A_1 : i32
    %scan3A_3 = arith.constant 1 : i32
    scf.for %scan3A_5 = %scan3A to %scan3A_2 step %scan3A_3  : i32 {
      %mul3A_6 = arith.constant 1 : i32
      %mul3A_7 = arith.muli %scan3A_5, %mul3A_6 : i32
      %add3A_8 = arith.constant 0 : i32
      %add3A_9 = arith.addi %add3A_8, %mul3A_7 : i32
      %dma_start3A = arith.constant 0 : i32
      %dma_start3A_10 = tpu.memref_slice %arg5[%add3A_9, %dma_start3A] : memref<4x80xi32, #tpu.memory_space<vmem>> -> memref<1x80xi32, #tpu.memory_space<vmem>>
      %dma_start3A_11 = tpu.memref_squeeze %dma_start3A_10 : memref<1x80xi32, #tpu.memory_space<vmem>> -> memref<80xi32, #tpu.memory_space<vmem>>
      %dma_start3A_12 = arith.constant 0 : i32
      %dma_start3A_13 = arith.constant 0 : i32
      %dma_start3A_14 = tpu.memref_slice %arg2[%dma_start3A_12, %dma_start3A_13] : memref<10240x128xf32, #tpu.memory_space<hbm>> -> memref<10240x128xf32, #tpu.memory_space<hbm>>
      tpu.enqueue_indirect_dma source(%dma_start3A_14 : memref<10240x128xf32, #tpu.memory_space<hbm>>) target(%arg6 : memref<80x128xf32, #tpu.memory_space<vmem>>) offsets(%dma_start3A_11 : memref<80xi32, #tpu.memory_space<vmem>>) semaphore(%arg7 : memref<!tpu.dma_semaphore, #tpu.memory_space<semaphore_mem>>)
      %dma_wait3A = arith.constant 0 : i32
      %dma_wait3A_15 = tpu.memref_slice %arg5[%add3A_9, %dma_wait3A] : memref<4x80xi32, #tpu.memory_space<vmem>> -> memref<1x80xi32, #tpu.memory_space<vmem>>
      %dma_wait3A_16 = tpu.memref_squeeze %dma_wait3A_15 : memref<1x80xi32, #tpu.memory_space<vmem>> -> memref<80xi32, #tpu.memory_space<vmem>>
      %dma_wait3A_17 = arith.constant 0 : i32
      %dma_wait3A_18 = arith.constant 0 : i32
      %dma_wait3A_19 = tpu.memref_slice %arg2[%dma_wait3A_17, %dma_wait3A_18] : memref<10240x128xf32, #tpu.memory_space<hbm>> -> memref<10240x128xf32, #tpu.memory_space<hbm>>
      tpu.wait_indirect_dma semaphore(%arg7 : memref<!tpu.dma_semaphore, #tpu.memory_space<semaphore_mem>>) src(%dma_wait3A_19 : memref<10240x128xf32, #tpu.memory_space<hbm>>) dst(%arg6 : memref<80x128xf32, #tpu.memory_space<vmem>>)
      %mul3A_20 = arith.constant 320 : i32
      %mul3A_21 = arith.muli %add3A, %mul3A_20 : i32
      %mul3A_22 = arith.constant 80 : i32
      %mul3A_23 = arith.muli %add3A_9, %mul3A_22 : i32
      %add3A_24 = arith.addi %mul3A_21, %mul3A_23 : i32
      "tpu.region"() ({
        %run_scoped3A = tpu.sem_alloc : memref<!tpu.dma_semaphore, #tpu.memory_space<semaphore_mem>>
        %dma_start3A_25 = arith.constant 0 : i32
        %dma_start3A_26 = tpu.memref_slice %arg4[%add3A_24, %dma_start3A_25] : memref<10240x128xf32, #tpu.memory_space<hbm>> -> memref<80x128xf32, #tpu.memory_space<hbm>>
        %dma_start3A_27 = arith.constant 0 : i32
        %dma_start3A_28 = tpu.memref_slice %arg4[%add3A_24, %dma_start3A_27] : memref<10240x128xf32, #tpu.memory_space<hbm>> -> memref<80x128xf32, #tpu.memory_space<hbm>>
        tpu.enqueue_dma source(%arg6 : memref<80x128xf32, #tpu.memory_space<vmem>>) target(%dma_start3A_28 : memref<80x128xf32, #tpu.memory_space<hbm>>) target_semaphore(%run_scoped3A : memref<!tpu.dma_semaphore, #tpu.memory_space<semaphore_mem>>)
        %dma_wait3A_29 = arith.constant 0 : i32
        %dma_wait3A_30 = tpu.memref_slice %arg4[%add3A_24, %dma_wait3A_29] : memref<10240x128xf32, #tpu.memory_space<hbm>> -> memref<80x128xf32, #tpu.memory_space<hbm>>
        %dma_wait3A_31 = arith.constant 0 : i32
        %dma_wait3A_32 = tpu.memref_slice %arg4[%add3A_24, %dma_wait3A_31] : memref<10240x128xf32, #tpu.memory_space<hbm>> -> memref<80x128xf32, #tpu.memory_space<hbm>>
        tpu.wait_dma2 semaphore(%run_scoped3A : memref<!tpu.dma_semaphore, #tpu.memory_space<semaphore_mem>>) src(%arg6 : memref<80x128xf32, #tpu.memory_space<vmem>>) dst(%dma_wait3A_32 : memref<80x128xf32, #tpu.memory_space<hbm>>)
        tpu.yield
      }) : () -> ()
    }
    %scan3A_4 = arith.constant 4 : i32
    return
  }
}

#map = affine_map<(d0, d1) -> (0, 0)>
#map1 = affine_map<(d0, d1) -> (0, 0, 0)>
module attributes {stable_mosaic.version = 14 : i64} {
  func.func @_sc_stream_body(%arg0: i32, %arg1: i32, %arg2: memref<10000x128xf32, #tpu.memory_space<hbm>>, %arg3: memref<32x200x50xi32, #tpu.memory_space<hbm>>, %arg4: memref<32x200x50xi32, #tpu.memory_space<hbm>>, %arg5: memref<10240x128xf32, #tpu.memory_space<hbm>>, %arg6: memref<2x10240x128xf32, #tpu.memory_space<hbm>>, %arg7: memref<10240x128xf32, #tpu.memory_space<vmem_shared>>, %arg8: memref<200x50xi32, #tpu.memory_space<vmem>>, %arg9: memref<200x50xi32, #tpu.memory_space<vmem>>, %arg10: memref<50x128xf32, #tpu.memory_space<vmem>>, %arg11: memref<50x128xf32, #tpu.memory_space<vmem>>, %arg12: memref<50x128xf32, #tpu.memory_space<vmem>>, %arg13: memref<50x128xf32, #tpu.memory_space<vmem>>, %arg14: memref<!tpu.dma_semaphore, #tpu.memory_space<semaphore_mem>>, %arg15: memref<!tpu.dma_semaphore, #tpu.memory_space<semaphore_mem>>, %arg16: memref<!tpu.dma_semaphore, #tpu.memory_space<semaphore_mem>>, %arg17: memref<!tpu.dma_semaphore, #tpu.memory_space<semaphore_mem>>, %arg18: memref<!tpu.dma_semaphore, #tpu.memory_space<semaphore_mem>>, %arg19: memref<!tpu.dma_semaphore, #tpu.memory_space<semaphore_mem>>, %arg20: memref<!tpu.dma_semaphore, #tpu.memory_space<semaphore_mem>>, %arg21: memref<!tpu.dma_semaphore, #tpu.memory_space<semaphore_mem>>) attributes {dimension_semantics = [#tpu.dimension_semantics<core_parallel>, #tpu.dimension_semantics<subcore_parallel>], iteration_bounds = array<i64: 2, 16>, scalar_prefetch = 0 : i64, scratch_operands = 15 : i64, tpu.core_type = #tpu.core_type<sc_vector_subcore>, window_params = [{transform_indices = #map}, {transform_indices = #map1}, {transform_indices = #map1}, {transform_indices = #map}, {transform_indices = #map1}]} {
    %mul3A = arith.constant 2 : i32
    %mul3A_0 = arith.muli %arg1, %mul3A : i32
    %add3A = arith.addi %mul3A_0, %arg0 : i32
    "tpu.region"() ({
      %run_scoped3A = tpu.sem_alloc : memref<!tpu.dma_semaphore, #tpu.memory_space<semaphore_mem>>
      %dma_start3A_68 = arith.constant 0 : i32
      %dma_start3A_69 = arith.constant 0 : i32
      %dma_start3A_70 = tpu.memref_slice %arg3[%add3A, %dma_start3A_68, %dma_start3A_69] : memref<32x200x50xi32, #tpu.memory_space<hbm>> -> memref<1x200x50xi32, #tpu.memory_space<hbm>>
      %dma_start3A_71 = tpu.memref_squeeze %dma_start3A_70 : memref<1x200x50xi32, #tpu.memory_space<hbm>> -> memref<200x50xi32, #tpu.memory_space<hbm>>
      %dma_start3A_72 = arith.constant 0 : i32
      %dma_start3A_73 = arith.constant 0 : i32
      %dma_start3A_74 = tpu.memref_slice %arg3[%add3A, %dma_start3A_72, %dma_start3A_73] : memref<32x200x50xi32, #tpu.memory_space<hbm>> -> memref<1x200x50xi32, #tpu.memory_space<hbm>>
      %dma_start3A_75 = tpu.memref_squeeze %dma_start3A_74 : memref<1x200x50xi32, #tpu.memory_space<hbm>> -> memref<200x50xi32, #tpu.memory_space<hbm>>
      tpu.enqueue_dma source(%dma_start3A_75 : memref<200x50xi32, #tpu.memory_space<hbm>>) target(%arg8 : memref<200x50xi32, #tpu.memory_space<vmem>>) target_semaphore(%run_scoped3A : memref<!tpu.dma_semaphore, #tpu.memory_space<semaphore_mem>>)
      %dma_wait3A_76 = arith.constant 0 : i32
      %dma_wait3A_77 = arith.constant 0 : i32
      %dma_wait3A_78 = tpu.memref_slice %arg3[%add3A, %dma_wait3A_76, %dma_wait3A_77] : memref<32x200x50xi32, #tpu.memory_space<hbm>> -> memref<1x200x50xi32, #tpu.memory_space<hbm>>
      %dma_wait3A_79 = tpu.memref_squeeze %dma_wait3A_78 : memref<1x200x50xi32, #tpu.memory_space<hbm>> -> memref<200x50xi32, #tpu.memory_space<hbm>>
      %dma_wait3A_80 = arith.constant 0 : i32
      %dma_wait3A_81 = arith.constant 0 : i32
      %dma_wait3A_82 = tpu.memref_slice %arg3[%add3A, %dma_wait3A_80, %dma_wait3A_81] : memref<32x200x50xi32, #tpu.memory_space<hbm>> -> memref<1x200x50xi32, #tpu.memory_space<hbm>>
      %dma_wait3A_83 = tpu.memref_squeeze %dma_wait3A_82 : memref<1x200x50xi32, #tpu.memory_space<hbm>> -> memref<200x50xi32, #tpu.memory_space<hbm>>
      tpu.wait_dma2 semaphore(%run_scoped3A : memref<!tpu.dma_semaphore, #tpu.memory_space<semaphore_mem>>) src(%dma_wait3A_83 : memref<200x50xi32, #tpu.memory_space<hbm>>) dst(%arg8 : memref<200x50xi32, #tpu.memory_space<vmem>>)
      tpu.yield
    }) : () -> ()
    "tpu.region"() ({
      %run_scoped3A = tpu.sem_alloc : memref<!tpu.dma_semaphore, #tpu.memory_space<semaphore_mem>>
      %dma_start3A_68 = arith.constant 0 : i32
      %dma_start3A_69 = arith.constant 0 : i32
      %dma_start3A_70 = tpu.memref_slice %arg4[%add3A, %dma_start3A_68, %dma_start3A_69] : memref<32x200x50xi32, #tpu.memory_space<hbm>> -> memref<1x200x50xi32, #tpu.memory_space<hbm>>
      %dma_start3A_71 = tpu.memref_squeeze %dma_start3A_70 : memref<1x200x50xi32, #tpu.memory_space<hbm>> -> memref<200x50xi32, #tpu.memory_space<hbm>>
      %dma_start3A_72 = arith.constant 0 : i32
      %dma_start3A_73 = arith.constant 0 : i32
      %dma_start3A_74 = tpu.memref_slice %arg4[%add3A, %dma_start3A_72, %dma_start3A_73] : memref<32x200x50xi32, #tpu.memory_space<hbm>> -> memref<1x200x50xi32, #tpu.memory_space<hbm>>
      %dma_start3A_75 = tpu.memref_squeeze %dma_start3A_74 : memref<1x200x50xi32, #tpu.memory_space<hbm>> -> memref<200x50xi32, #tpu.memory_space<hbm>>
      tpu.enqueue_dma source(%dma_start3A_75 : memref<200x50xi32, #tpu.memory_space<hbm>>) target(%arg9 : memref<200x50xi32, #tpu.memory_space<vmem>>) target_semaphore(%run_scoped3A : memref<!tpu.dma_semaphore, #tpu.memory_space<semaphore_mem>>)
      %dma_wait3A_76 = arith.constant 0 : i32
      %dma_wait3A_77 = arith.constant 0 : i32
      %dma_wait3A_78 = tpu.memref_slice %arg4[%add3A, %dma_wait3A_76, %dma_wait3A_77] : memref<32x200x50xi32, #tpu.memory_space<hbm>> -> memref<1x200x50xi32, #tpu.memory_space<hbm>>
      %dma_wait3A_79 = tpu.memref_squeeze %dma_wait3A_78 : memref<1x200x50xi32, #tpu.memory_space<hbm>> -> memref<200x50xi32, #tpu.memory_space<hbm>>
      %dma_wait3A_80 = arith.constant 0 : i32
      %dma_wait3A_81 = arith.constant 0 : i32
      %dma_wait3A_82 = tpu.memref_slice %arg4[%add3A, %dma_wait3A_80, %dma_wait3A_81] : memref<32x200x50xi32, #tpu.memory_space<hbm>> -> memref<1x200x50xi32, #tpu.memory_space<hbm>>
      %dma_wait3A_83 = tpu.memref_squeeze %dma_wait3A_82 : memref<1x200x50xi32, #tpu.memory_space<hbm>> -> memref<200x50xi32, #tpu.memory_space<hbm>>
      tpu.wait_dma2 semaphore(%run_scoped3A : memref<!tpu.dma_semaphore, #tpu.memory_space<semaphore_mem>>) src(%dma_wait3A_83 : memref<200x50xi32, #tpu.memory_space<hbm>>) dst(%arg9 : memref<200x50xi32, #tpu.memory_space<vmem>>)
      tpu.yield
    }) : () -> ()
    %mul3A_1 = arith.constant 640 : i32
    %mul3A_2 = arith.muli %arg1, %mul3A_1 : i32
    %mul3A_3 = arith.constant 640 : i32
    %mul3A_4 = arith.muli %arg1, %mul3A_3 : i32
    "tpu.region"() ({
      %run_scoped3A = tpu.sem_alloc : memref<!tpu.dma_semaphore, #tpu.memory_space<semaphore_mem>>
      %dma_start3A_68 = arith.constant 0 : i32
      %dma_start3A_69 = tpu.memref_slice %arg7[%mul3A_4, %dma_start3A_68] : memref<10240x128xf32, #tpu.memory_space<vmem_shared>> -> memref<640x128xf32, #tpu.memory_space<vmem_shared>>
      %dma_start3A_70 = arith.constant 0 : i32
      %dma_start3A_71 = tpu.memref_slice %arg5[%mul3A_2, %dma_start3A_70] : memref<10240x128xf32, #tpu.memory_space<hbm>> -> memref<640x128xf32, #tpu.memory_space<hbm>>
      tpu.enqueue_dma source(%dma_start3A_71 : memref<640x128xf32, #tpu.memory_space<hbm>>) target(%dma_start3A_69 : memref<640x128xf32, #tpu.memory_space<vmem_shared>>) target_semaphore(%run_scoped3A : memref<!tpu.dma_semaphore, #tpu.memory_space<semaphore_mem>>)
      %dma_wait3A_72 = arith.constant 0 : i32
      %dma_wait3A_73 = tpu.memref_slice %arg7[%mul3A_4, %dma_wait3A_72] : memref<10240x128xf32, #tpu.memory_space<vmem_shared>> -> memref<640x128xf32, #tpu.memory_space<vmem_shared>>
      %dma_wait3A_74 = arith.constant 0 : i32
      %dma_wait3A_75 = tpu.memref_slice %arg5[%mul3A_2, %dma_wait3A_74] : memref<10240x128xf32, #tpu.memory_space<hbm>> -> memref<640x128xf32, #tpu.memory_space<hbm>>
      tpu.wait_dma2 semaphore(%run_scoped3A : memref<!tpu.dma_semaphore, #tpu.memory_space<semaphore_mem>>) src(%dma_wait3A_75 : memref<640x128xf32, #tpu.memory_space<hbm>>) dst(%dma_wait3A_73 : memref<640x128xf32, #tpu.memory_space<vmem_shared>>)
      tpu.yield
    }) : () -> ()
    %barrier3A = arith.constant 0 : index
    tpu.barrier barrier_id(%barrier3A)
    %dma_start3A = arith.constant 0 : i32
    %dma_start3A_5 = arith.constant 0 : i32
    %dma_start3A_6 = tpu.memref_slice %arg8[%dma_start3A, %dma_start3A_5] : memref<200x50xi32, #tpu.memory_space<vmem>> -> memref<1x50xi32, #tpu.memory_space<vmem>>
    %dma_start3A_7 = tpu.memref_squeeze %dma_start3A_6 : memref<1x50xi32, #tpu.memory_space<vmem>> -> memref<50xi32, #tpu.memory_space<vmem>>
    %dma_start3A_8 = arith.constant 0 : i32
    %dma_start3A_9 = arith.constant 0 : i32
    %dma_start3A_10 = tpu.memref_slice %arg2[%dma_start3A_8, %dma_start3A_9] : memref<10000x128xf32, #tpu.memory_space<hbm>> -> memref<10000x128xf32, #tpu.memory_space<hbm>>
    tpu.enqueue_indirect_dma source(%dma_start3A_10 : memref<10000x128xf32, #tpu.memory_space<hbm>>) target(%arg10 : memref<50x128xf32, #tpu.memory_space<vmem>>) offsets(%dma_start3A_7 : memref<50xi32, #tpu.memory_space<vmem>>) semaphore(%arg14 : memref<!tpu.dma_semaphore, #tpu.memory_space<semaphore_mem>>)
    %dma_start3A_11 = arith.constant 1 : i32
    %dma_start3A_12 = arith.constant 0 : i32
    %dma_start3A_13 = tpu.memref_slice %arg8[%dma_start3A_11, %dma_start3A_12] : memref<200x50xi32, #tpu.memory_space<vmem>> -> memref<1x50xi32, #tpu.memory_space<vmem>>
    %dma_start3A_14 = tpu.memref_squeeze %dma_start3A_13 : memref<1x50xi32, #tpu.memory_space<vmem>> -> memref<50xi32, #tpu.memory_space<vmem>>
    %dma_start3A_15 = arith.constant 0 : i32
    %dma_start3A_16 = arith.constant 0 : i32
    %dma_start3A_17 = tpu.memref_slice %arg2[%dma_start3A_15, %dma_start3A_16] : memref<10000x128xf32, #tpu.memory_space<hbm>> -> memref<10000x128xf32, #tpu.memory_space<hbm>>
    tpu.enqueue_indirect_dma source(%dma_start3A_17 : memref<10000x128xf32, #tpu.memory_space<hbm>>) target(%arg11 : memref<50x128xf32, #tpu.memory_space<vmem>>) offsets(%dma_start3A_14 : memref<50xi32, #tpu.memory_space<vmem>>) semaphore(%arg15 : memref<!tpu.dma_semaphore, #tpu.memory_space<semaphore_mem>>)
    %dma_start3A_18 = arith.constant 2 : i32
    %dma_start3A_19 = arith.constant 0 : i32
    %dma_start3A_20 = tpu.memref_slice %arg8[%dma_start3A_18, %dma_start3A_19] : memref<200x50xi32, #tpu.memory_space<vmem>> -> memref<1x50xi32, #tpu.memory_space<vmem>>
    %dma_start3A_21 = tpu.memref_squeeze %dma_start3A_20 : memref<1x50xi32, #tpu.memory_space<vmem>> -> memref<50xi32, #tpu.memory_space<vmem>>
    %dma_start3A_22 = arith.constant 0 : i32
    %dma_start3A_23 = arith.constant 0 : i32
    %dma_start3A_24 = tpu.memref_slice %arg2[%dma_start3A_22, %dma_start3A_23] : memref<10000x128xf32, #tpu.memory_space<hbm>> -> memref<10000x128xf32, #tpu.memory_space<hbm>>
    tpu.enqueue_indirect_dma source(%dma_start3A_24 : memref<10000x128xf32, #tpu.memory_space<hbm>>) target(%arg12 : memref<50x128xf32, #tpu.memory_space<vmem>>) offsets(%dma_start3A_21 : memref<50xi32, #tpu.memory_space<vmem>>) semaphore(%arg16 : memref<!tpu.dma_semaphore, #tpu.memory_space<semaphore_mem>>)
    %dma_start3A_25 = arith.constant 3 : i32
    %dma_start3A_26 = arith.constant 0 : i32
    %dma_start3A_27 = tpu.memref_slice %arg8[%dma_start3A_25, %dma_start3A_26] : memref<200x50xi32, #tpu.memory_space<vmem>> -> memref<1x50xi32, #tpu.memory_space<vmem>>
    %dma_start3A_28 = tpu.memref_squeeze %dma_start3A_27 : memref<1x50xi32, #tpu.memory_space<vmem>> -> memref<50xi32, #tpu.memory_space<vmem>>
    %dma_start3A_29 = arith.constant 0 : i32
    %dma_start3A_30 = arith.constant 0 : i32
    %dma_start3A_31 = tpu.memref_slice %arg2[%dma_start3A_29, %dma_start3A_30] : memref<10000x128xf32, #tpu.memory_space<hbm>> -> memref<10000x128xf32, #tpu.memory_space<hbm>>
    tpu.enqueue_indirect_dma source(%dma_start3A_31 : memref<10000x128xf32, #tpu.memory_space<hbm>>) target(%arg13 : memref<50x128xf32, #tpu.memory_space<vmem>>) offsets(%dma_start3A_28 : memref<50xi32, #tpu.memory_space<vmem>>) semaphore(%arg17 : memref<!tpu.dma_semaphore, #tpu.memory_space<semaphore_mem>>)
    %scan3A = arith.constant 0 : i32
    %scan3A_32 = arith.constant 50 : i32
    %scan3A_33 = arith.addi %scan3A, %scan3A_32 : i32
    %scan3A_34 = arith.constant 1 : i32
    scf.for %scan3A_68 = %scan3A to %scan3A_33 step %scan3A_34  : i32 {
      %mul3A_69 = arith.constant 4 : i32
      %mul3A_70 = arith.muli %scan3A_68, %mul3A_69 : i32
      %add3A_71 = arith.constant 0 : i32
      %add3A_72 = arith.addi %add3A_71, %mul3A_70 : i32
      %add3A_73 = arith.constant 0 : i32
      %add3A_74 = arith.addi %add3A_72, %add3A_73 : i32
      %dma_wait3A_75 = arith.constant 0 : i32
      %dma_wait3A_76 = tpu.memref_slice %arg8[%add3A_74, %dma_wait3A_75] : memref<200x50xi32, #tpu.memory_space<vmem>> -> memref<1x50xi32, #tpu.memory_space<vmem>>
      %dma_wait3A_77 = tpu.memref_squeeze %dma_wait3A_76 : memref<1x50xi32, #tpu.memory_space<vmem>> -> memref<50xi32, #tpu.memory_space<vmem>>
      %dma_wait3A_78 = arith.constant 0 : i32
      %dma_wait3A_79 = arith.constant 0 : i32
      %dma_wait3A_80 = tpu.memref_slice %arg2[%dma_wait3A_78, %dma_wait3A_79] : memref<10000x128xf32, #tpu.memory_space<hbm>> -> memref<10000x128xf32, #tpu.memory_space<hbm>>
      tpu.wait_indirect_dma semaphore(%arg14 : memref<!tpu.dma_semaphore, #tpu.memory_space<semaphore_mem>>) src(%dma_wait3A_80 : memref<10000x128xf32, #tpu.memory_space<hbm>>) dst(%arg10 : memref<50x128xf32, #tpu.memory_space<vmem>>)
      %add3A_81 = arith.constant 0 : i32
      %add3A_82 = arith.addi %add3A_72, %add3A_81 : i32
      %dma_start3A_83 = arith.constant 0 : i32
      %dma_start3A_84 = tpu.memref_slice %arg9[%add3A_82, %dma_start3A_83] : memref<200x50xi32, #tpu.memory_space<vmem>> -> memref<1x50xi32, #tpu.memory_space<vmem>>
      %dma_start3A_85 = tpu.memref_squeeze %dma_start3A_84 : memref<1x50xi32, #tpu.memory_space<vmem>> -> memref<50xi32, #tpu.memory_space<vmem>>
      %dma_start3A_86 = arith.constant 0 : i32
      %dma_start3A_87 = arith.constant 0 : i32
      %dma_start3A_88 = tpu.memref_slice %arg7[%dma_start3A_86, %dma_start3A_87] : memref<10240x128xf32, #tpu.memory_space<vmem_shared>> -> memref<10240x128xf32, #tpu.memory_space<vmem_shared>>
      tpu.enqueue_indirect_dma source(%arg10 : memref<50x128xf32, #tpu.memory_space<vmem>>) target(%dma_start3A_88 : memref<10240x128xf32, #tpu.memory_space<vmem_shared>>) offsets(%dma_start3A_85 : memref<50xi32, #tpu.memory_space<vmem>>) semaphore(%arg18 : memref<!tpu.dma_semaphore, #tpu.memory_space<semaphore_mem>>) {add = true}
      %add3A_89 = arith.constant 1 : i32
      %add3A_90 = arith.addi %add3A_72, %add3A_89 : i32
      %dma_wait3A_91 = arith.constant 0 : i32
      %dma_wait3A_92 = tpu.memref_slice %arg8[%add3A_90, %dma_wait3A_91] : memref<200x50xi32, #tpu.memory_space<vmem>> -> memref<1x50xi32, #tpu.memory_space<vmem>>
      %dma_wait3A_93 = tpu.memref_squeeze %dma_wait3A_92 : memref<1x50xi32, #tpu.memory_space<vmem>> -> memref<50xi32, #tpu.memory_space<vmem>>
      %dma_wait3A_94 = arith.constant 0 : i32
      %dma_wait3A_95 = arith.constant 0 : i32
      %dma_wait3A_96 = tpu.memref_slice %arg2[%dma_wait3A_94, %dma_wait3A_95] : memref<10000x128xf32, #tpu.memory_space<hbm>> -> memref<10000x128xf32, #tpu.memory_space<hbm>>
      tpu.wait_indirect_dma semaphore(%arg15 : memref<!tpu.dma_semaphore, #tpu.memory_space<semaphore_mem>>) src(%dma_wait3A_96 : memref<10000x128xf32, #tpu.memory_space<hbm>>) dst(%arg11 : memref<50x128xf32, #tpu.memory_space<vmem>>)
      %add3A_97 = arith.constant 1 : i32
      %add3A_98 = arith.addi %add3A_72, %add3A_97 : i32
      %dma_start3A_99 = arith.constant 0 : i32
      %dma_start3A_100 = tpu.memref_slice %arg9[%add3A_98, %dma_start3A_99] : memref<200x50xi32, #tpu.memory_space<vmem>> -> memref<1x50xi32, #tpu.memory_space<vmem>>
      %dma_start3A_101 = tpu.memref_squeeze %dma_start3A_100 : memref<1x50xi32, #tpu.memory_space<vmem>> -> memref<50xi32, #tpu.memory_space<vmem>>
      %dma_start3A_102 = arith.constant 0 : i32
      %dma_start3A_103 = arith.constant 0 : i32
      %dma_start3A_104 = tpu.memref_slice %arg7[%dma_start3A_102, %dma_start3A_103] : memref<10240x128xf32, #tpu.memory_space<vmem_shared>> -> memref<10240x128xf32, #tpu.memory_space<vmem_shared>>
      tpu.enqueue_indirect_dma source(%arg11 : memref<50x128xf32, #tpu.memory_space<vmem>>) target(%dma_start3A_104 : memref<10240x128xf32, #tpu.memory_space<vmem_shared>>) offsets(%dma_start3A_101 : memref<50xi32, #tpu.memory_space<vmem>>) semaphore(%arg19 : memref<!tpu.dma_semaphore, #tpu.memory_space<semaphore_mem>>) {add = true}
      %add3A_105 = arith.constant 2 : i32
      %add3A_106 = arith.addi %add3A_72, %add3A_105 : i32
      %dma_wait3A_107 = arith.constant 0 : i32
      %dma_wait3A_108 = tpu.memref_slice %arg8[%add3A_106, %dma_wait3A_107] : memref<200x50xi32, #tpu.memory_space<vmem>> -> memref<1x50xi32, #tpu.memory_space<vmem>>
      %dma_wait3A_109 = tpu.memref_squeeze %dma_wait3A_108 : memref<1x50xi32, #tpu.memory_space<vmem>> -> memref<50xi32, #tpu.memory_space<vmem>>
      %dma_wait3A_110 = arith.constant 0 : i32
      %dma_wait3A_111 = arith.constant 0 : i32
      %dma_wait3A_112 = tpu.memref_slice %arg2[%dma_wait3A_110, %dma_wait3A_111] : memref<10000x128xf32, #tpu.memory_space<hbm>> -> memref<10000x128xf32, #tpu.memory_space<hbm>>
      tpu.wait_indirect_dma semaphore(%arg16 : memref<!tpu.dma_semaphore, #tpu.memory_space<semaphore_mem>>) src(%dma_wait3A_112 : memref<10000x128xf32, #tpu.memory_space<hbm>>) dst(%arg12 : memref<50x128xf32, #tpu.memory_space<vmem>>)
      %add3A_113 = arith.constant 2 : i32
      %add3A_114 = arith.addi %add3A_72, %add3A_113 : i32
      %dma_start3A_115 = arith.constant 0 : i32
      %dma_start3A_116 = tpu.memref_slice %arg9[%add3A_114, %dma_start3A_115] : memref<200x50xi32, #tpu.memory_space<vmem>> -> memref<1x50xi32, #tpu.memory_space<vmem>>
      %dma_start3A_117 = tpu.memref_squeeze %dma_start3A_116 : memref<1x50xi32, #tpu.memory_space<vmem>> -> memref<50xi32, #tpu.memory_space<vmem>>
      %dma_start3A_118 = arith.constant 0 : i32
      %dma_start3A_119 = arith.constant 0 : i32
      %dma_start3A_120 = tpu.memref_slice %arg7[%dma_start3A_118, %dma_start3A_119] : memref<10240x128xf32, #tpu.memory_space<vmem_shared>> -> memref<10240x128xf32, #tpu.memory_space<vmem_shared>>
      tpu.enqueue_indirect_dma source(%arg12 : memref<50x128xf32, #tpu.memory_space<vmem>>) target(%dma_start3A_120 : memref<10240x128xf32, #tpu.memory_space<vmem_shared>>) offsets(%dma_start3A_117 : memref<50xi32, #tpu.memory_space<vmem>>) semaphore(%arg20 : memref<!tpu.dma_semaphore, #tpu.memory_space<semaphore_mem>>) {add = true}
      %add3A_121 = arith.constant 3 : i32
      %add3A_122 = arith.addi %add3A_72, %add3A_121 : i32
      %dma_wait3A_123 = arith.constant 0 : i32
      %dma_wait3A_124 = tpu.memref_slice %arg8[%add3A_122, %dma_wait3A_123] : memref<200x50xi32, #tpu.memory_space<vmem>> -> memref<1x50xi32, #tpu.memory_space<vmem>>
      %dma_wait3A_125 = tpu.memref_squeeze %dma_wait3A_124 : memref<1x50xi32, #tpu.memory_space<vmem>> -> memref<50xi32, #tpu.memory_space<vmem>>
      %dma_wait3A_126 = arith.constant 0 : i32
      %dma_wait3A_127 = arith.constant 0 : i32
      %dma_wait3A_128 = tpu.memref_slice %arg2[%dma_wait3A_126, %dma_wait3A_127] : memref<10000x128xf32, #tpu.memory_space<hbm>> -> memref<10000x128xf32, #tpu.memory_space<hbm>>
      tpu.wait_indirect_dma semaphore(%arg17 : memref<!tpu.dma_semaphore, #tpu.memory_space<semaphore_mem>>) src(%dma_wait3A_128 : memref<10000x128xf32, #tpu.memory_space<hbm>>) dst(%arg13 : memref<50x128xf32, #tpu.memory_space<vmem>>)
      %add3A_129 = arith.constant 3 : i32
      %add3A_130 = arith.addi %add3A_72, %add3A_129 : i32
      %dma_start3A_131 = arith.constant 0 : i32
      %dma_start3A_132 = tpu.memref_slice %arg9[%add3A_130, %dma_start3A_131] : memref<200x50xi32, #tpu.memory_space<vmem>> -> memref<1x50xi32, #tpu.memory_space<vmem>>
      %dma_start3A_133 = tpu.memref_squeeze %dma_start3A_132 : memref<1x50xi32, #tpu.memory_space<vmem>> -> memref<50xi32, #tpu.memory_space<vmem>>
      %dma_start3A_134 = arith.constant 0 : i32
      %dma_start3A_135 = arith.constant 0 : i32
      %dma_start3A_136 = tpu.memref_slice %arg7[%dma_start3A_134, %dma_start3A_135] : memref<10240x128xf32, #tpu.memory_space<vmem_shared>> -> memref<10240x128xf32, #tpu.memory_space<vmem_shared>>
      tpu.enqueue_indirect_dma source(%arg13 : memref<50x128xf32, #tpu.memory_space<vmem>>) target(%dma_start3A_136 : memref<10240x128xf32, #tpu.memory_space<vmem_shared>>) offsets(%dma_start3A_133 : memref<50xi32, #tpu.memory_space<vmem>>) semaphore(%arg21 : memref<!tpu.dma_semaphore, #tpu.memory_space<semaphore_mem>>) {add = true}
      %add3A_137 = arith.constant 0 : i32
      %add3A_138 = arith.addi %add3A_72, %add3A_137 : i32
      %dma_wait3A_139 = arith.constant 0 : i32
      %dma_wait3A_140 = tpu.memref_slice %arg9[%add3A_138, %dma_wait3A_139] : memref<200x50xi32, #tpu.memory_space<vmem>> -> memref<1x50xi32, #tpu.memory_space<vmem>>
      %dma_wait3A_141 = tpu.memref_squeeze %dma_wait3A_140 : memref<1x50xi32, #tpu.memory_space<vmem>> -> memref<50xi32, #tpu.memory_space<vmem>>
      %dma_wait3A_142 = arith.constant 0 : i32
      %dma_wait3A_143 = arith.constant 0 : i32
      %dma_wait3A_144 = tpu.memref_slice %arg7[%dma_wait3A_142, %dma_wait3A_143] : memref<10240x128xf32, #tpu.memory_space<vmem_shared>> -> memref<10240x128xf32, #tpu.memory_space<vmem_shared>>
      tpu.wait_indirect_dma semaphore(%arg18 : memref<!tpu.dma_semaphore, #tpu.memory_space<semaphore_mem>>) src(%arg10 : memref<50x128xf32, #tpu.memory_space<vmem>>) dst(%dma_wait3A_144 : memref<10240x128xf32, #tpu.memory_space<vmem_shared>>)
      %add3A_145 = arith.constant 4 : i32
      %add3A_146 = arith.addi %add3A_72, %add3A_145 : i32
      %add3A_147 = arith.constant 0 : i32
      %add3A_148 = arith.addi %add3A_146, %add3A_147 : i32
      %min3A = arith.constant 199 : i32
      %min3A_149 = arith.minsi %add3A_148, %min3A : i32
      %dma_start3A_150 = arith.constant 0 : i32
      %dma_start3A_151 = tpu.memref_slice %arg8[%min3A_149, %dma_start3A_150] : memref<200x50xi32, #tpu.memory_space<vmem>> -> memref<1x50xi32, #tpu.memory_space<vmem>>
      %dma_start3A_152 = tpu.memref_squeeze %dma_start3A_151 : memref<1x50xi32, #tpu.memory_space<vmem>> -> memref<50xi32, #tpu.memory_space<vmem>>
      %dma_start3A_153 = arith.constant 0 : i32
      %dma_start3A_154 = arith.constant 0 : i32
      %dma_start3A_155 = tpu.memref_slice %arg2[%dma_start3A_153, %dma_start3A_154] : memref<10000x128xf32, #tpu.memory_space<hbm>> -> memref<10000x128xf32, #tpu.memory_space<hbm>>
      tpu.enqueue_indirect_dma source(%dma_start3A_155 : memref<10000x128xf32, #tpu.memory_space<hbm>>) target(%arg10 : memref<50x128xf32, #tpu.memory_space<vmem>>) offsets(%dma_start3A_152 : memref<50xi32, #tpu.memory_space<vmem>>) semaphore(%arg14 : memref<!tpu.dma_semaphore, #tpu.memory_space<semaphore_mem>>)
      %add3A_156 = arith.constant 1 : i32
      %add3A_157 = arith.addi %add3A_72, %add3A_156 : i32
      %dma_wait3A_158 = arith.constant 0 : i32
      %dma_wait3A_159 = tpu.memref_slice %arg9[%add3A_157, %dma_wait3A_158] : memref<200x50xi32, #tpu.memory_space<vmem>> -> memref<1x50xi32, #tpu.memory_space<vmem>>
      %dma_wait3A_160 = tpu.memref_squeeze %dma_wait3A_159 : memref<1x50xi32, #tpu.memory_space<vmem>> -> memref<50xi32, #tpu.memory_space<vmem>>
      %dma_wait3A_161 = arith.constant 0 : i32
      %dma_wait3A_162 = arith.constant 0 : i32
      %dma_wait3A_163 = tpu.memref_slice %arg7[%dma_wait3A_161, %dma_wait3A_162] : memref<10240x128xf32, #tpu.memory_space<vmem_shared>> -> memref<10240x128xf32, #tpu.memory_space<vmem_shared>>
      tpu.wait_indirect_dma semaphore(%arg19 : memref<!tpu.dma_semaphore, #tpu.memory_space<semaphore_mem>>) src(%arg11 : memref<50x128xf32, #tpu.memory_space<vmem>>) dst(%dma_wait3A_163 : memref<10240x128xf32, #tpu.memory_space<vmem_shared>>)
      %add3A_164 = arith.constant 4 : i32
      %add3A_165 = arith.addi %add3A_72, %add3A_164 : i32
      %add3A_166 = arith.constant 1 : i32
      %add3A_167 = arith.addi %add3A_165, %add3A_166 : i32
      %min3A_168 = arith.constant 199 : i32
      %min3A_169 = arith.minsi %add3A_167, %min3A_168 : i32
      %dma_start3A_170 = arith.constant 0 : i32
      %dma_start3A_171 = tpu.memref_slice %arg8[%min3A_169, %dma_start3A_170] : memref<200x50xi32, #tpu.memory_space<vmem>> -> memref<1x50xi32, #tpu.memory_space<vmem>>
      %dma_start3A_172 = tpu.memref_squeeze %dma_start3A_171 : memref<1x50xi32, #tpu.memory_space<vmem>> -> memref<50xi32, #tpu.memory_space<vmem>>
      %dma_start3A_173 = arith.constant 0 : i32
      %dma_start3A_174 = arith.constant 0 : i32
      %dma_start3A_175 = tpu.memref_slice %arg2[%dma_start3A_173, %dma_start3A_174] : memref<10000x128xf32, #tpu.memory_space<hbm>> -> memref<10000x128xf32, #tpu.memory_space<hbm>>
      tpu.enqueue_indirect_dma source(%dma_start3A_175 : memref<10000x128xf32, #tpu.memory_space<hbm>>) target(%arg11 : memref<50x128xf32, #tpu.memory_space<vmem>>) offsets(%dma_start3A_172 : memref<50xi32, #tpu.memory_space<vmem>>) semaphore(%arg15 : memref<!tpu.dma_semaphore, #tpu.memory_space<semaphore_mem>>)
      %add3A_176 = arith.constant 2 : i32
      %add3A_177 = arith.addi %add3A_72, %add3A_176 : i32
      %dma_wait3A_178 = arith.constant 0 : i32
      %dma_wait3A_179 = tpu.memref_slice %arg9[%add3A_177, %dma_wait3A_178] : memref<200x50xi32, #tpu.memory_space<vmem>> -> memref<1x50xi32, #tpu.memory_space<vmem>>
      %dma_wait3A_180 = tpu.memref_squeeze %dma_wait3A_179 : memref<1x50xi32, #tpu.memory_space<vmem>> -> memref<50xi32, #tpu.memory_space<vmem>>
      %dma_wait3A_181 = arith.constant 0 : i32
      %dma_wait3A_182 = arith.constant 0 : i32
      %dma_wait3A_183 = tpu.memref_slice %arg7[%dma_wait3A_181, %dma_wait3A_182] : memref<10240x128xf32, #tpu.memory_space<vmem_shared>> -> memref<10240x128xf32, #tpu.memory_space<vmem_shared>>
      tpu.wait_indirect_dma semaphore(%arg20 : memref<!tpu.dma_semaphore, #tpu.memory_space<semaphore_mem>>) src(%arg12 : memref<50x128xf32, #tpu.memory_space<vmem>>) dst(%dma_wait3A_183 : memref<10240x128xf32, #tpu.memory_space<vmem_shared>>)
      %add3A_184 = arith.constant 4 : i32
      %add3A_185 = arith.addi %add3A_72, %add3A_184 : i32
      %add3A_186 = arith.constant 2 : i32
      %add3A_187 = arith.addi %add3A_185, %add3A_186 : i32
      %min3A_188 = arith.constant 199 : i32
      %min3A_189 = arith.minsi %add3A_187, %min3A_188 : i32
      %dma_start3A_190 = arith.constant 0 : i32
      %dma_start3A_191 = tpu.memref_slice %arg8[%min3A_189, %dma_start3A_190] : memref<200x50xi32, #tpu.memory_space<vmem>> -> memref<1x50xi32, #tpu.memory_space<vmem>>
      %dma_start3A_192 = tpu.memref_squeeze %dma_start3A_191 : memref<1x50xi32, #tpu.memory_space<vmem>> -> memref<50xi32, #tpu.memory_space<vmem>>
      %dma_start3A_193 = arith.constant 0 : i32
      %dma_start3A_194 = arith.constant 0 : i32
      %dma_start3A_195 = tpu.memref_slice %arg2[%dma_start3A_193, %dma_start3A_194] : memref<10000x128xf32, #tpu.memory_space<hbm>> -> memref<10000x128xf32, #tpu.memory_space<hbm>>
      tpu.enqueue_indirect_dma source(%dma_start3A_195 : memref<10000x128xf32, #tpu.memory_space<hbm>>) target(%arg12 : memref<50x128xf32, #tpu.memory_space<vmem>>) offsets(%dma_start3A_192 : memref<50xi32, #tpu.memory_space<vmem>>) semaphore(%arg16 : memref<!tpu.dma_semaphore, #tpu.memory_space<semaphore_mem>>)
      %add3A_196 = arith.constant 3 : i32
      %add3A_197 = arith.addi %add3A_72, %add3A_196 : i32
      %dma_wait3A_198 = arith.constant 0 : i32
      %dma_wait3A_199 = tpu.memref_slice %arg9[%add3A_197, %dma_wait3A_198] : memref<200x50xi32, #tpu.memory_space<vmem>> -> memref<1x50xi32, #tpu.memory_space<vmem>>
      %dma_wait3A_200 = tpu.memref_squeeze %dma_wait3A_199 : memref<1x50xi32, #tpu.memory_space<vmem>> -> memref<50xi32, #tpu.memory_space<vmem>>
      %dma_wait3A_201 = arith.constant 0 : i32
      %dma_wait3A_202 = arith.constant 0 : i32
      %dma_wait3A_203 = tpu.memref_slice %arg7[%dma_wait3A_201, %dma_wait3A_202] : memref<10240x128xf32, #tpu.memory_space<vmem_shared>> -> memref<10240x128xf32, #tpu.memory_space<vmem_shared>>
      tpu.wait_indirect_dma semaphore(%arg21 : memref<!tpu.dma_semaphore, #tpu.memory_space<semaphore_mem>>) src(%arg13 : memref<50x128xf32, #tpu.memory_space<vmem>>) dst(%dma_wait3A_203 : memref<10240x128xf32, #tpu.memory_space<vmem_shared>>)
      %add3A_204 = arith.constant 4 : i32
      %add3A_205 = arith.addi %add3A_72, %add3A_204 : i32
      %add3A_206 = arith.constant 3 : i32
      %add3A_207 = arith.addi %add3A_205, %add3A_206 : i32
      %min3A_208 = arith.constant 199 : i32
      %min3A_209 = arith.minsi %add3A_207, %min3A_208 : i32
      %dma_start3A_210 = arith.constant 0 : i32
      %dma_start3A_211 = tpu.memref_slice %arg8[%min3A_209, %dma_start3A_210] : memref<200x50xi32, #tpu.memory_space<vmem>> -> memref<1x50xi32, #tpu.memory_space<vmem>>
      %dma_start3A_212 = tpu.memref_squeeze %dma_start3A_211 : memref<1x50xi32, #tpu.memory_space<vmem>> -> memref<50xi32, #tpu.memory_space<vmem>>
      %dma_start3A_213 = arith.constant 0 : i32
      %dma_start3A_214 = arith.constant 0 : i32
      %dma_start3A_215 = tpu.memref_slice %arg2[%dma_start3A_213, %dma_start3A_214] : memref<10000x128xf32, #tpu.memory_space<hbm>> -> memref<10000x128xf32, #tpu.memory_space<hbm>>
      tpu.enqueue_indirect_dma source(%dma_start3A_215 : memref<10000x128xf32, #tpu.memory_space<hbm>>) target(%arg13 : memref<50x128xf32, #tpu.memory_space<vmem>>) offsets(%dma_start3A_212 : memref<50xi32, #tpu.memory_space<vmem>>) semaphore(%arg17 : memref<!tpu.dma_semaphore, #tpu.memory_space<semaphore_mem>>)
    }
    %scan3A_35 = arith.constant 50 : i32
    %dma_wait3A = arith.constant 199 : i32
    %dma_wait3A_36 = arith.constant 0 : i32
    %dma_wait3A_37 = tpu.memref_slice %arg8[%dma_wait3A, %dma_wait3A_36] : memref<200x50xi32, #tpu.memory_space<vmem>> -> memref<1x50xi32, #tpu.memory_space<vmem>>
    %dma_wait3A_38 = tpu.memref_squeeze %dma_wait3A_37 : memref<1x50xi32, #tpu.memory_space<vmem>> -> memref<50xi32, #tpu.memory_space<vmem>>
    %dma_wait3A_39 = arith.constant 0 : i32
    %dma_wait3A_40 = arith.constant 0 : i32
    %dma_wait3A_41 = tpu.memref_slice %arg2[%dma_wait3A_39, %dma_wait3A_40] : memref<10000x128xf32, #tpu.memory_space<hbm>> -> memref<10000x128xf32, #tpu.memory_space<hbm>>
    tpu.wait_indirect_dma semaphore(%arg14 : memref<!tpu.dma_semaphore, #tpu.memory_space<semaphore_mem>>) src(%dma_wait3A_41 : memref<10000x128xf32, #tpu.memory_space<hbm>>) dst(%arg10 : memref<50x128xf32, #tpu.memory_space<vmem>>)
    %dma_wait3A_42 = arith.constant 199 : i32
    %dma_wait3A_43 = arith.constant 0 : i32
    %dma_wait3A_44 = tpu.memref_slice %arg8[%dma_wait3A_42, %dma_wait3A_43] : memref<200x50xi32, #tpu.memory_space<vmem>> -> memref<1x50xi32, #tpu.memory_space<vmem>>
    %dma_wait3A_45 = tpu.memref_squeeze %dma_wait3A_44 : memref<1x50xi32, #tpu.memory_space<vmem>> -> memref<50xi32, #tpu.memory_space<vmem>>
    %dma_wait3A_46 = arith.constant 0 : i32
    %dma_wait3A_47 = arith.constant 0 : i32
    %dma_wait3A_48 = tpu.memref_slice %arg2[%dma_wait3A_46, %dma_wait3A_47] : memref<10000x128xf32, #tpu.memory_space<hbm>> -> memref<10000x128xf32, #tpu.memory_space<hbm>>
    tpu.wait_indirect_dma semaphore(%arg15 : memref<!tpu.dma_semaphore, #tpu.memory_space<semaphore_mem>>) src(%dma_wait3A_48 : memref<10000x128xf32, #tpu.memory_space<hbm>>) dst(%arg11 : memref<50x128xf32, #tpu.memory_space<vmem>>)
    %dma_wait3A_49 = arith.constant 199 : i32
    %dma_wait3A_50 = arith.constant 0 : i32
    %dma_wait3A_51 = tpu.memref_slice %arg8[%dma_wait3A_49, %dma_wait3A_50] : memref<200x50xi32, #tpu.memory_space<vmem>> -> memref<1x50xi32, #tpu.memory_space<vmem>>
    %dma_wait3A_52 = tpu.memref_squeeze %dma_wait3A_51 : memref<1x50xi32, #tpu.memory_space<vmem>> -> memref<50xi32, #tpu.memory_space<vmem>>
    %dma_wait3A_53 = arith.constant 0 : i32
    %dma_wait3A_54 = arith.constant 0 : i32
    %dma_wait3A_55 = tpu.memref_slice %arg2[%dma_wait3A_53, %dma_wait3A_54] : memref<10000x128xf32, #tpu.memory_space<hbm>> -> memref<10000x128xf32, #tpu.memory_space<hbm>>
    tpu.wait_indirect_dma semaphore(%arg16 : memref<!tpu.dma_semaphore, #tpu.memory_space<semaphore_mem>>) src(%dma_wait3A_55 : memref<10000x128xf32, #tpu.memory_space<hbm>>) dst(%arg12 : memref<50x128xf32, #tpu.memory_space<vmem>>)
    %dma_wait3A_56 = arith.constant 199 : i32
    %dma_wait3A_57 = arith.constant 0 : i32
    %dma_wait3A_58 = tpu.memref_slice %arg8[%dma_wait3A_56, %dma_wait3A_57] : memref<200x50xi32, #tpu.memory_space<vmem>> -> memref<1x50xi32, #tpu.memory_space<vmem>>
    %dma_wait3A_59 = tpu.memref_squeeze %dma_wait3A_58 : memref<1x50xi32, #tpu.memory_space<vmem>> -> memref<50xi32, #tpu.memory_space<vmem>>
    %dma_wait3A_60 = arith.constant 0 : i32
    %dma_wait3A_61 = arith.constant 0 : i32
    %dma_wait3A_62 = tpu.memref_slice %arg2[%dma_wait3A_60, %dma_wait3A_61] : memref<10000x128xf32, #tpu.memory_space<hbm>> -> memref<10000x128xf32, #tpu.memory_space<hbm>>
    tpu.wait_indirect_dma semaphore(%arg17 : memref<!tpu.dma_semaphore, #tpu.memory_space<semaphore_mem>>) src(%dma_wait3A_62 : memref<10000x128xf32, #tpu.memory_space<hbm>>) dst(%arg13 : memref<50x128xf32, #tpu.memory_space<vmem>>)
    %barrier3A_63 = arith.constant 0 : index
    tpu.barrier barrier_id(%barrier3A_63)
    %mul3A_64 = arith.constant 640 : i32
    %mul3A_65 = arith.muli %arg1, %mul3A_64 : i32
    %mul3A_66 = arith.constant 640 : i32
    %mul3A_67 = arith.muli %arg1, %mul3A_66 : i32
    "tpu.region"() ({
      %run_scoped3A = tpu.sem_alloc : memref<!tpu.dma_semaphore, #tpu.memory_space<semaphore_mem>>
      %dma_start3A_68 = arith.constant 0 : i32
      %dma_start3A_69 = tpu.memref_slice %arg6[%arg0, %mul3A_67, %dma_start3A_68] : memref<2x10240x128xf32, #tpu.memory_space<hbm>> -> memref<1x640x128xf32, #tpu.memory_space<hbm>>
      %dma_start3A_70 = tpu.memref_squeeze %dma_start3A_69 : memref<1x640x128xf32, #tpu.memory_space<hbm>> -> memref<640x128xf32, #tpu.memory_space<hbm>>
      %dma_start3A_71 = arith.constant 0 : i32
      %dma_start3A_72 = tpu.memref_slice %arg7[%mul3A_65, %dma_start3A_71] : memref<10240x128xf32, #tpu.memory_space<vmem_shared>> -> memref<640x128xf32, #tpu.memory_space<vmem_shared>>
      tpu.enqueue_dma source(%dma_start3A_72 : memref<640x128xf32, #tpu.memory_space<vmem_shared>>) target(%dma_start3A_70 : memref<640x128xf32, #tpu.memory_space<hbm>>) target_semaphore(%run_scoped3A : memref<!tpu.dma_semaphore, #tpu.memory_space<semaphore_mem>>)
      %dma_wait3A_73 = arith.constant 0 : i32
      %dma_wait3A_74 = tpu.memref_slice %arg6[%arg0, %mul3A_67, %dma_wait3A_73] : memref<2x10240x128xf32, #tpu.memory_space<hbm>> -> memref<1x640x128xf32, #tpu.memory_space<hbm>>
      %dma_wait3A_75 = tpu.memref_squeeze %dma_wait3A_74 : memref<1x640x128xf32, #tpu.memory_space<hbm>> -> memref<640x128xf32, #tpu.memory_space<hbm>>
      %dma_wait3A_76 = arith.constant 0 : i32
      %dma_wait3A_77 = tpu.memref_slice %arg7[%mul3A_65, %dma_wait3A_76] : memref<10240x128xf32, #tpu.memory_space<vmem_shared>> -> memref<640x128xf32, #tpu.memory_space<vmem_shared>>
      tpu.wait_dma2 semaphore(%run_scoped3A : memref<!tpu.dma_semaphore, #tpu.memory_space<semaphore_mem>>) src(%dma_wait3A_77 : memref<640x128xf32, #tpu.memory_space<vmem_shared>>) dst(%dma_wait3A_75 : memref<640x128xf32, #tpu.memory_space<hbm>>)
      tpu.yield
    }) : () -> ()
    return
  }
}

module attributes {stable_mosaic.version = 14 : i64} {
  func.func @_logits_body(%arg0: memref<10240x128xf32, #tpu.memory_space<vmem>>, %arg1: memref<128x1xf32, #tpu.memory_space<vmem>>, %arg2: memref<1xf32, #tpu.memory_space<vmem>>, %arg3: memref<10240x1xf32, #tpu.memory_space<vmem>>) attributes {dimension_semantics = [], scalar_prefetch = 0 : i64, scratch_operands = 0 : i64, tpu.core_type = #tpu.core_type<tc>} {
    %get3A = arith.constant 0 : index
    %get3A_0 = arith.constant 0 : index
    %get3A_1 = vector.load %arg0[%get3A, %get3A_0] : memref<10240x128xf32, #tpu.memory_space<vmem>>, vector<10240x128xf32>
    %get3A_2 = arith.constant 0 : index
    %get3A_3 = arith.constant 0 : index
    %get3A_4 = vector.load %arg1[%get3A_2, %get3A_3] : memref<128x1xf32, #tpu.memory_space<vmem>>, vector<128x1xf32>
    %dot_general3A = arith.constant dense<0.000000e+00> : vector<10240x1xf32>
    %dot_general3A_5 = tpu.matmul %get3A_1, %get3A_4, %dot_general3A {dimension_numbers = #tpu.dot_dimension_numbers<[1], [0], [0], [1], [0, 0, 1, 1], [], []>, transpose_lhs_hint = false} : vector<10240x128xf32>, vector<128x1xf32>, vector<10240x1xf32> -> vector<10240x1xf32>
    %get3A_6 = arith.constant 0 : index
    %get3A_7 = vector.load %arg2[%get3A_6] : memref<1xf32, #tpu.memory_space<vmem>>, vector<1xf32>
    %get3A_8 = vector.extract %get3A_7[0] : f32 from vector<1xf32>
    %add3A = vector.broadcast %get3A_8 : f32 to vector<10240x1xf32>
    %add3A_9 = arith.addf %dot_general3A_5, %add3A : vector<10240x1xf32>
    %swap3A = arith.constant 0 : index
    %swap3A_10 = arith.constant 0 : index
    %swap3A_11 = vector.load %arg3[%swap3A, %swap3A_10] : memref<10240x1xf32, #tpu.memory_space<vmem>>, vector<10240x1xf32>
    tpu.vector_store %arg3[%swap3A, %swap3A_10], %add3A_9 {strides = array<i32>} : memref<10240x1xf32, #tpu.memory_space<vmem>>, vector<10240x1xf32>,
    return
  }
}

module attributes {stable_mosaic.version = 14 : i64} {
  func.func @_tc_mlp_body(%arg0: i32, %arg1: memref<1024x1xi32, #tpu.memory_space<vmem>>, %arg2: memref<1024x1xi32, #tpu.memory_space<vmem>>, %arg3: memref<1024x1xf32, #tpu.memory_space<vmem>>, %arg4: memref<1024x1xf32, #tpu.memory_space<vmem>>, %arg5: memref<1024x1xf32, #tpu.memory_space<vmem>>, %arg6: memref<1024x1xf32, #tpu.memory_space<vmem>>, %arg7: memref<1024x1xf32, #tpu.memory_space<vmem>>, %arg8: memref<1024x128xf32, #tpu.memory_space<vmem>>, %arg9: memref<1024x128xf32, #tpu.memory_space<vmem>>, %arg10: memref<128x128xf32, #tpu.memory_space<vmem>>, %arg11: memref<1x128xf32, #tpu.memory_space<vmem>>, %arg12: memref<128x128xf32, #tpu.memory_space<vmem>>, %arg13: memref<1x128xf32, #tpu.memory_space<vmem>>, %arg14: memref<1024x128xf32, #tpu.memory_space<vmem>>, %arg15: memref<1024x1xi32, #tpu.memory_space<vmem>>) attributes {dimension_semantics = [#tpu.dimension_semantics<arbitrary>], iteration_bounds = array<i64: 10>, scalar_prefetch = 0 : i64, scratch_operands = 0 : i64, tpu.core_type = #tpu.core_type<tc>, window_params = [{transform_indices = @transform_0, window_bounds = array<i64: 1024, 1>}, {transform_indices = @transform_1, window_bounds = array<i64: 1024, 1>}, {transform_indices = @transform_2, window_bounds = array<i64: 1024, 1>}, {transform_indices = @transform_3, window_bounds = array<i64: 1024, 1>}, {transform_indices = @transform_4, window_bounds = array<i64: 1024, 1>}, {transform_indices = @transform_5, window_bounds = array<i64: 1024, 1>}, {transform_indices = @transform_6, window_bounds = array<i64: 1024, 1>}, {transform_indices = @transform_7, window_bounds = array<i64: 1024, 128>}, {transform_indices = @transform_8, window_bounds = array<i64: 1024, 128>}, {pipeline_mode = #tpu.pipeline_mode<synchronous>, transform_indices = @transform_9, window_bounds = array<i64: 128, 128>}, {pipeline_mode = #tpu.pipeline_mode<synchronous>, transform_indices = @transform_10, window_bounds = array<i64: 1, 128>}, {pipeline_mode = #tpu.pipeline_mode<synchronous>, transform_indices = @transform_11, window_bounds = array<i64: 128, 128>}, {pipeline_mode = #tpu.pipeline_mode<synchronous>, transform_indices = @transform_12, window_bounds = array<i64: 1, 128>}, {transform_indices = @transform_13, window_bounds = array<i64: 1024, 128>}, {transform_indices = @transform_14, window_bounds = array<i64: 1024, 1>}]} {
    %mul3A = arith.constant 1024 : i32
    %mul3A_0 = arith.muli %arg0, %mul3A : i32
    %iota3A = tpu.iota {dimensions = array<i32: 0>} : vector<1024x1xi32>
    %add3A = vector.broadcast %mul3A_0 : i32 to vector<1024x1xi32>
    %add3A_1 = arith.addi %add3A, %iota3A : vector<1024x1xi32>
    %get3A = arith.constant 0 : index
    %get3A_2 = arith.constant 0 : index
    %get3A_3 = vector.load %arg3[%get3A, %get3A_2] : memref<1024x1xf32, #tpu.memory_space<vmem>>, vector<1024x1xf32>
    %get3A_4 = arith.constant 0 : index
    %get3A_5 = arith.constant 0 : index
    %get3A_6 = vector.load %arg4[%get3A_4, %get3A_5] : memref<1024x1xf32, #tpu.memory_space<vmem>>, vector<1024x1xf32>
    %max3A = arith.maximumf %get3A_3, %get3A_6 : vector<1024x1xf32>
    %get3A_7 = arith.constant 0 : index
    %get3A_8 = arith.constant 0 : index
    %get3A_9 = vector.load %arg5[%get3A_7, %get3A_8] : memref<1024x1xf32, #tpu.memory_space<vmem>>, vector<1024x1xf32>
    %max3A_10 = arith.maximumf %max3A, %get3A_9 : vector<1024x1xf32>
    %get3A_11 = arith.constant 0 : index
    %get3A_12 = arith.constant 0 : index
    %get3A_13 = vector.load %arg5[%get3A_11, %get3A_12] : memref<1024x1xf32, #tpu.memory_space<vmem>>, vector<1024x1xf32>
    %ge3A = arith.cmpf oge, %get3A_13, %max3A_10 : vector<1024x1xf32>
    %jit3A = arith.constant -1 : i32
    %broadcast_in_dim3A = vector.broadcast %jit3A : i32 to vector<1024x1xi32>
    %select_n3A = arith.select %ge3A, %add3A_1, %broadcast_in_dim3A : vector<1024x1xi1>, vector<1024x1xi32>
    %get3A_14 = arith.constant 0 : index
    %get3A_15 = arith.constant 0 : index
    %get3A_16 = vector.load %arg1[%get3A_14, %get3A_15] : memref<1024x1xi32, #tpu.memory_space<vmem>>, vector<1024x1xi32>
    %get3A_17 = arith.constant 0 : index
    %get3A_18 = arith.constant 0 : index
    %get3A_19 = vector.load %arg2[%get3A_17, %get3A_18] : memref<1024x1xi32, #tpu.memory_space<vmem>>, vector<1024x1xi32>
    %max3A_20 = arith.maxsi %get3A_16, %get3A_19 : vector<1024x1xi32>
    %max3A_21 = arith.maxsi %max3A_20, %select_n3A : vector<1024x1xi32>
    %lt3A = arith.constant 0 : i32
    %lt3A_22 = vector.broadcast %lt3A : i32 to vector<1024x1xi32>
    %lt3A_23 = arith.cmpi slt, %max3A_21, %lt3A_22 : vector<1024x1xi32>
    %select_n3A_24 = arith.select %lt3A_23, %add3A_1, %max3A_21 : vector<1024x1xi1>, vector<1024x1xi32>
    %eq3A = arith.cmpi eq, %select_n3A_24, %add3A_1 : vector<1024x1xi32>
    %get3A_25 = arith.constant 0 : index
    %get3A_26 = arith.constant 0 : index
    %get3A_27 = vector.load %arg6[%get3A_25, %get3A_26] : memref<1024x1xf32, #tpu.memory_space<vmem>>, vector<1024x1xf32>
    %get3A_28 = arith.constant 0 : index
    %get3A_29 = arith.constant 0 : index
    %get3A_30 = vector.load %arg7[%get3A_28, %get3A_29] : memref<1024x1xf32, #tpu.memory_space<vmem>>, vector<1024x1xf32>
    %add3A_31 = arith.addf %get3A_27, %get3A_30 : vector<1024x1xf32>
    %max3A_32 = arith.constant 1.000000e+00 : f32
    %max3A_33 = vector.broadcast %max3A_32 : f32 to vector<1024x1xf32>
    %max3A_34 = arith.maximumf %add3A_31, %max3A_33 : vector<1024x1xf32>
    %get3A_35 = arith.constant 0 : index
    %get3A_36 = arith.constant 0 : index
    %get3A_37 = vector.load %arg8[%get3A_35, %get3A_36] : memref<1024x128xf32, #tpu.memory_space<vmem>>, vector<1024x128xf32>
    %get3A_38 = arith.constant 0 : index
    %get3A_39 = arith.constant 0 : index
    %get3A_40 = vector.load %arg9[%get3A_38, %get3A_39] : memref<1024x128xf32, #tpu.memory_space<vmem>>, vector<1024x128xf32>
    %add3A_41 = arith.addf %get3A_37, %get3A_40 : vector<1024x128xf32>
    %div3A = vector.broadcast %max3A_34 : vector<1024x1xf32> to vector<1024x128xf32>
    %div3A_42 = arith.divf %add3A_41, %div3A : vector<1024x128xf32>
    %get3A_43 = arith.constant 0 : index
    %get3A_44 = arith.constant 0 : index
    %get3A_45 = vector.load %arg10[%get3A_43, %get3A_44] : memref<128x128xf32, #tpu.memory_space<vmem>>, vector<128x128xf32>
    %dot_general3A = arith.constant dense<0.000000e+00> : vector<1024x128xf32>
    %dot_general3A_46 = tpu.matmul %div3A_42, %get3A_45, %dot_general3A {dimension_numbers = #tpu.dot_dimension_numbers<[1], [0], [0], [1], [0, 0, 1, 1], [], []>, transpose_lhs_hint = false} : vector<1024x128xf32>, vector<128x128xf32>, vector<1024x128xf32> -> vector<1024x128xf32>
    %get3A_47 = arith.constant 0 : index
    %get3A_48 = arith.constant 0 : index
    %get3A_49 = vector.load %arg11[%get3A_47, %get3A_48] : memref<1x128xf32, #tpu.memory_space<vmem>>, vector<1x128xf32>
    %add3A_50 = vector.broadcast %get3A_49 : vector<1x128xf32> to vector<1024x128xf32>
    %add3A_51 = arith.addf %dot_general3A_46, %add3A_50 : vector<1024x128xf32>
    %mul3A_52 = arith.constant 5.000000e-01 : f32
    %mul3A_53 = vector.broadcast %mul3A_52 : f32 to vector<1024x128xf32>
    %mul3A_54 = arith.mulf %mul3A_53, %add3A_51 : vector<1024x128xf32>
    %mul3A_55 = arith.constant 0.707106769 : f32
    %mul3A_56 = vector.broadcast %mul3A_55 : f32 to vector<1024x128xf32>
    %mul3A_57 = arith.mulf %add3A_51, %mul3A_56 : vector<1024x128xf32>
    %erf3A = math.erf %mul3A_57 : vector<1024x128xf32>
    %add3A_58 = arith.constant 1.000000e+00 : f32
    %add3A_59 = vector.broadcast %add3A_58 : f32 to vector<1024x128xf32>
    %add3A_60 = arith.addf %add3A_59, %erf3A : vector<1024x128xf32>
    %mul3A_61 = arith.mulf %mul3A_54, %add3A_60 : vector<1024x128xf32>
    %get3A_62 = arith.constant 0 : index
    %get3A_63 = arith.constant 0 : index
    %get3A_64 = vector.load %arg12[%get3A_62, %get3A_63] : memref<128x128xf32, #tpu.memory_space<vmem>>, vector<128x128xf32>
    %dot_general3A_65 = arith.constant dense<0.000000e+00> : vector<1024x128xf32>
    %dot_general3A_66 = tpu.matmul %mul3A_61, %get3A_64, %dot_general3A_65 {dimension_numbers = #tpu.dot_dimension_numbers<[1], [0], [0], [1], [0, 0, 1, 1], [], []>, transpose_lhs_hint = false} : vector<1024x128xf32>, vector<128x128xf32>, vector<1024x128xf32> -> vector<1024x128xf32>
    %get3A_67 = arith.constant 0 : index
    %get3A_68 = arith.constant 0 : index
    %get3A_69 = vector.load %arg13[%get3A_67, %get3A_68] : memref<1x128xf32, #tpu.memory_space<vmem>>, vector<1x128xf32>
    %add3A_70 = vector.broadcast %get3A_69 : vector<1x128xf32> to vector<1024x128xf32>
    %add3A_71 = arith.addf %dot_general3A_66, %add3A_70 : vector<1024x128xf32>
    %jit3A_72 = arith.constant 0.000000e+00 : f32
    %broadcast_in_dim3A_73 = vector.shape_cast %eq3A : vector<1024x1xi1> to vector<1024x1xi1>
    %broadcast_in_dim3A_74 = vector.broadcast %broadcast_in_dim3A_73 : vector<1024x1xi1> to vector<1024x128xi1>
    %broadcast_in_dim3A_75 = vector.broadcast %jit3A_72 : f32 to vector<1024x128xf32>
    %select_n3A_76 = arith.select %broadcast_in_dim3A_74, %add3A_71, %broadcast_in_dim3A_75 : vector<1024x128xi1>, vector<1024x128xf32>
    %swap3A = arith.constant 0 : index
    %swap3A_77 = arith.constant 0 : index
    %swap3A_78 = vector.load %arg14[%swap3A, %swap3A_77] : memref<1024x128xf32, #tpu.memory_space<vmem>>, vector<1024x128xf32>
    tpu.vector_store %arg14[%swap3A, %swap3A_77], %select_n3A_76 {strides = array<i32>} : memref<1024x128xf32, #tpu.memory_space<vmem>>, vector<1024x128xf32>,
    %swap3A_79 = arith.constant 0 : index
    %swap3A_80 = arith.constant 0 : index
    %swap3A_81 = vector.load %arg15[%swap3A_79, %swap3A_80] : memref<1024x1xi32, #tpu.memory_space<vmem>>, vector<1024x1xi32>
    tpu.vector_store %arg15[%swap3A_79, %swap3A_80], %select_n3A_24 {strides = array<i32>} : memref<1024x1xi32, #tpu.memory_space<vmem>>, vector<1024x1xi32>,
    return
  }
  func.func @transform_0(%arg0: i32) -> (i32, i32) {
    %c0_i32 = arith.constant 0 : i32
    %c0_i32_0 = arith.constant 0 : i32
    return %arg0, %c0_i32 : i32, i32
  }
  func.func @transform_1(%arg0: i32) -> (i32, i32) {
    %c0_i32 = arith.constant 0 : i32
    %c0_i32_0 = arith.constant 0 : i32
    return %arg0, %c0_i32 : i32, i32
  }
  func.func @transform_2(%arg0: i32) -> (i32, i32) {
    %c0_i32 = arith.constant 0 : i32
    %c0_i32_0 = arith.constant 0 : i32
    return %arg0, %c0_i32 : i32, i32
  }
  func.func @transform_3(%arg0: i32) -> (i32, i32) {
    %c0_i32 = arith.constant 0 : i32
    %c0_i32_0 = arith.constant 0 : i32
    return %arg0, %c0_i32 : i32, i32
  }
  func.func @transform_4(%arg0: i32) -> (i32, i32) {
    %c0_i32 = arith.constant 0 : i32
    %c0_i32_0 = arith.constant 0 : i32
    return %arg0, %c0_i32 : i32, i32
  }
  func.func @transform_5(%arg0: i32) -> (i32, i32) {
    %c0_i32 = arith.constant 0 : i32
    %c0_i32_0 = arith.constant 0 : i32
    return %arg0, %c0_i32 : i32, i32
  }
  func.func @transform_6(%arg0: i32) -> (i32, i32) {
    %c0_i32 = arith.constant 0 : i32
    %c0_i32_0 = arith.constant 0 : i32
    return %arg0, %c0_i32 : i32, i32
  }
  func.func @transform_7(%arg0: i32) -> (i32, i32) {
    %c0_i32 = arith.constant 0 : i32
    %c0_i32_0 = arith.constant 0 : i32
    return %arg0, %c0_i32 : i32, i32
  }
  func.func @transform_8(%arg0: i32) -> (i32, i32) {
    %c0_i32 = arith.constant 0 : i32
    %c0_i32_0 = arith.constant 0 : i32
    return %arg0, %c0_i32 : i32, i32
  }
  func.func @transform_9(%arg0: i32) -> (i32, i32) {
    %c0_i32 = arith.constant 0 : i32
    %c0_i32_0 = arith.constant 0 : i32
    %c0_i32_1 = arith.constant 0 : i32
    return %c0_i32, %c0_i32_0 : i32, i32
  }
  func.func @transform_10(%arg0: i32) -> (i32, i32) {
    %c0_i32 = arith.constant 0 : i32
    %c0_i32_0 = arith.constant 0 : i32
    %c0_i32_1 = arith.constant 0 : i32
    return %c0_i32, %c0_i32_0 : i32, i32
  }
  func.func @transform_11(%arg0: i32) -> (i32, i32) {
    %c0_i32 = arith.constant 0 : i32
    %c0_i32_0 = arith.constant 0 : i32
    %c0_i32_1 = arith.constant 0 : i32
    return %c0_i32, %c0_i32_0 : i32, i32
  }
  func.func @transform_12(%arg0: i32) -> (i32, i32) {
    %c0_i32 = arith.constant 0 : i32
    %c0_i32_0 = arith.constant 0 : i32
    %c0_i32_1 = arith.constant 0 : i32
    return %c0_i32, %c0_i32_0 : i32, i32
  }
  func.func @transform_13(%arg0: i32) -> (i32, i32) {
    %c0_i32 = arith.constant 0 : i32
    %c0_i32_0 = arith.constant 0 : i32
    return %arg0, %c0_i32 : i32, i32
  }
  func.func @transform_14(%arg0: i32) -> (i32, i32) {
    %c0_i32 = arith.constant 0 : i32
    %c0_i32_0 = arith.constant 0 : i32
    return %arg0, %c0_i32 : i32, i32
  }
}

</mosaic_0001>

<sc_bundles>
// kernel: kernel.11.cloned.1.call-start
scs
__scs_entry_jumppad:
0x0: {  	(pc) =	sbr.rel $0x88, $3  }
0x1: {  	(tag) =	ssettag $0x0;
	lr =	simm.s32 $0x1  }
0x2: {  	[smem:$0x3F99] =	sst lr;
	_ =	strace $0xD0000000  }
0x3: {  	_ = 	snop  }
0x4: {  	_ = 	snop  }
0x5: {  	_ = 	snop  }
0x6: {  	_ = 	snop  }
0x7: {  	_ = 	snop  }
__scs_overlays_trampoline_lowered:
0x8: {  	[smem:$0x3FA8] =	sst s0  }
0x9: {  	[smem:$0x3FA9] =	sst s1  }
0xa: {  	[smem:$0x3FAA] =	sst s2  }
0xb: {  	[smem:$0x3FAB] =	sst s3  }
0xc: {  	[smem:$0x3FAC] =	sst s4  }
0xd: {  	[smem:$0x3FAD] =	sst s5  }
0xe: {  	[smem:$0x3FAE] =	sst s6  }
0xf: {  	[smem:$0x3FAF] =	sst s7  }
0x10: {  	[smem:$0x3FB0] =	sst s8  }
0x11: {  	[smem:$0x3FB1] =	sst s9;
	s0 =	simm.s32 @!p0 $0x0  }
0x12: {  	s1 =	sld [smem:$0x3F97];
	s0 =	simm.s32 @p0 $0x1  }
0x13: {  	[smem:$0x3FB2] =	sst s0;
	s0 =	simm.s32 @!p1 $0x0  }
0x14: {  	s2 =	sld [smem:$0x3F96];
	s0 =	simm.s32 @p1 $0x1  }
0x15: {  	[smem:$0x3FB3] =	sst s0;
	s0 =	simm.s32 @!p2 $0x0  }
0x16: {  	s3 =	sld [smem:$0x3FDB];
	s0 =	simm.s32 @p2 $0x1  }
0x17: {  	s4 =	simm.s32 $0x1BF5;
	[smem:$0x3FB5] =	sst s0  }
0x18: {  	s0 =	sld [smem:$0x3F98];
	_ =	swait.ge [sflag:s4], $0x0  }
0x19: {  	s7 =	sld [smem:$0x3F99]  }
0x1a: {  	s8 =	sadd.s32 $0xFFFFE003, lr  }
0x1b: {  	s9 =	sadd.s32 $0xFFFFFEF7, lr;
	s5 =	simm.s32 $0xFFFFFFFF;
	p2 =	slt.u32 s8, $0xFFFFF086  }
0x1c: {  	p1 =	slt.u32 s9, $0xF7A;
	s5 =	simm.s32 @!p2 $0x0  }
0x1d: {  	s5 =	simm.s32 @p1 $0x1;
	p0 =	seq.s32 s7, s2  }
0x1e: {  	s7 =	smul.u32 @!p0 $0xF7A, s2;
	p2 =	seq.s32 @!p0 s5, $0x0  }
0x1f: {  	s9 =	smul.u32 $0xF7A, s1;
	s8 =	simm.s32 @!p0 $0x1BF5;
	p2 =	por !p2, p0  }
0x20: {  	[sflag:s8] =	ssyncset.s32 @!p0 $0xFFFFF086;
	s6 =	sadd.s32 @!p0 s3, s7;
	s7 =	simm.s32 @!p0 $0x108  }
0x21: {  	s3 =	sadd.s32 s3, s9;
	s6 =	sadd.s32 @!p0 $0x88, s6;
	s7 =	simm.s32 @p2 $0x1082  }
0x22: {  	[simem:s7], [sflag:s8] =	dma.local @!p0 [hbm:s6], $0xF7A  }
0x23: {  	s9 =	sor.u32 $0xD0000000, s2;
	s6 =	simm.s32 $0x108;
	_ =	swait.ge @!p0 [sflag:s8], $0x0  }
0x24: {  	s3 =	sadd.s32 $0x88, s3;
	s6 =	simm.s32 @!p1 $0x1082;
	[sflag:s4] =	ssyncset.s32 $0xFFFFF086  }
0x25: {  	[simem:s6], [sflag:s4] =	dma.local [hbm:s3], $0xF7A  }
0x26: {  	[smem:$0x3F99] =	sst s1;
	(tag) =	ssettag s2;
	_ =	strace s9  }
0x27: {  	s1 =	sld [smem:$0x3FA9]  }
0x28: {  	s2 =	sld [smem:$0x3FAA]  }
0x29: {  	s4 =	sld [smem:$0x3FAC]  }
0x2a: {  	p0 =	seq.s32 s5, $0x0;
	s5 =	sld [smem:$0x3FAD]  }
0x2b: {  	s6 =	sld [smem:$0x3FAE]  }
0x2c: {  	s7 =	sld [smem:$0x3FAF]  }
0x2d: {  	s3 =	simm.s32 $0x108;
	s8 =	sld [smem:$0x3FB0]  }
0x2e: {  	s3 =	simm.s32 @!p0 $0x1082;
	s9 =	sld [smem:$0x3FB1]  }
0x2f: {  	lr =	sadd.s32 s0, s3;
	s0 =	sld [smem:$0x3FA8]  }
0x30: {  	s3 =	sld [smem:$0x3FAB]  }
0x31: {  	[smem:$0x3FB4] =	sst s10  }
0x32: {  	s10 =	sld [smem:$0x3FB2];
	_ =	sdelay $0x3  }
0x33: {  	p0 =	seq.s32 s10, $0x1;
	s10 =	sld [smem:$0x3FB4];
	_ =	sdelay $0x3  }
0x34: {  	[smem:$0x3FB4] =	sst s10  }
0x35: {  	s10 =	sld [smem:$0x3FB3];
	_ =	sdelay $0x3  }
0x36: {  	p1 =	seq.s32 s10, $0x1;
	s10 =	sld [smem:$0x3FB4];
	_ =	sdelay $0x3  }
0x37: {  	[smem:$0x3FB4] =	sst s10  }
0x38: {  	s10 =	sld [smem:$0x3FB5]  }
0x39: {  	_ = 	snop;
	(pc) =	sbr.ind lr, $3  }
0x3a: {  	_ = 	snop  }
0x3b: {  	_ = 	snop  }
0x3c: {  	p2 =	seq.s32 s10, $0x1;
	s10 =	sld [smem:$0x3FB4]  }
0x3d: {  	_ =	shalt  }
0x3e: {  	_ =	shalt  }
0x3f: {  	_ =	shalt  }
0x40: {  	_ =	shalt  }
0x41: {  	_ =	shalt  }
0x42: {  	_ =	shalt  }
0x43: {  	_ =	shalt  }
0x44: {  	_ =	shalt  }
0x45: {  	_ =	shalt  }
0x46: {  	_ =	shalt  }
0x47: {  	_ =	shalt  }
0x48: {  	_ =	shalt  }
0x49: {  	_ =	shalt  }
0x4a: {  	_ =	shalt  }
0x4b: {  	_ =	shalt  }
0x4c: {  	_ =	shalt  }
0x4d: {  	_ =	shalt  }
0x4e: {  	_ =	shalt  }
0x4f: {  	_ =	shalt  }
0x50: {  	_ =	shalt  }
0x51: {  	_ =	shalt  }
0x52: {  	_ =	shalt  }
0x53: {  	_ =	shalt  }
0x54: {  	_ =	shalt  }
0x55: {  	_ =	shalt  }
0x56: {  	_ =	shalt  }
0x57: {  	_ =	shalt  }
0x58: {  	_ =	shalt  }
0x59: {  	_ =	shalt  }
0x5a: {  	_ =	shalt  }
0x5b: {  	_ =	shalt  }
0x5c: {  	_ =	shalt  }
0x5d: {  	_ =	shalt  }
0x5e: {  	_ =	shalt  }
0x5f: {  	_ =	shalt  }
0x60: {  	_ =	shalt  }
0x61: {  	_ =	shalt  }
0x62: {  	_ =	shalt  }
0x63: {  	_ =	shalt  }
0x64: {  	_ =	shalt  }
0x65: {  	_ =	shalt  }
0x66: {  	_ =	shalt  }
0x67: {  	_ =	shalt  }
0x68: {  	_ =	shalt  }
0x69: {  	_ =	shalt  }
0x6a: {  	_ =	shalt  }
0x6b: {  	_ =	shalt  }
0x6c: {  	_ =	shalt  }
0x6d: {  	_ =	shalt  }
0x6e: {  	_ =	shalt  }
0x6f: {  	_ =	shalt  }
0x70: {  	_ =	shalt  }
0x71: {  	_ =	shalt  }
0x72: {  	_ =	shalt  }
0x73: {  	_ =	shalt  }
0x74: {  	_ =	shalt  }
0x75: {  	_ =	shalt  }
0x76: {  	_ =	shalt  }
0x77: {  	_ =	shalt  }
0x78: {  	_ =	shalt  }
0x79: {  	_ =	shalt  }
0x7a: {  	_ =	shalt  }
0x7b: {  	_ =	shalt  }
0x7c: {  	_ =	shalt  }
0x7d: {  	_ =	shalt  }
0x7e: {  	_ =	shalt  }
0x7f: {  	_ =	shalt  }
0x80: {  	_ =	shalt  }
0x81: {  	_ =	shalt  }
0x82: {  	_ =	shalt  }
0x83: {  	_ =	shalt  }
0x84: {  	_ =	shalt  }
0x85: {  	_ =	shalt  }
0x86: {  	_ =	shalt  }
0x87: {  	_ =	shalt  }
.Lfunc_end0:
.L_simem_size_0:
called_computation.1_lowered:
.L_overlay_start_0:
0x88: {  	s2 =	sld [smem:$0x3FD9]  }
0x89: {  	s3 =	sld [smem:$0x3FFE];
	_ =	sdelay $0x1  }
0x8a: {  	s1 =	srdreg.scid  }
0x8b: {  	s0 =	sand.u32 $0x1, s1  }
0x8c: {  	s16 =	sshll.u32 s0, $0xA;
	s2 =	sadd.s32 s3, s2  }
0x8d: {  	s2 =	sadd.s32 s2, s16  }
0x8e: {  	[smem:$0x3FC0] =	sst s2  }
0x8f: {  	_ = 	snop  }
0x90: {  	(tm) =	ssettm $0x1  }
0x91: {  	s17 =	sld [smem:$0x3FFB];
	_ =	sdelay $0x3  }
0x92: {  	_ =	strace s17  }
0x93: {  	s2 =	sld [smem:$0x3FFC];
	_ =	sdelay $0x3  }
0x94: {  	_ =	strace s2  }
0x95: {  	s2 =	sld [smem:$0x3FFD];
	_ =	sdelay $0x3  }
0x96: {  	_ =	strace s2  }
0x97: {  	_ =	strace $0x8FFFFFFF  }
0x98: {  	s18 =	sld [smem:$0x3FDB];
	_ =	sdelay $0x1  }
0x99: {  	s19 =	simm.s32 $_scs_section_size  }
0x9a: {  	s4 =	simm.s32 $_size__tile_overlayer_lowered;
	s5 =	simm.s32 $_tile_overlayer_lowered  }
0x9b: {  	s22 =	simm.s32 $0x1BFF;
	s21 =	sshll.u32 s5, $0x1;
	s2 =	sadd.s32 s19, s18  }
0x9c: {  	s6 =	simm.s32 $0x0;
	s20 =	sshll.u32 s4, $0x1;
	s4 =	sadd.s32 s21, s2  }
0x9d: {  	[timem:s6], [sflag:s22] =	dma.local [hbm:s4], s20  }
0x9e: {  	_ =	swait.ge [sflag:s22], s20  }
0x9f: {  	s3 =	ssub.s32 $0x0, s20;
	[sflag:s22] =	ssyncset.done $0x0  }
0xa0: {  	[sflag:s22] =	ssyncadd.s32 s3;
	_ =	sdelay $0x1  }
0xa1: {  	s23 =	simm.s32 $0x1B8B  }
0xa2: {  	_ =	swait.ge [sflag:s23], $0x1  }
0xa3: {  	[sflag:s23] =	ssyncset.done $0x0  }
0xa4: {  	s25 =	simm.s32 $0x1B8E;
	s24 =	sld [smem:$0x3FFE];
	[sflag:s23] =	ssyncadd.s32 $0xFFFFFFFF  }
0xa5: {  	s26 =	simm.s32 $execute0_lowered;
	[smem:$0x3FD2] =	sst s25  }
0xa6: {  	s4 =	sshll.u32 s26, $0x1;
	_ =	strace $0x80000046;
	[dreg:$0x1] =	wrdreg $0xFFFFFFFF  }
0xa7: {  	s28 =	simm.s32 $_size_execute0_lowered;
	s2 =	sadd.s32 s2, s4;
	[dreg:$0x0] =	wrdreg $0x0  }
0xa8: {  	s4 =	sshll.u32 s28, $0x1;
	[dreg:$0x2] =	wrdreg s2  }
0xa9: {  	[dreg:$0x3] =	wrdreg s4  }
0xaa: {  	[dreg:$0x4] =	wrdreg $0xC0  }
0xab: {  	_ =	task [dreg:s6], $0x5FFFF  }
0xac: {  	[dreg:$0x1] =	wrdreg $0xFFFFFFFF  }
0xad: {  	[dreg:$0x0] =	wrdreg $0x60  }
0xae: {  	[dreg:$0x2] =	wrdreg s24  }
0xaf: {  	[dreg:$0x3] =	wrdreg $0x28000  }
0xb0: {  	[dreg:$0x4] =	wrdreg $0x0  }
0xb1: {  	[dreg:$0x5] =	wrdreg $0xA  }
0xb2: {  	_ =	task.clear_ibuf [dreg:s6], $0x6FFFF;
	_ =	strace $0x90000046  }
0xb3: {  	s29 =	simm.s32 $0xA;
	_ =	strace $0x80000048  }
0xb4: {  	_ =	swait.ge [sflag:s29], $0x1  }
0xb5: {  	[sflag:s29] =	ssyncadd.s32 $0xFFFFFFFF  }
0xb6: {  	_ =	strace $0x90000048  }
0xb7: {  	_ =	sfence  }
0xb8: {  	s30 =	sld [smem:$0x0];
	_ =	sdelay $0x2  }
0xb9: {  	s31 =	sshll.u32 s1, $0xD;
	s1 =	sshrl.u32 s1, $0x2  }
0xba: {  	s3 =	sand.u32 $0x4000, s31;
	s1 =	sadd.s32 s1, s30  }
0xbb: {  	s0 =	sor.u32 s3, s0;
	s1 =	sshll.u32 s1, $0x11  }
0xbc: {  	s0 =	sor.u32 s1, s0  }
0xbd: {  	s0 =	sadd.s32 $0x8F2B, s0  }
0xbe: {  	[sflag:s0] =	ssyncadd.remote.s32 $0x1  }
0xbf: {  	_ =	sfence.sel $0xFFFF  }
0xc0: {  	[dreg:$0x0] =	wrdreg $0xFFFFFFFF;
	(pc) =	sbr.abs _section_cstart, $3  }
0xc1: {  	[dreg:$0x1] =	wrdreg $0xFFFFFFFF  }
0xc2: {  	_ =	task.clear_ibuf [dreg:s6], $0x2FFFF;
	_ =	strace $0x9FFFFFFF  }
0xc3: {  	(tm) =	ssettm $0x7FFFFFFF  }
tec
execute0_lowered:
.L_overlay_start_1:
0x0: {  	(tag) =	ssettag $0x1  }
0x1: {  	s13 =	stileid.u32  }
0x2: {  	s0 =	srdreg.scid;
	s7 =	smul.u32 $0x2800, s13  }
0x3: {  	s1 =	rddreg [dreg:$0x0];
	s8 =	smul.u32 $0x280, s13  }
0x4: {  	s0 =	sand.u32 $0x1, s0;
	s3 =	sshll.u32 s13, $0x1;
	s13 =	smul.u32 $0xA000, s13  }
0x5: {  	s2 =	rddreg [dreg:$0x1];
	s10 =	smul.u32 $0x2800, s0  }
0x6: {  	s6 =	rddreg [dreg:$0x2];
	s4 =	sor.u32 s0, s3;
	s12 =	smul.u32 $0x28000, s0  }
0x7: {  	s9 =	sadd.s32 $0x48800, s1;
	s14 =	sadd.s32 $0x48E00, s1;
	s5 =	smul.u32 $0x4E2, s4  }
0x8: {  	s3 =	simm.s32 $0x0;
	s0 =	ssub.s32 $0x2, s0;
	s4 =	smul.u32 $0x514, s4  }
0x9: {  	[smem:$0x7FF] =	sst s3;
	s11 =	sshrl.u32 s7, $0x3;
	s17 =	sshrl.u32 s0, $0x1  }
0xa: {  	s19 =	sadd.s32 s7, s2;
	s20 =	sshrl.u32 s13, $0x2;
	s13 =	sadd.s32 s8, s6  }
0xb: {  	_ =	strace $0x80000047;
	[dreg:$0x4] =	wrdreg s9;
	s11 =	sadd.s32 s11, s1  }
0xc: {  	s10 =	sadd.s32 s8, s10;
	[dreg:$0x5] =	wrdreg s14;
	s12 =	sadd.s32 s7, s12  }
0xd: {  	s0 =	ssub.s32 s0, s17;
	[dreg:$0x9] =	wrdreg s19;
	s22 =	sadd.s32 $0x2800, s13  }
0xe: {  	s23 =	sadd.s32 $0x5000, s13;
	s24 =	sadd.s32 $0x7800, s13;
	s25 =	sadd.s32 $0xA000, s13  }
0xf: {  	s26 =	sadd.s32 $0xC800, s13;
	s19 =	sadd.s32 $0xF000, s13;
	s28 =	sadd.s32 $0x1B800, s13  }
0x10: {  	s29 =	sadd.s32 $0x1E000, s13;
	s30 =	sadd.s32 $0x20800, s13;
	s31 =	sadd.s32 $0x23000, s13  }
0x11: {  	s7 =	simm.s32 $0x116C0;
	s8 =	simm.s32 $0x13EC0;
	[dreg:$0xc] =	wrdreg s22  }
0x12: {  	s16 =	sadd.s32 s5, s1;
	s4 =	sadd.s32 s4, s1;
	[dreg:$0xd] =	wrdreg s23  }
0x13: {  	s5 =	sadd.s32 $0x49000, s1;
	s10 =	sshrl.u32 s10, $0x3;
	[dreg:$0xe] =	wrdreg s24  }
0x14: {  	s12 =	sshrl.u32 s12, $0x3;
	s21 =	sadd.s32 $0x49600, s11;
	[dreg:$0xf] =	wrdreg s25  }
0x15: {  	[dreg:$0x10] =	wrdreg s26;
	s22 =	sadd.s32 $0x16800, s13;
	s25 =	smax.u32 s0, $0x1  }
0x16: {  	s26 =	sadd.s32 $0x19000, s13;
	s0 =	simm.s32 $0x1;
	s11 =	simm.s32 $0x14780  }
0x17: {  	s10 =	sadd.s32 s10, s1;
	s18 =	sadd.s32 $0x2800, s16;
	[dreg:$0xa] =	wrdreg s21  }
0x18: {  	s1 =	sadd.s32 s12, s1;
	s9 =	sadd.s32 $0xC600, s16;
	[dreg:$0x6] =	wrdreg s18  }
0x19: {  	s4 =	sadd.s32 $0x16400, s4;
	s21 =	sadd.s32 $0x14000, s13;
	[dreg:$0x7] =	wrdreg s9  }
0x1a: {  	s12 =	simm.s32 $0x0;
	[dreg:$0x8] =	wrdreg s4;
	s4 =	sadd.s32 s20, s6  }
0x1b: {  	s20 =	sadd.s32 $0x11800, s13;
	s23 =	sadd.s32 $0x58600, s10;
	s24 =	sadd.s32 $0x4E600, s1  }
0x1c: {  	s1 =	sadd.s32 $0x25800, s13;
	s6 =	simm.s32 $0xEEC0;
	s9 =	simm.s32 $0x64  }
0x1d: {  	v0 =	vimm.f32 $0.0e+00;
	s10 =	simm.s32 $0x14500;
	[dreg:$0xb] =	wrdreg s4;
	s4 =	simm.s32 $0xC6C0  }
.LBB2_1:
0x1e: {  	s14 =	rddreg [dreg:$0x6];
	s15 =	simm.s32 $0x5000  }
0x1f: {  	[tilespmem:s15], [sflag:$0x1] =	stream.linear.gather [hbm4b:s14+s3], $0x2710, $0x38;
	[tilespmem:$0x14A00] =	vst v63  }
0x20: {  	_ =	swait.ge [sflag:s0], $0x2710  }
0x21: {  	[sflag:s0] =	ssyncset.done $0x0  }
0x22: {  	s18 =	simm.s32 $0x7710;
	s17 =	rddreg [dreg:$0x7];
	[sflag:s0] =	ssyncadd.s32 $0xFFFFD8F0  }
0x23: {  	[tilespmem:s18], [sflag:$0x1] =	stream.linear.gather [hbm4b:s17+s3], $0x2710, $0x38;
	[tilespmem:$0x14A00] =	vst v63  }
0x24: {  	_ =	swait.ge [sflag:s0], $0x2710  }
0x25: {  	[sflag:s0] =	ssyncset.done $0x0  }
0x26: {  	s17 =	simm.s32 $0x9E20;
	s16 =	rddreg [dreg:$0x8];
	[sflag:s0] =	ssyncadd.s32 $0xFFFFD8F0  }
0x27: {  	[tilespmem:s17], [sflag:$0x1] =	stream.linear.gather [hbm4b:s16+s3], $0x28A0, $0x38;
	[tilespmem:$0x14A00] =	vst v63  }
0x28: {  	_ =	swait.ge [sflag:s0], $0x28A0  }
0x29: {  	[sflag:s0] =	ssyncset.done $0x0  }
0x2a: {  	s18 =	rddreg [dreg:$0x4];
	[sflag:s0] =	ssyncadd.s32 $0xFFFFD760  }
0x2b: {  	[tilespmem:s4], [sflag:$0x1] =	stream.linear.gather [hbm4b:s18+s3], $0x2800, $0x38;
	[tilespmem:$0x14A00] =	vst v63  }
0x2c: {  	_ =	swait.ge [sflag:s0], $0x2800  }
0x2d: {  	[sflag:s0] =	ssyncset.done $0x0  }
0x2e: {  	[sflag:s0] =	ssyncadd.s32 $0xFFFFD800  }
0x2f: {  	[tilespmem:s6], [sflag:$0x1] =	stream.linear.gather [hbm4b:s5+s3], $0x2800, $0x38;
	[tilespmem:$0x14A00] =	vst v63  }
0x30: {  	_ =	swait.ge [sflag:s0], $0x2800  }
0x31: {  	[sflag:s0] =	ssyncset.done $0x0  }
0x32: {  	[sflag:s0] =	ssyncadd.s32 $0xFFFFD800  }
0x33: {  	[tilespmem:s7], [sflag:$0x1] =	stream.linear.gather [hbm4b:s5+s3], $0x2800, $0x38;
	[tilespmem:$0x14A00] =	vst v63  }
0x34: {  	_ =	swait.ge [sflag:s0], $0x2800  }
0x35: {  	[sflag:s0] =	ssyncset.done $0x0  }
0x36: {  	s16 =	stileid.u32;
	s15 =	rddreg [dreg:$0x5];
	[sflag:s0] =	ssyncadd.s32 $0xFFFFD800  }
0x37: {  	[tilespmem:s8], [sflag:$0x1] =	stream.linear.gather [hbm4b:s15+s3], $0x640, $0x38;
	[tilespmem:$0x14A00] =	vst v63  }
0x38: {  	s14 =	sshll.u32 s16, $0x6;
	_ =	swait.ge [sflag:s0], $0x640  }
0x39: {  	s14 =	sor.u32 $0x1C01, s14;
	[sflag:s0] =	ssyncset.done $0x0;
	s17 =	rddreg [dreg:$0x9]  }
0x3a: {  	s16 =	rddreg [dreg:$0xa];
	[sflag:s0] =	ssyncadd.s32 $0xFFFFF9C0;
	s15 =	sshrl.u32 s17, $0x3  }
0x3b: {  	[spmem:s15], [sflag:s14] =	dma.local [hbm:s16], $0x500  }
0x3c: {  	_ =	swait.ge [sflag:s0], $0x500  }
0x3d: {  	[sflag:s0] =	ssyncset.done $0x0  }
0x3e: {  	[sflag:s0] =	ssyncadd.s32 $0xFFFFFB00  }
0x3f: {  	s18 =	simm.s32 $0x9E20;
	[bflag:$0x0] =	sbarrier.arrive $0xFFFF  }
0x40: {  	[spmem:s2] =	stream.indirect.scatter.add.f32 [tilespmem:s8], [sflag:$0x1], $0x10, s18, s9, $0xb8;
	[tilespmem:$0x14A00] =	vst v63  }
0x41: {  	s16 =	simm.s32 $0x1A0;
	_ =	swait.ge [sflag:s0], $0x640  }
.LBB2_2:
0x42: {  	s17 =	sshra.s32 s16, $0x2;
	[sflag:s0] =	ssyncset.done $0x0;
	p0 =	sne.s32 s16, $0xA0E0  }
.Ltmp0:
0x43: {  	s17 =	sadd.s32 $0x9E20, s17;
	[sflag:s0] =	ssyncadd.s32 $0xFFFFF9C0;
	(pc) =	sbr.rel @p0 .LBB2_2-.Ltmp0, $3  }
0x44: {  	[spmem:s2] =	stream.indirect.scatter.add.f32 [tilespmem:s8], [sflag:$0x1], $0x10, s17, s9, $0xb8;
	[tilespmem:$0x14A00] =	vst v63  }
0x45: {  	s16 =	sadd.s32 $0x1A0, s16;
	_ =	sdelay $0x1  }
0x46: {  	_ =	swait.ge [sflag:s0], $0x640  }
.Ltmp1:
0x47: {  	(pc) =	sbr.rel .LBB2_4-.Ltmp1, $3  }
0x48: {  	_ =	sdelay $0x1  }
0x49: {  	[sflag:s0] =	ssyncset.done $0x0  }
0x4a: {  	s16 =	simm.s32 $0x0;
	[sflag:s0] =	ssyncadd.s32 $0xFFFFF9C0  }
.LBB2_7:
0x4b: {  	s16 =	sadd.s32 $0x1, s16  }
0x4c: {  	p0 =	sne.s32 s16, $0x138  }
.Ltmp2:
0x4d: {  	_ = 	snop;
	(pc) =	sbr.rel @!p0 .LBB2_8-.Ltmp2, $1  }
0x4e: {  	_ =	sdelay $0x3  }
.LBB2_4:
0x4f: {  	s17 =	sshll.u32 s16, $0x4  }
0x50: {  	v3 =	vld [tilespmem:s17+$0x5000]  }
0x51: {  	v4 =	vld [tilespmem:s17+$0x6380]  }
0x52: {  	v1 =	vld [tilespmem:s17+$0x7710]  }
0x53: {  	v2 =	vld [tilespmem:s17+$0x8A90];
	_ =	sdelay $0x4  }
0x54: {  	v3 =	vld.idx.msk [tilespmem:v3+s4+$0x0], $0xffff  }
0x55: {  	v4 =	vld.idx.msk [tilespmem:v4+s4+$0x0], $0xffff  }
0x56: {  	v5 =	vld.idx.msk [tilespmem:v1+s6+$0x0], $0xffff  }
0x57: {  	v6 =	vld.idx.msk [tilespmem:v2+s7+$0x0], $0xffff;
	_ =	sdelay $0x3  }
0x58: {  	vm0 =	vgt.f32 v3, v5  }
0x59: {  	vm1 =	vgt.f32 v4, v6;
	_ =	sdelay $0x4  }
0x5a: {  	[tilespmem:v1+s6+$0x0] =	vst.idx.msk vm0, v3  }
0x5b: {  	[tilespmem:v2+s7+$0x0] =	vst.idx.msk vm1, v4  }
0x5c: {  	v5 =	vld.idx.msk [tilespmem:v1+s6+$0x0], $0xffff;
	_ =	sdelay $0x1  }
0x5d: {  	v6 =	vld.idx.msk [tilespmem:v2+s7+$0x0], $0xffff;
	_ =	sdelay $0x2  }
0x5e: {  	vm2 =	vlt.f32 v5, v3  }
0x5f: {  	vm0 =	vmand vm0, vm2  }
0x60: {  	vm2 =	vlt.f32 v6, v4;
	v5 =	vsel vm0, $0x3F800000, v0  }
0x61: {  	vm1 =	vmand vm1, vm2;
	(xrf0) =	vmax.scan.msk.f32 $0xffff, v5  }
0x62: {  	v5 =	vsel vm1, $0x3F800000, v0  }
0x63: {  	(xrf0) =	vmax.scan.msk.f32 $0xffff, v5;
	_ =	sdelay $0x3  }
0x64: {  	v5, _, _ =	vpop (xrf0)  }
0x65: {  	(v2sf) =	vpush v5, $0xF  }
0x66: {  	v5, _, _ =	vpop (xrf0)  }
0x67: {  	(v2sf) =	vpush v5, $0xF;
	_ =	sdelay $0xc  }
0x68: {  	s18 =	spop (v2sf)  }
0x69: {  	p0 =	sgt.f32 s18, $0.0e+00  }
0x6a: {  	s17 =	spop (v2sf)  }
0x6b: {  	p1 =	sgt.f32 @!p0 s17, $0.0e+00;
	_ =	sdelay $0x1  }
0x6c: {  	p1 =	por p0, p1  }
.Ltmp3:
0x6d: {  	_ = 	snop;
	(pc) =	sbr.rel @!p1 .LBB2_7-.Ltmp3, $1  }
0x6e: {  	_ =	sdelay $0x3  }
0x6f: {  	vm0 =	vmmov @p0 vm0  }
0x70: {  	vm1 =	vmmov @p0 vm1  }
.LBB2_6:
0x71: {  	[tilespmem:v1+s6+$0x0] =	vst.idx.msk vm0, v3  }
0x72: {  	[tilespmem:v2+s7+$0x0] =	vst.idx.msk vm1, v4  }
0x73: {  	v5 =	vld.idx.msk [tilespmem:v1+s6+$0x0], $0xffff;
	_ =	sdelay $0x1  }
0x74: {  	v6 =	vld.idx.msk [tilespmem:v2+s7+$0x0], $0xffff;
	_ =	sdelay $0x2  }
0x75: {  	vm2 =	vlt.f32 v5, v3  }
0x76: {  	vm0 =	vmand vm0, vm2  }
0x77: {  	vm2 =	vlt.f32 v6, v4;
	v5 =	vsel vm0, $0x3F800000, v0  }
0x78: {  	vm1 =	vmand vm1, vm2;
	(xrf0) =	vmax.scan.msk.f32 $0xffff, v5  }
0x79: {  	v5 =	vsel vm1, $0x3F800000, v0  }
0x7a: {  	(xrf0) =	vmax.scan.msk.f32 $0xffff, v5;
	_ =	sdelay $0x3  }
0x7b: {  	v5, _, _ =	vpop (xrf0)  }
0x7c: {  	(v2sf) =	vpush v5, $0xF  }
0x7d: {  	v5, _, _ =	vpop (xrf0)  }
0x7e: {  	(v2sf) =	vpush v5, $0xF;
	_ =	sdelay $0xc  }
0x7f: {  	s17 =	spop (v2sf)  }
0x80: {  	p0 =	sgt.f32 s17, $0.0e+00  }
0x81: {  	s17 =	spop (v2sf)  }
0x82: {  	p1 =	sgt.f32 @!p0 s17, $0.0e+00;
	_ =	sdelay $0x1  }
0x83: {  	p1 =	por p0, p1  }
.Ltmp4:
0x84: {  	_ = 	snop;
	(pc) =	sbr.rel @p1 .LBB2_6-.Ltmp4, $2  }
0x85: {  	_ =	sdelay $0x2  }
0x86: {  	vm1 =	vmmov @p0 vm1;
	vm0 =	vmmov @p0 vm0  }
.Ltmp5:
0x87: {  	_ = 	snop;
	(pc) =	sbr.rel .LBB2_7-.Ltmp5, $1  }
0x88: {  	_ =	sdelay $0x3  }
.LBB2_8:
0x89: {  	v2 =	vld [tilespmem:$0x7700]  }
0x8a: {  	v1 =	vld [tilespmem:$0x9E10];
	_ =	sdelay $0x6  }
0x8b: {  	v2 =	vld.idx.msk [tilespmem:v2+s4+$0x0], $0xffff  }
0x8c: {  	v3 =	vld.idx.msk [tilespmem:v1+s6+$0x0], $0xffff;
	_ =	sdelay $0x4  }
0x8d: {  	vm0 =	vgt.f32 v2, v3;
	_ =	sdelay $0x5  }
0x8e: {  	[tilespmem:v1+s6+$0x0] =	vst.idx.msk vm0, v2  }
0x8f: {  	v3 =	vld.idx.msk [tilespmem:v1+s6+$0x0], $0xffff;
	_ =	sdelay $0x4  }
0x90: {  	vm1 =	vlt.f32 v3, v2  }
0x91: {  	vm0 =	vmand vm0, vm1  }
0x92: {  	v3 =	vsel vm0, $0x3F800000, v0  }
0x93: {  	(xrf0) =	vmax.scan.msk.f32 $0xffff, v3;
	_ =	sdelay $0x5  }
0x94: {  	v3, _, _ =	vpop (xrf0)  }
0x95: {  	(v2sf) =	vpush v3, $0xF;
	_ =	sdelay $0xe  }
0x96: {  	s16 =	spop (v2sf)  }
0x97: {  	p0 =	sgt.f32 s16, $0.0e+00  }
.Ltmp6:
0x98: {  	_ = 	snop;
	(pc) =	sbr.rel @!p0 .LBB2_10-.Ltmp6, $1  }
0x99: {  	_ =	sdelay $0x3  }
.LBB2_9:
0x9a: {  	[tilespmem:v1+s6+$0x0] =	vst.idx.msk vm0, v2  }
0x9b: {  	v3 =	vld.idx.msk [tilespmem:v1+s6+$0x0], $0xffff;
	_ =	sdelay $0x4  }
0x9c: {  	vm1 =	vlt.f32 v3, v2  }
0x9d: {  	vm0 =	vmand vm0, vm1  }
0x9e: {  	v3 =	vsel vm0, $0x3F800000, v0  }
0x9f: {  	(xrf0) =	vmax.scan.msk.f32 $0xffff, v3;
	_ =	sdelay $0x5  }
0xa0: {  	v3, _, _ =	vpop (xrf0)  }
0xa1: {  	(v2sf) =	vpush v3, $0xF;
	_ =	sdelay $0xe  }
0xa2: {  	s16 =	spop (v2sf)  }
0xa3: {  	p0 =	sgt.f32 s16, $0.0e+00  }
.Ltmp7:
0xa4: {  	_ = 	snop;
	(pc) =	sbr.rel @p0 .LBB2_9-.Ltmp7, $1  }
0xa5: {  	_ =	sdelay $0x3  }
.LBB2_10:
0xa6: {  	s16 =	simm.s32 $0x0  }
0xa7: {  	s17 =	simm.s32 $0x40;
	v1 =	vld [tilespmem:s16+$0x116C0]  }
.LBB2_11:
0xa8: {  	p0 =	sne.s32 s17, $0x9FC0;
	v2 =	vld [tilespmem:s16+$0xEEC0];
	_ =	sdelay $0x1  }
.Ltmp8:
0xa9: {  	(pc) =	sbr.rel @p0 .LBB2_11-.Ltmp8, $3  }
0xaa: {  	_ =	sdelay $0x1  }
0xab: {  	s18 =	sshra.s32 s17, $0x2;
	v2 =	vmax.f32 v2, v1  }
0xac: {  	s17 =	sadd.s32 $0x40, s17;
	v1 =	vld [tilespmem:s18+$0x116C0];
	[tilespmem:s16+$0xEEC0] =	vst v2;
	s16 =	smov.u32 s18  }
0xad: {  	v2 =	vld [tilespmem:s16+$0xEEC0];
	_ =	sdelay $0x4  }
0xae: {  	v1 =	vmax.f32 v2, v1  }
0xaf: {  	s17 =	rddreg [dreg:$0xb];
	[tilespmem:s16+$0xEEC0] =	vst v1  }
0xb0: {  	[spmem:s17] =	stream.linear.scatter [tilespmem:s6], [sflag:$0x1], $0x2800, $0x38;
	[tilespmem:$0x14A00] =	vst v63  }
0xb1: {  	_ =	swait.ge [sflag:s0], $0x2800  }
0xb2: {  	[sflag:s0] =	ssyncset.done $0x0  }
0xb3: {  	[sflag:s0] =	ssyncadd.s32 $0xFFFFD800  }
0xb4: {  	[bflag:$0x0] =	sbarrier.arrive $0xFFFF  }
0xb5: {  	[tilespmem:s10], [sflag:$0x1] =	stream.linear.gather [spmem:s13], $0x280, $0x38;
	[tilespmem:$0x14A00] =	vst v63  }
0xb6: {  	_ =	swait.ge [sflag:s0], $0x280  }
0xb7: {  	[sflag:s0] =	ssyncset.done $0x0  }
0xb8: {  	s18 =	rddreg [dreg:$0xc];
	[sflag:s0] =	ssyncadd.s32 $0xFFFFFD80  }
0xb9: {  	[tilespmem:s11], [sflag:$0x1] =	stream.linear.gather [spmem:s18], $0x280, $0x38;
	[tilespmem:$0x14A00] =	vst v63  }
0xba: {  	_ =	swait.ge [sflag:s0], $0x280  }
0xbb: {  	[sflag:s0] =	ssyncset.done $0x0  }
0xbc: {  	s16 =	simm.s32 $0x0;
	[sflag:s0] =	ssyncadd.s32 $0xFFFFFD80  }
0xbd: {  	s17 =	simm.s32 $0x40;
	v1 =	vld [tilespmem:s16+$0x14780]  }
.LBB2_13:
0xbe: {  	p0 =	sne.s32 s17, $0x9C0;
	v2 =	vld [tilespmem:s16+$0x14500];
	_ =	sdelay $0x1  }
.Ltmp9:
0xbf: {  	(pc) =	sbr.rel @p0 .LBB2_13-.Ltmp9, $3  }
0xc0: {  	_ =	sdelay $0x1  }
0xc1: {  	s18 =	sshra.s32 s17, $0x2;
	v2 =	vmax.f32 v2, v1  }
0xc2: {  	s17 =	sadd.s32 $0x40, s17;
	v1 =	vld [tilespmem:s18+$0x14780];
	[tilespmem:s16+$0x14500] =	vst v2;
	s16 =	smov.u32 s18  }
0xc3: {  	v2 =	vld [tilespmem:s16+$0x14500];
	_ =	sdelay $0x4  }
0xc4: {  	v1 =	vmax.f32 v2, v1  }
0xc5: {  	s18 =	rddreg [dreg:$0xd];
	[tilespmem:s16+$0x14500] =	vst v1  }
0xc6: {  	[tilespmem:s11], [sflag:$0x1] =	stream.linear.gather [spmem:s18], $0x280, $0x38;
	[tilespmem:$0x14A00] =	vst v63  }
0xc7: {  	_ =	swait.ge [sflag:s0], $0x280  }
0xc8: {  	[sflag:s0] =	ssyncset.done $0x0  }
0xc9: {  	s16 =	simm.s32 $0x0;
	[sflag:s0] =	ssyncadd.s32 $0xFFFFFD80  }
0xca: {  	s17 =	simm.s32 $0x40;
	v1 =	vld [tilespmem:s16+$0x14780]  }
.LBB2_15:
0xcb: {  	p0 =	sne.s32 s17, $0x9C0;
	v2 =	vld [tilespmem:s16+$0x14500];
	_ =	sdelay $0x1  }
.Ltmp10:
0xcc: {  	(pc) =	sbr.rel @p0 .LBB2_15-.Ltmp10, $3  }
0xcd: {  	_ =	sdelay $0x1  }
0xce: {  	s18 =	sshra.s32 s17, $0x2;
	v2 =	vmax.f32 v2, v1  }
0xcf: {  	s17 =	sadd.s32 $0x40, s17;
	v1 =	vld [tilespmem:s18+$0x14780];
	[tilespmem:s16+$0x14500] =	vst v2;
	s16 =	smov.u32 s18  }
0xd0: {  	v2 =	vld [tilespmem:s16+$0x14500];
	_ =	sdelay $0x4  }
0xd1: {  	v1 =	vmax.f32 v2, v1  }
0xd2: {  	s18 =	rddreg [dreg:$0xe];
	[tilespmem:s16+$0x14500] =	vst v1  }
0xd3: {  	[tilespmem:s11], [sflag:$0x1] =	stream.linear.gather [spmem:s18], $0x280, $0x38;
	[tilespmem:$0x14A00] =	vst v63  }
0xd4: {  	_ =	swait.ge [sflag:s0], $0x280  }
0xd5: {  	[sflag:s0] =	ssyncset.done $0x0  }
0xd6: {  	s16 =	simm.s32 $0x0;
	[sflag:s0] =	ssyncadd.s32 $0xFFFFFD80  }
0xd7: {  	s17 =	simm.s32 $0x40;
	v1 =	vld [tilespmem:s16+$0x14780]  }
.LBB2_17:
0xd8: {  	p0 =	sne.s32 s17, $0x9C0;
	v2 =	vld [tilespmem:s16+$0x14500];
	_ =	sdelay $0x1  }
.Ltmp11:
0xd9: {  	(pc) =	sbr.rel @p0 .LBB2_17-.Ltmp11, $3  }
0xda: {  	_ =	sdelay $0x1  }
0xdb: {  	s18 =	sshra.s32 s17, $0x2;
	v2 =	vmax.f32 v2, v1  }
0xdc: {  	s17 =	sadd.s32 $0x40, s17;
	v1 =	vld [tilespmem:s18+$0x14780];
	[tilespmem:s16+$0x14500] =	vst v2;
	s16 =	smov.u32 s18  }
0xdd: {  	v2 =	vld [tilespmem:s16+$0x14500];
	_ =	sdelay $0x4  }
0xde: {  	v1 =	vmax.f32 v2, v1  }
0xdf: {  	s18 =	rddreg [dreg:$0xf];
	[tilespmem:s16+$0x14500] =	vst v1  }
0xe0: {  	[tilespmem:s11], [sflag:$0x1] =	stream.linear.gather [spmem:s18], $0x280, $0x38;
	[tilespmem:$0x14A00] =	vst v63  }
0xe1: {  	_ =	swait.ge [sflag:s0], $0x280  }
0xe2: {  	[sflag:s0] =	ssyncset.done $0x0  }
0xe3: {  	s16 =	simm.s32 $0x0;
	[sflag:s0] =	ssyncadd.s32 $0xFFFFFD80  }
0xe4: {  	s17 =	simm.s32 $0x40;
	v1 =	vld [tilespmem:s16+$0x14780]  }
.LBB2_19:
0xe5: {  	p0 =	sne.s32 s17, $0x9C0;
	v2 =	vld [tilespmem:s16+$0x14500];
	_ =	sdelay $0x1  }
.Ltmp12:
0xe6: {  	(pc) =	sbr.rel @p0 .LBB2_19-.Ltmp12, $3  }
0xe7: {  	_ =	sdelay $0x1  }
0xe8: {  	s18 =	sshra.s32 s17, $0x2;
	v2 =	vmax.f32 v2, v1  }
0xe9: {  	s17 =	sadd.s32 $0x40, s17;
	v1 =	vld [tilespmem:s18+$0x14780];
	[tilespmem:s16+$0x14500] =	vst v2;
	s16 =	smov.u32 s18  }
0xea: {  	v2 =	vld [tilespmem:s16+$0x14500];
	_ =	sdelay $0x4  }
0xeb: {  	v1 =	vmax.f32 v2, v1  }
0xec: {  	s18 =	rddreg [dreg:$0x10];
	[tilespmem:s16+$0x14500] =	vst v1  }
0xed: {  	[tilespmem:s11], [sflag:$0x1] =	stream.linear.gather [spmem:s18], $0x280, $0x38;
	[tilespmem:$0x14A00] =	vst v63  }
0xee: {  	_ =	swait.ge [sflag:s0], $0x280  }
0xef: {  	[sflag:s0] =	ssyncset.done $0x0  }
0xf0: {  	s16 =	simm.s32 $0x0;
	[sflag:s0] =	ssyncadd.s32 $0xFFFFFD80  }
0xf1: {  	s17 =	simm.s32 $0x40;
	v1 =	vld [tilespmem:s16+$0x14780]  }
.LBB2_21:
0xf2: {  	p0 =	sne.s32 s17, $0x9C0;
	v2 =	vld [tilespmem:s16+$0x14500];
	_ =	sdelay $0x1  }
.Ltmp13:
0xf3: {  	(pc) =	sbr.rel @p0 .LBB2_21-.Ltmp13, $3  }
0xf4: {  	_ =	sdelay $0x1  }
0xf5: {  	s18 =	sshra.s32 s17, $0x2;
	v2 =	vmax.f32 v2, v1  }
0xf6: {  	s17 =	sadd.s32 $0x40, s17;
	v1 =	vld [tilespmem:s18+$0x14780];
	[tilespmem:s16+$0x14500] =	vst v2;
	s16 =	smov.u32 s18  }
0xf7: {  	v2 =	vld [tilespmem:s16+$0x14500];
	_ =	sdelay $0x4  }
0xf8: {  	v1 =	vmax.f32 v2, v1  }
0xf9: {  	[tilespmem:s16+$0x14500] =	vst v1  }
0xfa: {  	[tilespmem:s11], [sflag:$0x1] =	stream.linear.gather [spmem:s19], $0x280, $0x38;
	[tilespmem:$0x14A00] =	vst v63  }
0xfb: {  	_ =	swait.ge [sflag:s0], $0x280  }
0xfc: {  	[sflag:s0] =	ssyncset.done $0x0  }
0xfd: {  	s16 =	simm.s32 $0x0;
	[sflag:s0] =	ssyncadd.s32 $0xFFFFFD80  }
0xfe: {  	s17 =	simm.s32 $0x40;
	v1 =	vld [tilespmem:s16+$0x14780]  }
.LBB2_23:
0xff: {  	p0 =	sne.s32 s17, $0x9C0;
	v2 =	vld [tilespmem:s16+$0x14500];
	_ =	sdelay $0x1  }
.Ltmp14:
0x100: {  	(pc) =	sbr.rel @p0 .LBB2_23-.Ltmp14, $3  }
0x101: {  	_ =	sdelay $0x1  }
0x102: {  	s18 =	sshra.s32 s17, $0x2;
	v2 =	vmax.f32 v2, v1  }
0x103: {  	s17 =	sadd.s32 $0x40, s17;
	v1 =	vld [tilespmem:s18+$0x14780];
	[tilespmem:s16+$0x14500] =	vst v2;
	s16 =	smov.u32 s18  }
0x104: {  	v2 =	vld [tilespmem:s16+$0x14500];
	_ =	sdelay $0x4  }
0x105: {  	v1 =	vmax.f32 v2, v1  }
0x106: {  	[tilespmem:s16+$0x14500] =	vst v1  }
0x107: {  	[tilespmem:s11], [sflag:$0x1] =	stream.linear.gather [spmem:s20], $0x280, $0x38;
	[tilespmem:$0x14A00] =	vst v63  }
0x108: {  	_ =	swait.ge [sflag:s0], $0x280  }
0x109: {  	[sflag:s0] =	ssyncset.done $0x0  }
0x10a: {  	s16 =	simm.s32 $0x0;
	[sflag:s0] =	ssyncadd.s32 $0xFFFFFD80  }
0x10b: {  	s17 =	simm.s32 $0x40;
	v1 =	vld [tilespmem:s16+$0x14780]  }
.LBB2_25:
0x10c: {  	p0 =	sne.s32 s17, $0x9C0;
	v2 =	vld [tilespmem:s16+$0x14500];
	_ =	sdelay $0x1  }
.Ltmp15:
0x10d: {  	(pc) =	sbr.rel @p0 .LBB2_25-.Ltmp15, $3  }
0x10e: {  	_ =	sdelay $0x1  }
0x10f: {  	s18 =	sshra.s32 s17, $0x2;
	v2 =	vmax.f32 v2, v1  }
0x110: {  	s17 =	sadd.s32 $0x40, s17;
	v1 =	vld [tilespmem:s18+$0x14780];
	[tilespmem:s16+$0x14500] =	vst v2;
	s16 =	smov.u32 s18  }
0x111: {  	v2 =	vld [tilespmem:s16+$0x14500];
	_ =	sdelay $0x4  }
0x112: {  	v1 =	vmax.f32 v2, v1  }
0x113: {  	[tilespmem:s16+$0x14500] =	vst v1  }
0x114: {  	[tilespmem:s11], [sflag:$0x1] =	stream.linear.gather [spmem:s21], $0x280, $0x38;
	[tilespmem:$0x14A00] =	vst v63  }
0x115: {  	_ =	swait.ge [sflag:s0], $0x280  }
0x116: {  	[sflag:s0] =	ssyncset.done $0x0  }
0x117: {  	s16 =	simm.s32 $0x0;
	[sflag:s0] =	ssyncadd.s32 $0xFFFFFD80  }
0x118: {  	s17 =	simm.s32 $0x40;
	v1 =	vld [tilespmem:s16+$0x14780]  }
.LBB2_27:
0x119: {  	p0 =	sne.s32 s17, $0x9C0;
	v2 =	vld [tilespmem:s16+$0x14500];
	_ =	sdelay $0x1  }
.Ltmp16:
0x11a: {  	(pc) =	sbr.rel @p0 .LBB2_27-.Ltmp16, $3  }
0x11b: {  	_ =	sdelay $0x1  }
0x11c: {  	s18 =	sshra.s32 s17, $0x2;
	v2 =	vmax.f32 v2, v1  }
0x11d: {  	s17 =	sadd.s32 $0x40, s17;
	v1 =	vld [tilespmem:s18+$0x14780];
	[tilespmem:s16+$0x14500] =	vst v2;
	s16 =	smov.u32 s18  }
0x11e: {  	v2 =	vld [tilespmem:s16+$0x14500];
	_ =	sdelay $0x4  }
0x11f: {  	v1 =	vmax.f32 v2, v1  }
0x120: {  	[tilespmem:s16+$0x14500] =	vst v1  }
0x121: {  	[tilespmem:s11], [sflag:$0x1] =	stream.linear.gather [spmem:s22], $0x280, $0x38;
	[tilespmem:$0x14A00] =	vst v63  }
0x122: {  	_ =	swait.ge [sflag:s0], $0x280  }
0x123: {  	[sflag:s0] =	ssyncset.done $0x0  }
0x124: {  	s16 =	simm.s32 $0x0;
	[sflag:s0] =	ssyncadd.s32 $0xFFFFFD80  }
0x125: {  	s17 =	simm.s32 $0x40;
	v1 =	vld [tilespmem:s16+$0x14780]  }
.LBB2_29:
0x126: {  	p0 =	sne.s32 s17, $0x9C0;
	v2 =	vld [tilespmem:s16+$0x14500];
	_ =	sdelay $0x1  }
.Ltmp17:
0x127: {  	(pc) =	sbr.rel @p0 .LBB2_29-.Ltmp17, $3  }
0x128: {  	_ =	sdelay $0x1  }
0x129: {  	s18 =	sshra.s32 s17, $0x2;
	v2 =	vmax.f32 v2, v1  }
0x12a: {  	s17 =	sadd.s32 $0x40, s17;
	v1 =	vld [tilespmem:s18+$0x14780];
	[tilespmem:s16+$0x14500] =	vst v2;
	s16 =	smov.u32 s18  }
0x12b: {  	v2 =	vld [tilespmem:s16+$0x14500];
	_ =	sdelay $0x4  }
0x12c: {  	v1 =	vmax.f32 v2, v1  }
0x12d: {  	[tilespmem:s16+$0x14500] =	vst v1  }
0x12e: {  	[tilespmem:s11], [sflag:$0x1] =	stream.linear.gather [spmem:s26], $0x280, $0x38;
	[tilespmem:$0x14A00] =	vst v63  }
0x12f: {  	_ =	swait.ge [sflag:s0], $0x280  }
0x130: {  	[sflag:s0] =	ssyncset.done $0x0  }
0x131: {  	s16 =	simm.s32 $0x0;
	[sflag:s0] =	ssyncadd.s32 $0xFFFFFD80  }
0x132: {  	s17 =	simm.s32 $0x40;
	v1 =	vld [tilespmem:s16+$0x14780]  }
.LBB2_31:
0x133: {  	p0 =	sne.s32 s17, $0x9C0;
	v2 =	vld [tilespmem:s16+$0x14500];
	_ =	sdelay $0x1  }
.Ltmp18:
0x134: {  	(pc) =	sbr.rel @p0 .LBB2_31-.Ltmp18, $3  }
0x135: {  	_ =	sdelay $0x1  }
0x136: {  	s18 =	sshra.s32 s17, $0x2;
	v2 =	vmax.f32 v2, v1  }
0x137: {  	s17 =	sadd.s32 $0x40, s17;
	v1 =	vld [tilespmem:s18+$0x14780];
	[tilespmem:s16+$0x14500] =	vst v2;
	s16 =	smov.u32 s18  }
0x138: {  	v2 =	vld [tilespmem:s16+$0x14500];
	_ =	sdelay $0x4  }
0x139: {  	v1 =	vmax.f32 v2, v1  }
0x13a: {  	[tilespmem:s16+$0x14500] =	vst v1  }
0x13b: {  	[tilespmem:s11], [sflag:$0x1] =	stream.linear.gather [spmem:s28], $0x280, $0x38;
	[tilespmem:$0x14A00] =	vst v63  }
0x13c: {  	_ =	swait.ge [sflag:s0], $0x280  }
0x13d: {  	[sflag:s0] =	ssyncset.done $0x0  }
0x13e: {  	s16 =	simm.s32 $0x0;
	[sflag:s0] =	ssyncadd.s32 $0xFFFFFD80  }
0x13f: {  	s17 =	simm.s32 $0x40;
	v1 =	vld [tilespmem:s16+$0x14780]  }
.LBB2_33:
0x140: {  	p0 =	sne.s32 s17, $0x9C0;
	v2 =	vld [tilespmem:s16+$0x14500];
	_ =	sdelay $0x1  }
.Ltmp19:
0x141: {  	(pc) =	sbr.rel @p0 .LBB2_33-.Ltmp19, $3  }
0x142: {  	_ =	sdelay $0x1  }
0x143: {  	s18 =	sshra.s32 s17, $0x2;
	v2 =	vmax.f32 v2, v1  }
0x144: {  	s17 =	sadd.s32 $0x40, s17;
	v1 =	vld [tilespmem:s18+$0x14780];
	[tilespmem:s16+$0x14500] =	vst v2;
	s16 =	smov.u32 s18  }
0x145: {  	v2 =	vld [tilespmem:s16+$0x14500];
	_ =	sdelay $0x4  }
0x146: {  	v1 =	vmax.f32 v2, v1  }
0x147: {  	[tilespmem:s16+$0x14500] =	vst v1  }
0x148: {  	[tilespmem:s11], [sflag:$0x1] =	stream.linear.gather [spmem:s29], $0x280, $0x38;
	[tilespmem:$0x14A00] =	vst v63  }
0x149: {  	_ =	swait.ge [sflag:s0], $0x280  }
0x14a: {  	[sflag:s0] =	ssyncset.done $0x0  }
0x14b: {  	s16 =	simm.s32 $0x0;
	[sflag:s0] =	ssyncadd.s32 $0xFFFFFD80  }
0x14c: {  	s17 =	simm.s32 $0x40;
	v1 =	vld [tilespmem:s16+$0x14780]  }
.LBB2_35:
0x14d: {  	p0 =	sne.s32 s17, $0x9C0;
	v2 =	vld [tilespmem:s16+$0x14500];
	_ =	sdelay $0x1  }
.Ltmp20:
0x14e: {  	(pc) =	sbr.rel @p0 .LBB2_35-.Ltmp20, $3  }
0x14f: {  	_ =	sdelay $0x1  }
0x150: {  	s18 =	sshra.s32 s17, $0x2;
	v2 =	vmax.f32 v2, v1  }
0x151: {  	s17 =	sadd.s32 $0x40, s17;
	v1 =	vld [tilespmem:s18+$0x14780];
	[tilespmem:s16+$0x14500] =	vst v2;
	s16 =	smov.u32 s18  }
0x152: {  	v2 =	vld [tilespmem:s16+$0x14500];
	_ =	sdelay $0x4  }
0x153: {  	v1 =	vmax.f32 v2, v1  }
0x154: {  	[tilespmem:s16+$0x14500] =	vst v1  }
0x155: {  	[tilespmem:s11], [sflag:$0x1] =	stream.linear.gather [spmem:s30], $0x280, $0x38;
	[tilespmem:$0x14A00] =	vst v63  }
0x156: {  	_ =	swait.ge [sflag:s0], $0x280  }
0x157: {  	[sflag:s0] =	ssyncset.done $0x0  }
0x158: {  	s16 =	simm.s32 $0x0;
	[sflag:s0] =	ssyncadd.s32 $0xFFFFFD80  }
0x159: {  	s17 =	simm.s32 $0x40;
	v1 =	vld [tilespmem:s16+$0x14780]  }
.LBB2_37:
0x15a: {  	p0 =	sne.s32 s17, $0x9C0;
	v2 =	vld [tilespmem:s16+$0x14500];
	_ =	sdelay $0x1  }
.Ltmp21:
0x15b: {  	(pc) =	sbr.rel @p0 .LBB2_37-.Ltmp21, $3  }
0x15c: {  	_ =	sdelay $0x1  }
0x15d: {  	s18 =	sshra.s32 s17, $0x2;
	v2 =	vmax.f32 v2, v1  }
0x15e: {  	s17 =	sadd.s32 $0x40, s17;
	v1 =	vld [tilespmem:s18+$0x14780];
	[tilespmem:s16+$0x14500] =	vst v2;
	s16 =	smov.u32 s18  }
0x15f: {  	v2 =	vld [tilespmem:s16+$0x14500];
	_ =	sdelay $0x4  }
0x160: {  	v1 =	vmax.f32 v2, v1  }
0x161: {  	[tilespmem:s16+$0x14500] =	vst v1  }
0x162: {  	[tilespmem:s11], [sflag:$0x1] =	stream.linear.gather [spmem:s31], $0x280, $0x38;
	[tilespmem:$0x14A00] =	vst v63  }
0x163: {  	_ =	swait.ge [sflag:s0], $0x280  }
0x164: {  	[sflag:s0] =	ssyncset.done $0x0  }
0x165: {  	s16 =	simm.s32 $0x0;
	[sflag:s0] =	ssyncadd.s32 $0xFFFFFD80  }
0x166: {  	s17 =	simm.s32 $0x40;
	v1 =	vld [tilespmem:s16+$0x14780]  }
.LBB2_39:
0x167: {  	p0 =	sne.s32 s17, $0x9C0;
	v2 =	vld [tilespmem:s16+$0x14500];
	_ =	sdelay $0x1  }
.Ltmp22:
0x168: {  	(pc) =	sbr.rel @p0 .LBB2_39-.Ltmp22, $3  }
0x169: {  	_ =	sdelay $0x1  }
0x16a: {  	s18 =	sshra.s32 s17, $0x2;
	v2 =	vmax.f32 v2, v1  }
0x16b: {  	s17 =	sadd.s32 $0x40, s17;
	v1 =	vld [tilespmem:s18+$0x14780];
	[tilespmem:s16+$0x14500] =	vst v2;
	s16 =	smov.u32 s18  }
0x16c: {  	v2 =	vld [tilespmem:s16+$0x14500];
	_ =	sdelay $0x4  }
0x16d: {  	v1 =	vmax.f32 v2, v1  }
0x16e: {  	[tilespmem:s16+$0x14500] =	vst v1  }
0x16f: {  	[tilespmem:s11], [sflag:$0x1] =	stream.linear.gather [spmem:s1], $0x280, $0x38;
	[tilespmem:$0x14A00] =	vst v63  }
0x170: {  	_ =	swait.ge [sflag:s0], $0x280  }
0x171: {  	[sflag:s0] =	ssyncset.done $0x0  }
0x172: {  	s16 =	simm.s32 $0x0;
	[sflag:s0] =	ssyncadd.s32 $0xFFFFFD80  }
0x173: {  	s17 =	simm.s32 $0x40;
	v1 =	vld [tilespmem:s16+$0x14780]  }
.LBB2_41:
0x174: {  	p0 =	sne.s32 s17, $0x9C0;
	v2 =	vld [tilespmem:s16+$0x14500];
	_ =	sdelay $0x1  }
.Ltmp23:
0x175: {  	(pc) =	sbr.rel @p0 .LBB2_41-.Ltmp23, $3  }
0x176: {  	_ =	sdelay $0x1  }
0x177: {  	s18 =	sshra.s32 s17, $0x2;
	v2 =	vmax.f32 v2, v1  }
0x178: {  	s17 =	sadd.s32 $0x40, s17;
	v1 =	vld [tilespmem:s18+$0x14780];
	[tilespmem:s16+$0x14500] =	vst v2;
	s16 =	smov.u32 s18  }
0x179: {  	v2 =	vld [tilespmem:s16+$0x14500];
	_ =	sdelay $0x4  }
0x17a: {  	v1 =	vmax.f32 v2, v1  }
0x17b: {  	[tilespmem:s16+$0x14500] =	vst v1  }
0x17c: {  	[hbm4b:s23+s3] =	stream.linear.scatter [tilespmem:s10], [sflag:$0x1], $0x280, $0x38;
	[tilespmem:$0x14A00] =	vst v63  }
0x17d: {  	s12 =	sadd.s32 $0x1, s12;
	_ =	swait.ge [sflag:s0], $0x280  }
0x17e: {  	p0 =	sne.s32 s12, s25;
	[sflag:s0] =	ssyncset.done $0x0  }
.Ltmp24:
0x17f: {  	[sflag:s0] =	ssyncadd.s32 $0xFFFFFD80;
	(pc) =	sbr.rel @p0 .LBB2_1-.Ltmp24, $4  }
0x180: {  	[hbm:s24], [sflag:s14] =	dma.local [spmem:s15], $0x500  }
0x181: {  	_ =	swait.ge [sflag:s0], $0x500  }
0x182: {  	[sflag:s0] =	ssyncset.done $0x0  }
0x183: {  	[sflag:s0] =	ssyncadd.s32 $0xFFFFFB00  }
0x184: {  	_ =	sfence.sel $0x180000  }
0x185: {  	[bflag:$0x0] =	sbarrier.arrive $0xFFFF  }
0x186: {  	_ =	strace $0x90000047  }
0x187: {  	s0 =	stileid.u32;
	[bflag:$0x2] =	sbarrier.arrive $0xFFFF  }
0x188: {  	p0 =	sne.s32 s0, $0x0;
	s0 =	rddreg [dreg:$0x3]  }
0x189: {  	s0 =	sadd.s32 @!p0 $0x100000, s0  }
0x18a: {  	[sflag:s0] =	ssyncadd.tile.s32 @!p0 $0x1;
	_ =	shalt  }
.Lfunc_end2:
_tile_overlayer_lowered:
.L_overlay_start_2:
0x18b: {  	(tag) =	ssettag $0x2  }
0x18c: {  	s0 =	rddreg [dreg:$0x0];
	s2 =	stileid.u32  }
0x18d: {  	s1 =	rddreg [dreg:$0x1];
	p0 =	sne.s32 s2, $0x0  }
0x18e: {  	s3 =	rddreg [dreg:$0x2];
	[bflag:$0x3] =	sbarrier.arrive $0xFFFF;
	s2 =	simm.s32 @!p0 $0x1C01  }
0x18f: {  	[timem:s3], [sflag:s2] =	dma.local @!p0 [hbm:s0], s1  }
0x190: {  	s0 =	simm.s32 @!p0 $0x1  }
0x191: {  	_ =	swait.ge @!p0 [sflag:s0], s1  }
0x192: {  	s1 =	ssub.s32 @!p0 $0x0, s1;
	[sflag:s0] =	ssyncset.done @!p0 $0x0  }
0x193: {  	[sflag:s0] =	ssyncadd.s32 @!p0 s1  }
0x194: {  	[bflag:$0x3] =	sbarrier.arrive $0xFFFF  }
0x195: {  	_ =	shalt  }

// kernel: kernel.14.cloned.1.call-start
scs
__scs_entry_jumppad:
0x0: {  	(pc) =	sbr.rel $0x88, $3  }
0x1: {  	(tag) =	ssettag $0x0;
	lr =	simm.s32 $0x1  }
0x2: {  	[smem:$0x3F99] =	sst lr;
	_ =	strace $0xD0000000  }
0x3: {  	_ = 	snop  }
0x4: {  	_ = 	snop  }
0x5: {  	_ = 	snop  }
0x6: {  	_ = 	snop  }
0x7: {  	_ = 	snop  }
__scs_overlays_trampoline_lowered:
0x8: {  	[smem:$0x3FA8] =	sst s0  }
0x9: {  	[smem:$0x3FA9] =	sst s1  }
0xa: {  	[smem:$0x3FAA] =	sst s2  }
0xb: {  	[smem:$0x3FAB] =	sst s3  }
0xc: {  	[smem:$0x3FAC] =	sst s4  }
0xd: {  	[smem:$0x3FAD] =	sst s5  }
0xe: {  	[smem:$0x3FAE] =	sst s6  }
0xf: {  	[smem:$0x3FAF] =	sst s7  }
0x10: {  	[smem:$0x3FB0] =	sst s8  }
0x11: {  	[smem:$0x3FB1] =	sst s9;
	s0 =	simm.s32 @!p0 $0x0  }
0x12: {  	s1 =	sld [smem:$0x3F97];
	s0 =	simm.s32 @p0 $0x1  }
0x13: {  	[smem:$0x3FB2] =	sst s0;
	s0 =	simm.s32 @!p1 $0x0  }
0x14: {  	s2 =	sld [smem:$0x3F96];
	s0 =	simm.s32 @p1 $0x1  }
0x15: {  	[smem:$0x3FB3] =	sst s0;
	s0 =	simm.s32 @!p2 $0x0  }
0x16: {  	s3 =	sld [smem:$0x3FDB];
	s0 =	simm.s32 @p2 $0x1  }
0x17: {  	s4 =	simm.s32 $0x1BF5;
	[smem:$0x3FB5] =	sst s0  }
0x18: {  	s0 =	sld [smem:$0x3F98];
	_ =	swait.ge [sflag:s4], $0x0  }
0x19: {  	s7 =	sld [smem:$0x3F99]  }
0x1a: {  	s8 =	sadd.s32 $0xFFFFE003, lr  }
0x1b: {  	s9 =	sadd.s32 $0xFFFFFEF7, lr;
	s5 =	simm.s32 $0xFFFFFFFF;
	p2 =	slt.u32 s8, $0xFFFFF086  }
0x1c: {  	p1 =	slt.u32 s9, $0xF7A;
	s5 =	simm.s32 @!p2 $0x0  }
0x1d: {  	s5 =	simm.s32 @p1 $0x1;
	p0 =	seq.s32 s7, s2  }
0x1e: {  	s7 =	smul.u32 @!p0 $0xF7A, s2;
	p2 =	seq.s32 @!p0 s5, $0x0  }
0x1f: {  	s9 =	smul.u32 $0xF7A, s1;
	s8 =	simm.s32 @!p0 $0x1BF5;
	p2 =	por !p2, p0  }
0x20: {  	[sflag:s8] =	ssyncset.s32 @!p0 $0xFFFFF086;
	s6 =	sadd.s32 @!p0 s3, s7;
	s7 =	simm.s32 @!p0 $0x108  }
0x21: {  	s3 =	sadd.s32 s3, s9;
	s6 =	sadd.s32 @!p0 $0x88, s6;
	s7 =	simm.s32 @p2 $0x1082  }
0x22: {  	[simem:s7], [sflag:s8] =	dma.local @!p0 [hbm:s6], $0xF7A  }
0x23: {  	s9 =	sor.u32 $0xD0000000, s2;
	s6 =	simm.s32 $0x108;
	_ =	swait.ge @!p0 [sflag:s8], $0x0  }
0x24: {  	s3 =	sadd.s32 $0x88, s3;
	s6 =	simm.s32 @!p1 $0x1082;
	[sflag:s4] =	ssyncset.s32 $0xFFFFF086  }
0x25: {  	[simem:s6], [sflag:s4] =	dma.local [hbm:s3], $0xF7A  }
0x26: {  	[smem:$0x3F99] =	sst s1;
	(tag) =	ssettag s2;
	_ =	strace s9  }
0x27: {  	s1 =	sld [smem:$0x3FA9]  }
0x28: {  	s2 =	sld [smem:$0x3FAA]  }
0x29: {  	s4 =	sld [smem:$0x3FAC]  }
0x2a: {  	p0 =	seq.s32 s5, $0x0;
	s5 =	sld [smem:$0x3FAD]  }
0x2b: {  	s6 =	sld [smem:$0x3FAE]  }
0x2c: {  	s7 =	sld [smem:$0x3FAF]  }
0x2d: {  	s3 =	simm.s32 $0x108;
	s8 =	sld [smem:$0x3FB0]  }
0x2e: {  	s3 =	simm.s32 @!p0 $0x1082;
	s9 =	sld [smem:$0x3FB1]  }
0x2f: {  	lr =	sadd.s32 s0, s3;
	s0 =	sld [smem:$0x3FA8]  }
0x30: {  	s3 =	sld [smem:$0x3FAB]  }
0x31: {  	[smem:$0x3FB4] =	sst s10  }
0x32: {  	s10 =	sld [smem:$0x3FB2];
	_ =	sdelay $0x3  }
0x33: {  	p0 =	seq.s32 s10, $0x1;
	s10 =	sld [smem:$0x3FB4];
	_ =	sdelay $0x3  }
0x34: {  	[smem:$0x3FB4] =	sst s10  }
0x35: {  	s10 =	sld [smem:$0x3FB3];
	_ =	sdelay $0x3  }
0x36: {  	p1 =	seq.s32 s10, $0x1;
	s10 =	sld [smem:$0x3FB4];
	_ =	sdelay $0x3  }
0x37: {  	[smem:$0x3FB4] =	sst s10  }
0x38: {  	s10 =	sld [smem:$0x3FB5]  }
0x39: {  	_ = 	snop;
	(pc) =	sbr.ind lr, $3  }
0x3a: {  	_ = 	snop  }
0x3b: {  	_ = 	snop  }
0x3c: {  	p2 =	seq.s32 s10, $0x1;
	s10 =	sld [smem:$0x3FB4]  }
0x3d: {  	_ =	shalt  }
0x3e: {  	_ =	shalt  }
0x3f: {  	_ =	shalt  }
0x40: {  	_ =	shalt  }
0x41: {  	_ =	shalt  }
0x42: {  	_ =	shalt  }
0x43: {  	_ =	shalt  }
0x44: {  	_ =	shalt  }
0x45: {  	_ =	shalt  }
0x46: {  	_ =	shalt  }
0x47: {  	_ =	shalt  }
0x48: {  	_ =	shalt  }
0x49: {  	_ =	shalt  }
0x4a: {  	_ =	shalt  }
0x4b: {  	_ =	shalt  }
0x4c: {  	_ =	shalt  }
0x4d: {  	_ =	shalt  }
0x4e: {  	_ =	shalt  }
0x4f: {  	_ =	shalt  }
0x50: {  	_ =	shalt  }
0x51: {  	_ =	shalt  }
0x52: {  	_ =	shalt  }
0x53: {  	_ =	shalt  }
0x54: {  	_ =	shalt  }
0x55: {  	_ =	shalt  }
0x56: {  	_ =	shalt  }
0x57: {  	_ =	shalt  }
0x58: {  	_ =	shalt  }
0x59: {  	_ =	shalt  }
0x5a: {  	_ =	shalt  }
0x5b: {  	_ =	shalt  }
0x5c: {  	_ =	shalt  }
0x5d: {  	_ =	shalt  }
0x5e: {  	_ =	shalt  }
0x5f: {  	_ =	shalt  }
0x60: {  	_ =	shalt  }
0x61: {  	_ =	shalt  }
0x62: {  	_ =	shalt  }
0x63: {  	_ =	shalt  }
0x64: {  	_ =	shalt  }
0x65: {  	_ =	shalt  }
0x66: {  	_ =	shalt  }
0x67: {  	_ =	shalt  }
0x68: {  	_ =	shalt  }
0x69: {  	_ =	shalt  }
0x6a: {  	_ =	shalt  }
0x6b: {  	_ =	shalt  }
0x6c: {  	_ =	shalt  }
0x6d: {  	_ =	shalt  }
0x6e: {  	_ =	shalt  }
0x6f: {  	_ =	shalt  }
0x70: {  	_ =	shalt  }
0x71: {  	_ =	shalt  }
0x72: {  	_ =	shalt  }
0x73: {  	_ =	shalt  }
0x74: {  	_ =	shalt  }
0x75: {  	_ =	shalt  }
0x76: {  	_ =	shalt  }
0x77: {  	_ =	shalt  }
0x78: {  	_ =	shalt  }
0x79: {  	_ =	shalt  }
0x7a: {  	_ =	shalt  }
0x7b: {  	_ =	shalt  }
0x7c: {  	_ =	shalt  }
0x7d: {  	_ =	shalt  }
0x7e: {  	_ =	shalt  }
0x7f: {  	_ =	shalt  }
0x80: {  	_ =	shalt  }
0x81: {  	_ =	shalt  }
0x82: {  	_ =	shalt  }
0x83: {  	_ =	shalt  }
0x84: {  	_ =	shalt  }
0x85: {  	_ =	shalt  }
0x86: {  	_ =	shalt  }
0x87: {  	_ =	shalt  }
.Lfunc_end0:
.L_simem_size_0:
called_computation.2_lowered:
.L_overlay_start_0:
0x88: {  	s2 =	sld [smem:$0x3FD9]  }
0x89: {  	s3 =	sld [smem:$0x3FFE];
	_ =	sdelay $0x1  }
0x8a: {  	s1 =	srdreg.scid  }
0x8b: {  	s0 =	sand.u32 $0x1, s1  }
0x8c: {  	s17 =	sshll.u32 s0, $0xA;
	s2 =	sadd.s32 s3, s2  }
0x8d: {  	s2 =	sadd.s32 s2, s17  }
0x8e: {  	[smem:$0x3FC0] =	sst s2  }
0x8f: {  	_ = 	snop  }
0x90: {  	(tm) =	ssettm $0x1  }
0x91: {  	s18 =	sld [smem:$0x3FFB];
	_ =	sdelay $0x3  }
0x92: {  	_ =	strace s18  }
0x93: {  	s2 =	sld [smem:$0x3FFC];
	_ =	sdelay $0x3  }
0x94: {  	_ =	strace s2  }
0x95: {  	s2 =	sld [smem:$0x3FFD];
	_ =	sdelay $0x3  }
0x96: {  	_ =	strace s2  }
0x97: {  	_ =	strace $0x8FFFFFFF  }
0x98: {  	s19 =	sld [smem:$0x3FDB];
	_ =	sdelay $0x1  }
0x99: {  	s20 =	simm.s32 $_scs_section_size  }
0x9a: {  	s4 =	simm.s32 $_size__tile_overlayer_lowered;
	s5 =	simm.s32 $_tile_overlayer_lowered  }
0x9b: {  	s6 =	simm.s32 $0x1BFF;
	s21 =	sshll.u32 s5, $0x1;
	s3 =	sadd.s32 s20, s19  }
0x9c: {  	s22 =	simm.s32 $0x0;
	s4 =	sshll.u32 s4, $0x1;
	s5 =	sadd.s32 s21, s3  }
0x9d: {  	[timem:s22], [sflag:s6] =	dma.local [hbm:s5], s4  }
0x9e: {  	_ =	swait.ge [sflag:s6], s4  }
0x9f: {  	s4 =	ssub.s32 $0x0, s4;
	[sflag:s6] =	ssyncset.done $0x0  }
0xa0: {  	[sflag:s6] =	ssyncadd.s32 s4;
	_ =	sdelay $0x1  }
0xa1: {  	s23 =	simm.s32 $0x1B8B  }
0xa2: {  	_ =	swait.ge [sflag:s23], $0x1  }
0xa3: {  	[sflag:s23] =	ssyncset.done $0x0  }
0xa4: {  	[sflag:s23] =	ssyncadd.s32 $0xFFFFFFFF  }
0xa5: {  	s4 =	sld [smem:$0x0]  }
0xa6: {  	s5 =	sand.u32 $0xFFFFFFFE, s1  }
0xa7: {  	p0 =	sne.s32 s1, s5  }
0xa8: {  	s5 =	sshll.u32 @p0 s5, $0xE  }
0xa9: {  	s5 =	sadd.s32 @p0 $0x11B8D, s5;
	s6 =	sshll.u32 @p0 s4, $0x11  }
0xaa: {  	s5 =	sor.u32 @p0 s6, s5  }
0xab: {  	[sflag:s5] =	ssyncadd.remote.s32 @p0 $0x1;
	_ =	sdelay $0x1  }
0xac: {  	s5 =	simm.s32 @p0 $0x1B8D  }
0xad: {  	_ =	swait.eq @p0 [sflag:s5], $0x1  }
0xae: {  	[sflag:s5] =	ssyncadd.s32 @p0 $0xFFFFFFFF  }
0xaf: {  	s6 =	sshll.u32 @!p0 s1, $0xE  }
0xb0: {  	s6 =	sor.u32 @!p0 $0x4000, s6;
	s5 =	simm.s32 @!p0 $0x1B8D  }
0xb1: {  	s4 =	sshll.u32 @!p0 s4, $0x11;
	s6 =	sadd.s32 @!p0 $0x11B8D, s6;
	_ =	swait.eq @!p0 [sflag:s5], $0x1  }
0xb2: {  	s4 =	sor.u32 @!p0 s4, s6;
	[sflag:s5] =	ssyncadd.s32 @!p0 $0xFFFFFFFF  }
0xb3: {  	s25 =	simm.s32 $0x1B8E;
	s24 =	sld [smem:$0x3FFE];
	[sflag:s4] =	ssyncadd.remote.s32 @!p0 $0x1  }
0xb4: {  	s26 =	simm.s32 $execute0_lowered;
	[smem:$0x3FD2] =	sst s25  }
0xb5: {  	s5 =	sshll.u32 s26, $0x1;
	_ =	strace $0x8000004C;
	[dreg:$0x1] =	wrdreg $0xFFFFFFFF  }
0xb6: {  	s28 =	simm.s32 $_size_execute0_lowered;
	s3 =	sadd.s32 s3, s5;
	[dreg:$0x0] =	wrdreg $0x0  }
0xb7: {  	s5 =	sshll.u32 s28, $0x1;
	[dreg:$0x2] =	wrdreg s3  }
0xb8: {  	[dreg:$0x3] =	wrdreg s5  }
0xb9: {  	[dreg:$0x4] =	wrdreg $0xC0  }
0xba: {  	_ =	task [dreg:s22], $0x5FFFF  }
0xbb: {  	[dreg:$0x1] =	wrdreg $0xFFFFFFFF  }
0xbc: {  	[dreg:$0x0] =	wrdreg $0x60  }
0xbd: {  	[dreg:$0x2] =	wrdreg s24  }
0xbe: {  	[dreg:$0x3] =	wrdreg $0x0  }
0xbf: {  	[dreg:$0x4] =	wrdreg $0xA  }
0xc0: {  	_ =	task.clear_ibuf [dreg:s22], $0x5FFFF;
	_ =	strace $0x9000004C  }
0xc1: {  	s29 =	simm.s32 $0xA;
	_ =	strace $0x8000004E  }
0xc2: {  	_ =	swait.ge [sflag:s29], $0x1  }
0xc3: {  	[sflag:s29] =	ssyncadd.s32 $0xFFFFFFFF  }
0xc4: {  	_ =	strace $0x9000004E  }
0xc5: {  	_ =	sfence  }
0xc6: {  	s30 =	sld [smem:$0x0];
	_ =	sdelay $0x2  }
0xc7: {  	s31 =	sshll.u32 s1, $0xD;
	s1 =	sshrl.u32 s1, $0x2  }
0xc8: {  	s4 =	sand.u32 $0x4000, s31;
	s1 =	sadd.s32 s1, s30  }
0xc9: {  	s0 =	sor.u32 s4, s0;
	s1 =	sshll.u32 s1, $0x11  }
0xca: {  	s0 =	sor.u32 s1, s0  }
0xcb: {  	s0 =	sadd.s32 $0x8F2B, s0  }
0xcc: {  	[sflag:s0] =	ssyncadd.remote.s32 $0x1  }
0xcd: {  	_ =	sfence.sel $0xFFFF  }
0xce: {  	[dreg:$0x0] =	wrdreg $0xFFFFFFFF;
	(pc) =	sbr.abs _section_cstart, $3  }
0xcf: {  	[dreg:$0x1] =	wrdreg $0xFFFFFFFF  }
0xd0: {  	_ =	task.clear_ibuf [dreg:s22], $0x2FFFF;
	_ =	strace $0x9FFFFFFF  }
0xd1: {  	(tm) =	ssettm $0x7FFFFFFF  }
tec
execute0_lowered:
.L_overlay_start_1:
0x0: {  	(tag) =	ssettag $0x1  }
0x1: {  	s0 =	srdreg.scid;
	s3 =	rddreg [dreg:$0x0]  }
0x2: {  	s9 =	stileid.u32;
	s4 =	rddreg [dreg:$0x1]  }
0x3: {  	s2 =	simm.s32 $0x0;
	s30 =	simm.s32 $0x1;
	s31 =	simm.s32 $0x11620  }
0x4: {  	s29 =	simm.s32 $0xEE20;
	s0 =	sand.u32 $0x1, s0;
	s1 =	sshll.u32 s9, $0x1  }
0x5: {  	s6 =	smul.u32 $0x280, s9;
	[smem:$0x7FF] =	sst s2;
	s7 =	sadd.s32 $0x48800, s3  }
0x6: {  	s22 =	sadd.s32 $0x58600, s3;
	s9 =	smul.u32 $0xA000, s9;
	s25 =	sadd.s32 $0x58B00, s3  }
0x7: {  	s1 =	sor.u32 s0, s1;
	_ =	strace $0x8000004D;
	[dreg:$0x3] =	wrdreg s7  }
0x8: {  	s5 =	smul.u32 $0x2800, s0;
	[dreg:$0x4] =	wrdreg s22;
	s0 =	ssub.s32 $0x2, s0  }
0x9: {  	[dreg:$0x7] =	wrdreg s25;
	s1 =	smul.u32 $0x4E2, s1;
	s8 =	sshrl.u32 s0, $0x1  }
0xa: {  	s26 =	sshrl.u32 s9, $0x2;
	s9 =	sadd.s32 s6, s4;
	s23 =	sadd.s32 s6, s5  }
0xb: {  	s5 =	sadd.s32 $0x48E00, s3;
	s0 =	ssub.s32 s0, s8;
	s11 =	sadd.s32 $0x2800, s9  }
0xc: {  	s12 =	sadd.s32 $0x5000, s9;
	s13 =	sadd.s32 $0x7800, s9;
	s14 =	sadd.s32 $0xA000, s9  }
0xd: {  	s15 =	sadd.s32 $0xC800, s9;
	s16 =	sadd.s32 $0xF000, s9;
	s17 =	sadd.s32 $0x11800, s9  }
0xe: {  	s18 =	sadd.s32 $0x14000, s9;
	s19 =	sadd.s32 $0x16800, s9;
	s20 =	sadd.s32 $0x19000, s9  }
0xf: {  	s21 =	sadd.s32 $0x1B800, s9;
	s22 =	sadd.s32 $0x1E000, s9;
	s28 =	sadd.s32 $0x25800, s9  }
0x10: {  	s6 =	simm.s32 $0x0;
	s1 =	sadd.s32 s1, s3;
	s7 =	sshrl.u32 s23, $0x3  }
0x11: {  	s23 =	sadd.s32 $0x20800, s9;
	s25 =	smax.u32 s0, $0x1;
	s24 =	sadd.s32 $0x2800, s1  }
0x12: {  	s0 =	simm.s32 $0x13E20;
	s1 =	sadd.s32 $0xC600, s1;
	[dreg:$0x5] =	wrdreg s24  }
0x13: {  	s7 =	sadd.s32 s7, s3;
	s3 =	simm.s32 $0x16620;
	[dreg:$0x6] =	wrdreg s1  }
0x14: {  	s1 =	sadd.s32 s26, s4;
	s24 =	sadd.s32 $0x49400, s7;
	s26 =	sadd.s32 $0x23000, s9  }
0x15: {  	v0 =	vimm.f32 $0.0e+00;
	s4 =	simm.s32 $0x168A0;
	[dreg:$0x8] =	wrdreg s1;
	s1 =	simm.s32 $0x7620  }
.LBB2_1:
0x16: {  	s7 =	rddreg [dreg:$0x5];
	s8 =	simm.s32 $0x2800  }
0x17: {  	[tilespmem:s8], [sflag:$0x1] =	stream.linear.gather [hbm4b:s7+s2], $0x2710, $0x38;
	[tilespmem:$0x16B20] =	vst v63  }
0x18: {  	_ =	swait.ge [sflag:s30], $0x2710  }
0x19: {  	[sflag:s30] =	ssyncset.done $0x0  }
0x1a: {  	s10 =	simm.s32 $0x4F10;
	s8 =	rddreg [dreg:$0x6];
	[sflag:s30] =	ssyncadd.s32 $0xFFFFD8F0  }
0x1b: {  	[tilespmem:s10], [sflag:$0x1] =	stream.linear.gather [hbm4b:s8+s2], $0x2710, $0x38;
	[tilespmem:$0x16B20] =	vst v63  }
0x1c: {  	_ =	swait.ge [sflag:s30], $0x2710  }
0x1d: {  	[sflag:s30] =	ssyncset.done $0x0  }
0x1e: {  	s10 =	rddreg [dreg:$0x3];
	[sflag:s30] =	ssyncadd.s32 $0xFFFFD8F0  }
0x1f: {  	[tilespmem:s1], [sflag:$0x1] =	stream.linear.gather [hbm4b:s10+s2], $0x2800, $0x38;
	[tilespmem:$0x16B20] =	vst v63  }
0x20: {  	_ =	swait.ge [sflag:s30], $0x2800  }
0x21: {  	[sflag:s30] =	ssyncset.done $0x0  }
0x22: {  	s10 =	simm.s32 $0x9E20;
	s8 =	rddreg [dreg:$0x4];
	[sflag:s30] =	ssyncadd.s32 $0xFFFFD800  }
0x23: {  	[tilespmem:s10], [sflag:$0x1] =	stream.linear.gather [hbm4b:s8+s2], $0x2800, $0x38;
	[tilespmem:$0x16B20] =	vst v63  }
0x24: {  	_ =	swait.ge [sflag:s30], $0x2800  }
0x25: {  	[sflag:s30] =	ssyncset.done $0x0  }
0x26: {  	s10 =	simm.s32 $0xC620;
	s8 =	rddreg [dreg:$0x7];
	[sflag:s30] =	ssyncadd.s32 $0xFFFFD800  }
0x27: {  	[tilespmem:s10], [sflag:$0x1] =	stream.linear.gather [hbm4b:s8+s2], $0x2800, $0x38;
	[tilespmem:$0x16B20] =	vst v63  }
0x28: {  	_ =	swait.ge [sflag:s30], $0x2800  }
0x29: {  	[sflag:s30] =	ssyncset.done $0x0  }
0x2a: {  	[sflag:s30] =	ssyncadd.s32 $0xFFFFD800  }
0x2b: {  	[tilespmem:s31], [sflag:$0x1] =	stream.linear.gather [hbm4b:s5+s2], $0x2800, $0x38;
	[tilespmem:$0x16B20] =	vst v63  }
0x2c: {  	_ =	swait.ge [sflag:s30], $0x2800  }
0x2d: {  	[sflag:s30] =	ssyncset.done $0x0  }
0x2e: {  	[sflag:s30] =	ssyncadd.s32 $0xFFFFD800  }
0x2f: {  	[tilespmem:s0], [sflag:$0x1] =	stream.linear.gather [hbm4b:s5+s2], $0x2800, $0x38;
	[tilespmem:$0x16B20] =	vst v63  }
0x30: {  	_ =	swait.ge [sflag:s30], $0x2800  }
0x31: {  	[sflag:s30] =	ssyncset.done $0x0  }
0x32: {  	s7 =	simm.s32 $0x0;
	[sflag:s30] =	ssyncadd.s32 $0xFFFFD800  }
0x33: {  	v1 =	vld [tilespmem:s7+$0x9E20]  }
0x34: {  	v2 =	vld [tilespmem:s7+$0xC620]  }
0x35: {  	s8 =	simm.s32 $0x40;
	v3 =	vld [tilespmem:s7+$0x7620]  }
.LBB2_2:
0x36: {  	p0 =	sne.s32 s8, $0x9FC0  }
.Ltmp0:
0x37: {  	_ = 	snop;
	(pc) =	sbr.rel @p0 .LBB2_2-.Ltmp0, $4  }
0x38: {  	s10 =	sshra.s32 s8, $0x2  }
0x39: {  	v4 =	vmax.f32 v1, v2;
	v1 =	vld [tilespmem:s10+$0x9E20]  }
0x3a: {  	v2 =	vld [tilespmem:s10+$0xC620];
	v4 =	vmax.f32 v4, v3  }
0x3b: {  	s8 =	sadd.s32 $0x40, s8;
	v3 =	vld [tilespmem:s10+$0x7620];
	[tilespmem:s7+$0xEE20] =	vst v4;
	s7 =	smov.u32 s10  }
0x3c: {  	_ = 	snop  }
.Ltmp1:
0x3d: {  	_ = 	snop;
	(pc) =	sbr.rel .LBB2_4-.Ltmp1, $4  }
0x3e: {  	_ = 	snop  }
0x3f: {  	v1 =	vmax.f32 v1, v2  }
0x40: {  	v1 =	vmax.f32 v1, v3  }
0x41: {  	[tilespmem:s7+$0xEE20] =	vst v1;
	s7 =	simm.s32 $0x0  }
.LBB2_7:
0x42: {  	s7 =	sadd.s32 $0x1, s7  }
0x43: {  	p0 =	sne.s32 s7, $0x138  }
.Ltmp2:
0x44: {  	_ = 	snop;
	(pc) =	sbr.rel @!p0 .LBB2_8-.Ltmp2, $1  }
0x45: {  	_ =	sdelay $0x3  }
.LBB2_4:
0x46: {  	s8 =	sshll.u32 s7, $0x4  }
0x47: {  	v1 =	vld [tilespmem:s8+$0x2800]  }
0x48: {  	v2 =	vld [tilespmem:s8+$0x3B80]  }
0x49: {  	v3 =	vld [tilespmem:s8+$0x4F10]  }
0x4a: {  	v4 =	vld [tilespmem:s8+$0x6290];
	_ =	sdelay $0x4  }
0x4b: {  	v5 =	vld.idx.msk [tilespmem:v1+s1+$0x0], $0xffff  }
0x4c: {  	v6 =	vld.idx.msk [tilespmem:v2+s1+$0x0], $0xffff  }
0x4d: {  	v7 =	vld.idx.msk [tilespmem:v3+s29+$0x0], $0xffff  }
0x4e: {  	v8 =	vld.idx.msk [tilespmem:v4+s29+$0x0], $0xffff  }
0x4f: {  	v9 =	vld.idx.msk [tilespmem:v3+s31+$0x0], $0xffff  }
0x50: {  	v10 =	vld.idx.msk [tilespmem:v4+s0+$0x0], $0xffff;
	_ =	sdelay $0x3  }
0x51: {  	vm0 =	vge.f32 v5, v7;
	vm1 =	vgt.s32 v1, v9  }
0x52: {  	vm2 =	vgt.s32 v2, v10;
	vm0 =	vmand vm0, vm1;
	vm1 =	vge.f32 v6, v8  }
0x53: {  	vm1 =	vmand vm1, vm2;
	_ =	sdelay $0x4  }
0x54: {  	[tilespmem:v3+s31+$0x0] =	vst.idx.msk vm0, v1  }
0x55: {  	[tilespmem:v4+s0+$0x0] =	vst.idx.msk vm1, v2  }
0x56: {  	v5 =	vld.idx.msk [tilespmem:v3+s31+$0x0], $0xffff;
	_ =	sdelay $0x1  }
0x57: {  	v6 =	vld.idx.msk [tilespmem:v4+s0+$0x0], $0xffff;
	_ =	sdelay $0x2  }
0x58: {  	vm2 =	vlt.s32 v5, v1  }
0x59: {  	vm0 =	vmand vm0, vm2  }
0x5a: {  	vm2 =	vlt.s32 v6, v2;
	v5 =	vsel vm0, $0x3F800000, v0  }
0x5b: {  	vm1 =	vmand vm1, vm2;
	(xrf0) =	vmax.scan.msk.f32 $0xffff, v5  }
0x5c: {  	v5 =	vsel vm1, $0x3F800000, v0  }
0x5d: {  	(xrf0) =	vmax.scan.msk.f32 $0xffff, v5;
	_ =	sdelay $0x3  }
0x5e: {  	v5, _, _ =	vpop (xrf0)  }
0x5f: {  	(v2sf) =	vpush v5, $0xF  }
0x60: {  	v5, _, _ =	vpop (xrf0)  }
0x61: {  	(v2sf) =	vpush v5, $0xF;
	_ =	sdelay $0xc  }
0x62: {  	s10 =	spop (v2sf)  }
0x63: {  	p0 =	sgt.f32 s10, $0.0e+00  }
0x64: {  	s8 =	spop (v2sf)  }
0x65: {  	p1 =	sgt.f32 @!p0 s8, $0.0e+00;
	_ =	sdelay $0x1  }
0x66: {  	p1 =	por p0, p1  }
.Ltmp3:
0x67: {  	_ = 	snop;
	(pc) =	sbr.rel @!p1 .LBB2_7-.Ltmp3, $1  }
0x68: {  	_ =	sdelay $0x3  }
0x69: {  	vm0 =	vmmov @p0 vm0  }
0x6a: {  	vm1 =	vmmov @p0 vm1  }
.LBB2_6:
0x6b: {  	[tilespmem:v3+s31+$0x0] =	vst.idx.msk vm0, v1  }
0x6c: {  	[tilespmem:v4+s0+$0x0] =	vst.idx.msk vm1, v2  }
0x6d: {  	v5 =	vld.idx.msk [tilespmem:v3+s31+$0x0], $0xffff;
	_ =	sdelay $0x1  }
0x6e: {  	v6 =	vld.idx.msk [tilespmem:v4+s0+$0x0], $0xffff;
	_ =	sdelay $0x2  }
0x6f: {  	vm2 =	vlt.s32 v5, v1  }
0x70: {  	vm0 =	vmand vm0, vm2  }
0x71: {  	vm2 =	vlt.s32 v6, v2;
	v5 =	vsel vm0, $0x3F800000, v0  }
0x72: {  	vm1 =	vmand vm1, vm2;
	(xrf0) =	vmax.scan.msk.f32 $0xffff, v5  }
0x73: {  	v5 =	vsel vm1, $0x3F800000, v0  }
0x74: {  	(xrf0) =	vmax.scan.msk.f32 $0xffff, v5;
	_ =	sdelay $0x3  }
0x75: {  	v5, _, _ =	vpop (xrf0)  }
0x76: {  	(v2sf) =	vpush v5, $0xF  }
0x77: {  	v5, _, _ =	vpop (xrf0)  }
0x78: {  	(v2sf) =	vpush v5, $0xF;
	_ =	sdelay $0xc  }
0x79: {  	s8 =	spop (v2sf)  }
0x7a: {  	p0 =	sgt.f32 s8, $0.0e+00  }
0x7b: {  	s8 =	spop (v2sf)  }
0x7c: {  	p1 =	sgt.f32 @!p0 s8, $0.0e+00;
	_ =	sdelay $0x1  }
0x7d: {  	p1 =	por p0, p1  }
.Ltmp4:
0x7e: {  	_ = 	snop;
	(pc) =	sbr.rel @p1 .LBB2_6-.Ltmp4, $2  }
0x7f: {  	_ =	sdelay $0x2  }
0x80: {  	vm1 =	vmmov @p0 vm1;
	vm0 =	vmmov @p0 vm0  }
.Ltmp5:
0x81: {  	_ = 	snop;
	(pc) =	sbr.rel .LBB2_7-.Ltmp5, $1  }
0x82: {  	_ =	sdelay $0x3  }
.LBB2_8:
0x83: {  	v1 =	vld [tilespmem:$0x4F00]  }
0x84: {  	v2 =	vld [tilespmem:$0x7610];
	_ =	sdelay $0x6  }
0x85: {  	v3 =	vld.idx.msk [tilespmem:v1+s1+$0x0], $0xffff  }
0x86: {  	v4 =	vld.idx.msk [tilespmem:v2+s29+$0x0], $0xffff  }
0x87: {  	v5 =	vld.idx.msk [tilespmem:v2+s31+$0x0], $0xffff;
	_ =	sdelay $0x4  }
0x88: {  	vm0 =	vge.f32 v3, v4;
	vm1 =	vgt.s32 v1, v5  }
0x89: {  	vm0 =	vmand vm0, vm1;
	_ =	sdelay $0x5  }
0x8a: {  	[tilespmem:v2+s31+$0x0] =	vst.idx.msk vm0, v1  }
0x8b: {  	v3 =	vld.idx.msk [tilespmem:v2+s31+$0x0], $0xffff;
	_ =	sdelay $0x4  }
0x8c: {  	vm1 =	vlt.s32 v3, v1  }
0x8d: {  	vm0 =	vmand vm0, vm1  }
0x8e: {  	v3 =	vsel vm0, $0x3F800000, v0  }
0x8f: {  	(xrf0) =	vmax.scan.msk.f32 $0xffff, v3;
	_ =	sdelay $0x5  }
0x90: {  	v3, _, _ =	vpop (xrf0)  }
0x91: {  	(v2sf) =	vpush v3, $0xF;
	_ =	sdelay $0xe  }
0x92: {  	s7 =	spop (v2sf)  }
0x93: {  	p0 =	sgt.f32 s7, $0.0e+00  }
.Ltmp6:
0x94: {  	_ = 	snop;
	(pc) =	sbr.rel @!p0 .LBB2_10-.Ltmp6, $1  }
0x95: {  	_ =	sdelay $0x3  }
.LBB2_9:
0x96: {  	[tilespmem:v2+s31+$0x0] =	vst.idx.msk vm0, v1  }
0x97: {  	v3 =	vld.idx.msk [tilespmem:v2+s31+$0x0], $0xffff;
	_ =	sdelay $0x4  }
0x98: {  	vm1 =	vlt.s32 v3, v1  }
0x99: {  	vm0 =	vmand vm0, vm1  }
0x9a: {  	v3 =	vsel vm0, $0x3F800000, v0  }
0x9b: {  	(xrf0) =	vmax.scan.msk.f32 $0xffff, v3;
	_ =	sdelay $0x5  }
0x9c: {  	v3, _, _ =	vpop (xrf0)  }
0x9d: {  	(v2sf) =	vpush v3, $0xF;
	_ =	sdelay $0xe  }
0x9e: {  	s7 =	spop (v2sf)  }
0x9f: {  	p0 =	sgt.f32 s7, $0.0e+00  }
.Ltmp7:
0xa0: {  	_ = 	snop;
	(pc) =	sbr.rel @p0 .LBB2_9-.Ltmp7, $1  }
0xa1: {  	_ =	sdelay $0x3  }
.LBB2_10:
0xa2: {  	s7 =	simm.s32 $0x0  }
0xa3: {  	s8 =	simm.s32 $0x40;
	v1 =	vld [tilespmem:s7+$0x13E20]  }
.LBB2_11:
0xa4: {  	p0 =	sne.s32 s8, $0x9FC0;
	v2 =	vld [tilespmem:s7+$0x11620];
	_ =	sdelay $0x2  }
.Ltmp8:
0xa5: {  	(pc) =	sbr.rel @p0 .LBB2_11-.Ltmp8, $4  }
0xa6: {  	_ = 	snop  }
0xa7: {  	vm0 =	vgt.s32 v2, v1  }
0xa8: {  	s10 =	sshra.s32 s8, $0x2;
	v2 =	vsel vm0, v2, v1  }
0xa9: {  	s8 =	sadd.s32 $0x40, s8;
	v1 =	vld [tilespmem:s10+$0x13E20];
	[tilespmem:s7+$0x11620] =	vst v2;
	s7 =	smov.u32 s10  }
0xaa: {  	v2 =	vld [tilespmem:s7+$0x11620];
	_ =	sdelay $0x4  }
0xab: {  	vm0 =	vgt.s32 v2, v1  }
0xac: {  	v1 =	vsel vm0, v2, v1  }
0xad: {  	s10 =	rddreg [dreg:$0x8];
	[tilespmem:s7+$0x11620] =	vst v1  }
0xae: {  	[spmem:s10] =	stream.linear.scatter [tilespmem:s31], [sflag:$0x1], $0x2800, $0x38;
	[tilespmem:$0x16B20] =	vst v63  }
0xaf: {  	_ =	swait.ge [sflag:s30], $0x2800  }
0xb0: {  	[sflag:s30] =	ssyncset.done $0x0  }
0xb1: {  	[sflag:s30] =	ssyncadd.s32 $0xFFFFD800  }
0xb2: {  	[bflag:$0x0] =	sbarrier.arrive $0xFFFF  }
0xb3: {  	[tilespmem:s3], [sflag:$0x1] =	stream.linear.gather [spmem:s9], $0x280, $0x38;
	[tilespmem:$0x16B20] =	vst v63  }
0xb4: {  	_ =	swait.ge [sflag:s30], $0x280  }
0xb5: {  	[sflag:s30] =	ssyncset.done $0x0  }
0xb6: {  	[sflag:s30] =	ssyncadd.s32 $0xFFFFFD80  }
0xb7: {  	[tilespmem:s4], [sflag:$0x1] =	stream.linear.gather [spmem:s11], $0x280, $0x38;
	[tilespmem:$0x16B20] =	vst v63  }
0xb8: {  	_ =	swait.ge [sflag:s30], $0x280  }
0xb9: {  	[sflag:s30] =	ssyncset.done $0x0  }
0xba: {  	s7 =	simm.s32 $0x0;
	[sflag:s30] =	ssyncadd.s32 $0xFFFFFD80  }
0xbb: {  	s8 =	simm.s32 $0x40;
	v1 =	vld [tilespmem:s7+$0x168A0]  }
.LBB2_13:
0xbc: {  	p0 =	sne.s32 s8, $0x9C0;
	v2 =	vld [tilespmem:s7+$0x16620];
	_ =	sdelay $0x2  }
.Ltmp9:
0xbd: {  	(pc) =	sbr.rel @p0 .LBB2_13-.Ltmp9, $4  }
0xbe: {  	_ = 	snop  }
0xbf: {  	vm0 =	vgt.s32 v2, v1  }
0xc0: {  	s10 =	sshra.s32 s8, $0x2;
	v2 =	vsel vm0, v2, v1  }
0xc1: {  	s8 =	sadd.s32 $0x40, s8;
	v1 =	vld [tilespmem:s10+$0x168A0];
	[tilespmem:s7+$0x16620] =	vst v2;
	s7 =	smov.u32 s10  }
0xc2: {  	v2 =	vld [tilespmem:s7+$0x16620];
	_ =	sdelay $0x4  }
0xc3: {  	vm0 =	vgt.s32 v2, v1  }
0xc4: {  	v1 =	vsel vm0, v2, v1  }
0xc5: {  	[tilespmem:s7+$0x16620] =	vst v1  }
0xc6: {  	[tilespmem:s4], [sflag:$0x1] =	stream.linear.gather [spmem:s12], $0x280, $0x38;
	[tilespmem:$0x16B20] =	vst v63  }
0xc7: {  	_ =	swait.ge [sflag:s30], $0x280  }
0xc8: {  	[sflag:s30] =	ssyncset.done $0x0  }
0xc9: {  	s7 =	simm.s32 $0x0;
	[sflag:s30] =	ssyncadd.s32 $0xFFFFFD80  }
0xca: {  	s8 =	simm.s32 $0x40;
	v1 =	vld [tilespmem:s7+$0x168A0]  }
.LBB2_15:
0xcb: {  	p0 =	sne.s32 s8, $0x9C0;
	v2 =	vld [tilespmem:s7+$0x16620];
	_ =	sdelay $0x2  }
.Ltmp10:
0xcc: {  	(pc) =	sbr.rel @p0 .LBB2_15-.Ltmp10, $4  }
0xcd: {  	_ = 	snop  }
0xce: {  	vm0 =	vgt.s32 v2, v1  }
0xcf: {  	s10 =	sshra.s32 s8, $0x2;
	v2 =	vsel vm0, v2, v1  }
0xd0: {  	s8 =	sadd.s32 $0x40, s8;
	v1 =	vld [tilespmem:s10+$0x168A0];
	[tilespmem:s7+$0x16620] =	vst v2;
	s7 =	smov.u32 s10  }
0xd1: {  	v2 =	vld [tilespmem:s7+$0x16620];
	_ =	sdelay $0x4  }
0xd2: {  	vm0 =	vgt.s32 v2, v1  }
0xd3: {  	v1 =	vsel vm0, v2, v1  }
0xd4: {  	[tilespmem:s7+$0x16620] =	vst v1  }
0xd5: {  	[tilespmem:s4], [sflag:$0x1] =	stream.linear.gather [spmem:s13], $0x280, $0x38;
	[tilespmem:$0x16B20] =	vst v63  }
0xd6: {  	_ =	swait.ge [sflag:s30], $0x280  }
0xd7: {  	[sflag:s30] =	ssyncset.done $0x0  }
0xd8: {  	s7 =	simm.s32 $0x0;
	[sflag:s30] =	ssyncadd.s32 $0xFFFFFD80  }
0xd9: {  	s8 =	simm.s32 $0x40;
	v1 =	vld [tilespmem:s7+$0x168A0]  }
.LBB2_17:
0xda: {  	p0 =	sne.s32 s8, $0x9C0;
	v2 =	vld [tilespmem:s7+$0x16620];
	_ =	sdelay $0x2  }
.Ltmp11:
0xdb: {  	(pc) =	sbr.rel @p0 .LBB2_17-.Ltmp11, $4  }
0xdc: {  	_ = 	snop  }
0xdd: {  	vm0 =	vgt.s32 v2, v1  }
0xde: {  	s10 =	sshra.s32 s8, $0x2;
	v2 =	vsel vm0, v2, v1  }
0xdf: {  	s8 =	sadd.s32 $0x40, s8;
	v1 =	vld [tilespmem:s10+$0x168A0];
	[tilespmem:s7+$0x16620] =	vst v2;
	s7 =	smov.u32 s10  }
0xe0: {  	v2 =	vld [tilespmem:s7+$0x16620];
	_ =	sdelay $0x4  }
0xe1: {  	vm0 =	vgt.s32 v2, v1  }
0xe2: {  	v1 =	vsel vm0, v2, v1  }
0xe3: {  	[tilespmem:s7+$0x16620] =	vst v1  }
0xe4: {  	[tilespmem:s4], [sflag:$0x1] =	stream.linear.gather [spmem:s14], $0x280, $0x38;
	[tilespmem:$0x16B20] =	vst v63  }
0xe5: {  	_ =	swait.ge [sflag:s30], $0x280  }
0xe6: {  	[sflag:s30] =	ssyncset.done $0x0  }
0xe7: {  	s7 =	simm.s32 $0x0;
	[sflag:s30] =	ssyncadd.s32 $0xFFFFFD80  }
0xe8: {  	s8 =	simm.s32 $0x40;
	v1 =	vld [tilespmem:s7+$0x168A0]  }
.LBB2_19:
0xe9: {  	p0 =	sne.s32 s8, $0x9C0;
	v2 =	vld [tilespmem:s7+$0x16620];
	_ =	sdelay $0x2  }
.Ltmp12:
0xea: {  	(pc) =	sbr.rel @p0 .LBB2_19-.Ltmp12, $4  }
0xeb: {  	_ = 	snop  }
0xec: {  	vm0 =	vgt.s32 v2, v1  }
0xed: {  	s10 =	sshra.s32 s8, $0x2;
	v2 =	vsel vm0, v2, v1  }
0xee: {  	s8 =	sadd.s32 $0x40, s8;
	v1 =	vld [tilespmem:s10+$0x168A0];
	[tilespmem:s7+$0x16620] =	vst v2;
	s7 =	smov.u32 s10  }
0xef: {  	v2 =	vld [tilespmem:s7+$0x16620];
	_ =	sdelay $0x4  }
0xf0: {  	vm0 =	vgt.s32 v2, v1  }
0xf1: {  	v1 =	vsel vm0, v2, v1  }
0xf2: {  	[tilespmem:s7+$0x16620] =	vst v1  }
0xf3: {  	[tilespmem:s4], [sflag:$0x1] =	stream.linear.gather [spmem:s15], $0x280, $0x38;
	[tilespmem:$0x16B20] =	vst v63  }
0xf4: {  	_ =	swait.ge [sflag:s30], $0x280  }
0xf5: {  	[sflag:s30] =	ssyncset.done $0x0  }
0xf6: {  	s7 =	simm.s32 $0x0;
	[sflag:s30] =	ssyncadd.s32 $0xFFFFFD80  }
0xf7: {  	s8 =	simm.s32 $0x40;
	v1 =	vld [tilespmem:s7+$0x168A0]  }
.LBB2_21:
0xf8: {  	p0 =	sne.s32 s8, $0x9C0;
	v2 =	vld [tilespmem:s7+$0x16620];
	_ =	sdelay $0x2  }
.Ltmp13:
0xf9: {  	(pc) =	sbr.rel @p0 .LBB2_21-.Ltmp13, $4  }
0xfa: {  	_ = 	snop  }
0xfb: {  	vm0 =	vgt.s32 v2, v1  }
0xfc: {  	s10 =	sshra.s32 s8, $0x2;
	v2 =	vsel vm0, v2, v1  }
0xfd: {  	s8 =	sadd.s32 $0x40, s8;
	v1 =	vld [tilespmem:s10+$0x168A0];
	[tilespmem:s7+$0x16620] =	vst v2;
	s7 =	smov.u32 s10  }
0xfe: {  	v2 =	vld [tilespmem:s7+$0x16620];
	_ =	sdelay $0x4  }
0xff: {  	vm0 =	vgt.s32 v2, v1  }
0x100: {  	v1 =	vsel vm0, v2, v1  }
0x101: {  	[tilespmem:s7+$0x16620] =	vst v1  }
0x102: {  	[tilespmem:s4], [sflag:$0x1] =	stream.linear.gather [spmem:s16], $0x280, $0x38;
	[tilespmem:$0x16B20] =	vst v63  }
0x103: {  	_ =	swait.ge [sflag:s30], $0x280  }
0x104: {  	[sflag:s30] =	ssyncset.done $0x0  }
0x105: {  	s7 =	simm.s32 $0x0;
	[sflag:s30] =	ssyncadd.s32 $0xFFFFFD80  }
0x106: {  	s8 =	simm.s32 $0x40;
	v1 =	vld [tilespmem:s7+$0x168A0]  }
.LBB2_23:
0x107: {  	p0 =	sne.s32 s8, $0x9C0;
	v2 =	vld [tilespmem:s7+$0x16620];
	_ =	sdelay $0x2  }
.Ltmp14:
0x108: {  	(pc) =	sbr.rel @p0 .LBB2_23-.Ltmp14, $4  }
0x109: {  	_ = 	snop  }
0x10a: {  	vm0 =	vgt.s32 v2, v1  }
0x10b: {  	s10 =	sshra.s32 s8, $0x2;
	v2 =	vsel vm0, v2, v1  }
0x10c: {  	s8 =	sadd.s32 $0x40, s8;
	v1 =	vld [tilespmem:s10+$0x168A0];
	[tilespmem:s7+$0x16620] =	vst v2;
	s7 =	smov.u32 s10  }
0x10d: {  	v2 =	vld [tilespmem:s7+$0x16620];
	_ =	sdelay $0x4  }
0x10e: {  	vm0 =	vgt.s32 v2, v1  }
0x10f: {  	v1 =	vsel vm0, v2, v1  }
0x110: {  	[tilespmem:s7+$0x16620] =	vst v1  }
0x111: {  	[tilespmem:s4], [sflag:$0x1] =	stream.linear.gather [spmem:s17], $0x280, $0x38;
	[tilespmem:$0x16B20] =	vst v63  }
0x112: {  	_ =	swait.ge [sflag:s30], $0x280  }
0x113: {  	[sflag:s30] =	ssyncset.done $0x0  }
0x114: {  	s7 =	simm.s32 $0x0;
	[sflag:s30] =	ssyncadd.s32 $0xFFFFFD80  }
0x115: {  	s8 =	simm.s32 $0x40;
	v1 =	vld [tilespmem:s7+$0x168A0]  }
.LBB2_25:
0x116: {  	p0 =	sne.s32 s8, $0x9C0;
	v2 =	vld [tilespmem:s7+$0x16620];
	_ =	sdelay $0x2  }
.Ltmp15:
0x117: {  	(pc) =	sbr.rel @p0 .LBB2_25-.Ltmp15, $4  }
0x118: {  	_ = 	snop  }
0x119: {  	vm0 =	vgt.s32 v2, v1  }
0x11a: {  	s10 =	sshra.s32 s8, $0x2;
	v2 =	vsel vm0, v2, v1  }
0x11b: {  	s8 =	sadd.s32 $0x40, s8;
	v1 =	vld [tilespmem:s10+$0x168A0];
	[tilespmem:s7+$0x16620] =	vst v2;
	s7 =	smov.u32 s10  }
0x11c: {  	v2 =	vld [tilespmem:s7+$0x16620];
	_ =	sdelay $0x4  }
0x11d: {  	vm0 =	vgt.s32 v2, v1  }
0x11e: {  	v1 =	vsel vm0, v2, v1  }
0x11f: {  	[tilespmem:s7+$0x16620] =	vst v1  }
0x120: {  	[tilespmem:s4], [sflag:$0x1] =	stream.linear.gather [spmem:s18], $0x280, $0x38;
	[tilespmem:$0x16B20] =	vst v63  }
0x121: {  	_ =	swait.ge [sflag:s30], $0x280  }
0x122: {  	[sflag:s30] =	ssyncset.done $0x0  }
0x123: {  	s7 =	simm.s32 $0x0;
	[sflag:s30] =	ssyncadd.s32 $0xFFFFFD80  }
0x124: {  	s8 =	simm.s32 $0x40;
	v1 =	vld [tilespmem:s7+$0x168A0]  }
.LBB2_27:
0x125: {  	p0 =	sne.s32 s8, $0x9C0;
	v2 =	vld [tilespmem:s7+$0x16620];
	_ =	sdelay $0x2  }
.Ltmp16:
0x126: {  	(pc) =	sbr.rel @p0 .LBB2_27-.Ltmp16, $4  }
0x127: {  	_ = 	snop  }
0x128: {  	vm0 =	vgt.s32 v2, v1  }
0x129: {  	s10 =	sshra.s32 s8, $0x2;
	v2 =	vsel vm0, v2, v1  }
0x12a: {  	s8 =	sadd.s32 $0x40, s8;
	v1 =	vld [tilespmem:s10+$0x168A0];
	[tilespmem:s7+$0x16620] =	vst v2;
	s7 =	smov.u32 s10  }
0x12b: {  	v2 =	vld [tilespmem:s7+$0x16620];
	_ =	sdelay $0x4  }
0x12c: {  	vm0 =	vgt.s32 v2, v1  }
0x12d: {  	v1 =	vsel vm0, v2, v1  }
0x12e: {  	[tilespmem:s7+$0x16620] =	vst v1  }
0x12f: {  	[tilespmem:s4], [sflag:$0x1] =	stream.linear.gather [spmem:s19], $0x280, $0x38;
	[tilespmem:$0x16B20] =	vst v63  }
0x130: {  	_ =	swait.ge [sflag:s30], $0x280  }
0x131: {  	[sflag:s30] =	ssyncset.done $0x0  }
0x132: {  	s7 =	simm.s32 $0x0;
	[sflag:s30] =	ssyncadd.s32 $0xFFFFFD80  }
0x133: {  	s8 =	simm.s32 $0x40;
	v1 =	vld [tilespmem:s7+$0x168A0]  }
.LBB2_29:
0x134: {  	p0 =	sne.s32 s8, $0x9C0;
	v2 =	vld [tilespmem:s7+$0x16620];
	_ =	sdelay $0x2  }
.Ltmp17:
0x135: {  	(pc) =	sbr.rel @p0 .LBB2_29-.Ltmp17, $4  }
0x136: {  	_ = 	snop  }
0x137: {  	vm0 =	vgt.s32 v2, v1  }
0x138: {  	s10 =	sshra.s32 s8, $0x2;
	v2 =	vsel vm0, v2, v1  }
0x139: {  	s8 =	sadd.s32 $0x40, s8;
	v1 =	vld [tilespmem:s10+$0x168A0];
	[tilespmem:s7+$0x16620] =	vst v2;
	s7 =	smov.u32 s10  }
0x13a: {  	v2 =	vld [tilespmem:s7+$0x16620];
	_ =	sdelay $0x4  }
0x13b: {  	vm0 =	vgt.s32 v2, v1  }
0x13c: {  	v1 =	vsel vm0, v2, v1  }
0x13d: {  	[tilespmem:s7+$0x16620] =	vst v1  }
0x13e: {  	[tilespmem:s4], [sflag:$0x1] =	stream.linear.gather [spmem:s20], $0x280, $0x38;
	[tilespmem:$0x16B20] =	vst v63  }
0x13f: {  	_ =	swait.ge [sflag:s30], $0x280  }
0x140: {  	[sflag:s30] =	ssyncset.done $0x0  }
0x141: {  	s7 =	simm.s32 $0x0;
	[sflag:s30] =	ssyncadd.s32 $0xFFFFFD80  }
0x142: {  	s8 =	simm.s32 $0x40;
	v1 =	vld [tilespmem:s7+$0x168A0]  }
.LBB2_31:
0x143: {  	p0 =	sne.s32 s8, $0x9C0;
	v2 =	vld [tilespmem:s7+$0x16620];
	_ =	sdelay $0x2  }
.Ltmp18:
0x144: {  	(pc) =	sbr.rel @p0 .LBB2_31-.Ltmp18, $4  }
0x145: {  	_ = 	snop  }
0x146: {  	vm0 =	vgt.s32 v2, v1  }
0x147: {  	s10 =	sshra.s32 s8, $0x2;
	v2 =	vsel vm0, v2, v1  }
0x148: {  	s8 =	sadd.s32 $0x40, s8;
	v1 =	vld [tilespmem:s10+$0x168A0];
	[tilespmem:s7+$0x16620] =	vst v2;
	s7 =	smov.u32 s10  }
0x149: {  	v2 =	vld [tilespmem:s7+$0x16620];
	_ =	sdelay $0x4  }
0x14a: {  	vm0 =	vgt.s32 v2, v1  }
0x14b: {  	v1 =	vsel vm0, v2, v1  }
0x14c: {  	[tilespmem:s7+$0x16620] =	vst v1  }
0x14d: {  	[tilespmem:s4], [sflag:$0x1] =	stream.linear.gather [spmem:s21], $0x280, $0x38;
	[tilespmem:$0x16B20] =	vst v63  }
0x14e: {  	_ =	swait.ge [sflag:s30], $0x280  }
0x14f: {  	[sflag:s30] =	ssyncset.done $0x0  }
0x150: {  	s7 =	simm.s32 $0x0;
	[sflag:s30] =	ssyncadd.s32 $0xFFFFFD80  }
0x151: {  	s8 =	simm.s32 $0x40;
	v1 =	vld [tilespmem:s7+$0x168A0]  }
.LBB2_33:
0x152: {  	p0 =	sne.s32 s8, $0x9C0;
	v2 =	vld [tilespmem:s7+$0x16620];
	_ =	sdelay $0x2  }
.Ltmp19:
0x153: {  	(pc) =	sbr.rel @p0 .LBB2_33-.Ltmp19, $4  }
0x154: {  	_ = 	snop  }
0x155: {  	vm0 =	vgt.s32 v2, v1  }
0x156: {  	s10 =	sshra.s32 s8, $0x2;
	v2 =	vsel vm0, v2, v1  }
0x157: {  	s8 =	sadd.s32 $0x40, s8;
	v1 =	vld [tilespmem:s10+$0x168A0];
	[tilespmem:s7+$0x16620] =	vst v2;
	s7 =	smov.u32 s10  }
0x158: {  	v2 =	vld [tilespmem:s7+$0x16620];
	_ =	sdelay $0x4  }
0x159: {  	vm0 =	vgt.s32 v2, v1  }
0x15a: {  	v1 =	vsel vm0, v2, v1  }
0x15b: {  	[tilespmem:s7+$0x16620] =	vst v1  }
0x15c: {  	[tilespmem:s4], [sflag:$0x1] =	stream.linear.gather [spmem:s22], $0x280, $0x38;
	[tilespmem:$0x16B20] =	vst v63  }
0x15d: {  	_ =	swait.ge [sflag:s30], $0x280  }
0x15e: {  	[sflag:s30] =	ssyncset.done $0x0  }
0x15f: {  	s7 =	simm.s32 $0x0;
	[sflag:s30] =	ssyncadd.s32 $0xFFFFFD80  }
0x160: {  	s8 =	simm.s32 $0x40;
	v1 =	vld [tilespmem:s7+$0x168A0]  }
.LBB2_35:
0x161: {  	p0 =	sne.s32 s8, $0x9C0;
	v2 =	vld [tilespmem:s7+$0x16620];
	_ =	sdelay $0x2  }
.Ltmp20:
0x162: {  	(pc) =	sbr.rel @p0 .LBB2_35-.Ltmp20, $4  }
0x163: {  	_ = 	snop  }
0x164: {  	vm0 =	vgt.s32 v2, v1  }
0x165: {  	s10 =	sshra.s32 s8, $0x2;
	v2 =	vsel vm0, v2, v1  }
0x166: {  	s8 =	sadd.s32 $0x40, s8;
	v1 =	vld [tilespmem:s10+$0x168A0];
	[tilespmem:s7+$0x16620] =	vst v2;
	s7 =	smov.u32 s10  }
0x167: {  	v2 =	vld [tilespmem:s7+$0x16620];
	_ =	sdelay $0x4  }
0x168: {  	vm0 =	vgt.s32 v2, v1  }
0x169: {  	v1 =	vsel vm0, v2, v1  }
0x16a: {  	[tilespmem:s7+$0x16620] =	vst v1  }
0x16b: {  	[tilespmem:s4], [sflag:$0x1] =	stream.linear.gather [spmem:s23], $0x280, $0x38;
	[tilespmem:$0x16B20] =	vst v63  }
0x16c: {  	_ =	swait.ge [sflag:s30], $0x280  }
0x16d: {  	[sflag:s30] =	ssyncset.done $0x0  }
0x16e: {  	s7 =	simm.s32 $0x0;
	[sflag:s30] =	ssyncadd.s32 $0xFFFFFD80  }
0x16f: {  	s8 =	simm.s32 $0x40;
	v1 =	vld [tilespmem:s7+$0x168A0]  }
.LBB2_37:
0x170: {  	p0 =	sne.s32 s8, $0x9C0;
	v2 =	vld [tilespmem:s7+$0x16620];
	_ =	sdelay $0x2  }
.Ltmp21:
0x171: {  	(pc) =	sbr.rel @p0 .LBB2_37-.Ltmp21, $4  }
0x172: {  	_ = 	snop  }
0x173: {  	vm0 =	vgt.s32 v2, v1  }
0x174: {  	s10 =	sshra.s32 s8, $0x2;
	v2 =	vsel vm0, v2, v1  }
0x175: {  	s8 =	sadd.s32 $0x40, s8;
	v1 =	vld [tilespmem:s10+$0x168A0];
	[tilespmem:s7+$0x16620] =	vst v2;
	s7 =	smov.u32 s10  }
0x176: {  	v2 =	vld [tilespmem:s7+$0x16620];
	_ =	sdelay $0x4  }
0x177: {  	vm0 =	vgt.s32 v2, v1  }
0x178: {  	v1 =	vsel vm0, v2, v1  }
0x179: {  	[tilespmem:s7+$0x16620] =	vst v1  }
0x17a: {  	[tilespmem:s4], [sflag:$0x1] =	stream.linear.gather [spmem:s26], $0x280, $0x38;
	[tilespmem:$0x16B20] =	vst v63  }
0x17b: {  	_ =	swait.ge [sflag:s30], $0x280  }
0x17c: {  	[sflag:s30] =	ssyncset.done $0x0  }
0x17d: {  	s7 =	simm.s32 $0x0;
	[sflag:s30] =	ssyncadd.s32 $0xFFFFFD80  }
0x17e: {  	s8 =	simm.s32 $0x40;
	v1 =	vld [tilespmem:s7+$0x168A0]  }
.LBB2_39:
0x17f: {  	p0 =	sne.s32 s8, $0x9C0;
	v2 =	vld [tilespmem:s7+$0x16620];
	_ =	sdelay $0x2  }
.Ltmp22:
0x180: {  	(pc) =	sbr.rel @p0 .LBB2_39-.Ltmp22, $4  }
0x181: {  	_ = 	snop  }
0x182: {  	vm0 =	vgt.s32 v2, v1  }
0x183: {  	s10 =	sshra.s32 s8, $0x2;
	v2 =	vsel vm0, v2, v1  }
0x184: {  	s8 =	sadd.s32 $0x40, s8;
	v1 =	vld [tilespmem:s10+$0x168A0];
	[tilespmem:s7+$0x16620] =	vst v2;
	s7 =	smov.u32 s10  }
0x185: {  	v2 =	vld [tilespmem:s7+$0x16620];
	_ =	sdelay $0x4  }
0x186: {  	vm0 =	vgt.s32 v2, v1  }
0x187: {  	v1 =	vsel vm0, v2, v1  }
0x188: {  	[tilespmem:s7+$0x16620] =	vst v1  }
0x189: {  	[tilespmem:s4], [sflag:$0x1] =	stream.linear.gather [spmem:s28], $0x280, $0x38;
	[tilespmem:$0x16B20] =	vst v63  }
0x18a: {  	_ =	swait.ge [sflag:s30], $0x280  }
0x18b: {  	[sflag:s30] =	ssyncset.done $0x0  }
0x18c: {  	s7 =	simm.s32 $0x0;
	[sflag:s30] =	ssyncadd.s32 $0xFFFFFD80  }
0x18d: {  	s8 =	simm.s32 $0x40;
	v1 =	vld [tilespmem:s7+$0x168A0]  }
.LBB2_41:
0x18e: {  	p0 =	sne.s32 s8, $0x9C0;
	v2 =	vld [tilespmem:s7+$0x16620];
	_ =	sdelay $0x2  }
.Ltmp23:
0x18f: {  	(pc) =	sbr.rel @p0 .LBB2_41-.Ltmp23, $4  }
0x190: {  	_ = 	snop  }
0x191: {  	vm0 =	vgt.s32 v2, v1  }
0x192: {  	s10 =	sshra.s32 s8, $0x2;
	v2 =	vsel vm0, v2, v1  }
0x193: {  	s8 =	sadd.s32 $0x40, s8;
	v1 =	vld [tilespmem:s10+$0x168A0];
	[tilespmem:s7+$0x16620] =	vst v2;
	s7 =	smov.u32 s10  }
0x194: {  	v2 =	vld [tilespmem:s7+$0x16620];
	_ =	sdelay $0x4  }
0x195: {  	s6 =	sadd.s32 $0x1, s6;
	vm0 =	vgt.s32 v2, v1  }
0x196: {  	p0 =	sne.s32 s6, s25;
	v1 =	vsel vm0, v2, v1  }
.Ltmp24:
0x197: {  	[tilespmem:s7+$0x16620] =	vst v1;
	(pc) =	sbr.rel @p0 .LBB2_1-.Ltmp24, $4  }
0x198: {  	[hbm4b:s24+s2] =	stream.linear.scatter [tilespmem:s3], [sflag:$0x1], $0x280, $0x38;
	[tilespmem:$0x16B20] =	vst v63  }
0x199: {  	_ =	swait.ge [sflag:s30], $0x280  }
0x19a: {  	[sflag:s30] =	ssyncset.done $0x0  }
0x19b: {  	[sflag:s30] =	ssyncadd.s32 $0xFFFFFD80  }
0x19c: {  	_ =	sfence.sel $0x180000  }
0x19d: {  	[bflag:$0x0] =	sbarrier.arrive $0xFFFF  }
0x19e: {  	_ =	strace $0x9000004D  }
0x19f: {  	s0 =	stileid.u32;
	[bflag:$0x2] =	sbarrier.arrive $0xFFFF  }
0x1a0: {  	p0 =	sne.s32 s0, $0x0;
	s0 =	rddreg [dreg:$0x2]  }
0x1a1: {  	s0 =	sadd.s32 @!p0 $0x100000, s0  }
0x1a2: {  	[sflag:s0] =	ssyncadd.tile.s32 @!p0 $0x1;
	_ =	shalt  }
.Lfunc_end2:
_tile_overlayer_lowered:
.L_overlay_start_2:
0x1a3: {  	(tag) =	ssettag $0x2  }
0x1a4: {  	s0 =	rddreg [dreg:$0x0];
	s2 =	stileid.u32  }
0x1a5: {  	s1 =	rddreg [dreg:$0x1];
	p0 =	sne.s32 s2, $0x0  }
0x1a6: {  	s3 =	rddreg [dreg:$0x2];
	[bflag:$0x3] =	sbarrier.arrive $0xFFFF;
	s2 =	simm.s32 @!p0 $0x1C01  }
0x1a7: {  	[timem:s3], [sflag:s2] =	dma.local @!p0 [hbm:s0], s1  }
0x1a8: {  	s0 =	simm.s32 @!p0 $0x1  }
0x1a9: {  	_ =	swait.ge @!p0 [sflag:s0], s1  }
0x1aa: {  	s1 =	ssub.s32 @!p0 $0x0, s1;
	[sflag:s0] =	ssyncset.done @!p0 $0x0  }
0x1ab: {  	[sflag:s0] =	ssyncadd.s32 @!p0 s1  }
0x1ac: {  	[bflag:$0x3] =	sbarrier.arrive $0xFFFF  }
0x1ad: {  	_ =	shalt  }

// kernel: kernel.17.cloned.1.call-start
scs
__scs_entry_jumppad:
0x0: {  	(pc) =	sbr.rel $0x88, $3  }
0x1: {  	(tag) =	ssettag $0x0;
	lr =	simm.s32 $0x1  }
0x2: {  	[smem:$0x3F99] =	sst lr;
	_ =	strace $0xD0000000  }
0x3: {  	_ = 	snop  }
0x4: {  	_ = 	snop  }
0x5: {  	_ = 	snop  }
0x6: {  	_ = 	snop  }
0x7: {  	_ = 	snop  }
__scs_overlays_trampoline_lowered:
0x8: {  	[smem:$0x3FA8] =	sst s0  }
0x9: {  	[smem:$0x3FA9] =	sst s1  }
0xa: {  	[smem:$0x3FAA] =	sst s2  }
0xb: {  	[smem:$0x3FAB] =	sst s3  }
0xc: {  	[smem:$0x3FAC] =	sst s4  }
0xd: {  	[smem:$0x3FAD] =	sst s5  }
0xe: {  	[smem:$0x3FAE] =	sst s6  }
0xf: {  	[smem:$0x3FAF] =	sst s7  }
0x10: {  	[smem:$0x3FB0] =	sst s8  }
0x11: {  	[smem:$0x3FB1] =	sst s9;
	s0 =	simm.s32 @!p0 $0x0  }
0x12: {  	s1 =	sld [smem:$0x3F97];
	s0 =	simm.s32 @p0 $0x1  }
0x13: {  	[smem:$0x3FB2] =	sst s0;
	s0 =	simm.s32 @!p1 $0x0  }
0x14: {  	s2 =	sld [smem:$0x3F96];
	s0 =	simm.s32 @p1 $0x1  }
0x15: {  	[smem:$0x3FB3] =	sst s0;
	s0 =	simm.s32 @!p2 $0x0  }
0x16: {  	s3 =	sld [smem:$0x3FDB];
	s0 =	simm.s32 @p2 $0x1  }
0x17: {  	s4 =	simm.s32 $0x1BF5;
	[smem:$0x3FB5] =	sst s0  }
0x18: {  	s0 =	sld [smem:$0x3F98];
	_ =	swait.ge [sflag:s4], $0x0  }
0x19: {  	s7 =	sld [smem:$0x3F99]  }
0x1a: {  	s8 =	sadd.s32 $0xFFFFE003, lr  }
0x1b: {  	s9 =	sadd.s32 $0xFFFFFEF7, lr;
	s5 =	simm.s32 $0xFFFFFFFF;
	p2 =	slt.u32 s8, $0xFFFFF086  }
0x1c: {  	p1 =	slt.u32 s9, $0xF7A;
	s5 =	simm.s32 @!p2 $0x0  }
0x1d: {  	s5 =	simm.s32 @p1 $0x1;
	p0 =	seq.s32 s7, s2  }
0x1e: {  	s7 =	smul.u32 @!p0 $0xF7A, s2;
	p2 =	seq.s32 @!p0 s5, $0x0  }
0x1f: {  	s9 =	smul.u32 $0xF7A, s1;
	s8 =	simm.s32 @!p0 $0x1BF5;
	p2 =	por !p2, p0  }
0x20: {  	[sflag:s8] =	ssyncset.s32 @!p0 $0xFFFFF086;
	s6 =	sadd.s32 @!p0 s3, s7;
	s7 =	simm.s32 @!p0 $0x108  }
0x21: {  	s3 =	sadd.s32 s3, s9;
	s6 =	sadd.s32 @!p0 $0x88, s6;
	s7 =	simm.s32 @p2 $0x1082  }
0x22: {  	[simem:s7], [sflag:s8] =	dma.local @!p0 [hbm:s6], $0xF7A  }
0x23: {  	s9 =	sor.u32 $0xD0000000, s2;
	s6 =	simm.s32 $0x108;
	_ =	swait.ge @!p0 [sflag:s8], $0x0  }
0x24: {  	s3 =	sadd.s32 $0x88, s3;
	s6 =	simm.s32 @!p1 $0x1082;
	[sflag:s4] =	ssyncset.s32 $0xFFFFF086  }
0x25: {  	[simem:s6], [sflag:s4] =	dma.local [hbm:s3], $0xF7A  }
0x26: {  	[smem:$0x3F99] =	sst s1;
	(tag) =	ssettag s2;
	_ =	strace s9  }
0x27: {  	s1 =	sld [smem:$0x3FA9]  }
0x28: {  	s2 =	sld [smem:$0x3FAA]  }
0x29: {  	s4 =	sld [smem:$0x3FAC]  }
0x2a: {  	p0 =	seq.s32 s5, $0x0;
	s5 =	sld [smem:$0x3FAD]  }
0x2b: {  	s6 =	sld [smem:$0x3FAE]  }
0x2c: {  	s7 =	sld [smem:$0x3FAF]  }
0x2d: {  	s3 =	simm.s32 $0x108;
	s8 =	sld [smem:$0x3FB0]  }
0x2e: {  	s3 =	simm.s32 @!p0 $0x1082;
	s9 =	sld [smem:$0x3FB1]  }
0x2f: {  	lr =	sadd.s32 s0, s3;
	s0 =	sld [smem:$0x3FA8]  }
0x30: {  	s3 =	sld [smem:$0x3FAB]  }
0x31: {  	[smem:$0x3FB4] =	sst s10  }
0x32: {  	s10 =	sld [smem:$0x3FB2];
	_ =	sdelay $0x3  }
0x33: {  	p0 =	seq.s32 s10, $0x1;
	s10 =	sld [smem:$0x3FB4];
	_ =	sdelay $0x3  }
0x34: {  	[smem:$0x3FB4] =	sst s10  }
0x35: {  	s10 =	sld [smem:$0x3FB3];
	_ =	sdelay $0x3  }
0x36: {  	p1 =	seq.s32 s10, $0x1;
	s10 =	sld [smem:$0x3FB4];
	_ =	sdelay $0x3  }
0x37: {  	[smem:$0x3FB4] =	sst s10  }
0x38: {  	s10 =	sld [smem:$0x3FB5]  }
0x39: {  	_ = 	snop;
	(pc) =	sbr.ind lr, $3  }
0x3a: {  	_ = 	snop  }
0x3b: {  	_ = 	snop  }
0x3c: {  	p2 =	seq.s32 s10, $0x1;
	s10 =	sld [smem:$0x3FB4]  }
0x3d: {  	_ =	shalt  }
0x3e: {  	_ =	shalt  }
0x3f: {  	_ =	shalt  }
0x40: {  	_ =	shalt  }
0x41: {  	_ =	shalt  }
0x42: {  	_ =	shalt  }
0x43: {  	_ =	shalt  }
0x44: {  	_ =	shalt  }
0x45: {  	_ =	shalt  }
0x46: {  	_ =	shalt  }
0x47: {  	_ =	shalt  }
0x48: {  	_ =	shalt  }
0x49: {  	_ =	shalt  }
0x4a: {  	_ =	shalt  }
0x4b: {  	_ =	shalt  }
0x4c: {  	_ =	shalt  }
0x4d: {  	_ =	shalt  }
0x4e: {  	_ =	shalt  }
0x4f: {  	_ =	shalt  }
0x50: {  	_ =	shalt  }
0x51: {  	_ =	shalt  }
0x52: {  	_ =	shalt  }
0x53: {  	_ =	shalt  }
0x54: {  	_ =	shalt  }
0x55: {  	_ =	shalt  }
0x56: {  	_ =	shalt  }
0x57: {  	_ =	shalt  }
0x58: {  	_ =	shalt  }
0x59: {  	_ =	shalt  }
0x5a: {  	_ =	shalt  }
0x5b: {  	_ =	shalt  }
0x5c: {  	_ =	shalt  }
0x5d: {  	_ =	shalt  }
0x5e: {  	_ =	shalt  }
0x5f: {  	_ =	shalt  }
0x60: {  	_ =	shalt  }
0x61: {  	_ =	shalt  }
0x62: {  	_ =	shalt  }
0x63: {  	_ =	shalt  }
0x64: {  	_ =	shalt  }
0x65: {  	_ =	shalt  }
0x66: {  	_ =	shalt  }
0x67: {  	_ =	shalt  }
0x68: {  	_ =	shalt  }
0x69: {  	_ =	shalt  }
0x6a: {  	_ =	shalt  }
0x6b: {  	_ =	shalt  }
0x6c: {  	_ =	shalt  }
0x6d: {  	_ =	shalt  }
0x6e: {  	_ =	shalt  }
0x6f: {  	_ =	shalt  }
0x70: {  	_ =	shalt  }
0x71: {  	_ =	shalt  }
0x72: {  	_ =	shalt  }
0x73: {  	_ =	shalt  }
0x74: {  	_ =	shalt  }
0x75: {  	_ =	shalt  }
0x76: {  	_ =	shalt  }
0x77: {  	_ =	shalt  }
0x78: {  	_ =	shalt  }
0x79: {  	_ =	shalt  }
0x7a: {  	_ =	shalt  }
0x7b: {  	_ =	shalt  }
0x7c: {  	_ =	shalt  }
0x7d: {  	_ =	shalt  }
0x7e: {  	_ =	shalt  }
0x7f: {  	_ =	shalt  }
0x80: {  	_ =	shalt  }
0x81: {  	_ =	shalt  }
0x82: {  	_ =	shalt  }
0x83: {  	_ =	shalt  }
0x84: {  	_ =	shalt  }
0x85: {  	_ =	shalt  }
0x86: {  	_ =	shalt  }
0x87: {  	_ =	shalt  }
.Lfunc_end0:
.L_simem_size_0:
called_computation.3_lowered:
.L_overlay_start_0:
0x88: {  	s2 =	sld [smem:$0x3FD9]  }
0x89: {  	s3 =	sld [smem:$0x3FFE];
	_ =	sdelay $0x1  }
0x8a: {  	s1 =	srdreg.scid  }
0x8b: {  	s0 =	sand.u32 $0x1, s1  }
0x8c: {  	s17 =	sshll.u32 s0, $0xA;
	s2 =	sadd.s32 s3, s2  }
0x8d: {  	s2 =	sadd.s32 s2, s17  }
0x8e: {  	[smem:$0x3FC0] =	sst s2  }
0x8f: {  	_ = 	snop  }
0x90: {  	s2 =	sld [smem:$0x3FD0];
	(tm) =	ssettm $0x1  }
0x91: {  	s18 =	sld [smem:$0x3FFB];
	_ =	sdelay $0x3  }
0x92: {  	_ =	strace s18  }
0x93: {  	s3 =	sld [smem:$0x3FFC];
	_ =	sdelay $0x3  }
0x94: {  	_ =	strace s3  }
0x95: {  	s3 =	sld [smem:$0x3FFD];
	_ =	sdelay $0x3  }
0x96: {  	_ =	strace s3  }
0x97: {  	_ =	strace $0x8FFFFFFF  }
0x98: {  	s19 =	sld [smem:$0x3FDB];
	_ =	sdelay $0x1  }
0x99: {  	s4 =	simm.s32 $_scs_section_size  }
0x9a: {  	s5 =	simm.s32 $_size__tile_overlayer_lowered;
	s6 =	simm.s32 $_tile_overlayer_lowered  }
0x9b: {  	s22 =	simm.s32 $0x1BFF;
	s21 =	sshll.u32 s6, $0x1;
	s3 =	sadd.s32 s4, s19  }
0x9c: {  	s7 =	simm.s32 $0x0;
	s20 =	sshll.u32 s5, $0x1;
	s5 =	sadd.s32 s21, s3  }
0x9d: {  	[timem:s7], [sflag:s22] =	dma.local [hbm:s5], s20  }
0x9e: {  	_ =	swait.ge [sflag:s22], s20  }
0x9f: {  	s4 =	ssub.s32 $0x0, s20;
	[sflag:s22] =	ssyncset.done $0x0  }
0xa0: {  	[sflag:s22] =	ssyncadd.s32 s4;
	_ =	sdelay $0x1  }
0xa1: {  	s23 =	simm.s32 $0x1B8B  }
0xa2: {  	_ =	swait.ge [sflag:s23], $0x1  }
0xa3: {  	[sflag:s23] =	ssyncset.done $0x0  }
0xa4: {  	s25 =	simm.s32 $0x1B8E;
	s24 =	sld [smem:$0x3FFE];
	[sflag:s23] =	ssyncadd.s32 $0xFFFFFFFF  }
0xa5: {  	s26 =	simm.s32 $execute0_lowered;
	[smem:$0x3FD2] =	sst s25  }
0xa6: {  	s5 =	sshll.u32 s26, $0x1;
	_ =	strace $0x8000004F;
	[dreg:$0x1] =	wrdreg $0xFFFFFFFF  }
0xa7: {  	s28 =	simm.s32 $_size_execute0_lowered;
	s3 =	sadd.s32 s3, s5;
	[dreg:$0x0] =	wrdreg $0x0  }
0xa8: {  	s5 =	sshll.u32 s28, $0x1;
	[dreg:$0x2] =	wrdreg s3  }
0xa9: {  	[dreg:$0x3] =	wrdreg s5  }
0xaa: {  	[dreg:$0x4] =	wrdreg $0xC0  }
0xab: {  	_ =	task [dreg:s7], $0x5FFFF  }
0xac: {  	[dreg:$0x1] =	wrdreg $0xFFFFFFFF  }
0xad: {  	[dreg:$0x0] =	wrdreg $0x60  }
0xae: {  	[dreg:$0x2] =	wrdreg s24  }
0xaf: {  	[dreg:$0x3] =	wrdreg s2  }
0xb0: {  	[dreg:$0x4] =	wrdreg $0x9  }
0xb1: {  	_ =	task.clear_ibuf [dreg:s7], $0x5FFFF;
	_ =	strace $0x9000004F  }
0xb2: {  	s29 =	simm.s32 $0x9;
	_ =	strace $0x80000051  }
0xb3: {  	_ =	swait.ge [sflag:s29], $0x1  }
0xb4: {  	[sflag:s29] =	ssyncadd.s32 $0xFFFFFFFF  }
0xb5: {  	_ =	strace $0x90000051  }
0xb6: {  	_ =	sfence  }
0xb7: {  	s30 =	sld [smem:$0x0];
	_ =	sdelay $0x2  }
0xb8: {  	s31 =	sshll.u32 s1, $0xD;
	s1 =	sshrl.u32 s1, $0x2  }
0xb9: {  	s3 =	sand.u32 $0x4000, s31;
	s1 =	sadd.s32 s1, s30  }
0xba: {  	s0 =	sor.u32 s3, s0;
	s1 =	sshll.u32 s1, $0x11  }
0xbb: {  	s0 =	sor.u32 s1, s0  }
0xbc: {  	s0 =	sadd.s32 $0x8F2B, s0  }
0xbd: {  	[sflag:s0] =	ssyncadd.remote.s32 $0x1  }
0xbe: {  	_ =	sfence.sel $0xFFFF  }
0xbf: {  	[dreg:$0x0] =	wrdreg $0xFFFFFFFF;
	(pc) =	sbr.abs _section_cstart, $3  }
0xc0: {  	[dreg:$0x1] =	wrdreg $0xFFFFFFFF  }
0xc1: {  	_ =	task.clear_ibuf [dreg:s7], $0x2FFFF;
	_ =	strace $0x9FFFFFFF  }
0xc2: {  	(tm) =	ssettm $0x7FFFFFFF  }
0xc3: {  	_ =	shalt  }
tec
execute0_lowered:
.L_overlay_start_1:
0x0: {  	(tag) =	ssettag $0x1  }
0x1: {  	s1 =	srdreg.scid;
	s0 =	stileid.u32  }
0x2: {  	s9 =	rddreg [dreg:$0x0];
	s13 =	sand.u32 $0x1, s1;
	s31 =	sshll.u32 s0, $0x1  }
0x3: {  	s3 =	rddreg [dreg:$0x1];
	s6 =	sor.u32 s13, s31  }
0x4: {  	s2 =	simm.s32 $0x0;
	s1 =	rddreg [dreg:$0x2];
	s4 =	smul.u32 $0x28, s6  }
0x5: {  	[smem:$0x7FF] =	sst s2  }
0x6: {  	_ =	strace $0x80000050;
	s4 =	sadd.s32 s3, s4;
	s3 =	simm.s32 $0x2  }
0x7: {  	[tilespmem:s2], [sflag:$0x2] =	stream.linear.gather [hbm4b:s4+s2], $0x140, $0x38;
	[tilespmem:$0x2940] =	vst v63  }
0x8: {  	s7 =	simm.s32 $0x140;
	_ =	swait.ge [sflag:s3], $0x140  }
0x9: {  	s8 =	simm.s32 $0x1;
	s5 =	sadd.s32 $0x2800, s9;
	[sflag:s3] =	ssyncset.done $0x0  }
0xa: {  	s10 =	smul.u32 $0x1400, s6;
	s6 =	simm.s32 $0x50;
	[sflag:s3] =	ssyncadd.s32 $0xFFFFFEC0  }
0xb: {  	[tilespmem:s7], [sflag:$0x1] =	stream.indirect.gather [hbm4b:s5+s6], $0x80, s2, s6, $0xb8;
	[tilespmem:$0x2940] =	vst v63  }
0xc: {  	_ =	swait.ge [sflag:s8], $0x2800  }
0xd: {  	s14 =	sadd.s32 s10, s9;
	[sflag:s8] =	ssyncset.done $0x0  }
0xe: {  	s9 =	sadd.s32 $0x2A800, s14;
	[sflag:s8] =	ssyncadd.s32 $0xFFFFD800  }
0xf: {  	[hbm4b:s9+s2] =	stream.linear.scatter [tilespmem:s7], [sflag:$0x2], $0x2800, $0x38;
	[tilespmem:$0x2940] =	vst v63  }
0x10: {  	_ =	swait.ge [sflag:s3], $0x2800  }
0x11: {  	[sflag:s3] =	ssyncset.done $0x0  }
0x12: {  	[sflag:s3] =	ssyncadd.s32 $0xFFFFD800  }
0x13: {  	[tilespmem:s7], [sflag:$0x1] =	stream.indirect.gather [hbm4b:s5+s6], $0x80, s6, s6, $0xb8;
	[tilespmem:$0x2940] =	vst v63  }
0x14: {  	_ =	swait.ge [sflag:s8], $0x2800  }
0x15: {  	[sflag:s8] =	ssyncset.done $0x0  }
0x16: {  	s10 =	sadd.s32 $0x2AD00, s14;
	[sflag:s8] =	ssyncadd.s32 $0xFFFFD800  }
0x17: {  	[hbm4b:s10+s2] =	stream.linear.scatter [tilespmem:s7], [sflag:$0x2], $0x2800, $0x38;
	[tilespmem:$0x2940] =	vst v63  }
0x18: {  	_ =	swait.ge [sflag:s3], $0x2800  }
0x19: {  	[sflag:s3] =	ssyncset.done $0x0  }
0x1a: {  	s11 =	simm.s32 $0xA0;
	[sflag:s3] =	ssyncadd.s32 $0xFFFFD800  }
0x1b: {  	[tilespmem:s7], [sflag:$0x1] =	stream.indirect.gather [hbm4b:s5+s6], $0x80, s11, s6, $0xb8;
	[tilespmem:$0x2940] =	vst v63  }
0x1c: {  	_ =	swait.ge [sflag:s8], $0x2800  }
0x1d: {  	[sflag:s8] =	ssyncset.done $0x0  }
0x1e: {  	s15 =	ssub.s32 $0x2, s13;
	s12 =	sadd.s32 $0x2B200, s14;
	[sflag:s8] =	ssyncadd.s32 $0xFFFFD800  }
0x1f: {  	[hbm4b:s12+s2] =	stream.linear.scatter [tilespmem:s7], [sflag:$0x2], $0x2800, $0x38;
	[tilespmem:$0x2940] =	vst v63  }
0x20: {  	s16 =	sshrl.u32 s15, $0x1;
	_ =	swait.ge [sflag:s3], $0x2800  }
0x21: {  	s15 =	ssub.s32 s15, s16;
	[sflag:s3] =	ssyncset.done $0x0  }
0x22: {  	s13 =	simm.s32 $0xF0;
	s15 =	smax.u32 s15, $0x1;
	[sflag:s3] =	ssyncadd.s32 $0xFFFFD800  }
0x23: {  	[tilespmem:s7], [sflag:$0x1] =	stream.indirect.gather [hbm4b:s5+s6], $0x80, s13, s6, $0xb8;
	[tilespmem:$0x2940] =	vst v63  }
0x24: {  	p0 =	sne.s32 s15, $0x1;
	_ =	swait.ge [sflag:s8], $0x2800  }
.Ltmp0:
0x25: {  	[sflag:s8] =	ssyncset.done $0x0;
	(pc) =	sbr.rel @!p0 .LBB2_2-.Ltmp0, $4  }
0x26: {  	s14 =	sadd.s32 $0x2B700, s14;
	[sflag:s8] =	ssyncadd.s32 $0xFFFFD800  }
0x27: {  	[hbm4b:s14+s2] =	stream.linear.scatter [tilespmem:s7], [sflag:$0x2], $0x2800, $0x38;
	[tilespmem:$0x2940] =	vst v63  }
0x28: {  	_ =	swait.ge [sflag:s3], $0x2800  }
0x29: {  	s15 =	sadd.s32 $0xFFFFFFFF, s15;
	[sflag:s3] =	ssyncset.done $0x0  }
.LBB2_1:
0x2a: {  	p0 =	sne.s32 s15, $0x1;
	s15 =	sadd.s32 $0xFFFFFFFF, s15;
	[sflag:s3] =	ssyncadd.s32 $0xFFFFD800  }
0x2b: {  	[tilespmem:s2], [sflag:$0x2] =	stream.linear.gather [hbm4b:s4+s2], $0x140, $0x38;
	[tilespmem:$0x2940] =	vst v63  }
0x2c: {  	_ =	swait.ge [sflag:s3], $0x140  }
0x2d: {  	[sflag:s3] =	ssyncset.done $0x0  }
0x2e: {  	[sflag:s3] =	ssyncadd.s32 $0xFFFFFEC0  }
0x2f: {  	[tilespmem:s7], [sflag:$0x1] =	stream.indirect.gather [hbm4b:s5+s6], $0x80, s2, s6, $0xb8;
	[tilespmem:$0x2940] =	vst v63  }
0x30: {  	_ =	swait.ge [sflag:s8], $0x2800  }
0x31: {  	[sflag:s8] =	ssyncset.done $0x0  }
0x32: {  	[sflag:s8] =	ssyncadd.s32 $0xFFFFD800  }
0x33: {  	[hbm4b:s9+s2] =	stream.linear.scatter [tilespmem:s7], [sflag:$0x2], $0x2800, $0x38;
	[tilespmem:$0x2940] =	vst v63  }
0x34: {  	_ =	swait.ge [sflag:s3], $0x2800  }
0x35: {  	[sflag:s3] =	ssyncset.done $0x0  }
0x36: {  	[sflag:s3] =	ssyncadd.s32 $0xFFFFD800  }
0x37: {  	[tilespmem:s7], [sflag:$0x1] =	stream.indirect.gather [hbm4b:s5+s6], $0x80, s6, s6, $0xb8;
	[tilespmem:$0x2940] =	vst v63  }
0x38: {  	_ =	swait.ge [sflag:s8], $0x2800  }
0x39: {  	[sflag:s8] =	ssyncset.done $0x0  }
0x3a: {  	[sflag:s8] =	ssyncadd.s32 $0xFFFFD800  }
0x3b: {  	[hbm4b:s10+s2] =	stream.linear.scatter [tilespmem:s7], [sflag:$0x2], $0x2800, $0x38;
	[tilespmem:$0x2940] =	vst v63  }
0x3c: {  	_ =	swait.ge [sflag:s3], $0x2800  }
0x3d: {  	[sflag:s3] =	ssyncset.done $0x0  }
0x3e: {  	[sflag:s3] =	ssyncadd.s32 $0xFFFFD800  }
0x3f: {  	[tilespmem:s7], [sflag:$0x1] =	stream.indirect.gather [hbm4b:s5+s6], $0x80, s11, s6, $0xb8;
	[tilespmem:$0x2940] =	vst v63  }
0x40: {  	_ =	swait.ge [sflag:s8], $0x2800  }
0x41: {  	[sflag:s8] =	ssyncset.done $0x0  }
0x42: {  	[sflag:s8] =	ssyncadd.s32 $0xFFFFD800  }
0x43: {  	[hbm4b:s12+s2] =	stream.linear.scatter [tilespmem:s7], [sflag:$0x2], $0x2800, $0x38;
	[tilespmem:$0x2940] =	vst v63  }
0x44: {  	_ =	swait.ge [sflag:s3], $0x2800  }
0x45: {  	[sflag:s3] =	ssyncset.done $0x0  }
0x46: {  	[sflag:s3] =	ssyncadd.s32 $0xFFFFD800  }
0x47: {  	[tilespmem:s7], [sflag:$0x1] =	stream.indirect.gather [hbm4b:s5+s6], $0x80, s13, s6, $0xb8;
	[tilespmem:$0x2940] =	vst v63  }
0x48: {  	_ =	swait.ge [sflag:s8], $0x2800  }
.Ltmp1:
0x49: {  	[sflag:s8] =	ssyncset.done $0x0;
	(pc) =	sbr.rel @p0 .LBB2_1-.Ltmp1, $4  }
0x4a: {  	[sflag:s8] =	ssyncadd.s32 $0xFFFFD800  }
0x4b: {  	[hbm4b:s14+s2] =	stream.linear.scatter [tilespmem:s7], [sflag:$0x2], $0x2800, $0x38;
	[tilespmem:$0x2940] =	vst v63  }
0x4c: {  	_ =	swait.ge [sflag:s3], $0x2800  }
0x4d: {  	[sflag:s3] =	ssyncset.done $0x0  }
.LBB2_2:
0x4e: {  	[sflag:s3] =	ssyncadd.s32 $0xFFFFD800  }
0x4f: {  	_ =	sfence.sel $0x180000  }
0x50: {  	[bflag:$0x0] =	sbarrier.arrive $0xFFFF  }
0x51: {  	p0 =	sne.s32 s0, $0x0;
	_ =	strace $0x90000050  }
0x52: {  	s0 =	sadd.s32 @!p0 $0x100000, s1;
	[bflag:$0x2] =	sbarrier.arrive $0xFFFF  }
0x53: {  	[sflag:s0] =	ssyncadd.tile.s32 @!p0 $0x1;
	_ =	shalt  }
.Lfunc_end2:
_tile_overlayer_lowered:
.L_overlay_start_2:
0x54: {  	(tag) =	ssettag $0x2  }
0x55: {  	s0 =	rddreg [dreg:$0x0];
	s2 =	stileid.u32  }
0x56: {  	s1 =	rddreg [dreg:$0x1];
	p0 =	sne.s32 s2, $0x0  }
0x57: {  	s3 =	rddreg [dreg:$0x2];
	[bflag:$0x3] =	sbarrier.arrive $0xFFFF;
	s2 =	simm.s32 @!p0 $0x1C02  }
0x58: {  	[timem:s3], [sflag:s2] =	dma.local @!p0 [hbm:s0], s1  }
0x59: {  	s0 =	simm.s32 @!p0 $0x2  }
0x5a: {  	_ =	swait.ge @!p0 [sflag:s0], s1  }
0x5b: {  	s1 =	ssub.s32 @!p0 $0x0, s1;
	[sflag:s0] =	ssyncset.done @!p0 $0x0  }
0x5c: {  	[sflag:s0] =	ssyncadd.s32 @!p0 s1  }
0x5d: {  	[bflag:$0x3] =	sbarrier.arrive $0xFFFF  }
0x5e: {  	_ =	shalt  }

// kernel: kernel.8.cloned.1.call-start
scs
__scs_entry_jumppad:
0x0: {  	(pc) =	sbr.rel $0x88, $3  }
0x1: {  	(tag) =	ssettag $0x0;
	lr =	simm.s32 $0x1  }
0x2: {  	[smem:$0x3F99] =	sst lr;
	_ =	strace $0xD0000000  }
0x3: {  	_ = 	snop  }
0x4: {  	_ = 	snop  }
0x5: {  	_ = 	snop  }
0x6: {  	_ = 	snop  }
0x7: {  	_ = 	snop  }
__scs_overlays_trampoline_lowered:
0x8: {  	[smem:$0x3FA8] =	sst s0  }
0x9: {  	[smem:$0x3FA9] =	sst s1  }
0xa: {  	[smem:$0x3FAA] =	sst s2  }
0xb: {  	[smem:$0x3FAB] =	sst s3  }
0xc: {  	[smem:$0x3FAC] =	sst s4  }
0xd: {  	[smem:$0x3FAD] =	sst s5  }
0xe: {  	[smem:$0x3FAE] =	sst s6  }
0xf: {  	[smem:$0x3FAF] =	sst s7  }
0x10: {  	[smem:$0x3FB0] =	sst s8  }
0x11: {  	[smem:$0x3FB1] =	sst s9;
	s0 =	simm.s32 @!p0 $0x0  }
0x12: {  	s1 =	sld [smem:$0x3F97];
	s0 =	simm.s32 @p0 $0x1  }
0x13: {  	[smem:$0x3FB2] =	sst s0;
	s0 =	simm.s32 @!p1 $0x0  }
0x14: {  	s2 =	sld [smem:$0x3F96];
	s0 =	simm.s32 @p1 $0x1  }
0x15: {  	[smem:$0x3FB3] =	sst s0;
	s0 =	simm.s32 @!p2 $0x0  }
0x16: {  	s3 =	sld [smem:$0x3FDB];
	s0 =	simm.s32 @p2 $0x1  }
0x17: {  	s4 =	simm.s32 $0x1BF5;
	[smem:$0x3FB5] =	sst s0  }
0x18: {  	s0 =	sld [smem:$0x3F98];
	_ =	swait.ge [sflag:s4], $0x0  }
0x19: {  	s7 =	sld [smem:$0x3F99]  }
0x1a: {  	s8 =	sadd.s32 $0xFFFFE003, lr  }
0x1b: {  	s9 =	sadd.s32 $0xFFFFFEF7, lr;
	s5 =	simm.s32 $0xFFFFFFFF;
	p2 =	slt.u32 s8, $0xFFFFF086  }
0x1c: {  	p1 =	slt.u32 s9, $0xF7A;
	s5 =	simm.s32 @!p2 $0x0  }
0x1d: {  	s5 =	simm.s32 @p1 $0x1;
	p0 =	seq.s32 s7, s2  }
0x1e: {  	s7 =	smul.u32 @!p0 $0xF7A, s2;
	p2 =	seq.s32 @!p0 s5, $0x0  }
0x1f: {  	s9 =	smul.u32 $0xF7A, s1;
	s8 =	simm.s32 @!p0 $0x1BF5;
	p2 =	por !p2, p0  }
0x20: {  	[sflag:s8] =	ssyncset.s32 @!p0 $0xFFFFF086;
	s6 =	sadd.s32 @!p0 s3, s7;
	s7 =	simm.s32 @!p0 $0x108  }
0x21: {  	s3 =	sadd.s32 s3, s9;
	s6 =	sadd.s32 @!p0 $0x88, s6;
	s7 =	simm.s32 @p2 $0x1082  }
0x22: {  	[simem:s7], [sflag:s8] =	dma.local @!p0 [hbm:s6], $0xF7A  }
0x23: {  	s9 =	sor.u32 $0xD0000000, s2;
	s6 =	simm.s32 $0x108;
	_ =	swait.ge @!p0 [sflag:s8], $0x0  }
0x24: {  	s3 =	sadd.s32 $0x88, s3;
	s6 =	simm.s32 @!p1 $0x1082;
	[sflag:s4] =	ssyncset.s32 $0xFFFFF086  }
0x25: {  	[simem:s6], [sflag:s4] =	dma.local [hbm:s3], $0xF7A  }
0x26: {  	[smem:$0x3F99] =	sst s1;
	(tag) =	ssettag s2;
	_ =	strace s9  }
0x27: {  	s1 =	sld [smem:$0x3FA9]  }
0x28: {  	s2 =	sld [smem:$0x3FAA]  }
0x29: {  	s4 =	sld [smem:$0x3FAC]  }
0x2a: {  	p0 =	seq.s32 s5, $0x0;
	s5 =	sld [smem:$0x3FAD]  }
0x2b: {  	s6 =	sld [smem:$0x3FAE]  }
0x2c: {  	s7 =	sld [smem:$0x3FAF]  }
0x2d: {  	s3 =	simm.s32 $0x108;
	s8 =	sld [smem:$0x3FB0]  }
0x2e: {  	s3 =	simm.s32 @!p0 $0x1082;
	s9 =	sld [smem:$0x3FB1]  }
0x2f: {  	lr =	sadd.s32 s0, s3;
	s0 =	sld [smem:$0x3FA8]  }
0x30: {  	s3 =	sld [smem:$0x3FAB]  }
0x31: {  	[smem:$0x3FB4] =	sst s10  }
0x32: {  	s10 =	sld [smem:$0x3FB2];
	_ =	sdelay $0x3  }
0x33: {  	p0 =	seq.s32 s10, $0x1;
	s10 =	sld [smem:$0x3FB4];
	_ =	sdelay $0x3  }
0x34: {  	[smem:$0x3FB4] =	sst s10  }
0x35: {  	s10 =	sld [smem:$0x3FB3];
	_ =	sdelay $0x3  }
0x36: {  	p1 =	seq.s32 s10, $0x1;
	s10 =	sld [smem:$0x3FB4];
	_ =	sdelay $0x3  }
0x37: {  	[smem:$0x3FB4] =	sst s10  }
0x38: {  	s10 =	sld [smem:$0x3FB5]  }
0x39: {  	_ = 	snop;
	(pc) =	sbr.ind lr, $3  }
0x3a: {  	_ = 	snop  }
0x3b: {  	_ = 	snop  }
0x3c: {  	p2 =	seq.s32 s10, $0x1;
	s10 =	sld [smem:$0x3FB4]  }
0x3d: {  	_ =	shalt  }
0x3e: {  	_ =	shalt  }
0x3f: {  	_ =	shalt  }
0x40: {  	_ =	shalt  }
0x41: {  	_ =	shalt  }
0x42: {  	_ =	shalt  }
0x43: {  	_ =	shalt  }
0x44: {  	_ =	shalt  }
0x45: {  	_ =	shalt  }
0x46: {  	_ =	shalt  }
0x47: {  	_ =	shalt  }
0x48: {  	_ =	shalt  }
0x49: {  	_ =	shalt  }
0x4a: {  	_ =	shalt  }
0x4b: {  	_ =	shalt  }
0x4c: {  	_ =	shalt  }
0x4d: {  	_ =	shalt  }
0x4e: {  	_ =	shalt  }
0x4f: {  	_ =	shalt  }
0x50: {  	_ =	shalt  }
0x51: {  	_ =	shalt  }
0x52: {  	_ =	shalt  }
0x53: {  	_ =	shalt  }
0x54: {  	_ =	shalt  }
0x55: {  	_ =	shalt  }
0x56: {  	_ =	shalt  }
0x57: {  	_ =	shalt  }
0x58: {  	_ =	shalt  }
0x59: {  	_ =	shalt  }
0x5a: {  	_ =	shalt  }
0x5b: {  	_ =	shalt  }
0x5c: {  	_ =	shalt  }
0x5d: {  	_ =	shalt  }
0x5e: {  	_ =	shalt  }
0x5f: {  	_ =	shalt  }
0x60: {  	_ =	shalt  }
0x61: {  	_ =	shalt  }
0x62: {  	_ =	shalt  }
0x63: {  	_ =	shalt  }
0x64: {  	_ =	shalt  }
0x65: {  	_ =	shalt  }
0x66: {  	_ =	shalt  }
0x67: {  	_ =	shalt  }
0x68: {  	_ =	shalt  }
0x69: {  	_ =	shalt  }
0x6a: {  	_ =	shalt  }
0x6b: {  	_ =	shalt  }
0x6c: {  	_ =	shalt  }
0x6d: {  	_ =	shalt  }
0x6e: {  	_ =	shalt  }
0x6f: {  	_ =	shalt  }
0x70: {  	_ =	shalt  }
0x71: {  	_ =	shalt  }
0x72: {  	_ =	shalt  }
0x73: {  	_ =	shalt  }
0x74: {  	_ =	shalt  }
0x75: {  	_ =	shalt  }
0x76: {  	_ =	shalt  }
0x77: {  	_ =	shalt  }
0x78: {  	_ =	shalt  }
0x79: {  	_ =	shalt  }
0x7a: {  	_ =	shalt  }
0x7b: {  	_ =	shalt  }
0x7c: {  	_ =	shalt  }
0x7d: {  	_ =	shalt  }
0x7e: {  	_ =	shalt  }
0x7f: {  	_ =	shalt  }
0x80: {  	_ =	shalt  }
0x81: {  	_ =	shalt  }
0x82: {  	_ =	shalt  }
0x83: {  	_ =	shalt  }
0x84: {  	_ =	shalt  }
0x85: {  	_ =	shalt  }
0x86: {  	_ =	shalt  }
0x87: {  	_ =	shalt  }
.Lfunc_end0:
.L_simem_size_0:
called_computation_lowered:
.L_overlay_start_0:
0x88: {  	s2 =	sld [smem:$0x3FD9]  }
0x89: {  	s3 =	sld [smem:$0x3FFE];
	_ =	sdelay $0x1  }
0x8a: {  	s1 =	srdreg.scid  }
0x8b: {  	s0 =	sand.u32 $0x1, s1  }
0x8c: {  	s17 =	sshll.u32 s0, $0xA;
	s2 =	sadd.s32 s3, s2  }
0x8d: {  	s2 =	sadd.s32 s2, s17  }
0x8e: {  	[smem:$0x3FC0] =	sst s2  }
0x8f: {  	_ = 	snop  }
0x90: {  	s18 =	sld [smem:$0x3FC9]  }
0x91: {  	s4 =	sld [smem:$0x3FD0];
	(tm) =	ssettm $0x1  }
0x92: {  	s19 =	sld [smem:$0x3FFB];
	_ =	sdelay $0x3  }
0x93: {  	_ =	strace s19  }
0x94: {  	s2 =	sld [smem:$0x3FFC];
	_ =	sdelay $0x3  }
0x95: {  	_ =	strace s2  }
0x96: {  	s2 =	sld [smem:$0x3FFD];
	_ =	sdelay $0x3  }
0x97: {  	_ =	strace s2  }
0x98: {  	_ =	strace $0x8FFFFFFF  }
0x99: {  	s20 =	sld [smem:$0x3FDB];
	_ =	sdelay $0x1  }
0x9a: {  	s5 =	simm.s32 $_scs_section_size  }
0x9b: {  	s6 =	simm.s32 $_size__tile_overlayer_lowered;
	s7 =	simm.s32 $_tile_overlayer_lowered  }
0x9c: {  	s8 =	simm.s32 $0x1BFF;
	s21 =	sshll.u32 s7, $0x1;
	s5 =	sadd.s32 s5, s20  }
0x9d: {  	s22 =	simm.s32 $0x0;
	s6 =	sshll.u32 s6, $0x1;
	s7 =	sadd.s32 s21, s5  }
0x9e: {  	[timem:s22], [sflag:s8] =	dma.local [hbm:s7], s6  }
0x9f: {  	_ =	swait.ge [sflag:s8], s6  }
0xa0: {  	s6 =	ssub.s32 $0x0, s6;
	[sflag:s8] =	ssyncset.done $0x0  }
0xa1: {  	[sflag:s8] =	ssyncadd.s32 s6;
	_ =	sdelay $0x1  }
0xa2: {  	s23 =	simm.s32 $0x1B8B  }
0xa3: {  	_ =	swait.ge [sflag:s23], $0x1  }
0xa4: {  	[sflag:s23] =	ssyncset.done $0x0  }
0xa5: {  	[sflag:s23] =	ssyncadd.s32 $0xFFFFFFFF  }
0xa6: {  	s6 =	sld [smem:$0x0]  }
0xa7: {  	s7 =	sand.u32 $0xFFFFFFFE, s1  }
0xa8: {  	p0 =	sne.s32 s1, s7  }
0xa9: {  	s7 =	sshll.u32 @p0 s7, $0xE  }
0xaa: {  	s7 =	sadd.s32 @p0 $0x11B8D, s7;
	s8 =	sshll.u32 @p0 s6, $0x11  }
0xab: {  	s7 =	sor.u32 @p0 s8, s7  }
0xac: {  	[sflag:s7] =	ssyncadd.remote.s32 @p0 $0x1;
	_ =	sdelay $0x1  }
0xad: {  	s7 =	simm.s32 @p0 $0x1B8D  }
0xae: {  	_ =	swait.eq @p0 [sflag:s7], $0x1  }
0xaf: {  	[sflag:s7] =	ssyncadd.s32 @p0 $0xFFFFFFFF  }
0xb0: {  	s8 =	sshll.u32 @!p0 s1, $0xE  }
0xb1: {  	s8 =	sor.u32 @!p0 $0x4000, s8;
	s7 =	simm.s32 @!p0 $0x1B8D  }
0xb2: {  	s6 =	sshll.u32 @!p0 s6, $0x11;
	s8 =	sadd.s32 @!p0 $0x11B8D, s8;
	_ =	swait.eq @!p0 [sflag:s7], $0x1  }
0xb3: {  	s6 =	sor.u32 @!p0 s6, s8;
	[sflag:s7] =	ssyncadd.s32 @!p0 $0xFFFFFFFF  }
0xb4: {  	s25 =	simm.s32 $0x1B8E;
	s24 =	sld [smem:$0x3FFE];
	[sflag:s6] =	ssyncadd.remote.s32 @!p0 $0x1  }
0xb5: {  	s26 =	simm.s32 $execute0_lowered;
	[smem:$0x3FD2] =	sst s25  }
0xb6: {  	s7 =	sshll.u32 s26, $0x1;
	_ =	strace $0x80000049;
	[dreg:$0x1] =	wrdreg $0xFFFFFFFF  }
0xb7: {  	s28 =	simm.s32 $_size_execute0_lowered;
	s5 =	sadd.s32 s5, s7;
	[dreg:$0x0] =	wrdreg $0x0  }
0xb8: {  	s7 =	sshll.u32 s28, $0x1;
	[dreg:$0x2] =	wrdreg s5  }
0xb9: {  	[dreg:$0x3] =	wrdreg s7  }
0xba: {  	[dreg:$0x4] =	wrdreg $0xC0  }
0xbb: {  	_ =	task [dreg:s22], $0x5FFFF  }
0xbc: {  	[dreg:$0x1] =	wrdreg $0xFFFFFFFF  }
0xbd: {  	[dreg:$0x0] =	wrdreg $0x60  }
0xbe: {  	[dreg:$0x2] =	wrdreg s18  }
0xbf: {  	[dreg:$0x3] =	wrdreg s4  }
0xc0: {  	[dreg:$0x4] =	wrdreg s24  }
0xc1: {  	[dreg:$0x5] =	wrdreg $0x0  }
0xc2: {  	[dreg:$0x6] =	wrdreg $0x9  }
0xc3: {  	_ =	task.clear_ibuf [dreg:s22], $0x7FFFF;
	_ =	strace $0x90000049  }
0xc4: {  	s29 =	simm.s32 $0x9;
	_ =	strace $0x8000004B  }
0xc5: {  	_ =	swait.ge [sflag:s29], $0x1  }
0xc6: {  	[sflag:s29] =	ssyncadd.s32 $0xFFFFFFFF  }
0xc7: {  	_ =	strace $0x9000004B  }
0xc8: {  	_ =	sfence  }
0xc9: {  	s30 =	sld [smem:$0x0];
	_ =	sdelay $0x2  }
0xca: {  	s31 =	sshll.u32 s1, $0xD;
	s1 =	sshrl.u32 s1, $0x2  }
0xcb: {  	s4 =	sand.u32 $0x4000, s31;
	s1 =	sadd.s32 s1, s30  }
0xcc: {  	s0 =	sor.u32 s4, s0;
	s1 =	sshll.u32 s1, $0x11  }
0xcd: {  	s0 =	sor.u32 s1, s0  }
0xce: {  	s0 =	sadd.s32 $0x8F2B, s0  }
0xcf: {  	[sflag:s0] =	ssyncadd.remote.s32 $0x1  }
0xd0: {  	_ =	sfence.sel $0xFFFF  }
0xd1: {  	[dreg:$0x0] =	wrdreg $0xFFFFFFFF;
	(pc) =	sbr.abs _section_cstart, $3  }
0xd2: {  	[dreg:$0x1] =	wrdreg $0xFFFFFFFF  }
0xd3: {  	_ =	task.clear_ibuf [dreg:s22], $0x2FFFF;
	_ =	strace $0x9FFFFFFF  }
0xd4: {  	(tm) =	ssettm $0x7FFFFFFF  }
0xd5: {  	_ =	shalt  }
tec
execute0_lowered:
.L_overlay_start_1:
0x0: {  	(tag) =	ssettag $0x1  }
0x1: {  	s1 =	rddreg [dreg:$0x0]  }
0x2: {  	s0 =	srdreg.scid;
	s2 =	rddreg [dreg:$0x1]  }
0x3: {  	s12 =	stileid.u32;
	s5 =	rddreg [dreg:$0x2];
	s15 =	simm.s32 $0x32  }
0x4: {  	s16 =	simm.s32 $0x19780;
	s18 =	simm.s32 $0x1B080;
	s20 =	simm.s32 $0x1C980  }
0x5: {  	s22 =	simm.s32 $0x1E280;
	s23 =	simm.s32 $0x1;
	s24 =	simm.s32 $0x2  }
0x6: {  	s28 =	simm.s32 $0x5;
	s29 =	simm.s32 $0x6;
	s30 =	simm.s32 $0x7  }
0x7: {  	s31 =	simm.s32 $0x8;
	s17 =	simm.s32 $0x16B88;
	s0 =	sand.u32 $0x1, s0  }
0x8: {  	s3 =	sshll.u32 s12, $0x1;
	s7 =	smul.u32 $0x14000, s12;
	s26 =	sshll.u32 s12, $0x6  }
0x9: {  	s12 =	simm.s32 $0x0;
	s4 =	sor.u32 s0, s3;
	s3 =	rddreg [dreg:$0x3]  }
0xa: {  	s8 =	smul.u32 $0x140000, s0;
	s0 =	ssub.s32 $0x2, s0;
	s13 =	sor.u32 $0x1C09, s26  }
0xb: {  	s26 =	simm.s32 $0x4;
	s6 =	smul.u32 $0x578, s4;
	s4 =	simm.s32 $0x0  }
0xc: {  	s10 =	sshrl.u32 s7, $0x3;
	s11 =	sshrl.u32 s0, $0x1;
	s25 =	sadd.s32 s7, s3  }
0xd: {  	[smem:$0x7FF] =	sst s4;
	s8 =	sadd.s32 s7, s8;
	s10 =	sadd.s32 s10, s5  }
0xe: {  	s0 =	ssub.s32 s0, s11;
	s11 =	simm.s32 $0x9;
	s14 =	sshrl.u32 s25, $0x3  }
0xf: {  	s25 =	simm.s32 $0x3;
	_ =	strace $0x8000004A;
	s9 =	sadd.s32 s6, s5  }
0x10: {  	s8 =	sshrl.u32 s8, $0x3;
	s7 =	sadd.s32 $0x64000, s10;
	s10 =	simm.s32 $0x14000  }
0x11: {  	s8 =	sadd.s32 s8, s5;
	s5 =	sadd.s32 s2, s6;
	s6 =	sadd.s32 $0x59000, s9  }
0x12: {  	s9 =	smax.u32 s0, $0x1;
	s0 =	simm.s32 $0x19748;
	s8 =	sadd.s32 $0x8C000, s8  }
.LBB2_1:
0x13: {  	[tilespmem:s10], [sflag:$0x9] =	stream.linear.gather [hbm4b:s5+s4], $0x2BC0, $0x38;
	[tilespmem:$0x1FB80] =	vst v63  }
0x14: {  	_ =	swait.ge [sflag:s11], $0x2BC0  }
0x15: {  	[sflag:s11] =	ssyncset.done $0x0  }
0x16: {  	s2 =	simm.s32 $0x16BC0;
	[sflag:s11] =	ssyncadd.s32 $0xFFFFD440  }
0x17: {  	[tilespmem:s2], [sflag:$0x9] =	stream.linear.gather [hbm4b:s6+s4], $0x2BC0, $0x38;
	[tilespmem:$0x1FB80] =	vst v63  }
0x18: {  	_ =	swait.ge [sflag:s11], $0x2BC0  }
0x19: {  	[sflag:s11] =	ssyncset.done $0x0  }
0x1a: {  	[sflag:s11] =	ssyncadd.s32 $0xFFFFD440  }
0x1b: {  	[spmem:s14], [sflag:s13] =	dma.local [hbm:s7], $0x2800  }
0x1c: {  	_ =	swait.ge [sflag:s11], $0x2800  }
0x1d: {  	[sflag:s11] =	ssyncset.done $0x0  }
0x1e: {  	[sflag:s11] =	ssyncadd.s32 $0xFFFFD800  }
0x1f: {  	[bflag:$0x0] =	sbarrier.arrive $0xFFFF  }
0x20: {  	[tilespmem:s16], [sflag:$0x1] =	stream.indirect.gather [hbm4b:s1+s15], $0x80, s10, s15, $0xb8;
	[tilespmem:$0x1FB80] =	vst v63  }
0x21: {  	s21 =	simm.s32 $0x14038  }
0x22: {  	[tilespmem:s18], [sflag:$0x2] =	stream.indirect.gather [hbm4b:s1+s15], $0x80, s21, s15, $0xb8;
	[tilespmem:$0x1FB80] =	vst v63  }
0x23: {  	s19 =	simm.s32 $0x14070  }
0x24: {  	[tilespmem:s20], [sflag:$0x3] =	stream.indirect.gather [hbm4b:s1+s15], $0x80, s19, s15, $0xb8;
	[tilespmem:$0x1FB80] =	vst v63  }
0x25: {  	s21 =	simm.s32 $0x140A8  }
0x26: {  	[tilespmem:s22], [sflag:$0x4] =	stream.indirect.gather [hbm4b:s1+s15], $0x80, s21, s15, $0xb8;
	[tilespmem:$0x1FB80] =	vst v63  }
0x27: {  	_ =	swait.ge [sflag:s23], $0x1900  }
0x28: {  	[sflag:s23] =	ssyncset.done $0x0  }
0x29: {  	s19 =	simm.s32 $0x16BC0;
	[sflag:s23] =	ssyncadd.s32 $0xFFFFE700  }
0x2a: {  	[spmem:s3] =	stream.indirect.scatter.add.f32 [tilespmem:s16], [sflag:$0x5], $0x80, s19, s15, $0xb8;
	[tilespmem:$0x1FB80] =	vst v63  }
0x2b: {  	_ =	swait.ge [sflag:s24], $0x1900  }
0x2c: {  	[sflag:s24] =	ssyncset.done $0x0  }
0x2d: {  	s2 =	simm.s32 $0x16BF8;
	[sflag:s24] =	ssyncadd.s32 $0xFFFFE700  }
0x2e: {  	[spmem:s3] =	stream.indirect.scatter.add.f32 [tilespmem:s18], [sflag:$0x6], $0x80, s2, s15, $0xb8;
	[tilespmem:$0x1FB80] =	vst v63  }
0x2f: {  	_ =	swait.ge [sflag:s25], $0x1900  }
0x30: {  	[sflag:s25] =	ssyncset.done $0x0  }
0x31: {  	s21 =	simm.s32 $0x16C30;
	[sflag:s25] =	ssyncadd.s32 $0xFFFFE700  }
0x32: {  	[spmem:s3] =	stream.indirect.scatter.add.f32 [tilespmem:s20], [sflag:$0x7], $0x80, s21, s15, $0xb8;
	[tilespmem:$0x1FB80] =	vst v63  }
0x33: {  	_ =	swait.ge [sflag:s26], $0x1900  }
0x34: {  	[sflag:s26] =	ssyncset.done $0x0  }
0x35: {  	s2 =	simm.s32 $0x16C68;
	[sflag:s26] =	ssyncadd.s32 $0xFFFFE700  }
0x36: {  	[spmem:s3] =	stream.indirect.scatter.add.f32 [tilespmem:s22], [sflag:$0x8], $0x80, s2, s15, $0xb8;
	[tilespmem:$0x1FB80] =	vst v63  }
0x37: {  	_ =	swait.ge [sflag:s28], $0x1900  }
0x38: {  	[sflag:s28] =	ssyncset.done $0x0  }
0x39: {  	s21 =	simm.s32 $0x140E0;
	[sflag:s28] =	ssyncadd.s32 $0xFFFFE700  }
0x3a: {  	[tilespmem:s16], [sflag:$0x1] =	stream.indirect.gather [hbm4b:s1+s15], $0x80, s21, s15, $0xb8;
	[tilespmem:$0x1FB80] =	vst v63  }
0x3b: {  	_ =	swait.ge [sflag:s29], $0x1900  }
0x3c: {  	[sflag:s29] =	ssyncset.done $0x0  }
0x3d: {  	s2 =	simm.s32 $0x14118;
	[sflag:s29] =	ssyncadd.s32 $0xFFFFE700  }
0x3e: {  	[tilespmem:s18], [sflag:$0x2] =	stream.indirect.gather [hbm4b:s1+s15], $0x80, s2, s15, $0xb8;
	[tilespmem:$0x1FB80] =	vst v63  }
0x3f: {  	_ =	swait.ge [sflag:s30], $0x1900  }
0x40: {  	[sflag:s30] =	ssyncset.done $0x0  }
0x41: {  	s21 =	simm.s32 $0x14150;
	[sflag:s30] =	ssyncadd.s32 $0xFFFFE700  }
0x42: {  	[tilespmem:s20], [sflag:$0x3] =	stream.indirect.gather [hbm4b:s1+s15], $0x80, s21, s15, $0xb8;
	[tilespmem:$0x1FB80] =	vst v63  }
0x43: {  	_ =	swait.ge [sflag:s31], $0x1900  }
0x44: {  	[sflag:s31] =	ssyncset.done $0x0  }
0x45: {  	s19 =	simm.s32 $0x380;
	s21 =	simm.s32 $0x14188;
	[sflag:s31] =	ssyncadd.s32 $0xFFFFE700  }
.LBB2_2:
0x46: {  	[tilespmem:s22], [sflag:$0x4] =	stream.indirect.gather [hbm4b:s1+s15], $0x80, s21, s15, $0xb8;
	[tilespmem:$0x1FB80] =	vst v63  }
0x47: {  	s21 =	smov.u32 s19;
	s19 =	sadd.s32 $0x380, s19;
	_ =	swait.ge [sflag:s23], $0x1900  }
0x48: {  	s21 =	sshra.s32 s21, $0x2;
	p0 =	sne.s32 s19, $0xA800;
	[sflag:s23] =	ssyncset.done $0x0  }
0x49: {  	s2 =	sadd.s32 $0x16BC0, s21;
	[sflag:s23] =	ssyncadd.s32 $0xFFFFE700  }
0x4a: {  	[spmem:s3] =	stream.indirect.scatter.add.f32 [tilespmem:s16], [sflag:$0x5], $0x80, s2, s15, $0xb8;
	[tilespmem:$0x1FB80] =	vst v63  }
0x4b: {  	_ =	swait.ge [sflag:s24], $0x1900  }
0x4c: {  	[sflag:s24] =	ssyncset.done $0x0  }
0x4d: {  	s2 =	sadd.s32 $0x16BF8, s21;
	[sflag:s24] =	ssyncadd.s32 $0xFFFFE700  }
0x4e: {  	[spmem:s3] =	stream.indirect.scatter.add.f32 [tilespmem:s18], [sflag:$0x6], $0x80, s2, s15, $0xb8;
	[tilespmem:$0x1FB80] =	vst v63  }
0x4f: {  	_ =	swait.ge [sflag:s25], $0x1900  }
0x50: {  	[sflag:s25] =	ssyncset.done $0x0  }
0x51: {  	s2 =	sadd.s32 $0x16C30, s21;
	[sflag:s25] =	ssyncadd.s32 $0xFFFFE700  }
0x52: {  	[spmem:s3] =	stream.indirect.scatter.add.f32 [tilespmem:s20], [sflag:$0x7], $0x80, s2, s15, $0xb8;
	[tilespmem:$0x1FB80] =	vst v63  }
0x53: {  	_ =	swait.ge [sflag:s26], $0x1900  }
0x54: {  	[sflag:s26] =	ssyncset.done $0x0  }
0x55: {  	s2 =	sadd.s32 $0x16C68, s21;
	[sflag:s26] =	ssyncadd.s32 $0xFFFFE700  }
0x56: {  	[spmem:s3] =	stream.indirect.scatter.add.f32 [tilespmem:s22], [sflag:$0x8], $0x80, s2, s15, $0xb8;
	[tilespmem:$0x1FB80] =	vst v63  }
0x57: {  	_ =	swait.ge [sflag:s28], $0x1900  }
0x58: {  	[sflag:s28] =	ssyncset.done $0x0  }
0x59: {  	s2 =	sadd.s32 $0x140E0, s21;
	[sflag:s28] =	ssyncadd.s32 $0xFFFFE700  }
0x5a: {  	[tilespmem:s16], [sflag:$0x1] =	stream.indirect.gather [hbm4b:s1+s15], $0x80, s2, s15, $0xb8;
	[tilespmem:$0x1FB80] =	vst v63  }
0x5b: {  	_ =	swait.ge [sflag:s29], $0x1900  }
0x5c: {  	[sflag:s29] =	ssyncset.done $0x0  }
0x5d: {  	s2 =	sadd.s32 $0x14118, s21;
	[sflag:s29] =	ssyncadd.s32 $0xFFFFE700  }
0x5e: {  	[tilespmem:s18], [sflag:$0x2] =	stream.indirect.gather [hbm4b:s1+s15], $0x80, s2, s15, $0xb8;
	[tilespmem:$0x1FB80] =	vst v63  }
0x5f: {  	_ =	swait.ge [sflag:s30], $0x1900  }
0x60: {  	[sflag:s30] =	ssyncset.done $0x0  }
.Ltmp0:
0x61: {  	s2 =	sadd.s32 $0x14150, s21;
	[sflag:s30] =	ssyncadd.s32 $0xFFFFE700;
	(pc) =	sbr.rel @p0 .LBB2_2-.Ltmp0, $4  }
0x62: {  	[tilespmem:s20], [sflag:$0x3] =	stream.indirect.gather [hbm4b:s1+s15], $0x80, s2, s15, $0xb8;
	[tilespmem:$0x1FB80] =	vst v63  }
0x63: {  	_ =	swait.ge [sflag:s31], $0x1900  }
0x64: {  	[sflag:s31] =	ssyncset.done $0x0  }
0x65: {  	s21 =	sadd.s32 $0x14188, s21;
	[sflag:s31] =	ssyncadd.s32 $0xFFFFE700  }
0x66: {  	[tilespmem:s22], [sflag:$0x4] =	stream.indirect.gather [hbm4b:s1+s15], $0x80, s21, s15, $0xb8;
	[tilespmem:$0x1FB80] =	vst v63  }
0x67: {  	_ =	swait.ge [sflag:s23], $0x1900  }
0x68: {  	s2 =	sshra.s32 s19, $0x2;
	[sflag:s23] =	ssyncset.done $0x0  }
0x69: {  	s19 =	sadd.s32 $0x16BC0, s2;
	[sflag:s23] =	ssyncadd.s32 $0xFFFFE700  }
0x6a: {  	[spmem:s3] =	stream.indirect.scatter.add.f32 [tilespmem:s16], [sflag:$0x5], $0x80, s19, s15, $0xb8;
	[tilespmem:$0x1FB80] =	vst v63  }
0x6b: {  	_ =	swait.ge [sflag:s24], $0x1900  }
0x6c: {  	[sflag:s24] =	ssyncset.done $0x0  }
0x6d: {  	s21 =	sadd.s32 $0x16BF8, s2;
	[sflag:s24] =	ssyncadd.s32 $0xFFFFE700  }
0x6e: {  	[spmem:s3] =	stream.indirect.scatter.add.f32 [tilespmem:s18], [sflag:$0x6], $0x80, s21, s15, $0xb8;
	[tilespmem:$0x1FB80] =	vst v63  }
0x6f: {  	_ =	swait.ge [sflag:s25], $0x1900  }
0x70: {  	[sflag:s25] =	ssyncset.done $0x0  }
0x71: {  	s21 =	sadd.s32 $0x16C30, s2;
	[sflag:s25] =	ssyncadd.s32 $0xFFFFE700  }
0x72: {  	[spmem:s3] =	stream.indirect.scatter.add.f32 [tilespmem:s20], [sflag:$0x7], $0x80, s21, s15, $0xb8;
	[tilespmem:$0x1FB80] =	vst v63  }
0x73: {  	_ =	swait.ge [sflag:s26], $0x1900  }
0x74: {  	[sflag:s26] =	ssyncset.done $0x0  }
0x75: {  	s2 =	sadd.s32 $0x16C68, s2;
	[sflag:s26] =	ssyncadd.s32 $0xFFFFE700  }
0x76: {  	[spmem:s3] =	stream.indirect.scatter.add.f32 [tilespmem:s22], [sflag:$0x8], $0x80, s2, s15, $0xb8;
	[tilespmem:$0x1FB80] =	vst v63  }
0x77: {  	_ =	swait.ge [sflag:s28], $0x1900  }
0x78: {  	[sflag:s28] =	ssyncset.done $0x0  }
0x79: {  	s19 =	simm.s32 $0x16AE0;
	[sflag:s28] =	ssyncadd.s32 $0xFFFFE700  }
0x7a: {  	[tilespmem:s16], [sflag:$0x1] =	stream.indirect.gather [hbm4b:s1+s15], $0x80, s19, s15, $0xb8;
	[tilespmem:$0x1FB80] =	vst v63  }
0x7b: {  	_ =	swait.ge [sflag:s29], $0x1900  }
0x7c: {  	[sflag:s29] =	ssyncset.done $0x0  }
0x7d: {  	s21 =	simm.s32 $0x16B18;
	[sflag:s29] =	ssyncadd.s32 $0xFFFFE700  }
0x7e: {  	[tilespmem:s18], [sflag:$0x2] =	stream.indirect.gather [hbm4b:s1+s15], $0x80, s21, s15, $0xb8;
	[tilespmem:$0x1FB80] =	vst v63  }
0x7f: {  	_ =	swait.ge [sflag:s30], $0x1900  }
0x80: {  	[sflag:s30] =	ssyncset.done $0x0  }
0x81: {  	s19 =	simm.s32 $0x16B50;
	[sflag:s30] =	ssyncadd.s32 $0xFFFFE700  }
0x82: {  	[tilespmem:s20], [sflag:$0x3] =	stream.indirect.gather [hbm4b:s1+s15], $0x80, s19, s15, $0xb8;
	[tilespmem:$0x1FB80] =	vst v63  }
0x83: {  	_ =	swait.ge [sflag:s31], $0x1900  }
0x84: {  	[sflag:s31] =	ssyncset.done $0x0  }
0x85: {  	[sflag:s31] =	ssyncadd.s32 $0xFFFFE700  }
0x86: {  	[tilespmem:s22], [sflag:$0x4] =	stream.indirect.gather [hbm4b:s1+s15], $0x80, s17, s15, $0xb8;
	[tilespmem:$0x1FB80] =	vst v63  }
0x87: {  	_ =	swait.ge [sflag:s23], $0x1900  }
0x88: {  	[sflag:s23] =	ssyncset.done $0x0  }
0x89: {  	s21 =	simm.s32 $0x196A0;
	[sflag:s23] =	ssyncadd.s32 $0xFFFFE700  }
0x8a: {  	[spmem:s3] =	stream.indirect.scatter.add.f32 [tilespmem:s16], [sflag:$0x5], $0x80, s21, s15, $0xb8;
	[tilespmem:$0x1FB80] =	vst v63  }
0x8b: {  	_ =	swait.ge [sflag:s24], $0x1900  }
0x8c: {  	[sflag:s24] =	ssyncset.done $0x0  }
0x8d: {  	s19 =	simm.s32 $0x196D8;
	[sflag:s24] =	ssyncadd.s32 $0xFFFFE700  }
0x8e: {  	[spmem:s3] =	stream.indirect.scatter.add.f32 [tilespmem:s18], [sflag:$0x6], $0x80, s19, s15, $0xb8;
	[tilespmem:$0x1FB80] =	vst v63  }
0x8f: {  	_ =	swait.ge [sflag:s25], $0x1900  }
0x90: {  	[sflag:s25] =	ssyncset.done $0x0  }
0x91: {  	s21 =	simm.s32 $0x19710;
	[sflag:s25] =	ssyncadd.s32 $0xFFFFE700  }
0x92: {  	[spmem:s3] =	stream.indirect.scatter.add.f32 [tilespmem:s20], [sflag:$0x7], $0x80, s21, s15, $0xb8;
	[tilespmem:$0x1FB80] =	vst v63  }
0x93: {  	_ =	swait.ge [sflag:s26], $0x1900  }
0x94: {  	[sflag:s26] =	ssyncset.done $0x0  }
0x95: {  	[sflag:s26] =	ssyncadd.s32 $0xFFFFE700  }
0x96: {  	[spmem:s3] =	stream.indirect.scatter.add.f32 [tilespmem:s22], [sflag:$0x8], $0x80, s0, s15, $0xb8;
	[tilespmem:$0x1FB80] =	vst v63  }
0x97: {  	_ =	swait.ge [sflag:s28], $0x1900  }
0x98: {  	[sflag:s28] =	ssyncset.done $0x0  }
0x99: {  	[sflag:s28] =	ssyncadd.s32 $0xFFFFE700  }
0x9a: {  	[tilespmem:s16], [sflag:$0x1] =	stream.indirect.gather [hbm4b:s1+s15], $0x80, s17, s15, $0xb8;
	[tilespmem:$0x1FB80] =	vst v63  }
0x9b: {  	_ =	swait.ge [sflag:s29], $0x1900  }
0x9c: {  	[sflag:s29] =	ssyncset.done $0x0  }
0x9d: {  	[sflag:s29] =	ssyncadd.s32 $0xFFFFE700  }
0x9e: {  	[tilespmem:s18], [sflag:$0x2] =	stream.indirect.gather [hbm4b:s1+s15], $0x80, s17, s15, $0xb8;
	[tilespmem:$0x1FB80] =	vst v63  }
0x9f: {  	_ =	swait.ge [sflag:s30], $0x1900  }
0xa0: {  	[sflag:s30] =	ssyncset.done $0x0  }
0xa1: {  	[sflag:s30] =	ssyncadd.s32 $0xFFFFE700  }
0xa2: {  	[tilespmem:s20], [sflag:$0x3] =	stream.indirect.gather [hbm4b:s1+s15], $0x80, s17, s15, $0xb8;
	[tilespmem:$0x1FB80] =	vst v63  }
0xa3: {  	_ =	swait.ge [sflag:s31], $0x1900  }
0xa4: {  	[sflag:s31] =	ssyncset.done $0x0  }
0xa5: {  	[sflag:s31] =	ssyncadd.s32 $0xFFFFE700  }
0xa6: {  	[tilespmem:s22], [sflag:$0x4] =	stream.indirect.gather [hbm4b:s1+s15], $0x80, s17, s15, $0xb8;
	[tilespmem:$0x1FB80] =	vst v63  }
0xa7: {  	_ =	swait.ge [sflag:s23], $0x1900  }
0xa8: {  	[sflag:s23] =	ssyncset.done $0x0  }
0xa9: {  	[sflag:s23] =	ssyncadd.s32 $0xFFFFE700  }
0xaa: {  	_ =	swait.ge [sflag:s24], $0x1900  }
0xab: {  	[sflag:s24] =	ssyncset.done $0x0  }
0xac: {  	[sflag:s24] =	ssyncadd.s32 $0xFFFFE700  }
0xad: {  	_ =	swait.ge [sflag:s25], $0x1900  }
0xae: {  	[sflag:s25] =	ssyncset.done $0x0  }
0xaf: {  	[sflag:s25] =	ssyncadd.s32 $0xFFFFE700  }
0xb0: {  	_ =	swait.ge [sflag:s26], $0x1900  }
0xb1: {  	s12 =	sadd.s32 $0x1, s12;
	[sflag:s26] =	ssyncset.done $0x0  }
0xb2: {  	p0 =	sne.s32 s12, s9;
	[sflag:s26] =	ssyncadd.s32 $0xFFFFE700  }
.Ltmp1:
0xb3: {  	[bflag:$0x0] =	sbarrier.arrive $0xFFFF;
	(pc) =	sbr.rel @p0 .LBB2_1-.Ltmp1, $4  }
0xb4: {  	[hbm:s8], [sflag:s13] =	dma.local [spmem:s14], $0x2800  }
0xb5: {  	_ =	swait.ge [sflag:s11], $0x2800  }
0xb6: {  	[sflag:s11] =	ssyncset.done $0x0  }
0xb7: {  	[sflag:s11] =	ssyncadd.s32 $0xFFFFD800  }
0xb8: {  	_ =	sfence.sel $0x180000  }
0xb9: {  	[bflag:$0x0] =	sbarrier.arrive $0xFFFF  }
0xba: {  	_ =	strace $0x9000004A  }
0xbb: {  	s0 =	stileid.u32;
	[bflag:$0x2] =	sbarrier.arrive $0xFFFF  }
0xbc: {  	p0 =	sne.s32 s0, $0x0;
	s0 =	rddreg [dreg:$0x4]  }
0xbd: {  	s0 =	sadd.s32 @!p0 $0x100000, s0  }
0xbe: {  	[sflag:s0] =	ssyncadd.tile.s32 @!p0 $0x1;
	_ =	shalt  }
.Lfunc_end2:
_tile_overlayer_lowered:
.L_overlay_start_2:
0xbf: {  	(tag) =	ssettag $0x2  }
0xc0: {  	s0 =	rddreg [dreg:$0x0];
	s2 =	stileid.u32  }
0xc1: {  	s1 =	rddreg [dreg:$0x1];
	p0 =	sne.s32 s2, $0x0  }
0xc2: {  	s3 =	rddreg [dreg:$0x2];
	[bflag:$0x3] =	sbarrier.arrive $0xFFFF;
	s2 =	simm.s32 @!p0 $0x1C09  }
0xc3: {  	[timem:s3], [sflag:s2] =	dma.local @!p0 [hbm:s0], s1  }
0xc4: {  	s0 =	simm.s32 @!p0 $0x9  }
0xc5: {  	_ =	swait.ge @!p0 [sflag:s0], s1  }
0xc6: {  	s1 =	ssub.s32 @!p0 $0x0, s1;
	[sflag:s0] =	ssyncset.done @!p0 $0x0  }
0xc7: {  	[sflag:s0] =	ssyncadd.s32 @!p0 s1  }
0xc8: {  	[bflag:$0x3] =	sbarrier.arrive $0xFFFF  }
0xc9: {  	_ =	shalt  }

</sc_bundles>
